<compile_context>
chip_gen: v7x
topology: tpu7x:2x2x1
jax: 0.10.2.dev20260603
libtpu: 0.0.44.dev20260713+nightly
codegen_flags: <defaults>
</compile_context>

<pallas_src>
import functools

import jax
import jax.numpy as jnp
from jax import lax
from jax.experimental import pallas as pl
from jax.experimental.pallas import tpu as pltpu
from jax.experimental.pallas import tpu_sc as plsc

N = 10000
E = 320000
FIN = 128
H = 256
G = 64
C = 10

NC = 2
NS = 16
K = 128
STAGE = 40
CCAP = 200
NROWS = 10240
ZSTRIPE = NROWS // NS


def _make_agg(fh):
    mesh = plsc.VectorSubcoreMesh(core_axis_name="c", subcore_axis_name="s")

    @functools.partial(
        pl.kernel,
        out_type=jax.ShapeDtypeStruct((NC, NROWS, fh), jnp.float32),
        mesh=mesh,
        scratch_types=[
            pltpu.VMEM((STAGE, K), jnp.int32),
            pltpu.VMEM((STAGE, K), jnp.int32),
            pltpu.VMEM((K, fh), jnp.float32),
            pltpu.VMEM((16,), jnp.int32),
            pltpu.VMEM_SHARED((NROWS, fh), jnp.float32),
            pltpu.SemaphoreType.DMA,
        ],
    )
    def agg_kernel(h2, srcoff, dstix, counts, zrows, out,
                   src_v, dst_v, rows_v, cnt_v, acc_sh, sem):
        cid = lax.axis_index("c")
        sid = lax.axis_index("s")
        pltpu.sync_copy(zrows, acc_sh.at[pl.ds(sid * ZSTRIPE, ZSTRIPE)])
        pltpu.sync_copy(counts.at[sid], cnt_v)
        plsc.subcore_barrier()
        trip = cnt_v[...][0]
        ngrp = (trip + (STAGE - 1)) // STAGE

        def group(g, carry):
            pltpu.sync_copy(srcoff.at[cid, sid, pl.ds(g * STAGE, STAGE)], src_v)
            pltpu.sync_copy(dstix.at[sid, pl.ds(g * STAGE, STAGE)], dst_v)

            def chunk(j, c2):
                pltpu.async_copy(h2.at[src_v.at[j]], rows_v, sem).wait()
                pltpu.sync_copy(rows_v, acc_sh.at[dst_v.at[j]], add=True)
                return c2

            return lax.fori_loop(0, jnp.minimum(STAGE, trip - g * STAGE),
                                 chunk, carry, unroll=False)

        lax.fori_loop(0, ngrp, group, 0, unroll=False)
        plsc.subcore_barrier()
        pltpu.sync_copy(
            acc_sh.at[pl.ds(sid * ZSTRIPE, ZSTRIPE)],
            out.at[cid, pl.ds(sid * ZSTRIPE, ZSTRIPE)],
        )

    return agg_kernel


_agg128 = _make_agg(128)


def _dot16(a, b):
    return jnp.dot(a.astype(jnp.bfloat16), b.astype(jnp.bfloat16),
                   preferred_element_type=jnp.float32)


def _mlp_body(h_ref, agg_ref, w1_ref, b1_ref, w2_ref, b2_ref, out_ref,
              *, split_in, split_out, relu_out):
    if split_in:
        h = jnp.concatenate([h_ref[0], h_ref[1]], axis=1)
    else:
        h = h_ref[...]
    agg = jnp.concatenate([agg_ref[0], agg_ref[1]], axis=1)
    z = h + agg
    t = jnp.maximum(_dot16(z, w1_ref[...]) + b1_ref[...], 0.0)
    o = _dot16(t, w2_ref[...]) + b2_ref[...]
    if relu_out:
        o = jnp.maximum(o, 0.0)
    if split_out:
        half = o.shape[1] // 2
        out_ref[0] = o[:, :half]
        out_ref[1] = o[:, half:]
    else:
        out_ref[...] = o


_BM = 2000
_NBLK = N // _BM


def _mlp_first_body(h_ref, agg_ref, w1_ref, b1_ref, w2_ref, b2_ref, out_ref):
    z = h_ref[...] + agg_ref[0]
    t = jnp.maximum(_dot16(z, w1_ref[...]) + b1_ref[...], 0.0)
    o = _dot16(t, w2_ref[...]) + b2_ref[...]
    o = jnp.maximum(o, 0.0)
    half = o.shape[1] // 2
    out_ref[0] = o[:, :half]
    out_ref[1] = o[:, half:]


def _mlp_first(x, agg, w1, b1, w2, b2):
    return pl.pallas_call(
        _mlp_first_body,
        grid=(_NBLK,),
        in_specs=[
            pl.BlockSpec((_BM, FIN), lambda i: (i, 0)),
            pl.BlockSpec((1, _BM, FIN), lambda i: (0, i, 0)),
            pl.BlockSpec((FIN, H), lambda i: (0, 0)),
            pl.BlockSpec((1, H), lambda i: (0, 0)),
            pl.BlockSpec((H, H), lambda i: (0, 0)),
            pl.BlockSpec((1, H), lambda i: (0, 0)),
        ],
        out_specs=pl.BlockSpec((NC, _BM, H // 2), lambda i: (0, i, 0)),
        out_shape=jax.ShapeDtypeStruct((NC, N, H // 2), jnp.float32),
    )(x, agg, w1, b1, w2, b2)


def _mlp_mid(h, agg, w1, b1, w2, b2):
    body = functools.partial(_mlp_body, split_in=True, split_out=True, relu_out=True)
    return pl.pallas_call(
        body,
        grid=(_NBLK,),
        in_specs=[
            pl.BlockSpec((NC, _BM, H // 2), lambda i: (0, i, 0)),
            pl.BlockSpec((NC, _BM, H // 2), lambda i: (0, i, 0)),
            pl.BlockSpec((H, H), lambda i: (0, 0)),
            pl.BlockSpec((1, H), lambda i: (0, 0)),
            pl.BlockSpec((H, H), lambda i: (0, 0)),
            pl.BlockSpec((1, H), lambda i: (0, 0)),
        ],
        out_specs=pl.BlockSpec((NC, _BM, H // 2), lambda i: (0, i, 0)),
        out_shape=jax.ShapeDtypeStruct((NC, N, H // 2), jnp.float32),
    )(h, agg, w1, b1, w2, b2)


def _mlp_last_body(h_ref, agg_ref, w1_ref, b1_ref, w2_ref, b2_ref,
                   out_ref, sums_ref, acc_ref):
    i = pl.program_id(0)
    h = jnp.concatenate([h_ref[0], h_ref[1]], axis=1)
    agg = jnp.concatenate([agg_ref[0], agg_ref[1]], axis=1)
    z = h + agg
    t = jnp.maximum(_dot16(z, w1_ref[...]) + b1_ref[...], 0.0)
    o = _dot16(t, w2_ref[...]) + b2_ref[...]
    out_ref[...] = o

    @pl.when(i == 0)
    def _():
        acc_ref[...] = jnp.zeros_like(acc_ref)

    acc_ref[0:1, :] += jnp.sum(o, axis=0, keepdims=True)
    acc_ref[1:2, :] += jnp.sum(o * o, axis=0, keepdims=True)

    @pl.when(i == _NBLK - 1)
    def _():
        sums_ref[...] = acc_ref[...]


def _mlp_last(h, agg, w1, b1, w2, b2):
    return pl.pallas_call(
        _mlp_last_body,
        grid=(_NBLK,),
        in_specs=[
            pl.BlockSpec((NC, _BM, H // 2), lambda i: (0, i, 0)),
            pl.BlockSpec((NC, _BM, H // 2), lambda i: (0, i, 0)),
            pl.BlockSpec((H, H), lambda i: (0, 0)),
            pl.BlockSpec((1, H), lambda i: (0, 0)),
            pl.BlockSpec((H, H), lambda i: (0, 0)),
            pl.BlockSpec((1, H), lambda i: (0, 0)),
        ],
        out_specs=[
            pl.BlockSpec((_BM, H), lambda i: (i, 0)),
            pl.BlockSpec((8, H), lambda i: (0, 0)),
        ],
        out_shape=[
            jax.ShapeDtypeStruct((N, H), jnp.float32),
            jax.ShapeDtypeStruct((8, H), jnp.float32),
        ],
        scratch_shapes=[pltpu.VMEM((8, H), jnp.float32)],
    )(h, agg, w1, b1, w2, b2)


_PBM = 1000
_PNBLK = N // _PBM


def _pool_body(h_ref, sums_ref, gam_ref, bet_ref, batr_ref, batc_ref, lohi_ref,
               f1w_ref, f1b_ref, f2w_ref, f2b_ref, out_ref,
               sc_ref, gmax_ref, gsum_ref, cnt_ref):
    i = pl.program_id(0)

    @pl.when(i == 0)
    def _():
        mean = sums_ref[0:1, :] * (1.0 / N)
        var = sums_ref[1:2, :] * (1.0 / N) - mean * mean
        inv = lax.rsqrt(var + 1e-5)
        scale = gam_ref[...] * inv
        sc_ref[0:1, :] = scale
        sc_ref[1:2, :] = bet_ref[...] - mean * scale
        gmax_ref[...] = jnp.full_like(gmax_ref, -jnp.inf)
        gsum_ref[...] = jnp.zeros_like(gsum_ref)
        cnt_ref[...] = jnp.zeros_like(cnt_ref)

    hn = h_ref[...] * sc_ref[0:1, :] + sc_ref[1:2, :]

    b_row = batr_ref[0]
    iota_g = lax.broadcasted_iota(jnp.int32, (G, _PBM), 0)
    oh = (b_row == iota_g).astype(jnp.float32)
    gsum_ref[...] += jnp.dot(oh, hn, preferred_element_type=jnp.float32,
                             precision=lax.Precision.HIGHEST)
    cnt_ref[...] += jnp.broadcast_to(jnp.sum(oh, axis=1, keepdims=True), cnt_ref.shape)

    b_col = batc_ref[0]
    g_lo = lohi_ref[i, 0]
    g_hi = lohi_ref[i, 1]

    def gbody(g, carry):
        m = jnp.where(b_col == g, 0.0, -jnp.inf)
        colmax = jnp.max(hn + m, axis=0, keepdims=True)
        gmax_ref[pl.ds(g, 1), :] = jnp.maximum(gmax_ref[pl.ds(g, 1), :], colmax)
        return carry

    lax.fori_loop(g_lo, g_hi + 1, gbody, 0)

    @pl.when(i == _PNBLK - 1)
    def _():
        cnt = cnt_ref[:, 0:1]
        gmean = gsum_ref[...] / jnp.maximum(cnt, 1.0)
        rep = jnp.concatenate([gmax_ref[...], gmean], axis=1)
        u = jnp.maximum(_dot16(rep, f1w_ref[...]) + f1b_ref[...], 0.0)
        out_ref[...] = _dot16(u, f2w_ref[...]) + f2b_ref[...]


def _pool(h, sums, gamma, beta, batr, batc, lohi, f1w, f1b, f2w, f2b):
    return pl.pallas_call(
        _pool_body,
        grid=(_PNBLK,),
        in_specs=[
            pl.BlockSpec((_PBM, H), lambda i: (i, 0)),
            pl.BlockSpec((8, H), lambda i: (0, 0)),
            pl.BlockSpec((1, H), lambda i: (0, 0)),
            pl.BlockSpec((1, H), lambda i: (0, 0)),
            pl.BlockSpec((1, 1, _PBM), lambda i: (i, 0, 0)),
            pl.BlockSpec((1, _PBM, 1), lambda i: (i, 0, 0)),
            pl.BlockSpec(memory_space=pltpu.SMEM),
            pl.BlockSpec((2 * H, H), lambda i: (0, 0)),
            pl.BlockSpec((1, H), lambda i: (0, 0)),
            pl.BlockSpec((H, C), lambda i: (0, 0)),
            pl.BlockSpec((1, C), lambda i: (0, 0)),
        ],
        out_specs=pl.BlockSpec((G, C), lambda i: (0, 0)),
        out_shape=jax.ShapeDtypeStruct((G, C), jnp.float32),
        scratch_shapes=[
            pltpu.VMEM((8, H), jnp.float32),
            pltpu.VMEM((G, H), jnp.float32),
            pltpu.VMEM((G, H), jnp.float32),
            pltpu.VMEM((G, 128), jnp.float32),
        ],
    )(h, sums, gamma, beta, batr, batc, lohi, f1w, f1b, f2w, f2b)


def kernel(x, params, edge_index, batch):
    src = edge_index[0].astype(jnp.int32)
    dst = edge_index[1].astype(jnp.int32)
    perm = jnp.argsort(dst, stable=True)
    srcs = src[perm]
    dsts = dst[perm]
    bounds = jnp.searchsorted(dsts, jnp.arange(NS + 1, dtype=jnp.int32) * ZSTRIPE
                              ).astype(jnp.int32)
    n_t = bounds[1:] - bounds[:-1]
    trips = (n_t + (K - 1)) // K
    counts = jnp.broadcast_to(trips[:, None], (NS, 16)).astype(jnp.int32)
    pos = jnp.arange(CCAP * K, dtype=jnp.int32)[None, :]
    idxs = bounds[:-1, None] + pos
    valid = pos < n_t[:, None]
    tile_src = jnp.where(valid, srcs[jnp.clip(idxs, 0, E - 1)], pos % N)
    tile_dst = jnp.where(valid, dsts[jnp.clip(idxs, 0, E - 1)],
                         N + (pos % (NROWS - N)))
    dstix = tile_dst.reshape(NS, CCAP, K)
    srcoff = (tile_src[None, :, :] +
              (jnp.arange(NC, dtype=jnp.int32) * N)[:, None, None]
              ).reshape(NC, NS, CCAP, K)
    zr128 = jnp.zeros((ZSTRIPE, 128), jnp.float32)

    gin = params["gin"]
    w = [(g["W1"], g["b1"].reshape(1, H), g["W2"], g["b2"].reshape(1, H))
         for g in gin]

    x2 = jnp.concatenate([x, x], axis=0)
    agg = _agg128(x2, srcoff, dstix, counts, zr128)
    h = _mlp_first(x, agg, *w[0])
    for l in (1, 2):
        agg = _agg128(h.reshape(NC * N, H // 2), srcoff, dstix, counts, zr128)
        h = _mlp_mid(h, agg, *w[l])
    agg = _agg128(h.reshape(NC * N, H // 2), srcoff, dstix, counts, zr128)
    h4, sums = _mlp_last(h, agg, *w[3])

    br = batch.astype(jnp.int32).reshape(_PNBLK, _PBM)
    lohi = jnp.stack([br[:, 0], br[:, -1]], axis=1)
    batr = br.reshape(_PNBLK, 1, _PBM)
    batc = br.reshape(_PNBLK, _PBM, 1)
    return _pool(
        h4, sums,
        params["bn_gamma"].reshape(1, H), params["bn_beta"].reshape(1, H),
        batr, batc, lohi,
        params["fc1_W"], params["fc1_b"].reshape(1, H),
        params["fc2_W"], params["fc2_b"].reshape(1, C),
    )

# --- scband reference (transcript-rebuilt; emitter-appended) ---
"""Pipeline reference for scband-property-prediction-80874234183852 (READ-ONLY COPY).

The authoritative reference and input builder live on the scoring server;
editing this copy changes nothing except your own understanding.
"""

import jax, jax.numpy as jnp
import numpy as np

N = 10000
E = 320000
FIN = 128
H = 256
C = 10
L = 4
G = 64


def setup_inputs(seed: int = 0) -> dict:
    key = jax.random.key(seed)
    ks = jax.random.split(key, 4 * L + 8)
    x = jax.random.normal(ks[0], (N, FIN), dtype=jnp.float32)
    edge_index = jax.random.randint(ks[1], (2, E), 0, N, dtype=jnp.int32)
    batch = jnp.sort(jax.random.randint(ks[2], (N,), 0, G, dtype=jnp.int32))
    gin = []
    kidx = 3
    for l in range(L):
        fin = FIN if l == 0 else H
        W1 = jax.random.normal(ks[kidx], (fin, H), dtype=jnp.float32) * (1.0 / np.sqrt(fin)); kidx += 1
        b1 = jnp.zeros((H,), dtype=jnp.float32)
        W2 = jax.random.normal(ks[kidx], (H, H), dtype=jnp.float32) * (1.0 / np.sqrt(H)); kidx += 1
        b2 = jnp.zeros((H,), dtype=jnp.float32)
        gin.append({"W1": W1, "b1": b1, "W2": W2, "b2": b2})
    params = {
        "gin": gin,
        "bn_gamma": jnp.ones((H,), dtype=jnp.float32),
        "bn_beta": jnp.zeros((H,), dtype=jnp.float32),
        "fc1_W": jax.random.normal(ks[kidx], (2 * H, H), dtype=jnp.float32) * (1.0 / np.sqrt(2 * H)),
        "fc1_b": jnp.zeros((H,), dtype=jnp.float32),
        "fc2_W": jax.random.normal(ks[kidx + 1], (H, C), dtype=jnp.float32) * (1.0 / np.sqrt(H)),
        "fc2_b": jnp.zeros((C,), dtype=jnp.float32),
    }
    return {"x": x, "params": params, "edge_index": edge_index, "batch": batch}


def reference(x, params, edge_index, batch):
    # GIN stack: h = MLP((1+eps)*h + sum_{j in N(i)} h_j), eps=0, ReLU between layers
    src = edge_index[0]
    dst = edge_index[1]
    h = x
    n_layers = len(params["gin"])
    for i, layer in enumerate(params["gin"]):
        msg = jnp.take(h, src, axis=0)
        agg = jax.ops.segment_sum(msg, dst, num_segments=h.shape[0])
        z = h + agg  # (1 + eps) * h + agg with eps = 0
        z = jnp.maximum(z @ layer["W1"] + layer["b1"], 0.0)
        z = z @ layer["W2"] + layer["b2"]
        if i < n_layers - 1:
            z = jnp.maximum(z, 0.0)
        h = z
    # BatchNorm1d in training mode (batch statistics)
    mean = jnp.mean(h, axis=0)
    var = jnp.var(h, axis=0)
    h = (h - mean) / jnp.sqrt(var + 1e-5) * params["bn_gamma"] + params["bn_beta"]
    # global max pool + global mean pool per graph
    gmax = jax.ops.segment_max(h, batch, num_segments=G)
    gsum = jax.ops.segment_sum(h, batch, num_segments=G)
    cnt = jax.ops.segment_sum(jnp.ones((h.shape[0], 1), h.dtype), batch, num_segments=G)
    gmean = gsum / jnp.maximum(cnt, 1.0)
    rep = jnp.concatenate([gmax, gmean], axis=1)
    out = jnp.maximum(rep @ params["fc1_W"] + params["fc1_b"], 0.0)
    out = out @ params["fc2_W"] + params["fc2_b"]
    return out

if __name__ == "__main__":
    import jax
    _d = setup_inputs()
    print(jax.jit(kernel)(*tuple(_d.values())))

</pallas_src>

<mosaic_0001>
#map = affine_map<(d0, d1) -> (0, 0)>
#map1 = affine_map<(d0, d1) -> (0, 0, 0, 0)>
#map2 = affine_map<(d0, d1) -> (0, 0, 0)>
module attributes {stable_mosaic.version = 14 : i64} {
  func.func @agg_kernel(%arg0: i32, %arg1: i32, %arg2: memref<20000x128xf32, #tpu.memory_space<hbm>>, %arg3: memref<2x16x200x128xi32, #tpu.memory_space<hbm>>, %arg4: memref<16x200x128xi32, #tpu.memory_space<hbm>>, %arg5: memref<16x16xi32, #tpu.memory_space<hbm>>, %arg6: memref<640x128xf32, #tpu.memory_space<hbm>>, %arg7: memref<2x10240x128xf32, #tpu.memory_space<hbm>>, %arg8: memref<40x128xi32, #tpu.memory_space<vmem>>, %arg9: memref<40x128xi32, #tpu.memory_space<vmem>>, %arg10: memref<128x128xf32, #tpu.memory_space<vmem>>, %arg11: memref<16xi32, #tpu.memory_space<vmem>>, %arg12: memref<10240x128xf32, #tpu.memory_space<vmem_shared>>, %arg13: memref<!tpu.dma_semaphore, #tpu.memory_space<semaphore_mem>>) attributes {dimension_semantics = [#tpu.dimension_semantics<core_parallel>, #tpu.dimension_semantics<subcore_parallel>], iteration_bounds = array<i64: 2, 16>, scalar_prefetch = 0 : i64, scratch_operands = 6 : i64, tpu.core_type = #tpu.core_type<sc_vector_subcore>, window_params = [{transform_indices = #map}, {transform_indices = #map1}, {transform_indices = #map2}, {transform_indices = #map}, {transform_indices = #map}, {transform_indices = #map2}]} {
    %mul3A = arith.constant 640 : i32
    %mul3A_0 = arith.muli %arg1, %mul3A : i32
    "tpu.region"() ({
      %run_scoped3A = tpu.sem_alloc : memref<!tpu.dma_semaphore, #tpu.memory_space<semaphore_mem>>
      %dma_start3A = arith.constant 0 : i32
      %dma_start3A_34 = tpu.memref_slice %arg12[%mul3A_0, %dma_start3A] : memref<10240x128xf32, #tpu.memory_space<vmem_shared>> -> memref<640x128xf32, #tpu.memory_space<vmem_shared>>
      tpu.enqueue_dma source(%arg6 : memref<640x128xf32, #tpu.memory_space<hbm>>) target(%dma_start3A_34 : memref<640x128xf32, #tpu.memory_space<vmem_shared>>) target_semaphore(%run_scoped3A : memref<!tpu.dma_semaphore, #tpu.memory_space<semaphore_mem>>)
      %dma_wait3A = arith.constant 0 : i32
      %dma_wait3A_35 = tpu.memref_slice %arg12[%mul3A_0, %dma_wait3A] : memref<10240x128xf32, #tpu.memory_space<vmem_shared>> -> memref<640x128xf32, #tpu.memory_space<vmem_shared>>
      tpu.wait_dma2 semaphore(%run_scoped3A : memref<!tpu.dma_semaphore, #tpu.memory_space<semaphore_mem>>) src(%arg6 : memref<640x128xf32, #tpu.memory_space<hbm>>) dst(%dma_wait3A_35 : memref<640x128xf32, #tpu.memory_space<vmem_shared>>)
      tpu.yield
    }) : () -> ()
    "tpu.region"() ({
      %run_scoped3A = tpu.sem_alloc : memref<!tpu.dma_semaphore, #tpu.memory_space<semaphore_mem>>
      %dma_start3A = arith.constant 0 : i32
      %dma_start3A_34 = tpu.memref_slice %arg5[%arg1, %dma_start3A] : memref<16x16xi32, #tpu.memory_space<hbm>> -> memref<1x16xi32, #tpu.memory_space<hbm>>
      %dma_start3A_35 = tpu.memref_squeeze %dma_start3A_34 : memref<1x16xi32, #tpu.memory_space<hbm>> -> memref<16xi32, #tpu.memory_space<hbm>>
      %dma_start3A_36 = arith.constant 0 : i32
      %dma_start3A_37 = tpu.memref_slice %arg5[%arg1, %dma_start3A_36] : memref<16x16xi32, #tpu.memory_space<hbm>> -> memref<1x16xi32, #tpu.memory_space<hbm>>
      %dma_start3A_38 = tpu.memref_squeeze %dma_start3A_37 : memref<1x16xi32, #tpu.memory_space<hbm>> -> memref<16xi32, #tpu.memory_space<hbm>>
      tpu.enqueue_dma source(%dma_start3A_38 : memref<16xi32, #tpu.memory_space<hbm>>) target(%arg11 : memref<16xi32, #tpu.memory_space<vmem>>) target_semaphore(%run_scoped3A : memref<!tpu.dma_semaphore, #tpu.memory_space<semaphore_mem>>)
      %dma_wait3A = arith.constant 0 : i32
      %dma_wait3A_39 = tpu.memref_slice %arg5[%arg1, %dma_wait3A] : memref<16x16xi32, #tpu.memory_space<hbm>> -> memref<1x16xi32, #tpu.memory_space<hbm>>
      %dma_wait3A_40 = tpu.memref_squeeze %dma_wait3A_39 : memref<1x16xi32, #tpu.memory_space<hbm>> -> memref<16xi32, #tpu.memory_space<hbm>>
      %dma_wait3A_41 = arith.constant 0 : i32
      %dma_wait3A_42 = tpu.memref_slice %arg5[%arg1, %dma_wait3A_41] : memref<16x16xi32, #tpu.memory_space<hbm>> -> memref<1x16xi32, #tpu.memory_space<hbm>>
      %dma_wait3A_43 = tpu.memref_squeeze %dma_wait3A_42 : memref<1x16xi32, #tpu.memory_space<hbm>> -> memref<16xi32, #tpu.memory_space<hbm>>
      tpu.wait_dma2 semaphore(%run_scoped3A : memref<!tpu.dma_semaphore, #tpu.memory_space<semaphore_mem>>) src(%dma_wait3A_43 : memref<16xi32, #tpu.memory_space<hbm>>) dst(%arg11 : memref<16xi32, #tpu.memory_space<vmem>>)
      tpu.yield
    }) : () -> ()
    %barrier3A = arith.constant 0 : index
    tpu.barrier barrier_id(%barrier3A)
    %get3A = arith.constant 0 : index
    %get3A_1 = tpu.vector_load %arg11[%get3A] {strides = array<i32>} : memref<16xi32, #tpu.memory_space<vmem>>, vector<16xi32>,
    %get3A_2 = vector.shape_cast %get3A_1 : vector<16xi32> to vector<16xi32>
    %slice3A = vector.extract_strided_slice %get3A_2 {offsets = [0], sizes = [1], strides = [1]} : vector<16xi32> to vector<1xi32>
    %squeeze3A = vector.extract %slice3A[0] : i32 from vector<1xi32>
    %add3A = arith.constant 39 : i32
    %add3A_3 = arith.addi %squeeze3A, %add3A : i32
    %jit3A = arith.constant 40 : i32
    %div3A = arith.divsi %add3A_3, %jit3A : i32
    %sign3A = arith.constant 0 : i32
    %sign3A_4 = arith.cmpi sgt, %add3A_3, %sign3A : i32
    %sign3A_5 = arith.extui %sign3A_4 : i1 to i32
    %sign3A_6 = arith.constant 0 : i32
    %sign3A_7 = arith.cmpi slt, %add3A_3, %sign3A_6 : i32
    %sign3A_8 = arith.extui %sign3A_7 : i1 to i32
    %sign3A_9 = arith.subi %sign3A_5, %sign3A_8 : i32
    %sign3A_10 = arith.constant 0 : i32
    %sign3A_11 = arith.cmpi sgt, %jit3A, %sign3A_10 : i32
    %sign3A_12 = arith.extui %sign3A_11 : i1 to i32
    %sign3A_13 = arith.constant 0 : i32
    %sign3A_14 = arith.cmpi slt, %jit3A, %sign3A_13 : i32
    %sign3A_15 = arith.extui %sign3A_14 : i1 to i32
    %sign3A_16 = arith.subi %sign3A_12, %sign3A_15 : i32
    %ne3A = arith.cmpi ne, %sign3A_9, %sign3A_16 : i32
    %rem3A = arith.remsi %add3A_3, %jit3A : i32
    %ne3A_17 = arith.constant 0 : i32
    %ne3A_18 = arith.cmpi ne, %rem3A, %ne3A_17 : i32
    %and3A = arith.andi %ne3A, %ne3A_18 : i1
    %sub3A = arith.constant 1 : i32
    %sub3A_19 = arith.subi %div3A, %sub3A : i32
    %select_n3A = arith.select %and3A, %sub3A_19, %div3A : i32
    %while3A = arith.constant 0 : i32
    %while3A_20 = arith.constant 0 : i32
    %while3A_21 = arith.subi %select_n3A, %while3A_20 : i32
    %while3A_22 = arith.addi %while3A_20, %while3A_21 : i32
    %while3A_23 = arith.constant 1 : i32
    %while3A_24 = arith.divsi %while3A_21, %while3A_23 : i32
    %while3A_25 = arith.muli %while3A_24, %while3A_23 : i32
    %while3A_26 = arith.addi %while3A_20, %while3A_25 : i32
    %while3A_27 = arith.constant 1 : i32
    scf.for %while3A_34 = %while3A_20 to %while3A_26 step %while3A_27  : i32 {
      %mul3A_35 = arith.constant 40 : i32
      %mul3A_36 = arith.muli %while3A_34, %mul3A_35 : i32
      "tpu.region"() ({
        %run_scoped3A = tpu.sem_alloc : memref<!tpu.dma_semaphore, #tpu.memory_space<semaphore_mem>>
        %dma_start3A = arith.constant 0 : i32
        %dma_start3A_52 = tpu.memref_slice %arg3[%arg0, %arg1, %mul3A_36, %dma_start3A] : memref<2x16x200x128xi32, #tpu.memory_space<hbm>> -> memref<1x1x40x128xi32, #tpu.memory_space<hbm>>
        %dma_start3A_53 = tpu.memref_squeeze %dma_start3A_52 : memref<1x1x40x128xi32, #tpu.memory_space<hbm>> -> memref<40x128xi32, #tpu.memory_space<hbm>>
        %dma_start3A_54 = arith.constant 0 : i32
        %dma_start3A_55 = tpu.memref_slice %arg3[%arg0, %arg1, %mul3A_36, %dma_start3A_54] : memref<2x16x200x128xi32, #tpu.memory_space<hbm>> -> memref<1x1x40x128xi32, #tpu.memory_space<hbm>>
        %dma_start3A_56 = tpu.memref_squeeze %dma_start3A_55 : memref<1x1x40x128xi32, #tpu.memory_space<hbm>> -> memref<40x128xi32, #tpu.memory_space<hbm>>
        tpu.enqueue_dma source(%dma_start3A_56 : memref<40x128xi32, #tpu.memory_space<hbm>>) target(%arg8 : memref<40x128xi32, #tpu.memory_space<vmem>>) target_semaphore(%run_scoped3A : memref<!tpu.dma_semaphore, #tpu.memory_space<semaphore_mem>>)
        %dma_wait3A = arith.constant 0 : i32
        %dma_wait3A_57 = tpu.memref_slice %arg3[%arg0, %arg1, %mul3A_36, %dma_wait3A] : memref<2x16x200x128xi32, #tpu.memory_space<hbm>> -> memref<1x1x40x128xi32, #tpu.memory_space<hbm>>
        %dma_wait3A_58 = tpu.memref_squeeze %dma_wait3A_57 : memref<1x1x40x128xi32, #tpu.memory_space<hbm>> -> memref<40x128xi32, #tpu.memory_space<hbm>>
        %dma_wait3A_59 = arith.constant 0 : i32
        %dma_wait3A_60 = tpu.memref_slice %arg3[%arg0, %arg1, %mul3A_36, %dma_wait3A_59] : memref<2x16x200x128xi32, #tpu.memory_space<hbm>> -> memref<1x1x40x128xi32, #tpu.memory_space<hbm>>
        %dma_wait3A_61 = tpu.memref_squeeze %dma_wait3A_60 : memref<1x1x40x128xi32, #tpu.memory_space<hbm>> -> memref<40x128xi32, #tpu.memory_space<hbm>>
        tpu.wait_dma2 semaphore(%run_scoped3A : memref<!tpu.dma_semaphore, #tpu.memory_space<semaphore_mem>>) src(%dma_wait3A_61 : memref<40x128xi32, #tpu.memory_space<hbm>>) dst(%arg8 : memref<40x128xi32, #tpu.memory_space<vmem>>)
        tpu.yield
      }) : () -> ()
      %mul3A_37 = arith.constant 40 : i32
      %mul3A_38 = arith.muli %while3A_34, %mul3A_37 : i32
      "tpu.region"() ({
        %run_scoped3A = tpu.sem_alloc : memref<!tpu.dma_semaphore, #tpu.memory_space<semaphore_mem>>
        %dma_start3A = arith.constant 0 : i32
        %dma_start3A_52 = tpu.memref_slice %arg4[%arg1, %mul3A_38, %dma_start3A] : memref<16x200x128xi32, #tpu.memory_space<hbm>> -> memref<1x40x128xi32, #tpu.memory_space<hbm>>
        %dma_start3A_53 = tpu.memref_squeeze %dma_start3A_52 : memref<1x40x128xi32, #tpu.memory_space<hbm>> -> memref<40x128xi32, #tpu.memory_space<hbm>>
        %dma_start3A_54 = arith.constant 0 : i32
        %dma_start3A_55 = tpu.memref_slice %arg4[%arg1, %mul3A_38, %dma_start3A_54] : memref<16x200x128xi32, #tpu.memory_space<hbm>> -> memref<1x40x128xi32, #tpu.memory_space<hbm>>
        %dma_start3A_56 = tpu.memref_squeeze %dma_start3A_55 : memref<1x40x128xi32, #tpu.memory_space<hbm>> -> memref<40x128xi32, #tpu.memory_space<hbm>>
        tpu.enqueue_dma source(%dma_start3A_56 : memref<40x128xi32, #tpu.memory_space<hbm>>) target(%arg9 : memref<40x128xi32, #tpu.memory_space<vmem>>) target_semaphore(%run_scoped3A : memref<!tpu.dma_semaphore, #tpu.memory_space<semaphore_mem>>)
        %dma_wait3A = arith.constant 0 : i32
        %dma_wait3A_57 = tpu.memref_slice %arg4[%arg1, %mul3A_38, %dma_wait3A] : memref<16x200x128xi32, #tpu.memory_space<hbm>> -> memref<1x40x128xi32, #tpu.memory_space<hbm>>
        %dma_wait3A_58 = tpu.memref_squeeze %dma_wait3A_57 : memref<1x40x128xi32, #tpu.memory_space<hbm>> -> memref<40x128xi32, #tpu.memory_space<hbm>>
        %dma_wait3A_59 = arith.constant 0 : i32
        %dma_wait3A_60 = tpu.memref_slice %arg4[%arg1, %mul3A_38, %dma_wait3A_59] : memref<16x200x128xi32, #tpu.memory_space<hbm>> -> memref<1x40x128xi32, #tpu.memory_space<hbm>>
        %dma_wait3A_61 = tpu.memref_squeeze %dma_wait3A_60 : memref<1x40x128xi32, #tpu.memory_space<hbm>> -> memref<40x128xi32, #tpu.memory_space<hbm>>
        tpu.wait_dma2 semaphore(%run_scoped3A : memref<!tpu.dma_semaphore, #tpu.memory_space<semaphore_mem>>) src(%dma_wait3A_61 : memref<40x128xi32, #tpu.memory_space<hbm>>) dst(%arg9 : memref<40x128xi32, #tpu.memory_space<vmem>>)
        tpu.yield
      }) : () -> ()
      %mul3A_39 = arith.constant 40 : i32
      %mul3A_40 = arith.muli %while3A_34, %mul3A_39 : i32
      %sub3A_41 = arith.subi %squeeze3A, %mul3A_40 : i32
      %min3A = arith.constant 40 : i32
      %min3A_42 = arith.minsi %min3A, %sub3A_41 : i32
      %while3A_43 = arith.constant 0 : i32
      %while3A_44 = arith.subi %min3A_42, %while3A_43 : i32
      %while3A_45 = arith.addi %while3A_43, %while3A_44 : i32
      %while3A_46 = arith.constant 1 : i32
      %while3A_47 = arith.divsi %while3A_44, %while3A_46 : i32
      %while3A_48 = arith.muli %while3A_47, %while3A_46 : i32
      %while3A_49 = arith.addi %while3A_43, %while3A_48 : i32
      %while3A_50 = arith.constant 1 : i32
      scf.for %while3A_52 = %while3A_43 to %while3A_49 step %while3A_50  : i32 {
        %dma_start3A = arith.constant 0 : i32
        %dma_start3A_53 = tpu.memref_slice %arg8[%while3A_52, %dma_start3A] : memref<40x128xi32, #tpu.memory_space<vmem>> -> memref<1x128xi32, #tpu.memory_space<vmem>>
        %dma_start3A_54 = tpu.memref_squeeze %dma_start3A_53 : memref<1x128xi32, #tpu.memory_space<vmem>> -> memref<128xi32, #tpu.memory_space<vmem>>
        %dma_start3A_55 = arith.constant 0 : i32
        %dma_start3A_56 = arith.constant 0 : i32
        %dma_start3A_57 = tpu.memref_slice %arg2[%dma_start3A_55, %dma_start3A_56] : memref<20000x128xf32, #tpu.memory_space<hbm>> -> memref<20000x128xf32, #tpu.memory_space<hbm>>
        tpu.enqueue_indirect_dma source(%dma_start3A_57 : memref<20000x128xf32, #tpu.memory_space<hbm>>) target(%arg10 : memref<128x128xf32, #tpu.memory_space<vmem>>) offsets(%dma_start3A_54 : memref<128xi32, #tpu.memory_space<vmem>>) semaphore(%arg13 : memref<!tpu.dma_semaphore, #tpu.memory_space<semaphore_mem>>)
        %dma_wait3A = arith.constant 0 : i32
        %dma_wait3A_58 = tpu.memref_slice %arg8[%while3A_52, %dma_wait3A] : memref<40x128xi32, #tpu.memory_space<vmem>> -> memref<1x128xi32, #tpu.memory_space<vmem>>
        %dma_wait3A_59 = tpu.memref_squeeze %dma_wait3A_58 : memref<1x128xi32, #tpu.memory_space<vmem>> -> memref<128xi32, #tpu.memory_space<vmem>>
        %dma_wait3A_60 = arith.constant 0 : i32
        %dma_wait3A_61 = arith.constant 0 : i32
        %dma_wait3A_62 = tpu.memref_slice %arg2[%dma_wait3A_60, %dma_wait3A_61] : memref<20000x128xf32, #tpu.memory_space<hbm>> -> memref<20000x128xf32, #tpu.memory_space<hbm>>
        tpu.wait_indirect_dma semaphore(%arg13 : memref<!tpu.dma_semaphore, #tpu.memory_space<semaphore_mem>>) src(%dma_wait3A_62 : memref<20000x128xf32, #tpu.memory_space<hbm>>) dst(%arg10 : memref<128x128xf32, #tpu.memory_space<vmem>>)
        "tpu.region"() ({
          %run_scoped3A = tpu.sem_alloc : memref<!tpu.dma_semaphore, #tpu.memory_space<semaphore_mem>>
          %dma_start3A_63 = arith.constant 0 : i32
          %dma_start3A_64 = tpu.memref_slice %arg9[%while3A_52, %dma_start3A_63] : memref<40x128xi32, #tpu.memory_space<vmem>> -> memref<1x128xi32, #tpu.memory_space<vmem>>
          %dma_start3A_65 = tpu.memref_squeeze %dma_start3A_64 : memref<1x128xi32, #tpu.memory_space<vmem>> -> memref<128xi32, #tpu.memory_space<vmem>>
          %dma_start3A_66 = arith.constant 0 : i32
          %dma_start3A_67 = arith.constant 0 : i32
          %dma_start3A_68 = tpu.memref_slice %arg12[%dma_start3A_66, %dma_start3A_67] : memref<10240x128xf32, #tpu.memory_space<vmem_shared>> -> memref<10240x128xf32, #tpu.memory_space<vmem_shared>>
          tpu.enqueue_indirect_dma source(%arg10 : memref<128x128xf32, #tpu.memory_space<vmem>>) target(%dma_start3A_68 : memref<10240x128xf32, #tpu.memory_space<vmem_shared>>) offsets(%dma_start3A_65 : memref<128xi32, #tpu.memory_space<vmem>>) semaphore(%run_scoped3A : memref<!tpu.dma_semaphore, #tpu.memory_space<semaphore_mem>>) {add = true}
          %dma_wait3A_69 = arith.constant 0 : i32
          %dma_wait3A_70 = tpu.memref_slice %arg9[%while3A_52, %dma_wait3A_69] : memref<40x128xi32, #tpu.memory_space<vmem>> -> memref<1x128xi32, #tpu.memory_space<vmem>>
          %dma_wait3A_71 = tpu.memref_squeeze %dma_wait3A_70 : memref<1x128xi32, #tpu.memory_space<vmem>> -> memref<128xi32, #tpu.memory_space<vmem>>
          %dma_wait3A_72 = arith.constant 0 : i32
          %dma_wait3A_73 = arith.constant 0 : i32
          %dma_wait3A_74 = tpu.memref_slice %arg12[%dma_wait3A_72, %dma_wait3A_73] : memref<10240x128xf32, #tpu.memory_space<vmem_shared>> -> memref<10240x128xf32, #tpu.memory_space<vmem_shared>>
          tpu.wait_indirect_dma semaphore(%run_scoped3A : memref<!tpu.dma_semaphore, #tpu.memory_space<semaphore_mem>>) src(%arg10 : memref<128x128xf32, #tpu.memory_space<vmem>>) dst(%dma_wait3A_74 : memref<10240x128xf32, #tpu.memory_space<vmem_shared>>)
          tpu.yield
        }) : () -> ()
      }
      %while3A_51 = arith.constant 1 : i32
      scf.for %while3A_52 = %while3A_49 to %while3A_45 step %while3A_51  : i32 {
        %dma_start3A = arith.constant 0 : i32
        %dma_start3A_53 = tpu.memref_slice %arg8[%while3A_52, %dma_start3A] : memref<40x128xi32, #tpu.memory_space<vmem>> -> memref<1x128xi32, #tpu.memory_space<vmem>>
        %dma_start3A_54 = tpu.memref_squeeze %dma_start3A_53 : memref<1x128xi32, #tpu.memory_space<vmem>> -> memref<128xi32, #tpu.memory_space<vmem>>
        %dma_start3A_55 = arith.constant 0 : i32
        %dma_start3A_56 = arith.constant 0 : i32
        %dma_start3A_57 = tpu.memref_slice %arg2[%dma_start3A_55, %dma_start3A_56] : memref<20000x128xf32, #tpu.memory_space<hbm>> -> memref<20000x128xf32, #tpu.memory_space<hbm>>
        tpu.enqueue_indirect_dma source(%dma_start3A_57 : memref<20000x128xf32, #tpu.memory_space<hbm>>) target(%arg10 : memref<128x128xf32, #tpu.memory_space<vmem>>) offsets(%dma_start3A_54 : memref<128xi32, #tpu.memory_space<vmem>>) semaphore(%arg13 : memref<!tpu.dma_semaphore, #tpu.memory_space<semaphore_mem>>)
        %dma_wait3A = arith.constant 0 : i32
        %dma_wait3A_58 = tpu.memref_slice %arg8[%while3A_52, %dma_wait3A] : memref<40x128xi32, #tpu.memory_space<vmem>> -> memref<1x128xi32, #tpu.memory_space<vmem>>
        %dma_wait3A_59 = tpu.memref_squeeze %dma_wait3A_58 : memref<1x128xi32, #tpu.memory_space<vmem>> -> memref<128xi32, #tpu.memory_space<vmem>>
        %dma_wait3A_60 = arith.constant 0 : i32
        %dma_wait3A_61 = arith.constant 0 : i32
        %dma_wait3A_62 = tpu.memref_slice %arg2[%dma_wait3A_60, %dma_wait3A_61] : memref<20000x128xf32, #tpu.memory_space<hbm>> -> memref<20000x128xf32, #tpu.memory_space<hbm>>
        tpu.wait_indirect_dma semaphore(%arg13 : memref<!tpu.dma_semaphore, #tpu.memory_space<semaphore_mem>>) src(%dma_wait3A_62 : memref<20000x128xf32, #tpu.memory_space<hbm>>) dst(%arg10 : memref<128x128xf32, #tpu.memory_space<vmem>>)
        "tpu.region"() ({
          %run_scoped3A = tpu.sem_alloc : memref<!tpu.dma_semaphore, #tpu.memory_space<semaphore_mem>>
          %dma_start3A_63 = arith.constant 0 : i32
          %dma_start3A_64 = tpu.memref_slice %arg9[%while3A_52, %dma_start3A_63] : memref<40x128xi32, #tpu.memory_space<vmem>> -> memref<1x128xi32, #tpu.memory_space<vmem>>
          %dma_start3A_65 = tpu.memref_squeeze %dma_start3A_64 : memref<1x128xi32, #tpu.memory_space<vmem>> -> memref<128xi32, #tpu.memory_space<vmem>>
          %dma_start3A_66 = arith.constant 0 : i32
          %dma_start3A_67 = arith.constant 0 : i32
          %dma_start3A_68 = tpu.memref_slice %arg12[%dma_start3A_66, %dma_start3A_67] : memref<10240x128xf32, #tpu.memory_space<vmem_shared>> -> memref<10240x128xf32, #tpu.memory_space<vmem_shared>>
          tpu.enqueue_indirect_dma source(%arg10 : memref<128x128xf32, #tpu.memory_space<vmem>>) target(%dma_start3A_68 : memref<10240x128xf32, #tpu.memory_space<vmem_shared>>) offsets(%dma_start3A_65 : memref<128xi32, #tpu.memory_space<vmem>>) semaphore(%run_scoped3A : memref<!tpu.dma_semaphore, #tpu.memory_space<semaphore_mem>>) {add = true}
          %dma_wait3A_69 = arith.constant 0 : i32
          %dma_wait3A_70 = tpu.memref_slice %arg9[%while3A_52, %dma_wait3A_69] : memref<40x128xi32, #tpu.memory_space<vmem>> -> memref<1x128xi32, #tpu.memory_space<vmem>>
          %dma_wait3A_71 = tpu.memref_squeeze %dma_wait3A_70 : memref<1x128xi32, #tpu.memory_space<vmem>> -> memref<128xi32, #tpu.memory_space<vmem>>
          %dma_wait3A_72 = arith.constant 0 : i32
          %dma_wait3A_73 = arith.constant 0 : i32
          %dma_wait3A_74 = tpu.memref_slice %arg12[%dma_wait3A_72, %dma_wait3A_73] : memref<10240x128xf32, #tpu.memory_space<vmem_shared>> -> memref<10240x128xf32, #tpu.memory_space<vmem_shared>>
          tpu.wait_indirect_dma semaphore(%run_scoped3A : memref<!tpu.dma_semaphore, #tpu.memory_space<semaphore_mem>>) src(%arg10 : memref<128x128xf32, #tpu.memory_space<vmem>>) dst(%dma_wait3A_74 : memref<10240x128xf32, #tpu.memory_space<vmem_shared>>)
          tpu.yield
        }) : () -> ()
      }
    }
    %while3A_28 = arith.constant 1 : i32
    scf.for %while3A_34 = %while3A_26 to %while3A_22 step %while3A_28  : i32 {
      %mul3A_35 = arith.constant 40 : i32
      %mul3A_36 = arith.muli %while3A_34, %mul3A_35 : i32
      "tpu.region"() ({
        %run_scoped3A = tpu.sem_alloc : memref<!tpu.dma_semaphore, #tpu.memory_space<semaphore_mem>>
        %dma_start3A = arith.constant 0 : i32
        %dma_start3A_52 = tpu.memref_slice %arg3[%arg0, %arg1, %mul3A_36, %dma_start3A] : memref<2x16x200x128xi32, #tpu.memory_space<hbm>> -> memref<1x1x40x128xi32, #tpu.memory_space<hbm>>
        %dma_start3A_53 = tpu.memref_squeeze %dma_start3A_52 : memref<1x1x40x128xi32, #tpu.memory_space<hbm>> -> memref<40x128xi32, #tpu.memory_space<hbm>>
        %dma_start3A_54 = arith.constant 0 : i32
        %dma_start3A_55 = tpu.memref_slice %arg3[%arg0, %arg1, %mul3A_36, %dma_start3A_54] : memref<2x16x200x128xi32, #tpu.memory_space<hbm>> -> memref<1x1x40x128xi32, #tpu.memory_space<hbm>>
        %dma_start3A_56 = tpu.memref_squeeze %dma_start3A_55 : memref<1x1x40x128xi32, #tpu.memory_space<hbm>> -> memref<40x128xi32, #tpu.memory_space<hbm>>
        tpu.enqueue_dma source(%dma_start3A_56 : memref<40x128xi32, #tpu.memory_space<hbm>>) target(%arg8 : memref<40x128xi32, #tpu.memory_space<vmem>>) target_semaphore(%run_scoped3A : memref<!tpu.dma_semaphore, #tpu.memory_space<semaphore_mem>>)
        %dma_wait3A = arith.constant 0 : i32
        %dma_wait3A_57 = tpu.memref_slice %arg3[%arg0, %arg1, %mul3A_36, %dma_wait3A] : memref<2x16x200x128xi32, #tpu.memory_space<hbm>> -> memref<1x1x40x128xi32, #tpu.memory_space<hbm>>
        %dma_wait3A_58 = tpu.memref_squeeze %dma_wait3A_57 : memref<1x1x40x128xi32, #tpu.memory_space<hbm>> -> memref<40x128xi32, #tpu.memory_space<hbm>>
        %dma_wait3A_59 = arith.constant 0 : i32
        %dma_wait3A_60 = tpu.memref_slice %arg3[%arg0, %arg1, %mul3A_36, %dma_wait3A_59] : memref<2x16x200x128xi32, #tpu.memory_space<hbm>> -> memref<1x1x40x128xi32, #tpu.memory_space<hbm>>
        %dma_wait3A_61 = tpu.memref_squeeze %dma_wait3A_60 : memref<1x1x40x128xi32, #tpu.memory_space<hbm>> -> memref<40x128xi32, #tpu.memory_space<hbm>>
        tpu.wait_dma2 semaphore(%run_scoped3A : memref<!tpu.dma_semaphore, #tpu.memory_space<semaphore_mem>>) src(%dma_wait3A_61 : memref<40x128xi32, #tpu.memory_space<hbm>>) dst(%arg8 : memref<40x128xi32, #tpu.memory_space<vmem>>)
        tpu.yield
      }) : () -> ()
      %mul3A_37 = arith.constant 40 : i32
      %mul3A_38 = arith.muli %while3A_34, %mul3A_37 : i32
      "tpu.region"() ({
        %run_scoped3A = tpu.sem_alloc : memref<!tpu.dma_semaphore, #tpu.memory_space<semaphore_mem>>
        %dma_start3A = arith.constant 0 : i32
        %dma_start3A_52 = tpu.memref_slice %arg4[%arg1, %mul3A_38, %dma_start3A] : memref<16x200x128xi32, #tpu.memory_space<hbm>> -> memref<1x40x128xi32, #tpu.memory_space<hbm>>
        %dma_start3A_53 = tpu.memref_squeeze %dma_start3A_52 : memref<1x40x128xi32, #tpu.memory_space<hbm>> -> memref<40x128xi32, #tpu.memory_space<hbm>>
        %dma_start3A_54 = arith.constant 0 : i32
        %dma_start3A_55 = tpu.memref_slice %arg4[%arg1, %mul3A_38, %dma_start3A_54] : memref<16x200x128xi32, #tpu.memory_space<hbm>> -> memref<1x40x128xi32, #tpu.memory_space<hbm>>
        %dma_start3A_56 = tpu.memref_squeeze %dma_start3A_55 : memref<1x40x128xi32, #tpu.memory_space<hbm>> -> memref<40x128xi32, #tpu.memory_space<hbm>>
        tpu.enqueue_dma source(%dma_start3A_56 : memref<40x128xi32, #tpu.memory_space<hbm>>) target(%arg9 : memref<40x128xi32, #tpu.memory_space<vmem>>) target_semaphore(%run_scoped3A : memref<!tpu.dma_semaphore, #tpu.memory_space<semaphore_mem>>)
        %dma_wait3A = arith.constant 0 : i32
        %dma_wait3A_57 = tpu.memref_slice %arg4[%arg1, %mul3A_38, %dma_wait3A] : memref<16x200x128xi32, #tpu.memory_space<hbm>> -> memref<1x40x128xi32, #tpu.memory_space<hbm>>
        %dma_wait3A_58 = tpu.memref_squeeze %dma_wait3A_57 : memref<1x40x128xi32, #tpu.memory_space<hbm>> -> memref<40x128xi32, #tpu.memory_space<hbm>>
        %dma_wait3A_59 = arith.constant 0 : i32
        %dma_wait3A_60 = tpu.memref_slice %arg4[%arg1, %mul3A_38, %dma_wait3A_59] : memref<16x200x128xi32, #tpu.memory_space<hbm>> -> memref<1x40x128xi32, #tpu.memory_space<hbm>>
        %dma_wait3A_61 = tpu.memref_squeeze %dma_wait3A_60 : memref<1x40x128xi32, #tpu.memory_space<hbm>> -> memref<40x128xi32, #tpu.memory_space<hbm>>
        tpu.wait_dma2 semaphore(%run_scoped3A : memref<!tpu.dma_semaphore, #tpu.memory_space<semaphore_mem>>) src(%dma_wait3A_61 : memref<40x128xi32, #tpu.memory_space<hbm>>) dst(%arg9 : memref<40x128xi32, #tpu.memory_space<vmem>>)
        tpu.yield
      }) : () -> ()
      %mul3A_39 = arith.constant 40 : i32
      %mul3A_40 = arith.muli %while3A_34, %mul3A_39 : i32
      %sub3A_41 = arith.subi %squeeze3A, %mul3A_40 : i32
      %min3A = arith.constant 40 : i32
      %min3A_42 = arith.minsi %min3A, %sub3A_41 : i32
      %while3A_43 = arith.constant 0 : i32
      %while3A_44 = arith.subi %min3A_42, %while3A_43 : i32
      %while3A_45 = arith.addi %while3A_43, %while3A_44 : i32
      %while3A_46 = arith.constant 1 : i32
      %while3A_47 = arith.divsi %while3A_44, %while3A_46 : i32
      %while3A_48 = arith.muli %while3A_47, %while3A_46 : i32
      %while3A_49 = arith.addi %while3A_43, %while3A_48 : i32
      %while3A_50 = arith.constant 1 : i32
      scf.for %while3A_52 = %while3A_43 to %while3A_49 step %while3A_50  : i32 {
        %dma_start3A = arith.constant 0 : i32
        %dma_start3A_53 = tpu.memref_slice %arg8[%while3A_52, %dma_start3A] : memref<40x128xi32, #tpu.memory_space<vmem>> -> memref<1x128xi32, #tpu.memory_space<vmem>>
        %dma_start3A_54 = tpu.memref_squeeze %dma_start3A_53 : memref<1x128xi32, #tpu.memory_space<vmem>> -> memref<128xi32, #tpu.memory_space<vmem>>
        %dma_start3A_55 = arith.constant 0 : i32
        %dma_start3A_56 = arith.constant 0 : i32
        %dma_start3A_57 = tpu.memref_slice %arg2[%dma_start3A_55, %dma_start3A_56] : memref<20000x128xf32, #tpu.memory_space<hbm>> -> memref<20000x128xf32, #tpu.memory_space<hbm>>
        tpu.enqueue_indirect_dma source(%dma_start3A_57 : memref<20000x128xf32, #tpu.memory_space<hbm>>) target(%arg10 : memref<128x128xf32, #tpu.memory_space<vmem>>) offsets(%dma_start3A_54 : memref<128xi32, #tpu.memory_space<vmem>>) semaphore(%arg13 : memref<!tpu.dma_semaphore, #tpu.memory_space<semaphore_mem>>)
        %dma_wait3A = arith.constant 0 : i32
        %dma_wait3A_58 = tpu.memref_slice %arg8[%while3A_52, %dma_wait3A] : memref<40x128xi32, #tpu.memory_space<vmem>> -> memref<1x128xi32, #tpu.memory_space<vmem>>
        %dma_wait3A_59 = tpu.memref_squeeze %dma_wait3A_58 : memref<1x128xi32, #tpu.memory_space<vmem>> -> memref<128xi32, #tpu.memory_space<vmem>>
        %dma_wait3A_60 = arith.constant 0 : i32
        %dma_wait3A_61 = arith.constant 0 : i32
        %dma_wait3A_62 = tpu.memref_slice %arg2[%dma_wait3A_60, %dma_wait3A_61] : memref<20000x128xf32, #tpu.memory_space<hbm>> -> memref<20000x128xf32, #tpu.memory_space<hbm>>
        tpu.wait_indirect_dma semaphore(%arg13 : memref<!tpu.dma_semaphore, #tpu.memory_space<semaphore_mem>>) src(%dma_wait3A_62 : memref<20000x128xf32, #tpu.memory_space<hbm>>) dst(%arg10 : memref<128x128xf32, #tpu.memory_space<vmem>>)
        "tpu.region"() ({
          %run_scoped3A = tpu.sem_alloc : memref<!tpu.dma_semaphore, #tpu.memory_space<semaphore_mem>>
          %dma_start3A_63 = arith.constant 0 : i32
          %dma_start3A_64 = tpu.memref_slice %arg9[%while3A_52, %dma_start3A_63] : memref<40x128xi32, #tpu.memory_space<vmem>> -> memref<1x128xi32, #tpu.memory_space<vmem>>
          %dma_start3A_65 = tpu.memref_squeeze %dma_start3A_64 : memref<1x128xi32, #tpu.memory_space<vmem>> -> memref<128xi32, #tpu.memory_space<vmem>>
          %dma_start3A_66 = arith.constant 0 : i32
          %dma_start3A_67 = arith.constant 0 : i32
          %dma_start3A_68 = tpu.memref_slice %arg12[%dma_start3A_66, %dma_start3A_67] : memref<10240x128xf32, #tpu.memory_space<vmem_shared>> -> memref<10240x128xf32, #tpu.memory_space<vmem_shared>>
          tpu.enqueue_indirect_dma source(%arg10 : memref<128x128xf32, #tpu.memory_space<vmem>>) target(%dma_start3A_68 : memref<10240x128xf32, #tpu.memory_space<vmem_shared>>) offsets(%dma_start3A_65 : memref<128xi32, #tpu.memory_space<vmem>>) semaphore(%run_scoped3A : memref<!tpu.dma_semaphore, #tpu.memory_space<semaphore_mem>>) {add = true}
          %dma_wait3A_69 = arith.constant 0 : i32
          %dma_wait3A_70 = tpu.memref_slice %arg9[%while3A_52, %dma_wait3A_69] : memref<40x128xi32, #tpu.memory_space<vmem>> -> memref<1x128xi32, #tpu.memory_space<vmem>>
          %dma_wait3A_71 = tpu.memref_squeeze %dma_wait3A_70 : memref<1x128xi32, #tpu.memory_space<vmem>> -> memref<128xi32, #tpu.memory_space<vmem>>
          %dma_wait3A_72 = arith.constant 0 : i32
          %dma_wait3A_73 = arith.constant 0 : i32
          %dma_wait3A_74 = tpu.memref_slice %arg12[%dma_wait3A_72, %dma_wait3A_73] : memref<10240x128xf32, #tpu.memory_space<vmem_shared>> -> memref<10240x128xf32, #tpu.memory_space<vmem_shared>>
          tpu.wait_indirect_dma semaphore(%run_scoped3A : memref<!tpu.dma_semaphore, #tpu.memory_space<semaphore_mem>>) src(%arg10 : memref<128x128xf32, #tpu.memory_space<vmem>>) dst(%dma_wait3A_74 : memref<10240x128xf32, #tpu.memory_space<vmem_shared>>)
          tpu.yield
        }) : () -> ()
      }
      %while3A_51 = arith.constant 1 : i32
      scf.for %while3A_52 = %while3A_49 to %while3A_45 step %while3A_51  : i32 {
        %dma_start3A = arith.constant 0 : i32
        %dma_start3A_53 = tpu.memref_slice %arg8[%while3A_52, %dma_start3A] : memref<40x128xi32, #tpu.memory_space<vmem>> -> memref<1x128xi32, #tpu.memory_space<vmem>>
        %dma_start3A_54 = tpu.memref_squeeze %dma_start3A_53 : memref<1x128xi32, #tpu.memory_space<vmem>> -> memref<128xi32, #tpu.memory_space<vmem>>
        %dma_start3A_55 = arith.constant 0 : i32
        %dma_start3A_56 = arith.constant 0 : i32
        %dma_start3A_57 = tpu.memref_slice %arg2[%dma_start3A_55, %dma_start3A_56] : memref<20000x128xf32, #tpu.memory_space<hbm>> -> memref<20000x128xf32, #tpu.memory_space<hbm>>
        tpu.enqueue_indirect_dma source(%dma_start3A_57 : memref<20000x128xf32, #tpu.memory_space<hbm>>) target(%arg10 : memref<128x128xf32, #tpu.memory_space<vmem>>) offsets(%dma_start3A_54 : memref<128xi32, #tpu.memory_space<vmem>>) semaphore(%arg13 : memref<!tpu.dma_semaphore, #tpu.memory_space<semaphore_mem>>)
        %dma_wait3A = arith.constant 0 : i32
        %dma_wait3A_58 = tpu.memref_slice %arg8[%while3A_52, %dma_wait3A] : memref<40x128xi32, #tpu.memory_space<vmem>> -> memref<1x128xi32, #tpu.memory_space<vmem>>
        %dma_wait3A_59 = tpu.memref_squeeze %dma_wait3A_58 : memref<1x128xi32, #tpu.memory_space<vmem>> -> memref<128xi32, #tpu.memory_space<vmem>>
        %dma_wait3A_60 = arith.constant 0 : i32
        %dma_wait3A_61 = arith.constant 0 : i32
        %dma_wait3A_62 = tpu.memref_slice %arg2[%dma_wait3A_60, %dma_wait3A_61] : memref<20000x128xf32, #tpu.memory_space<hbm>> -> memref<20000x128xf32, #tpu.memory_space<hbm>>
        tpu.wait_indirect_dma semaphore(%arg13 : memref<!tpu.dma_semaphore, #tpu.memory_space<semaphore_mem>>) src(%dma_wait3A_62 : memref<20000x128xf32, #tpu.memory_space<hbm>>) dst(%arg10 : memref<128x128xf32, #tpu.memory_space<vmem>>)
        "tpu.region"() ({
          %run_scoped3A = tpu.sem_alloc : memref<!tpu.dma_semaphore, #tpu.memory_space<semaphore_mem>>
          %dma_start3A_63 = arith.constant 0 : i32
          %dma_start3A_64 = tpu.memref_slice %arg9[%while3A_52, %dma_start3A_63] : memref<40x128xi32, #tpu.memory_space<vmem>> -> memref<1x128xi32, #tpu.memory_space<vmem>>
          %dma_start3A_65 = tpu.memref_squeeze %dma_start3A_64 : memref<1x128xi32, #tpu.memory_space<vmem>> -> memref<128xi32, #tpu.memory_space<vmem>>
          %dma_start3A_66 = arith.constant 0 : i32
          %dma_start3A_67 = arith.constant 0 : i32
          %dma_start3A_68 = tpu.memref_slice %arg12[%dma_start3A_66, %dma_start3A_67] : memref<10240x128xf32, #tpu.memory_space<vmem_shared>> -> memref<10240x128xf32, #tpu.memory_space<vmem_shared>>
          tpu.enqueue_indirect_dma source(%arg10 : memref<128x128xf32, #tpu.memory_space<vmem>>) target(%dma_start3A_68 : memref<10240x128xf32, #tpu.memory_space<vmem_shared>>) offsets(%dma_start3A_65 : memref<128xi32, #tpu.memory_space<vmem>>) semaphore(%run_scoped3A : memref<!tpu.dma_semaphore, #tpu.memory_space<semaphore_mem>>) {add = true}
          %dma_wait3A_69 = arith.constant 0 : i32
          %dma_wait3A_70 = tpu.memref_slice %arg9[%while3A_52, %dma_wait3A_69] : memref<40x128xi32, #tpu.memory_space<vmem>> -> memref<1x128xi32, #tpu.memory_space<vmem>>
          %dma_wait3A_71 = tpu.memref_squeeze %dma_wait3A_70 : memref<1x128xi32, #tpu.memory_space<vmem>> -> memref<128xi32, #tpu.memory_space<vmem>>
          %dma_wait3A_72 = arith.constant 0 : i32
          %dma_wait3A_73 = arith.constant 0 : i32
          %dma_wait3A_74 = tpu.memref_slice %arg12[%dma_wait3A_72, %dma_wait3A_73] : memref<10240x128xf32, #tpu.memory_space<vmem_shared>> -> memref<10240x128xf32, #tpu.memory_space<vmem_shared>>
          tpu.wait_indirect_dma semaphore(%run_scoped3A : memref<!tpu.dma_semaphore, #tpu.memory_space<semaphore_mem>>) src(%arg10 : memref<128x128xf32, #tpu.memory_space<vmem>>) dst(%dma_wait3A_74 : memref<10240x128xf32, #tpu.memory_space<vmem_shared>>)
          tpu.yield
        }) : () -> ()
      }
    }
    %barrier3A_29 = arith.constant 0 : index
    tpu.barrier barrier_id(%barrier3A_29)
    %mul3A_30 = arith.constant 640 : i32
    %mul3A_31 = arith.muli %arg1, %mul3A_30 : i32
    %mul3A_32 = arith.constant 640 : i32
    %mul3A_33 = arith.muli %arg1, %mul3A_32 : i32
    "tpu.region"() ({
      %run_scoped3A = tpu.sem_alloc : memref<!tpu.dma_semaphore, #tpu.memory_space<semaphore_mem>>
      %dma_start3A = arith.constant 0 : i32
      %dma_start3A_34 = tpu.memref_slice %arg7[%arg0, %mul3A_33, %dma_start3A] : memref<2x10240x128xf32, #tpu.memory_space<hbm>> -> memref<1x640x128xf32, #tpu.memory_space<hbm>>
      %dma_start3A_35 = tpu.memref_squeeze %dma_start3A_34 : memref<1x640x128xf32, #tpu.memory_space<hbm>> -> memref<640x128xf32, #tpu.memory_space<hbm>>
      %dma_start3A_36 = arith.constant 0 : i32
      %dma_start3A_37 = tpu.memref_slice %arg12[%mul3A_31, %dma_start3A_36] : memref<10240x128xf32, #tpu.memory_space<vmem_shared>> -> memref<640x128xf32, #tpu.memory_space<vmem_shared>>
      tpu.enqueue_dma source(%dma_start3A_37 : memref<640x128xf32, #tpu.memory_space<vmem_shared>>) target(%dma_start3A_35 : memref<640x128xf32, #tpu.memory_space<hbm>>) target_semaphore(%run_scoped3A : memref<!tpu.dma_semaphore, #tpu.memory_space<semaphore_mem>>)
      %dma_wait3A = arith.constant 0 : i32
      %dma_wait3A_38 = tpu.memref_slice %arg7[%arg0, %mul3A_33, %dma_wait3A] : memref<2x10240x128xf32, #tpu.memory_space<hbm>> -> memref<1x640x128xf32, #tpu.memory_space<hbm>>
      %dma_wait3A_39 = tpu.memref_squeeze %dma_wait3A_38 : memref<1x640x128xf32, #tpu.memory_space<hbm>> -> memref<640x128xf32, #tpu.memory_space<hbm>>
      %dma_wait3A_40 = arith.constant 0 : i32
      %dma_wait3A_41 = tpu.memref_slice %arg12[%mul3A_31, %dma_wait3A_40] : memref<10240x128xf32, #tpu.memory_space<vmem_shared>> -> memref<640x128xf32, #tpu.memory_space<vmem_shared>>
      tpu.wait_dma2 semaphore(%run_scoped3A : memref<!tpu.dma_semaphore, #tpu.memory_space<semaphore_mem>>) src(%dma_wait3A_41 : memref<640x128xf32, #tpu.memory_space<vmem_shared>>) dst(%dma_wait3A_39 : memref<640x128xf32, #tpu.memory_space<hbm>>)
      tpu.yield
    }) : () -> ()
    return
  }
}

#map = affine_map<(d0, d1) -> (0, 0)>
#map1 = affine_map<(d0, d1) -> (0, 0, 0, 0)>
#map2 = affine_map<(d0, d1) -> (0, 0, 0)>
module attributes {stable_mosaic.version = 14 : i64} {
  func.func @agg_kernel(%arg0: i32, %arg1: i32, %arg2: memref<20000x128xf32, #tpu.memory_space<hbm>>, %arg3: memref<2x16x200x128xi32, #tpu.memory_space<hbm>>, %arg4: memref<16x200x128xi32, #tpu.memory_space<hbm>>, %arg5: memref<16x16xi32, #tpu.memory_space<hbm>>, %arg6: memref<640x128xf32, #tpu.memory_space<hbm>>, %arg7: memref<2x10240x128xf32, #tpu.memory_space<hbm>>, %arg8: memref<40x128xi32, #tpu.memory_space<vmem>>, %arg9: memref<40x128xi32, #tpu.memory_space<vmem>>, %arg10: memref<128x128xf32, #tpu.memory_space<vmem>>, %arg11: memref<16xi32, #tpu.memory_space<vmem>>, %arg12: memref<10240x128xf32, #tpu.memory_space<vmem_shared>>, %arg13: memref<!tpu.dma_semaphore, #tpu.memory_space<semaphore_mem>>) attributes {dimension_semantics = [#tpu.dimension_semantics<core_parallel>, #tpu.dimension_semantics<subcore_parallel>], iteration_bounds = array<i64: 2, 16>, scalar_prefetch = 0 : i64, scratch_operands = 6 : i64, tpu.core_type = #tpu.core_type<sc_vector_subcore>, window_params = [{transform_indices = #map}, {transform_indices = #map1}, {transform_indices = #map2}, {transform_indices = #map}, {transform_indices = #map}, {transform_indices = #map2}]} {
    %mul3A = arith.constant 640 : i32
    %mul3A_0 = arith.muli %arg1, %mul3A : i32
    "tpu.region"() ({
      %run_scoped3A = tpu.sem_alloc : memref<!tpu.dma_semaphore, #tpu.memory_space<semaphore_mem>>
      %dma_start3A = arith.constant 0 : i32
      %dma_start3A_34 = tpu.memref_slice %arg12[%mul3A_0, %dma_start3A] : memref<10240x128xf32, #tpu.memory_space<vmem_shared>> -> memref<640x128xf32, #tpu.memory_space<vmem_shared>>
      tpu.enqueue_dma source(%arg6 : memref<640x128xf32, #tpu.memory_space<hbm>>) target(%dma_start3A_34 : memref<640x128xf32, #tpu.memory_space<vmem_shared>>) target_semaphore(%run_scoped3A : memref<!tpu.dma_semaphore, #tpu.memory_space<semaphore_mem>>)
      %dma_wait3A = arith.constant 0 : i32
      %dma_wait3A_35 = tpu.memref_slice %arg12[%mul3A_0, %dma_wait3A] : memref<10240x128xf32, #tpu.memory_space<vmem_shared>> -> memref<640x128xf32, #tpu.memory_space<vmem_shared>>
      tpu.wait_dma2 semaphore(%run_scoped3A : memref<!tpu.dma_semaphore, #tpu.memory_space<semaphore_mem>>) src(%arg6 : memref<640x128xf32, #tpu.memory_space<hbm>>) dst(%dma_wait3A_35 : memref<640x128xf32, #tpu.memory_space<vmem_shared>>)
      tpu.yield
    }) : () -> ()
    "tpu.region"() ({
      %run_scoped3A = tpu.sem_alloc : memref<!tpu.dma_semaphore, #tpu.memory_space<semaphore_mem>>
      %dma_start3A = arith.constant 0 : i32
      %dma_start3A_34 = tpu.memref_slice %arg5[%arg1, %dma_start3A] : memref<16x16xi32, #tpu.memory_space<hbm>> -> memref<1x16xi32, #tpu.memory_space<hbm>>
      %dma_start3A_35 = tpu.memref_squeeze %dma_start3A_34 : memref<1x16xi32, #tpu.memory_space<hbm>> -> memref<16xi32, #tpu.memory_space<hbm>>
      %dma_start3A_36 = arith.constant 0 : i32
      %dma_start3A_37 = tpu.memref_slice %arg5[%arg1, %dma_start3A_36] : memref<16x16xi32, #tpu.memory_space<hbm>> -> memref<1x16xi32, #tpu.memory_space<hbm>>
      %dma_start3A_38 = tpu.memref_squeeze %dma_start3A_37 : memref<1x16xi32, #tpu.memory_space<hbm>> -> memref<16xi32, #tpu.memory_space<hbm>>
      tpu.enqueue_dma source(%dma_start3A_38 : memref<16xi32, #tpu.memory_space<hbm>>) target(%arg11 : memref<16xi32, #tpu.memory_space<vmem>>) target_semaphore(%run_scoped3A : memref<!tpu.dma_semaphore, #tpu.memory_space<semaphore_mem>>)
      %dma_wait3A = arith.constant 0 : i32
      %dma_wait3A_39 = tpu.memref_slice %arg5[%arg1, %dma_wait3A] : memref<16x16xi32, #tpu.memory_space<hbm>> -> memref<1x16xi32, #tpu.memory_space<hbm>>
      %dma_wait3A_40 = tpu.memref_squeeze %dma_wait3A_39 : memref<1x16xi32, #tpu.memory_space<hbm>> -> memref<16xi32, #tpu.memory_space<hbm>>
      %dma_wait3A_41 = arith.constant 0 : i32
      %dma_wait3A_42 = tpu.memref_slice %arg5[%arg1, %dma_wait3A_41] : memref<16x16xi32, #tpu.memory_space<hbm>> -> memref<1x16xi32, #tpu.memory_space<hbm>>
      %dma_wait3A_43 = tpu.memref_squeeze %dma_wait3A_42 : memref<1x16xi32, #tpu.memory_space<hbm>> -> memref<16xi32, #tpu.memory_space<hbm>>
      tpu.wait_dma2 semaphore(%run_scoped3A : memref<!tpu.dma_semaphore, #tpu.memory_space<semaphore_mem>>) src(%dma_wait3A_43 : memref<16xi32, #tpu.memory_space<hbm>>) dst(%arg11 : memref<16xi32, #tpu.memory_space<vmem>>)
      tpu.yield
    }) : () -> ()
    %barrier3A = arith.constant 0 : index
    tpu.barrier barrier_id(%barrier3A)
    %get3A = arith.constant 0 : index
    %get3A_1 = tpu.vector_load %arg11[%get3A] {strides = array<i32>} : memref<16xi32, #tpu.memory_space<vmem>>, vector<16xi32>,
    %get3A_2 = vector.shape_cast %get3A_1 : vector<16xi32> to vector<16xi32>
    %slice3A = vector.extract_strided_slice %get3A_2 {offsets = [0], sizes = [1], strides = [1]} : vector<16xi32> to vector<1xi32>
    %squeeze3A = vector.extract %slice3A[0] : i32 from vector<1xi32>
    %add3A = arith.constant 39 : i32
    %add3A_3 = arith.addi %squeeze3A, %add3A : i32
    %jit3A = arith.constant 40 : i32
    %div3A = arith.divsi %add3A_3, %jit3A : i32
    %sign3A = arith.constant 0 : i32
    %sign3A_4 = arith.cmpi sgt, %add3A_3, %sign3A : i32
    %sign3A_5 = arith.extui %sign3A_4 : i1 to i32
    %sign3A_6 = arith.constant 0 : i32
    %sign3A_7 = arith.cmpi slt, %add3A_3, %sign3A_6 : i32
    %sign3A_8 = arith.extui %sign3A_7 : i1 to i32
    %sign3A_9 = arith.subi %sign3A_5, %sign3A_8 : i32
    %sign3A_10 = arith.constant 0 : i32
    %sign3A_11 = arith.cmpi sgt, %jit3A, %sign3A_10 : i32
    %sign3A_12 = arith.extui %sign3A_11 : i1 to i32
    %sign3A_13 = arith.constant 0 : i32
    %sign3A_14 = arith.cmpi slt, %jit3A, %sign3A_13 : i32
    %sign3A_15 = arith.extui %sign3A_14 : i1 to i32
    %sign3A_16 = arith.subi %sign3A_12, %sign3A_15 : i32
    %ne3A = arith.cmpi ne, %sign3A_9, %sign3A_16 : i32
    %rem3A = arith.remsi %add3A_3, %jit3A : i32
    %ne3A_17 = arith.constant 0 : i32
    %ne3A_18 = arith.cmpi ne, %rem3A, %ne3A_17 : i32
    %and3A = arith.andi %ne3A, %ne3A_18 : i1
    %sub3A = arith.constant 1 : i32
    %sub3A_19 = arith.subi %div3A, %sub3A : i32
    %select_n3A = arith.select %and3A, %sub3A_19, %div3A : i32
    %while3A = arith.constant 0 : i32
    %while3A_20 = arith.constant 0 : i32
    %while3A_21 = arith.subi %select_n3A, %while3A_20 : i32
    %while3A_22 = arith.addi %while3A_20, %while3A_21 : i32
    %while3A_23 = arith.constant 1 : i32
    %while3A_24 = arith.divsi %while3A_21, %while3A_23 : i32
    %while3A_25 = arith.muli %while3A_24, %while3A_23 : i32
    %while3A_26 = arith.addi %while3A_20, %while3A_25 : i32
    %while3A_27 = arith.constant 1 : i32
    scf.for %while3A_34 = %while3A_20 to %while3A_26 step %while3A_27  : i32 {
      %mul3A_35 = arith.constant 40 : i32
      %mul3A_36 = arith.muli %while3A_34, %mul3A_35 : i32
      "tpu.region"() ({
        %run_scoped3A = tpu.sem_alloc : memref<!tpu.dma_semaphore, #tpu.memory_space<semaphore_mem>>
        %dma_start3A = arith.constant 0 : i32
        %dma_start3A_52 = tpu.memref_slice %arg3[%arg0, %arg1, %mul3A_36, %dma_start3A] : memref<2x16x200x128xi32, #tpu.memory_space<hbm>> -> memref<1x1x40x128xi32, #tpu.memory_space<hbm>>
        %dma_start3A_53 = tpu.memref_squeeze %dma_start3A_52 : memref<1x1x40x128xi32, #tpu.memory_space<hbm>> -> memref<40x128xi32, #tpu.memory_space<hbm>>
        %dma_start3A_54 = arith.constant 0 : i32
        %dma_start3A_55 = tpu.memref_slice %arg3[%arg0, %arg1, %mul3A_36, %dma_start3A_54] : memref<2x16x200x128xi32, #tpu.memory_space<hbm>> -> memref<1x1x40x128xi32, #tpu.memory_space<hbm>>
        %dma_start3A_56 = tpu.memref_squeeze %dma_start3A_55 : memref<1x1x40x128xi32, #tpu.memory_space<hbm>> -> memref<40x128xi32, #tpu.memory_space<hbm>>
        tpu.enqueue_dma source(%dma_start3A_56 : memref<40x128xi32, #tpu.memory_space<hbm>>) target(%arg8 : memref<40x128xi32, #tpu.memory_space<vmem>>) target_semaphore(%run_scoped3A : memref<!tpu.dma_semaphore, #tpu.memory_space<semaphore_mem>>)
        %dma_wait3A = arith.constant 0 : i32
        %dma_wait3A_57 = tpu.memref_slice %arg3[%arg0, %arg1, %mul3A_36, %dma_wait3A] : memref<2x16x200x128xi32, #tpu.memory_space<hbm>> -> memref<1x1x40x128xi32, #tpu.memory_space<hbm>>
        %dma_wait3A_58 = tpu.memref_squeeze %dma_wait3A_57 : memref<1x1x40x128xi32, #tpu.memory_space<hbm>> -> memref<40x128xi32, #tpu.memory_space<hbm>>
        %dma_wait3A_59 = arith.constant 0 : i32
        %dma_wait3A_60 = tpu.memref_slice %arg3[%arg0, %arg1, %mul3A_36, %dma_wait3A_59] : memref<2x16x200x128xi32, #tpu.memory_space<hbm>> -> memref<1x1x40x128xi32, #tpu.memory_space<hbm>>
        %dma_wait3A_61 = tpu.memref_squeeze %dma_wait3A_60 : memref<1x1x40x128xi32, #tpu.memory_space<hbm>> -> memref<40x128xi32, #tpu.memory_space<hbm>>
        tpu.wait_dma2 semaphore(%run_scoped3A : memref<!tpu.dma_semaphore, #tpu.memory_space<semaphore_mem>>) src(%dma_wait3A_61 : memref<40x128xi32, #tpu.memory_space<hbm>>) dst(%arg8 : memref<40x128xi32, #tpu.memory_space<vmem>>)
        tpu.yield
      }) : () -> ()
      %mul3A_37 = arith.constant 40 : i32
      %mul3A_38 = arith.muli %while3A_34, %mul3A_37 : i32
      "tpu.region"() ({
        %run_scoped3A = tpu.sem_alloc : memref<!tpu.dma_semaphore, #tpu.memory_space<semaphore_mem>>
        %dma_start3A = arith.constant 0 : i32
        %dma_start3A_52 = tpu.memref_slice %arg4[%arg1, %mul3A_38, %dma_start3A] : memref<16x200x128xi32, #tpu.memory_space<hbm>> -> memref<1x40x128xi32, #tpu.memory_space<hbm>>
        %dma_start3A_53 = tpu.memref_squeeze %dma_start3A_52 : memref<1x40x128xi32, #tpu.memory_space<hbm>> -> memref<40x128xi32, #tpu.memory_space<hbm>>
        %dma_start3A_54 = arith.constant 0 : i32
        %dma_start3A_55 = tpu.memref_slice %arg4[%arg1, %mul3A_38, %dma_start3A_54] : memref<16x200x128xi32, #tpu.memory_space<hbm>> -> memref<1x40x128xi32, #tpu.memory_space<hbm>>
        %dma_start3A_56 = tpu.memref_squeeze %dma_start3A_55 : memref<1x40x128xi32, #tpu.memory_space<hbm>> -> memref<40x128xi32, #tpu.memory_space<hbm>>
        tpu.enqueue_dma source(%dma_start3A_56 : memref<40x128xi32, #tpu.memory_space<hbm>>) target(%arg9 : memref<40x128xi32, #tpu.memory_space<vmem>>) target_semaphore(%run_scoped3A : memref<!tpu.dma_semaphore, #tpu.memory_space<semaphore_mem>>)
        %dma_wait3A = arith.constant 0 : i32
        %dma_wait3A_57 = tpu.memref_slice %arg4[%arg1, %mul3A_38, %dma_wait3A] : memref<16x200x128xi32, #tpu.memory_space<hbm>> -> memref<1x40x128xi32, #tpu.memory_space<hbm>>
        %dma_wait3A_58 = tpu.memref_squeeze %dma_wait3A_57 : memref<1x40x128xi32, #tpu.memory_space<hbm>> -> memref<40x128xi32, #tpu.memory_space<hbm>>
        %dma_wait3A_59 = arith.constant 0 : i32
        %dma_wait3A_60 = tpu.memref_slice %arg4[%arg1, %mul3A_38, %dma_wait3A_59] : memref<16x200x128xi32, #tpu.memory_space<hbm>> -> memref<1x40x128xi32, #tpu.memory_space<hbm>>
        %dma_wait3A_61 = tpu.memref_squeeze %dma_wait3A_60 : memref<1x40x128xi32, #tpu.memory_space<hbm>> -> memref<40x128xi32, #tpu.memory_space<hbm>>
        tpu.wait_dma2 semaphore(%run_scoped3A : memref<!tpu.dma_semaphore, #tpu.memory_space<semaphore_mem>>) src(%dma_wait3A_61 : memref<40x128xi32, #tpu.memory_space<hbm>>) dst(%arg9 : memref<40x128xi32, #tpu.memory_space<vmem>>)
        tpu.yield
      }) : () -> ()
      %mul3A_39 = arith.constant 40 : i32
      %mul3A_40 = arith.muli %while3A_34, %mul3A_39 : i32
      %sub3A_41 = arith.subi %squeeze3A, %mul3A_40 : i32
      %min3A = arith.constant 40 : i32
      %min3A_42 = arith.minsi %min3A, %sub3A_41 : i32
      %while3A_43 = arith.constant 0 : i32
      %while3A_44 = arith.subi %min3A_42, %while3A_43 : i32
      %while3A_45 = arith.addi %while3A_43, %while3A_44 : i32
      %while3A_46 = arith.constant 1 : i32
      %while3A_47 = arith.divsi %while3A_44, %while3A_46 : i32
      %while3A_48 = arith.muli %while3A_47, %while3A_46 : i32
      %while3A_49 = arith.addi %while3A_43, %while3A_48 : i32
      %while3A_50 = arith.constant 1 : i32
      scf.for %while3A_52 = %while3A_43 to %while3A_49 step %while3A_50  : i32 {
        %dma_start3A = arith.constant 0 : i32
        %dma_start3A_53 = tpu.memref_slice %arg8[%while3A_52, %dma_start3A] : memref<40x128xi32, #tpu.memory_space<vmem>> -> memref<1x128xi32, #tpu.memory_space<vmem>>
        %dma_start3A_54 = tpu.memref_squeeze %dma_start3A_53 : memref<1x128xi32, #tpu.memory_space<vmem>> -> memref<128xi32, #tpu.memory_space<vmem>>
        %dma_start3A_55 = arith.constant 0 : i32
        %dma_start3A_56 = arith.constant 0 : i32
        %dma_start3A_57 = tpu.memref_slice %arg2[%dma_start3A_55, %dma_start3A_56] : memref<20000x128xf32, #tpu.memory_space<hbm>> -> memref<20000x128xf32, #tpu.memory_space<hbm>>
        tpu.enqueue_indirect_dma source(%dma_start3A_57 : memref<20000x128xf32, #tpu.memory_space<hbm>>) target(%arg10 : memref<128x128xf32, #tpu.memory_space<vmem>>) offsets(%dma_start3A_54 : memref<128xi32, #tpu.memory_space<vmem>>) semaphore(%arg13 : memref<!tpu.dma_semaphore, #tpu.memory_space<semaphore_mem>>)
        %dma_wait3A = arith.constant 0 : i32
        %dma_wait3A_58 = tpu.memref_slice %arg8[%while3A_52, %dma_wait3A] : memref<40x128xi32, #tpu.memory_space<vmem>> -> memref<1x128xi32, #tpu.memory_space<vmem>>
        %dma_wait3A_59 = tpu.memref_squeeze %dma_wait3A_58 : memref<1x128xi32, #tpu.memory_space<vmem>> -> memref<128xi32, #tpu.memory_space<vmem>>
        %dma_wait3A_60 = arith.constant 0 : i32
        %dma_wait3A_61 = arith.constant 0 : i32
        %dma_wait3A_62 = tpu.memref_slice %arg2[%dma_wait3A_60, %dma_wait3A_61] : memref<20000x128xf32, #tpu.memory_space<hbm>> -> memref<20000x128xf32, #tpu.memory_space<hbm>>
        tpu.wait_indirect_dma semaphore(%arg13 : memref<!tpu.dma_semaphore, #tpu.memory_space<semaphore_mem>>) src(%dma_wait3A_62 : memref<20000x128xf32, #tpu.memory_space<hbm>>) dst(%arg10 : memref<128x128xf32, #tpu.memory_space<vmem>>)
        "tpu.region"() ({
          %run_scoped3A = tpu.sem_alloc : memref<!tpu.dma_semaphore, #tpu.memory_space<semaphore_mem>>
          %dma_start3A_63 = arith.constant 0 : i32
          %dma_start3A_64 = tpu.memref_slice %arg9[%while3A_52, %dma_start3A_63] : memref<40x128xi32, #tpu.memory_space<vmem>> -> memref<1x128xi32, #tpu.memory_space<vmem>>
          %dma_start3A_65 = tpu.memref_squeeze %dma_start3A_64 : memref<1x128xi32, #tpu.memory_space<vmem>> -> memref<128xi32, #tpu.memory_space<vmem>>
          %dma_start3A_66 = arith.constant 0 : i32
          %dma_start3A_67 = arith.constant 0 : i32
          %dma_start3A_68 = tpu.memref_slice %arg12[%dma_start3A_66, %dma_start3A_67] : memref<10240x128xf32, #tpu.memory_space<vmem_shared>> -> memref<10240x128xf32, #tpu.memory_space<vmem_shared>>
          tpu.enqueue_indirect_dma source(%arg10 : memref<128x128xf32, #tpu.memory_space<vmem>>) target(%dma_start3A_68 : memref<10240x128xf32, #tpu.memory_space<vmem_shared>>) offsets(%dma_start3A_65 : memref<128xi32, #tpu.memory_space<vmem>>) semaphore(%run_scoped3A : memref<!tpu.dma_semaphore, #tpu.memory_space<semaphore_mem>>) {add = true}
          %dma_wait3A_69 = arith.constant 0 : i32
          %dma_wait3A_70 = tpu.memref_slice %arg9[%while3A_52, %dma_wait3A_69] : memref<40x128xi32, #tpu.memory_space<vmem>> -> memref<1x128xi32, #tpu.memory_space<vmem>>
          %dma_wait3A_71 = tpu.memref_squeeze %dma_wait3A_70 : memref<1x128xi32, #tpu.memory_space<vmem>> -> memref<128xi32, #tpu.memory_space<vmem>>
          %dma_wait3A_72 = arith.constant 0 : i32
          %dma_wait3A_73 = arith.constant 0 : i32
          %dma_wait3A_74 = tpu.memref_slice %arg12[%dma_wait3A_72, %dma_wait3A_73] : memref<10240x128xf32, #tpu.memory_space<vmem_shared>> -> memref<10240x128xf32, #tpu.memory_space<vmem_shared>>
          tpu.wait_indirect_dma semaphore(%run_scoped3A : memref<!tpu.dma_semaphore, #tpu.memory_space<semaphore_mem>>) src(%arg10 : memref<128x128xf32, #tpu.memory_space<vmem>>) dst(%dma_wait3A_74 : memref<10240x128xf32, #tpu.memory_space<vmem_shared>>)
          tpu.yield
        }) : () -> ()
      }
      %while3A_51 = arith.constant 1 : i32
      scf.for %while3A_52 = %while3A_49 to %while3A_45 step %while3A_51  : i32 {
        %dma_start3A = arith.constant 0 : i32
        %dma_start3A_53 = tpu.memref_slice %arg8[%while3A_52, %dma_start3A] : memref<40x128xi32, #tpu.memory_space<vmem>> -> memref<1x128xi32, #tpu.memory_space<vmem>>
        %dma_start3A_54 = tpu.memref_squeeze %dma_start3A_53 : memref<1x128xi32, #tpu.memory_space<vmem>> -> memref<128xi32, #tpu.memory_space<vmem>>
        %dma_start3A_55 = arith.constant 0 : i32
        %dma_start3A_56 = arith.constant 0 : i32
        %dma_start3A_57 = tpu.memref_slice %arg2[%dma_start3A_55, %dma_start3A_56] : memref<20000x128xf32, #tpu.memory_space<hbm>> -> memref<20000x128xf32, #tpu.memory_space<hbm>>
        tpu.enqueue_indirect_dma source(%dma_start3A_57 : memref<20000x128xf32, #tpu.memory_space<hbm>>) target(%arg10 : memref<128x128xf32, #tpu.memory_space<vmem>>) offsets(%dma_start3A_54 : memref<128xi32, #tpu.memory_space<vmem>>) semaphore(%arg13 : memref<!tpu.dma_semaphore, #tpu.memory_space<semaphore_mem>>)
        %dma_wait3A = arith.constant 0 : i32
        %dma_wait3A_58 = tpu.memref_slice %arg8[%while3A_52, %dma_wait3A] : memref<40x128xi32, #tpu.memory_space<vmem>> -> memref<1x128xi32, #tpu.memory_space<vmem>>
        %dma_wait3A_59 = tpu.memref_squeeze %dma_wait3A_58 : memref<1x128xi32, #tpu.memory_space<vmem>> -> memref<128xi32, #tpu.memory_space<vmem>>
        %dma_wait3A_60 = arith.constant 0 : i32
        %dma_wait3A_61 = arith.constant 0 : i32
        %dma_wait3A_62 = tpu.memref_slice %arg2[%dma_wait3A_60, %dma_wait3A_61] : memref<20000x128xf32, #tpu.memory_space<hbm>> -> memref<20000x128xf32, #tpu.memory_space<hbm>>
        tpu.wait_indirect_dma semaphore(%arg13 : memref<!tpu.dma_semaphore, #tpu.memory_space<semaphore_mem>>) src(%dma_wait3A_62 : memref<20000x128xf32, #tpu.memory_space<hbm>>) dst(%arg10 : memref<128x128xf32, #tpu.memory_space<vmem>>)
        "tpu.region"() ({
          %run_scoped3A = tpu.sem_alloc : memref<!tpu.dma_semaphore, #tpu.memory_space<semaphore_mem>>
          %dma_start3A_63 = arith.constant 0 : i32
          %dma_start3A_64 = tpu.memref_slice %arg9[%while3A_52, %dma_start3A_63] : memref<40x128xi32, #tpu.memory_space<vmem>> -> memref<1x128xi32, #tpu.memory_space<vmem>>
          %dma_start3A_65 = tpu.memref_squeeze %dma_start3A_64 : memref<1x128xi32, #tpu.memory_space<vmem>> -> memref<128xi32, #tpu.memory_space<vmem>>
          %dma_start3A_66 = arith.constant 0 : i32
          %dma_start3A_67 = arith.constant 0 : i32
          %dma_start3A_68 = tpu.memref_slice %arg12[%dma_start3A_66, %dma_start3A_67] : memref<10240x128xf32, #tpu.memory_space<vmem_shared>> -> memref<10240x128xf32, #tpu.memory_space<vmem_shared>>
          tpu.enqueue_indirect_dma source(%arg10 : memref<128x128xf32, #tpu.memory_space<vmem>>) target(%dma_start3A_68 : memref<10240x128xf32, #tpu.memory_space<vmem_shared>>) offsets(%dma_start3A_65 : memref<128xi32, #tpu.memory_space<vmem>>) semaphore(%run_scoped3A : memref<!tpu.dma_semaphore, #tpu.memory_space<semaphore_mem>>) {add = true}
          %dma_wait3A_69 = arith.constant 0 : i32
          %dma_wait3A_70 = tpu.memref_slice %arg9[%while3A_52, %dma_wait3A_69] : memref<40x128xi32, #tpu.memory_space<vmem>> -> memref<1x128xi32, #tpu.memory_space<vmem>>
          %dma_wait3A_71 = tpu.memref_squeeze %dma_wait3A_70 : memref<1x128xi32, #tpu.memory_space<vmem>> -> memref<128xi32, #tpu.memory_space<vmem>>
          %dma_wait3A_72 = arith.constant 0 : i32
          %dma_wait3A_73 = arith.constant 0 : i32
          %dma_wait3A_74 = tpu.memref_slice %arg12[%dma_wait3A_72, %dma_wait3A_73] : memref<10240x128xf32, #tpu.memory_space<vmem_shared>> -> memref<10240x128xf32, #tpu.memory_space<vmem_shared>>
          tpu.wait_indirect_dma semaphore(%run_scoped3A : memref<!tpu.dma_semaphore, #tpu.memory_space<semaphore_mem>>) src(%arg10 : memref<128x128xf32, #tpu.memory_space<vmem>>) dst(%dma_wait3A_74 : memref<10240x128xf32, #tpu.memory_space<vmem_shared>>)
          tpu.yield
        }) : () -> ()
      }
    }
    %while3A_28 = arith.constant 1 : i32
    scf.for %while3A_34 = %while3A_26 to %while3A_22 step %while3A_28  : i32 {
      %mul3A_35 = arith.constant 40 : i32
      %mul3A_36 = arith.muli %while3A_34, %mul3A_35 : i32
      "tpu.region"() ({
        %run_scoped3A = tpu.sem_alloc : memref<!tpu.dma_semaphore, #tpu.memory_space<semaphore_mem>>
        %dma_start3A = arith.constant 0 : i32
        %dma_start3A_52 = tpu.memref_slice %arg3[%arg0, %arg1, %mul3A_36, %dma_start3A] : memref<2x16x200x128xi32, #tpu.memory_space<hbm>> -> memref<1x1x40x128xi32, #tpu.memory_space<hbm>>
        %dma_start3A_53 = tpu.memref_squeeze %dma_start3A_52 : memref<1x1x40x128xi32, #tpu.memory_space<hbm>> -> memref<40x128xi32, #tpu.memory_space<hbm>>
        %dma_start3A_54 = arith.constant 0 : i32
        %dma_start3A_55 = tpu.memref_slice %arg3[%arg0, %arg1, %mul3A_36, %dma_start3A_54] : memref<2x16x200x128xi32, #tpu.memory_space<hbm>> -> memref<1x1x40x128xi32, #tpu.memory_space<hbm>>
        %dma_start3A_56 = tpu.memref_squeeze %dma_start3A_55 : memref<1x1x40x128xi32, #tpu.memory_space<hbm>> -> memref<40x128xi32, #tpu.memory_space<hbm>>
        tpu.enqueue_dma source(%dma_start3A_56 : memref<40x128xi32, #tpu.memory_space<hbm>>) target(%arg8 : memref<40x128xi32, #tpu.memory_space<vmem>>) target_semaphore(%run_scoped3A : memref<!tpu.dma_semaphore, #tpu.memory_space<semaphore_mem>>)
        %dma_wait3A = arith.constant 0 : i32
        %dma_wait3A_57 = tpu.memref_slice %arg3[%arg0, %arg1, %mul3A_36, %dma_wait3A] : memref<2x16x200x128xi32, #tpu.memory_space<hbm>> -> memref<1x1x40x128xi32, #tpu.memory_space<hbm>>
        %dma_wait3A_58 = tpu.memref_squeeze %dma_wait3A_57 : memref<1x1x40x128xi32, #tpu.memory_space<hbm>> -> memref<40x128xi32, #tpu.memory_space<hbm>>
        %dma_wait3A_59 = arith.constant 0 : i32
        %dma_wait3A_60 = tpu.memref_slice %arg3[%arg0, %arg1, %mul3A_36, %dma_wait3A_59] : memref<2x16x200x128xi32, #tpu.memory_space<hbm>> -> memref<1x1x40x128xi32, #tpu.memory_space<hbm>>
        %dma_wait3A_61 = tpu.memref_squeeze %dma_wait3A_60 : memref<1x1x40x128xi32, #tpu.memory_space<hbm>> -> memref<40x128xi32, #tpu.memory_space<hbm>>
        tpu.wait_dma2 semaphore(%run_scoped3A : memref<!tpu.dma_semaphore, #tpu.memory_space<semaphore_mem>>) src(%dma_wait3A_61 : memref<40x128xi32, #tpu.memory_space<hbm>>) dst(%arg8 : memref<40x128xi32, #tpu.memory_space<vmem>>)
        tpu.yield
      }) : () -> ()
      %mul3A_37 = arith.constant 40 : i32
      %mul3A_38 = arith.muli %while3A_34, %mul3A_37 : i32
      "tpu.region"() ({
        %run_scoped3A = tpu.sem_alloc : memref<!tpu.dma_semaphore, #tpu.memory_space<semaphore_mem>>
        %dma_start3A = arith.constant 0 : i32
        %dma_start3A_52 = tpu.memref_slice %arg4[%arg1, %mul3A_38, %dma_start3A] : memref<16x200x128xi32, #tpu.memory_space<hbm>> -> memref<1x40x128xi32, #tpu.memory_space<hbm>>
        %dma_start3A_53 = tpu.memref_squeeze %dma_start3A_52 : memref<1x40x128xi32, #tpu.memory_space<hbm>> -> memref<40x128xi32, #tpu.memory_space<hbm>>
        %dma_start3A_54 = arith.constant 0 : i32
        %dma_start3A_55 = tpu.memref_slice %arg4[%arg1, %mul3A_38, %dma_start3A_54] : memref<16x200x128xi32, #tpu.memory_space<hbm>> -> memref<1x40x128xi32, #tpu.memory_space<hbm>>
        %dma_start3A_56 = tpu.memref_squeeze %dma_start3A_55 : memref<1x40x128xi32, #tpu.memory_space<hbm>> -> memref<40x128xi32, #tpu.memory_space<hbm>>
        tpu.enqueue_dma source(%dma_start3A_56 : memref<40x128xi32, #tpu.memory_space<hbm>>) target(%arg9 : memref<40x128xi32, #tpu.memory_space<vmem>>) target_semaphore(%run_scoped3A : memref<!tpu.dma_semaphore, #tpu.memory_space<semaphore_mem>>)
        %dma_wait3A = arith.constant 0 : i32
        %dma_wait3A_57 = tpu.memref_slice %arg4[%arg1, %mul3A_38, %dma_wait3A] : memref<16x200x128xi32, #tpu.memory_space<hbm>> -> memref<1x40x128xi32, #tpu.memory_space<hbm>>
        %dma_wait3A_58 = tpu.memref_squeeze %dma_wait3A_57 : memref<1x40x128xi32, #tpu.memory_space<hbm>> -> memref<40x128xi32, #tpu.memory_space<hbm>>
        %dma_wait3A_59 = arith.constant 0 : i32
        %dma_wait3A_60 = tpu.memref_slice %arg4[%arg1, %mul3A_38, %dma_wait3A_59] : memref<16x200x128xi32, #tpu.memory_space<hbm>> -> memref<1x40x128xi32, #tpu.memory_space<hbm>>
        %dma_wait3A_61 = tpu.memref_squeeze %dma_wait3A_60 : memref<1x40x128xi32, #tpu.memory_space<hbm>> -> memref<40x128xi32, #tpu.memory_space<hbm>>
        tpu.wait_dma2 semaphore(%run_scoped3A : memref<!tpu.dma_semaphore, #tpu.memory_space<semaphore_mem>>) src(%dma_wait3A_61 : memref<40x128xi32, #tpu.memory_space<hbm>>) dst(%arg9 : memref<40x128xi32, #tpu.memory_space<vmem>>)
        tpu.yield
      }) : () -> ()
      %mul3A_39 = arith.constant 40 : i32
      %mul3A_40 = arith.muli %while3A_34, %mul3A_39 : i32
      %sub3A_41 = arith.subi %squeeze3A, %mul3A_40 : i32
      %min3A = arith.constant 40 : i32
      %min3A_42 = arith.minsi %min3A, %sub3A_41 : i32
      %while3A_43 = arith.constant 0 : i32
      %while3A_44 = arith.subi %min3A_42, %while3A_43 : i32
      %while3A_45 = arith.addi %while3A_43, %while3A_44 : i32
      %while3A_46 = arith.constant 1 : i32
      %while3A_47 = arith.divsi %while3A_44, %while3A_46 : i32
      %while3A_48 = arith.muli %while3A_47, %while3A_46 : i32
      %while3A_49 = arith.addi %while3A_43, %while3A_48 : i32
      %while3A_50 = arith.constant 1 : i32
      scf.for %while3A_52 = %while3A_43 to %while3A_49 step %while3A_50  : i32 {
        %dma_start3A = arith.constant 0 : i32
        %dma_start3A_53 = tpu.memref_slice %arg8[%while3A_52, %dma_start3A] : memref<40x128xi32, #tpu.memory_space<vmem>> -> memref<1x128xi32, #tpu.memory_space<vmem>>
        %dma_start3A_54 = tpu.memref_squeeze %dma_start3A_53 : memref<1x128xi32, #tpu.memory_space<vmem>> -> memref<128xi32, #tpu.memory_space<vmem>>
        %dma_start3A_55 = arith.constant 0 : i32
        %dma_start3A_56 = arith.constant 0 : i32
        %dma_start3A_57 = tpu.memref_slice %arg2[%dma_start3A_55, %dma_start3A_56] : memref<20000x128xf32, #tpu.memory_space<hbm>> -> memref<20000x128xf32, #tpu.memory_space<hbm>>
        tpu.enqueue_indirect_dma source(%dma_start3A_57 : memref<20000x128xf32, #tpu.memory_space<hbm>>) target(%arg10 : memref<128x128xf32, #tpu.memory_space<vmem>>) offsets(%dma_start3A_54 : memref<128xi32, #tpu.memory_space<vmem>>) semaphore(%arg13 : memref<!tpu.dma_semaphore, #tpu.memory_space<semaphore_mem>>)
        %dma_wait3A = arith.constant 0 : i32
        %dma_wait3A_58 = tpu.memref_slice %arg8[%while3A_52, %dma_wait3A] : memref<40x128xi32, #tpu.memory_space<vmem>> -> memref<1x128xi32, #tpu.memory_space<vmem>>
        %dma_wait3A_59 = tpu.memref_squeeze %dma_wait3A_58 : memref<1x128xi32, #tpu.memory_space<vmem>> -> memref<128xi32, #tpu.memory_space<vmem>>
        %dma_wait3A_60 = arith.constant 0 : i32
        %dma_wait3A_61 = arith.constant 0 : i32
        %dma_wait3A_62 = tpu.memref_slice %arg2[%dma_wait3A_60, %dma_wait3A_61] : memref<20000x128xf32, #tpu.memory_space<hbm>> -> memref<20000x128xf32, #tpu.memory_space<hbm>>
        tpu.wait_indirect_dma semaphore(%arg13 : memref<!tpu.dma_semaphore, #tpu.memory_space<semaphore_mem>>) src(%dma_wait3A_62 : memref<20000x128xf32, #tpu.memory_space<hbm>>) dst(%arg10 : memref<128x128xf32, #tpu.memory_space<vmem>>)
        "tpu.region"() ({
          %run_scoped3A = tpu.sem_alloc : memref<!tpu.dma_semaphore, #tpu.memory_space<semaphore_mem>>
          %dma_start3A_63 = arith.constant 0 : i32
          %dma_start3A_64 = tpu.memref_slice %arg9[%while3A_52, %dma_start3A_63] : memref<40x128xi32, #tpu.memory_space<vmem>> -> memref<1x128xi32, #tpu.memory_space<vmem>>
          %dma_start3A_65 = tpu.memref_squeeze %dma_start3A_64 : memref<1x128xi32, #tpu.memory_space<vmem>> -> memref<128xi32, #tpu.memory_space<vmem>>
          %dma_start3A_66 = arith.constant 0 : i32
          %dma_start3A_67 = arith.constant 0 : i32
          %dma_start3A_68 = tpu.memref_slice %arg12[%dma_start3A_66, %dma_start3A_67] : memref<10240x128xf32, #tpu.memory_space<vmem_shared>> -> memref<10240x128xf32, #tpu.memory_space<vmem_shared>>
          tpu.enqueue_indirect_dma source(%arg10 : memref<128x128xf32, #tpu.memory_space<vmem>>) target(%dma_start3A_68 : memref<10240x128xf32, #tpu.memory_space<vmem_shared>>) offsets(%dma_start3A_65 : memref<128xi32, #tpu.memory_space<vmem>>) semaphore(%run_scoped3A : memref<!tpu.dma_semaphore, #tpu.memory_space<semaphore_mem>>) {add = true}
          %dma_wait3A_69 = arith.constant 0 : i32
          %dma_wait3A_70 = tpu.memref_slice %arg9[%while3A_52, %dma_wait3A_69] : memref<40x128xi32, #tpu.memory_space<vmem>> -> memref<1x128xi32, #tpu.memory_space<vmem>>
          %dma_wait3A_71 = tpu.memref_squeeze %dma_wait3A_70 : memref<1x128xi32, #tpu.memory_space<vmem>> -> memref<128xi32, #tpu.memory_space<vmem>>
          %dma_wait3A_72 = arith.constant 0 : i32
          %dma_wait3A_73 = arith.constant 0 : i32
          %dma_wait3A_74 = tpu.memref_slice %arg12[%dma_wait3A_72, %dma_wait3A_73] : memref<10240x128xf32, #tpu.memory_space<vmem_shared>> -> memref<10240x128xf32, #tpu.memory_space<vmem_shared>>
          tpu.wait_indirect_dma semaphore(%run_scoped3A : memref<!tpu.dma_semaphore, #tpu.memory_space<semaphore_mem>>) src(%arg10 : memref<128x128xf32, #tpu.memory_space<vmem>>) dst(%dma_wait3A_74 : memref<10240x128xf32, #tpu.memory_space<vmem_shared>>)
          tpu.yield
        }) : () -> ()
      }
      %while3A_51 = arith.constant 1 : i32
      scf.for %while3A_52 = %while3A_49 to %while3A_45 step %while3A_51  : i32 {
        %dma_start3A = arith.constant 0 : i32
        %dma_start3A_53 = tpu.memref_slice %arg8[%while3A_52, %dma_start3A] : memref<40x128xi32, #tpu.memory_space<vmem>> -> memref<1x128xi32, #tpu.memory_space<vmem>>
        %dma_start3A_54 = tpu.memref_squeeze %dma_start3A_53 : memref<1x128xi32, #tpu.memory_space<vmem>> -> memref<128xi32, #tpu.memory_space<vmem>>
        %dma_start3A_55 = arith.constant 0 : i32
        %dma_start3A_56 = arith.constant 0 : i32
        %dma_start3A_57 = tpu.memref_slice %arg2[%dma_start3A_55, %dma_start3A_56] : memref<20000x128xf32, #tpu.memory_space<hbm>> -> memref<20000x128xf32, #tpu.memory_space<hbm>>
        tpu.enqueue_indirect_dma source(%dma_start3A_57 : memref<20000x128xf32, #tpu.memory_space<hbm>>) target(%arg10 : memref<128x128xf32, #tpu.memory_space<vmem>>) offsets(%dma_start3A_54 : memref<128xi32, #tpu.memory_space<vmem>>) semaphore(%arg13 : memref<!tpu.dma_semaphore, #tpu.memory_space<semaphore_mem>>)
        %dma_wait3A = arith.constant 0 : i32
        %dma_wait3A_58 = tpu.memref_slice %arg8[%while3A_52, %dma_wait3A] : memref<40x128xi32, #tpu.memory_space<vmem>> -> memref<1x128xi32, #tpu.memory_space<vmem>>
        %dma_wait3A_59 = tpu.memref_squeeze %dma_wait3A_58 : memref<1x128xi32, #tpu.memory_space<vmem>> -> memref<128xi32, #tpu.memory_space<vmem>>
        %dma_wait3A_60 = arith.constant 0 : i32
        %dma_wait3A_61 = arith.constant 0 : i32
        %dma_wait3A_62 = tpu.memref_slice %arg2[%dma_wait3A_60, %dma_wait3A_61] : memref<20000x128xf32, #tpu.memory_space<hbm>> -> memref<20000x128xf32, #tpu.memory_space<hbm>>
        tpu.wait_indirect_dma semaphore(%arg13 : memref<!tpu.dma_semaphore, #tpu.memory_space<semaphore_mem>>) src(%dma_wait3A_62 : memref<20000x128xf32, #tpu.memory_space<hbm>>) dst(%arg10 : memref<128x128xf32, #tpu.memory_space<vmem>>)
        "tpu.region"() ({
          %run_scoped3A = tpu.sem_alloc : memref<!tpu.dma_semaphore, #tpu.memory_space<semaphore_mem>>
          %dma_start3A_63 = arith.constant 0 : i32
          %dma_start3A_64 = tpu.memref_slice %arg9[%while3A_52, %dma_start3A_63] : memref<40x128xi32, #tpu.memory_space<vmem>> -> memref<1x128xi32, #tpu.memory_space<vmem>>
          %dma_start3A_65 = tpu.memref_squeeze %dma_start3A_64 : memref<1x128xi32, #tpu.memory_space<vmem>> -> memref<128xi32, #tpu.memory_space<vmem>>
          %dma_start3A_66 = arith.constant 0 : i32
          %dma_start3A_67 = arith.constant 0 : i32
          %dma_start3A_68 = tpu.memref_slice %arg12[%dma_start3A_66, %dma_start3A_67] : memref<10240x128xf32, #tpu.memory_space<vmem_shared>> -> memref<10240x128xf32, #tpu.memory_space<vmem_shared>>
          tpu.enqueue_indirect_dma source(%arg10 : memref<128x128xf32, #tpu.memory_space<vmem>>) target(%dma_start3A_68 : memref<10240x128xf32, #tpu.memory_space<vmem_shared>>) offsets(%dma_start3A_65 : memref<128xi32, #tpu.memory_space<vmem>>) semaphore(%run_scoped3A : memref<!tpu.dma_semaphore, #tpu.memory_space<semaphore_mem>>) {add = true}
          %dma_wait3A_69 = arith.constant 0 : i32
          %dma_wait3A_70 = tpu.memref_slice %arg9[%while3A_52, %dma_wait3A_69] : memref<40x128xi32, #tpu.memory_space<vmem>> -> memref<1x128xi32, #tpu.memory_space<vmem>>
          %dma_wait3A_71 = tpu.memref_squeeze %dma_wait3A_70 : memref<1x128xi32, #tpu.memory_space<vmem>> -> memref<128xi32, #tpu.memory_space<vmem>>
          %dma_wait3A_72 = arith.constant 0 : i32
          %dma_wait3A_73 = arith.constant 0 : i32
          %dma_wait3A_74 = tpu.memref_slice %arg12[%dma_wait3A_72, %dma_wait3A_73] : memref<10240x128xf32, #tpu.memory_space<vmem_shared>> -> memref<10240x128xf32, #tpu.memory_space<vmem_shared>>
          tpu.wait_indirect_dma semaphore(%run_scoped3A : memref<!tpu.dma_semaphore, #tpu.memory_space<semaphore_mem>>) src(%arg10 : memref<128x128xf32, #tpu.memory_space<vmem>>) dst(%dma_wait3A_74 : memref<10240x128xf32, #tpu.memory_space<vmem_shared>>)
          tpu.yield
        }) : () -> ()
      }
    }
    %barrier3A_29 = arith.constant 0 : index
    tpu.barrier barrier_id(%barrier3A_29)
    %mul3A_30 = arith.constant 640 : i32
    %mul3A_31 = arith.muli %arg1, %mul3A_30 : i32
    %mul3A_32 = arith.constant 640 : i32
    %mul3A_33 = arith.muli %arg1, %mul3A_32 : i32
    "tpu.region"() ({
      %run_scoped3A = tpu.sem_alloc : memref<!tpu.dma_semaphore, #tpu.memory_space<semaphore_mem>>
      %dma_start3A = arith.constant 0 : i32
      %dma_start3A_34 = tpu.memref_slice %arg7[%arg0, %mul3A_33, %dma_start3A] : memref<2x10240x128xf32, #tpu.memory_space<hbm>> -> memref<1x640x128xf32, #tpu.memory_space<hbm>>
      %dma_start3A_35 = tpu.memref_squeeze %dma_start3A_34 : memref<1x640x128xf32, #tpu.memory_space<hbm>> -> memref<640x128xf32, #tpu.memory_space<hbm>>
      %dma_start3A_36 = arith.constant 0 : i32
      %dma_start3A_37 = tpu.memref_slice %arg12[%mul3A_31, %dma_start3A_36] : memref<10240x128xf32, #tpu.memory_space<vmem_shared>> -> memref<640x128xf32, #tpu.memory_space<vmem_shared>>
      tpu.enqueue_dma source(%dma_start3A_37 : memref<640x128xf32, #tpu.memory_space<vmem_shared>>) target(%dma_start3A_35 : memref<640x128xf32, #tpu.memory_space<hbm>>) target_semaphore(%run_scoped3A : memref<!tpu.dma_semaphore, #tpu.memory_space<semaphore_mem>>)
      %dma_wait3A = arith.constant 0 : i32
      %dma_wait3A_38 = tpu.memref_slice %arg7[%arg0, %mul3A_33, %dma_wait3A] : memref<2x10240x128xf32, #tpu.memory_space<hbm>> -> memref<1x640x128xf32, #tpu.memory_space<hbm>>
      %dma_wait3A_39 = tpu.memref_squeeze %dma_wait3A_38 : memref<1x640x128xf32, #tpu.memory_space<hbm>> -> memref<640x128xf32, #tpu.memory_space<hbm>>
      %dma_wait3A_40 = arith.constant 0 : i32
      %dma_wait3A_41 = tpu.memref_slice %arg12[%mul3A_31, %dma_wait3A_40] : memref<10240x128xf32, #tpu.memory_space<vmem_shared>> -> memref<640x128xf32, #tpu.memory_space<vmem_shared>>
      tpu.wait_dma2 semaphore(%run_scoped3A : memref<!tpu.dma_semaphore, #tpu.memory_space<semaphore_mem>>) src(%dma_wait3A_41 : memref<640x128xf32, #tpu.memory_space<vmem_shared>>) dst(%dma_wait3A_39 : memref<640x128xf32, #tpu.memory_space<hbm>>)
      tpu.yield
    }) : () -> ()
    return
  }
}

#map = affine_map<(d0, d1) -> (0, 0)>
#map1 = affine_map<(d0, d1) -> (0, 0, 0, 0)>
#map2 = affine_map<(d0, d1) -> (0, 0, 0)>
module attributes {stable_mosaic.version = 14 : i64} {
  func.func @agg_kernel(%arg0: i32, %arg1: i32, %arg2: memref<20000x128xf32, #tpu.memory_space<hbm>>, %arg3: memref<2x16x200x128xi32, #tpu.memory_space<hbm>>, %arg4: memref<16x200x128xi32, #tpu.memory_space<hbm>>, %arg5: memref<16x16xi32, #tpu.memory_space<hbm>>, %arg6: memref<640x128xf32, #tpu.memory_space<hbm>>, %arg7: memref<2x10240x128xf32, #tpu.memory_space<hbm>>, %arg8: memref<40x128xi32, #tpu.memory_space<vmem>>, %arg9: memref<40x128xi32, #tpu.memory_space<vmem>>, %arg10: memref<128x128xf32, #tpu.memory_space<vmem>>, %arg11: memref<16xi32, #tpu.memory_space<vmem>>, %arg12: memref<10240x128xf32, #tpu.memory_space<vmem_shared>>, %arg13: memref<!tpu.dma_semaphore, #tpu.memory_space<semaphore_mem>>) attributes {dimension_semantics = [#tpu.dimension_semantics<core_parallel>, #tpu.dimension_semantics<subcore_parallel>], iteration_bounds = array<i64: 2, 16>, scalar_prefetch = 0 : i64, scratch_operands = 6 : i64, tpu.core_type = #tpu.core_type<sc_vector_subcore>, window_params = [{transform_indices = #map}, {transform_indices = #map1}, {transform_indices = #map2}, {transform_indices = #map}, {transform_indices = #map}, {transform_indices = #map2}]} {
    %mul3A = arith.constant 640 : i32
    %mul3A_0 = arith.muli %arg1, %mul3A : i32
    "tpu.region"() ({
      %run_scoped3A = tpu.sem_alloc : memref<!tpu.dma_semaphore, #tpu.memory_space<semaphore_mem>>
      %dma_start3A = arith.constant 0 : i32
      %dma_start3A_34 = tpu.memref_slice %arg12[%mul3A_0, %dma_start3A] : memref<10240x128xf32, #tpu.memory_space<vmem_shared>> -> memref<640x128xf32, #tpu.memory_space<vmem_shared>>
      tpu.enqueue_dma source(%arg6 : memref<640x128xf32, #tpu.memory_space<hbm>>) target(%dma_start3A_34 : memref<640x128xf32, #tpu.memory_space<vmem_shared>>) target_semaphore(%run_scoped3A : memref<!tpu.dma_semaphore, #tpu.memory_space<semaphore_mem>>)
      %dma_wait3A = arith.constant 0 : i32
      %dma_wait3A_35 = tpu.memref_slice %arg12[%mul3A_0, %dma_wait3A] : memref<10240x128xf32, #tpu.memory_space<vmem_shared>> -> memref<640x128xf32, #tpu.memory_space<vmem_shared>>
      tpu.wait_dma2 semaphore(%run_scoped3A : memref<!tpu.dma_semaphore, #tpu.memory_space<semaphore_mem>>) src(%arg6 : memref<640x128xf32, #tpu.memory_space<hbm>>) dst(%dma_wait3A_35 : memref<640x128xf32, #tpu.memory_space<vmem_shared>>)
      tpu.yield
    }) : () -> ()
    "tpu.region"() ({
      %run_scoped3A = tpu.sem_alloc : memref<!tpu.dma_semaphore, #tpu.memory_space<semaphore_mem>>
      %dma_start3A = arith.constant 0 : i32
      %dma_start3A_34 = tpu.memref_slice %arg5[%arg1, %dma_start3A] : memref<16x16xi32, #tpu.memory_space<hbm>> -> memref<1x16xi32, #tpu.memory_space<hbm>>
      %dma_start3A_35 = tpu.memref_squeeze %dma_start3A_34 : memref<1x16xi32, #tpu.memory_space<hbm>> -> memref<16xi32, #tpu.memory_space<hbm>>
      %dma_start3A_36 = arith.constant 0 : i32
      %dma_start3A_37 = tpu.memref_slice %arg5[%arg1, %dma_start3A_36] : memref<16x16xi32, #tpu.memory_space<hbm>> -> memref<1x16xi32, #tpu.memory_space<hbm>>
      %dma_start3A_38 = tpu.memref_squeeze %dma_start3A_37 : memref<1x16xi32, #tpu.memory_space<hbm>> -> memref<16xi32, #tpu.memory_space<hbm>>
      tpu.enqueue_dma source(%dma_start3A_38 : memref<16xi32, #tpu.memory_space<hbm>>) target(%arg11 : memref<16xi32, #tpu.memory_space<vmem>>) target_semaphore(%run_scoped3A : memref<!tpu.dma_semaphore, #tpu.memory_space<semaphore_mem>>)
      %dma_wait3A = arith.constant 0 : i32
      %dma_wait3A_39 = tpu.memref_slice %arg5[%arg1, %dma_wait3A] : memref<16x16xi32, #tpu.memory_space<hbm>> -> memref<1x16xi32, #tpu.memory_space<hbm>>
      %dma_wait3A_40 = tpu.memref_squeeze %dma_wait3A_39 : memref<1x16xi32, #tpu.memory_space<hbm>> -> memref<16xi32, #tpu.memory_space<hbm>>
      %dma_wait3A_41 = arith.constant 0 : i32
      %dma_wait3A_42 = tpu.memref_slice %arg5[%arg1, %dma_wait3A_41] : memref<16x16xi32, #tpu.memory_space<hbm>> -> memref<1x16xi32, #tpu.memory_space<hbm>>
      %dma_wait3A_43 = tpu.memref_squeeze %dma_wait3A_42 : memref<1x16xi32, #tpu.memory_space<hbm>> -> memref<16xi32, #tpu.memory_space<hbm>>
      tpu.wait_dma2 semaphore(%run_scoped3A : memref<!tpu.dma_semaphore, #tpu.memory_space<semaphore_mem>>) src(%dma_wait3A_43 : memref<16xi32, #tpu.memory_space<hbm>>) dst(%arg11 : memref<16xi32, #tpu.memory_space<vmem>>)
      tpu.yield
    }) : () -> ()
    %barrier3A = arith.constant 0 : index
    tpu.barrier barrier_id(%barrier3A)
    %get3A = arith.constant 0 : index
    %get3A_1 = tpu.vector_load %arg11[%get3A] {strides = array<i32>} : memref<16xi32, #tpu.memory_space<vmem>>, vector<16xi32>,
    %get3A_2 = vector.shape_cast %get3A_1 : vector<16xi32> to vector<16xi32>
    %slice3A = vector.extract_strided_slice %get3A_2 {offsets = [0], sizes = [1], strides = [1]} : vector<16xi32> to vector<1xi32>
    %squeeze3A = vector.extract %slice3A[0] : i32 from vector<1xi32>
    %add3A = arith.constant 39 : i32
    %add3A_3 = arith.addi %squeeze3A, %add3A : i32
    %jit3A = arith.constant 40 : i32
    %div3A = arith.divsi %add3A_3, %jit3A : i32
    %sign3A = arith.constant 0 : i32
    %sign3A_4 = arith.cmpi sgt, %add3A_3, %sign3A : i32
    %sign3A_5 = arith.extui %sign3A_4 : i1 to i32
    %sign3A_6 = arith.constant 0 : i32
    %sign3A_7 = arith.cmpi slt, %add3A_3, %sign3A_6 : i32
    %sign3A_8 = arith.extui %sign3A_7 : i1 to i32
    %sign3A_9 = arith.subi %sign3A_5, %sign3A_8 : i32
    %sign3A_10 = arith.constant 0 : i32
    %sign3A_11 = arith.cmpi sgt, %jit3A, %sign3A_10 : i32
    %sign3A_12 = arith.extui %sign3A_11 : i1 to i32
    %sign3A_13 = arith.constant 0 : i32
    %sign3A_14 = arith.cmpi slt, %jit3A, %sign3A_13 : i32
    %sign3A_15 = arith.extui %sign3A_14 : i1 to i32
    %sign3A_16 = arith.subi %sign3A_12, %sign3A_15 : i32
    %ne3A = arith.cmpi ne, %sign3A_9, %sign3A_16 : i32
    %rem3A = arith.remsi %add3A_3, %jit3A : i32
    %ne3A_17 = arith.constant 0 : i32
    %ne3A_18 = arith.cmpi ne, %rem3A, %ne3A_17 : i32
    %and3A = arith.andi %ne3A, %ne3A_18 : i1
    %sub3A = arith.constant 1 : i32
    %sub3A_19 = arith.subi %div3A, %sub3A : i32
    %select_n3A = arith.select %and3A, %sub3A_19, %div3A : i32
    %while3A = arith.constant 0 : i32
    %while3A_20 = arith.constant 0 : i32
    %while3A_21 = arith.subi %select_n3A, %while3A_20 : i32
    %while3A_22 = arith.addi %while3A_20, %while3A_21 : i32
    %while3A_23 = arith.constant 1 : i32
    %while3A_24 = arith.divsi %while3A_21, %while3A_23 : i32
    %while3A_25 = arith.muli %while3A_24, %while3A_23 : i32
    %while3A_26 = arith.addi %while3A_20, %while3A_25 : i32
    %while3A_27 = arith.constant 1 : i32
    scf.for %while3A_34 = %while3A_20 to %while3A_26 step %while3A_27  : i32 {
      %mul3A_35 = arith.constant 40 : i32
      %mul3A_36 = arith.muli %while3A_34, %mul3A_35 : i32
      "tpu.region"() ({
        %run_scoped3A = tpu.sem_alloc : memref<!tpu.dma_semaphore, #tpu.memory_space<semaphore_mem>>
        %dma_start3A = arith.constant 0 : i32
        %dma_start3A_52 = tpu.memref_slice %arg3[%arg0, %arg1, %mul3A_36, %dma_start3A] : memref<2x16x200x128xi32, #tpu.memory_space<hbm>> -> memref<1x1x40x128xi32, #tpu.memory_space<hbm>>
        %dma_start3A_53 = tpu.memref_squeeze %dma_start3A_52 : memref<1x1x40x128xi32, #tpu.memory_space<hbm>> -> memref<40x128xi32, #tpu.memory_space<hbm>>
        %dma_start3A_54 = arith.constant 0 : i32
        %dma_start3A_55 = tpu.memref_slice %arg3[%arg0, %arg1, %mul3A_36, %dma_start3A_54] : memref<2x16x200x128xi32, #tpu.memory_space<hbm>> -> memref<1x1x40x128xi32, #tpu.memory_space<hbm>>
        %dma_start3A_56 = tpu.memref_squeeze %dma_start3A_55 : memref<1x1x40x128xi32, #tpu.memory_space<hbm>> -> memref<40x128xi32, #tpu.memory_space<hbm>>
        tpu.enqueue_dma source(%dma_start3A_56 : memref<40x128xi32, #tpu.memory_space<hbm>>) target(%arg8 : memref<40x128xi32, #tpu.memory_space<vmem>>) target_semaphore(%run_scoped3A : memref<!tpu.dma_semaphore, #tpu.memory_space<semaphore_mem>>)
        %dma_wait3A = arith.constant 0 : i32
        %dma_wait3A_57 = tpu.memref_slice %arg3[%arg0, %arg1, %mul3A_36, %dma_wait3A] : memref<2x16x200x128xi32, #tpu.memory_space<hbm>> -> memref<1x1x40x128xi32, #tpu.memory_space<hbm>>
        %dma_wait3A_58 = tpu.memref_squeeze %dma_wait3A_57 : memref<1x1x40x128xi32, #tpu.memory_space<hbm>> -> memref<40x128xi32, #tpu.memory_space<hbm>>
        %dma_wait3A_59 = arith.constant 0 : i32
        %dma_wait3A_60 = tpu.memref_slice %arg3[%arg0, %arg1, %mul3A_36, %dma_wait3A_59] : memref<2x16x200x128xi32, #tpu.memory_space<hbm>> -> memref<1x1x40x128xi32, #tpu.memory_space<hbm>>
        %dma_wait3A_61 = tpu.memref_squeeze %dma_wait3A_60 : memref<1x1x40x128xi32, #tpu.memory_space<hbm>> -> memref<40x128xi32, #tpu.memory_space<hbm>>
        tpu.wait_dma2 semaphore(%run_scoped3A : memref<!tpu.dma_semaphore, #tpu.memory_space<semaphore_mem>>) src(%dma_wait3A_61 : memref<40x128xi32, #tpu.memory_space<hbm>>) dst(%arg8 : memref<40x128xi32, #tpu.memory_space<vmem>>)
        tpu.yield
      }) : () -> ()
      %mul3A_37 = arith.constant 40 : i32
      %mul3A_38 = arith.muli %while3A_34, %mul3A_37 : i32
      "tpu.region"() ({
        %run_scoped3A = tpu.sem_alloc : memref<!tpu.dma_semaphore, #tpu.memory_space<semaphore_mem>>
        %dma_start3A = arith.constant 0 : i32
        %dma_start3A_52 = tpu.memref_slice %arg4[%arg1, %mul3A_38, %dma_start3A] : memref<16x200x128xi32, #tpu.memory_space<hbm>> -> memref<1x40x128xi32, #tpu.memory_space<hbm>>
        %dma_start3A_53 = tpu.memref_squeeze %dma_start3A_52 : memref<1x40x128xi32, #tpu.memory_space<hbm>> -> memref<40x128xi32, #tpu.memory_space<hbm>>
        %dma_start3A_54 = arith.constant 0 : i32
        %dma_start3A_55 = tpu.memref_slice %arg4[%arg1, %mul3A_38, %dma_start3A_54] : memref<16x200x128xi32, #tpu.memory_space<hbm>> -> memref<1x40x128xi32, #tpu.memory_space<hbm>>
        %dma_start3A_56 = tpu.memref_squeeze %dma_start3A_55 : memref<1x40x128xi32, #tpu.memory_space<hbm>> -> memref<40x128xi32, #tpu.memory_space<hbm>>
        tpu.enqueue_dma source(%dma_start3A_56 : memref<40x128xi32, #tpu.memory_space<hbm>>) target(%arg9 : memref<40x128xi32, #tpu.memory_space<vmem>>) target_semaphore(%run_scoped3A : memref<!tpu.dma_semaphore, #tpu.memory_space<semaphore_mem>>)
        %dma_wait3A = arith.constant 0 : i32
        %dma_wait3A_57 = tpu.memref_slice %arg4[%arg1, %mul3A_38, %dma_wait3A] : memref<16x200x128xi32, #tpu.memory_space<hbm>> -> memref<1x40x128xi32, #tpu.memory_space<hbm>>
        %dma_wait3A_58 = tpu.memref_squeeze %dma_wait3A_57 : memref<1x40x128xi32, #tpu.memory_space<hbm>> -> memref<40x128xi32, #tpu.memory_space<hbm>>
        %dma_wait3A_59 = arith.constant 0 : i32
        %dma_wait3A_60 = tpu.memref_slice %arg4[%arg1, %mul3A_38, %dma_wait3A_59] : memref<16x200x128xi32, #tpu.memory_space<hbm>> -> memref<1x40x128xi32, #tpu.memory_space<hbm>>
        %dma_wait3A_61 = tpu.memref_squeeze %dma_wait3A_60 : memref<1x40x128xi32, #tpu.memory_space<hbm>> -> memref<40x128xi32, #tpu.memory_space<hbm>>
        tpu.wait_dma2 semaphore(%run_scoped3A : memref<!tpu.dma_semaphore, #tpu.memory_space<semaphore_mem>>) src(%dma_wait3A_61 : memref<40x128xi32, #tpu.memory_space<hbm>>) dst(%arg9 : memref<40x128xi32, #tpu.memory_space<vmem>>)
        tpu.yield
      }) : () -> ()
      %mul3A_39 = arith.constant 40 : i32
      %mul3A_40 = arith.muli %while3A_34, %mul3A_39 : i32
      %sub3A_41 = arith.subi %squeeze3A, %mul3A_40 : i32
      %min3A = arith.constant 40 : i32
      %min3A_42 = arith.minsi %min3A, %sub3A_41 : i32
      %while3A_43 = arith.constant 0 : i32
      %while3A_44 = arith.subi %min3A_42, %while3A_43 : i32
      %while3A_45 = arith.addi %while3A_43, %while3A_44 : i32
      %while3A_46 = arith.constant 1 : i32
      %while3A_47 = arith.divsi %while3A_44, %while3A_46 : i32
      %while3A_48 = arith.muli %while3A_47, %while3A_46 : i32
      %while3A_49 = arith.addi %while3A_43, %while3A_48 : i32
      %while3A_50 = arith.constant 1 : i32
      scf.for %while3A_52 = %while3A_43 to %while3A_49 step %while3A_50  : i32 {
        %dma_start3A = arith.constant 0 : i32
        %dma_start3A_53 = tpu.memref_slice %arg8[%while3A_52, %dma_start3A] : memref<40x128xi32, #tpu.memory_space<vmem>> -> memref<1x128xi32, #tpu.memory_space<vmem>>
        %dma_start3A_54 = tpu.memref_squeeze %dma_start3A_53 : memref<1x128xi32, #tpu.memory_space<vmem>> -> memref<128xi32, #tpu.memory_space<vmem>>
        %dma_start3A_55 = arith.constant 0 : i32
        %dma_start3A_56 = arith.constant 0 : i32
        %dma_start3A_57 = tpu.memref_slice %arg2[%dma_start3A_55, %dma_start3A_56] : memref<20000x128xf32, #tpu.memory_space<hbm>> -> memref<20000x128xf32, #tpu.memory_space<hbm>>
        tpu.enqueue_indirect_dma source(%dma_start3A_57 : memref<20000x128xf32, #tpu.memory_space<hbm>>) target(%arg10 : memref<128x128xf32, #tpu.memory_space<vmem>>) offsets(%dma_start3A_54 : memref<128xi32, #tpu.memory_space<vmem>>) semaphore(%arg13 : memref<!tpu.dma_semaphore, #tpu.memory_space<semaphore_mem>>)
        %dma_wait3A = arith.constant 0 : i32
        %dma_wait3A_58 = tpu.memref_slice %arg8[%while3A_52, %dma_wait3A] : memref<40x128xi32, #tpu.memory_space<vmem>> -> memref<1x128xi32, #tpu.memory_space<vmem>>
        %dma_wait3A_59 = tpu.memref_squeeze %dma_wait3A_58 : memref<1x128xi32, #tpu.memory_space<vmem>> -> memref<128xi32, #tpu.memory_space<vmem>>
        %dma_wait3A_60 = arith.constant 0 : i32
        %dma_wait3A_61 = arith.constant 0 : i32
        %dma_wait3A_62 = tpu.memref_slice %arg2[%dma_wait3A_60, %dma_wait3A_61] : memref<20000x128xf32, #tpu.memory_space<hbm>> -> memref<20000x128xf32, #tpu.memory_space<hbm>>
        tpu.wait_indirect_dma semaphore(%arg13 : memref<!tpu.dma_semaphore, #tpu.memory_space<semaphore_mem>>) src(%dma_wait3A_62 : memref<20000x128xf32, #tpu.memory_space<hbm>>) dst(%arg10 : memref<128x128xf32, #tpu.memory_space<vmem>>)
        "tpu.region"() ({
          %run_scoped3A = tpu.sem_alloc : memref<!tpu.dma_semaphore, #tpu.memory_space<semaphore_mem>>
          %dma_start3A_63 = arith.constant 0 : i32
          %dma_start3A_64 = tpu.memref_slice %arg9[%while3A_52, %dma_start3A_63] : memref<40x128xi32, #tpu.memory_space<vmem>> -> memref<1x128xi32, #tpu.memory_space<vmem>>
          %dma_start3A_65 = tpu.memref_squeeze %dma_start3A_64 : memref<1x128xi32, #tpu.memory_space<vmem>> -> memref<128xi32, #tpu.memory_space<vmem>>
          %dma_start3A_66 = arith.constant 0 : i32
          %dma_start3A_67 = arith.constant 0 : i32
          %dma_start3A_68 = tpu.memref_slice %arg12[%dma_start3A_66, %dma_start3A_67] : memref<10240x128xf32, #tpu.memory_space<vmem_shared>> -> memref<10240x128xf32, #tpu.memory_space<vmem_shared>>
          tpu.enqueue_indirect_dma source(%arg10 : memref<128x128xf32, #tpu.memory_space<vmem>>) target(%dma_start3A_68 : memref<10240x128xf32, #tpu.memory_space<vmem_shared>>) offsets(%dma_start3A_65 : memref<128xi32, #tpu.memory_space<vmem>>) semaphore(%run_scoped3A : memref<!tpu.dma_semaphore, #tpu.memory_space<semaphore_mem>>) {add = true}
          %dma_wait3A_69 = arith.constant 0 : i32
          %dma_wait3A_70 = tpu.memref_slice %arg9[%while3A_52, %dma_wait3A_69] : memref<40x128xi32, #tpu.memory_space<vmem>> -> memref<1x128xi32, #tpu.memory_space<vmem>>
          %dma_wait3A_71 = tpu.memref_squeeze %dma_wait3A_70 : memref<1x128xi32, #tpu.memory_space<vmem>> -> memref<128xi32, #tpu.memory_space<vmem>>
          %dma_wait3A_72 = arith.constant 0 : i32
          %dma_wait3A_73 = arith.constant 0 : i32
          %dma_wait3A_74 = tpu.memref_slice %arg12[%dma_wait3A_72, %dma_wait3A_73] : memref<10240x128xf32, #tpu.memory_space<vmem_shared>> -> memref<10240x128xf32, #tpu.memory_space<vmem_shared>>
          tpu.wait_indirect_dma semaphore(%run_scoped3A : memref<!tpu.dma_semaphore, #tpu.memory_space<semaphore_mem>>) src(%arg10 : memref<128x128xf32, #tpu.memory_space<vmem>>) dst(%dma_wait3A_74 : memref<10240x128xf32, #tpu.memory_space<vmem_shared>>)
          tpu.yield
        }) : () -> ()
      }
      %while3A_51 = arith.constant 1 : i32
      scf.for %while3A_52 = %while3A_49 to %while3A_45 step %while3A_51  : i32 {
        %dma_start3A = arith.constant 0 : i32
        %dma_start3A_53 = tpu.memref_slice %arg8[%while3A_52, %dma_start3A] : memref<40x128xi32, #tpu.memory_space<vmem>> -> memref<1x128xi32, #tpu.memory_space<vmem>>
        %dma_start3A_54 = tpu.memref_squeeze %dma_start3A_53 : memref<1x128xi32, #tpu.memory_space<vmem>> -> memref<128xi32, #tpu.memory_space<vmem>>
        %dma_start3A_55 = arith.constant 0 : i32
        %dma_start3A_56 = arith.constant 0 : i32
        %dma_start3A_57 = tpu.memref_slice %arg2[%dma_start3A_55, %dma_start3A_56] : memref<20000x128xf32, #tpu.memory_space<hbm>> -> memref<20000x128xf32, #tpu.memory_space<hbm>>
        tpu.enqueue_indirect_dma source(%dma_start3A_57 : memref<20000x128xf32, #tpu.memory_space<hbm>>) target(%arg10 : memref<128x128xf32, #tpu.memory_space<vmem>>) offsets(%dma_start3A_54 : memref<128xi32, #tpu.memory_space<vmem>>) semaphore(%arg13 : memref<!tpu.dma_semaphore, #tpu.memory_space<semaphore_mem>>)
        %dma_wait3A = arith.constant 0 : i32
        %dma_wait3A_58 = tpu.memref_slice %arg8[%while3A_52, %dma_wait3A] : memref<40x128xi32, #tpu.memory_space<vmem>> -> memref<1x128xi32, #tpu.memory_space<vmem>>
        %dma_wait3A_59 = tpu.memref_squeeze %dma_wait3A_58 : memref<1x128xi32, #tpu.memory_space<vmem>> -> memref<128xi32, #tpu.memory_space<vmem>>
        %dma_wait3A_60 = arith.constant 0 : i32
        %dma_wait3A_61 = arith.constant 0 : i32
        %dma_wait3A_62 = tpu.memref_slice %arg2[%dma_wait3A_60, %dma_wait3A_61] : memref<20000x128xf32, #tpu.memory_space<hbm>> -> memref<20000x128xf32, #tpu.memory_space<hbm>>
        tpu.wait_indirect_dma semaphore(%arg13 : memref<!tpu.dma_semaphore, #tpu.memory_space<semaphore_mem>>) src(%dma_wait3A_62 : memref<20000x128xf32, #tpu.memory_space<hbm>>) dst(%arg10 : memref<128x128xf32, #tpu.memory_space<vmem>>)
        "tpu.region"() ({
          %run_scoped3A = tpu.sem_alloc : memref<!tpu.dma_semaphore, #tpu.memory_space<semaphore_mem>>
          %dma_start3A_63 = arith.constant 0 : i32
          %dma_start3A_64 = tpu.memref_slice %arg9[%while3A_52, %dma_start3A_63] : memref<40x128xi32, #tpu.memory_space<vmem>> -> memref<1x128xi32, #tpu.memory_space<vmem>>
          %dma_start3A_65 = tpu.memref_squeeze %dma_start3A_64 : memref<1x128xi32, #tpu.memory_space<vmem>> -> memref<128xi32, #tpu.memory_space<vmem>>
          %dma_start3A_66 = arith.constant 0 : i32
          %dma_start3A_67 = arith.constant 0 : i32
          %dma_start3A_68 = tpu.memref_slice %arg12[%dma_start3A_66, %dma_start3A_67] : memref<10240x128xf32, #tpu.memory_space<vmem_shared>> -> memref<10240x128xf32, #tpu.memory_space<vmem_shared>>
          tpu.enqueue_indirect_dma source(%arg10 : memref<128x128xf32, #tpu.memory_space<vmem>>) target(%dma_start3A_68 : memref<10240x128xf32, #tpu.memory_space<vmem_shared>>) offsets(%dma_start3A_65 : memref<128xi32, #tpu.memory_space<vmem>>) semaphore(%run_scoped3A : memref<!tpu.dma_semaphore, #tpu.memory_space<semaphore_mem>>) {add = true}
          %dma_wait3A_69 = arith.constant 0 : i32
          %dma_wait3A_70 = tpu.memref_slice %arg9[%while3A_52, %dma_wait3A_69] : memref<40x128xi32, #tpu.memory_space<vmem>> -> memref<1x128xi32, #tpu.memory_space<vmem>>
          %dma_wait3A_71 = tpu.memref_squeeze %dma_wait3A_70 : memref<1x128xi32, #tpu.memory_space<vmem>> -> memref<128xi32, #tpu.memory_space<vmem>>
          %dma_wait3A_72 = arith.constant 0 : i32
          %dma_wait3A_73 = arith.constant 0 : i32
          %dma_wait3A_74 = tpu.memref_slice %arg12[%dma_wait3A_72, %dma_wait3A_73] : memref<10240x128xf32, #tpu.memory_space<vmem_shared>> -> memref<10240x128xf32, #tpu.memory_space<vmem_shared>>
          tpu.wait_indirect_dma semaphore(%run_scoped3A : memref<!tpu.dma_semaphore, #tpu.memory_space<semaphore_mem>>) src(%arg10 : memref<128x128xf32, #tpu.memory_space<vmem>>) dst(%dma_wait3A_74 : memref<10240x128xf32, #tpu.memory_space<vmem_shared>>)
          tpu.yield
        }) : () -> ()
      }
    }
    %while3A_28 = arith.constant 1 : i32
    scf.for %while3A_34 = %while3A_26 to %while3A_22 step %while3A_28  : i32 {
      %mul3A_35 = arith.constant 40 : i32
      %mul3A_36 = arith.muli %while3A_34, %mul3A_35 : i32
      "tpu.region"() ({
        %run_scoped3A = tpu.sem_alloc : memref<!tpu.dma_semaphore, #tpu.memory_space<semaphore_mem>>
        %dma_start3A = arith.constant 0 : i32
        %dma_start3A_52 = tpu.memref_slice %arg3[%arg0, %arg1, %mul3A_36, %dma_start3A] : memref<2x16x200x128xi32, #tpu.memory_space<hbm>> -> memref<1x1x40x128xi32, #tpu.memory_space<hbm>>
        %dma_start3A_53 = tpu.memref_squeeze %dma_start3A_52 : memref<1x1x40x128xi32, #tpu.memory_space<hbm>> -> memref<40x128xi32, #tpu.memory_space<hbm>>
        %dma_start3A_54 = arith.constant 0 : i32
        %dma_start3A_55 = tpu.memref_slice %arg3[%arg0, %arg1, %mul3A_36, %dma_start3A_54] : memref<2x16x200x128xi32, #tpu.memory_space<hbm>> -> memref<1x1x40x128xi32, #tpu.memory_space<hbm>>
        %dma_start3A_56 = tpu.memref_squeeze %dma_start3A_55 : memref<1x1x40x128xi32, #tpu.memory_space<hbm>> -> memref<40x128xi32, #tpu.memory_space<hbm>>
        tpu.enqueue_dma source(%dma_start3A_56 : memref<40x128xi32, #tpu.memory_space<hbm>>) target(%arg8 : memref<40x128xi32, #tpu.memory_space<vmem>>) target_semaphore(%run_scoped3A : memref<!tpu.dma_semaphore, #tpu.memory_space<semaphore_mem>>)
        %dma_wait3A = arith.constant 0 : i32
        %dma_wait3A_57 = tpu.memref_slice %arg3[%arg0, %arg1, %mul3A_36, %dma_wait3A] : memref<2x16x200x128xi32, #tpu.memory_space<hbm>> -> memref<1x1x40x128xi32, #tpu.memory_space<hbm>>
        %dma_wait3A_58 = tpu.memref_squeeze %dma_wait3A_57 : memref<1x1x40x128xi32, #tpu.memory_space<hbm>> -> memref<40x128xi32, #tpu.memory_space<hbm>>
        %dma_wait3A_59 = arith.constant 0 : i32
        %dma_wait3A_60 = tpu.memref_slice %arg3[%arg0, %arg1, %mul3A_36, %dma_wait3A_59] : memref<2x16x200x128xi32, #tpu.memory_space<hbm>> -> memref<1x1x40x128xi32, #tpu.memory_space<hbm>>
        %dma_wait3A_61 = tpu.memref_squeeze %dma_wait3A_60 : memref<1x1x40x128xi32, #tpu.memory_space<hbm>> -> memref<40x128xi32, #tpu.memory_space<hbm>>
        tpu.wait_dma2 semaphore(%run_scoped3A : memref<!tpu.dma_semaphore, #tpu.memory_space<semaphore_mem>>) src(%dma_wait3A_61 : memref<40x128xi32, #tpu.memory_space<hbm>>) dst(%arg8 : memref<40x128xi32, #tpu.memory_space<vmem>>)
        tpu.yield
      }) : () -> ()
      %mul3A_37 = arith.constant 40 : i32
      %mul3A_38 = arith.muli %while3A_34, %mul3A_37 : i32
      "tpu.region"() ({
        %run_scoped3A = tpu.sem_alloc : memref<!tpu.dma_semaphore, #tpu.memory_space<semaphore_mem>>
        %dma_start3A = arith.constant 0 : i32
        %dma_start3A_52 = tpu.memref_slice %arg4[%arg1, %mul3A_38, %dma_start3A] : memref<16x200x128xi32, #tpu.memory_space<hbm>> -> memref<1x40x128xi32, #tpu.memory_space<hbm>>
        %dma_start3A_53 = tpu.memref_squeeze %dma_start3A_52 : memref<1x40x128xi32, #tpu.memory_space<hbm>> -> memref<40x128xi32, #tpu.memory_space<hbm>>
        %dma_start3A_54 = arith.constant 0 : i32
        %dma_start3A_55 = tpu.memref_slice %arg4[%arg1, %mul3A_38, %dma_start3A_54] : memref<16x200x128xi32, #tpu.memory_space<hbm>> -> memref<1x40x128xi32, #tpu.memory_space<hbm>>
        %dma_start3A_56 = tpu.memref_squeeze %dma_start3A_55 : memref<1x40x128xi32, #tpu.memory_space<hbm>> -> memref<40x128xi32, #tpu.memory_space<hbm>>
        tpu.enqueue_dma source(%dma_start3A_56 : memref<40x128xi32, #tpu.memory_space<hbm>>) target(%arg9 : memref<40x128xi32, #tpu.memory_space<vmem>>) target_semaphore(%run_scoped3A : memref<!tpu.dma_semaphore, #tpu.memory_space<semaphore_mem>>)
        %dma_wait3A = arith.constant 0 : i32
        %dma_wait3A_57 = tpu.memref_slice %arg4[%arg1, %mul3A_38, %dma_wait3A] : memref<16x200x128xi32, #tpu.memory_space<hbm>> -> memref<1x40x128xi32, #tpu.memory_space<hbm>>
        %dma_wait3A_58 = tpu.memref_squeeze %dma_wait3A_57 : memref<1x40x128xi32, #tpu.memory_space<hbm>> -> memref<40x128xi32, #tpu.memory_space<hbm>>
        %dma_wait3A_59 = arith.constant 0 : i32
        %dma_wait3A_60 = tpu.memref_slice %arg4[%arg1, %mul3A_38, %dma_wait3A_59] : memref<16x200x128xi32, #tpu.memory_space<hbm>> -> memref<1x40x128xi32, #tpu.memory_space<hbm>>
        %dma_wait3A_61 = tpu.memref_squeeze %dma_wait3A_60 : memref<1x40x128xi32, #tpu.memory_space<hbm>> -> memref<40x128xi32, #tpu.memory_space<hbm>>
        tpu.wait_dma2 semaphore(%run_scoped3A : memref<!tpu.dma_semaphore, #tpu.memory_space<semaphore_mem>>) src(%dma_wait3A_61 : memref<40x128xi32, #tpu.memory_space<hbm>>) dst(%arg9 : memref<40x128xi32, #tpu.memory_space<vmem>>)
        tpu.yield
      }) : () -> ()
      %mul3A_39 = arith.constant 40 : i32
      %mul3A_40 = arith.muli %while3A_34, %mul3A_39 : i32
      %sub3A_41 = arith.subi %squeeze3A, %mul3A_40 : i32
      %min3A = arith.constant 40 : i32
      %min3A_42 = arith.minsi %min3A, %sub3A_41 : i32
      %while3A_43 = arith.constant 0 : i32
      %while3A_44 = arith.subi %min3A_42, %while3A_43 : i32
      %while3A_45 = arith.addi %while3A_43, %while3A_44 : i32
      %while3A_46 = arith.constant 1 : i32
      %while3A_47 = arith.divsi %while3A_44, %while3A_46 : i32
      %while3A_48 = arith.muli %while3A_47, %while3A_46 : i32
      %while3A_49 = arith.addi %while3A_43, %while3A_48 : i32
      %while3A_50 = arith.constant 1 : i32
      scf.for %while3A_52 = %while3A_43 to %while3A_49 step %while3A_50  : i32 {
        %dma_start3A = arith.constant 0 : i32
        %dma_start3A_53 = tpu.memref_slice %arg8[%while3A_52, %dma_start3A] : memref<40x128xi32, #tpu.memory_space<vmem>> -> memref<1x128xi32, #tpu.memory_space<vmem>>
        %dma_start3A_54 = tpu.memref_squeeze %dma_start3A_53 : memref<1x128xi32, #tpu.memory_space<vmem>> -> memref<128xi32, #tpu.memory_space<vmem>>
        %dma_start3A_55 = arith.constant 0 : i32
        %dma_start3A_56 = arith.constant 0 : i32
        %dma_start3A_57 = tpu.memref_slice %arg2[%dma_start3A_55, %dma_start3A_56] : memref<20000x128xf32, #tpu.memory_space<hbm>> -> memref<20000x128xf32, #tpu.memory_space<hbm>>
        tpu.enqueue_indirect_dma source(%dma_start3A_57 : memref<20000x128xf32, #tpu.memory_space<hbm>>) target(%arg10 : memref<128x128xf32, #tpu.memory_space<vmem>>) offsets(%dma_start3A_54 : memref<128xi32, #tpu.memory_space<vmem>>) semaphore(%arg13 : memref<!tpu.dma_semaphore, #tpu.memory_space<semaphore_mem>>)
        %dma_wait3A = arith.constant 0 : i32
        %dma_wait3A_58 = tpu.memref_slice %arg8[%while3A_52, %dma_wait3A] : memref<40x128xi32, #tpu.memory_space<vmem>> -> memref<1x128xi32, #tpu.memory_space<vmem>>
        %dma_wait3A_59 = tpu.memref_squeeze %dma_wait3A_58 : memref<1x128xi32, #tpu.memory_space<vmem>> -> memref<128xi32, #tpu.memory_space<vmem>>
        %dma_wait3A_60 = arith.constant 0 : i32
        %dma_wait3A_61 = arith.constant 0 : i32
        %dma_wait3A_62 = tpu.memref_slice %arg2[%dma_wait3A_60, %dma_wait3A_61] : memref<20000x128xf32, #tpu.memory_space<hbm>> -> memref<20000x128xf32, #tpu.memory_space<hbm>>
        tpu.wait_indirect_dma semaphore(%arg13 : memref<!tpu.dma_semaphore, #tpu.memory_space<semaphore_mem>>) src(%dma_wait3A_62 : memref<20000x128xf32, #tpu.memory_space<hbm>>) dst(%arg10 : memref<128x128xf32, #tpu.memory_space<vmem>>)
        "tpu.region"() ({
          %run_scoped3A = tpu.sem_alloc : memref<!tpu.dma_semaphore, #tpu.memory_space<semaphore_mem>>
          %dma_start3A_63 = arith.constant 0 : i32
          %dma_start3A_64 = tpu.memref_slice %arg9[%while3A_52, %dma_start3A_63] : memref<40x128xi32, #tpu.memory_space<vmem>> -> memref<1x128xi32, #tpu.memory_space<vmem>>
          %dma_start3A_65 = tpu.memref_squeeze %dma_start3A_64 : memref<1x128xi32, #tpu.memory_space<vmem>> -> memref<128xi32, #tpu.memory_space<vmem>>
          %dma_start3A_66 = arith.constant 0 : i32
          %dma_start3A_67 = arith.constant 0 : i32
          %dma_start3A_68 = tpu.memref_slice %arg12[%dma_start3A_66, %dma_start3A_67] : memref<10240x128xf32, #tpu.memory_space<vmem_shared>> -> memref<10240x128xf32, #tpu.memory_space<vmem_shared>>
          tpu.enqueue_indirect_dma source(%arg10 : memref<128x128xf32, #tpu.memory_space<vmem>>) target(%dma_start3A_68 : memref<10240x128xf32, #tpu.memory_space<vmem_shared>>) offsets(%dma_start3A_65 : memref<128xi32, #tpu.memory_space<vmem>>) semaphore(%run_scoped3A : memref<!tpu.dma_semaphore, #tpu.memory_space<semaphore_mem>>) {add = true}
          %dma_wait3A_69 = arith.constant 0 : i32
          %dma_wait3A_70 = tpu.memref_slice %arg9[%while3A_52, %dma_wait3A_69] : memref<40x128xi32, #tpu.memory_space<vmem>> -> memref<1x128xi32, #tpu.memory_space<vmem>>
          %dma_wait3A_71 = tpu.memref_squeeze %dma_wait3A_70 : memref<1x128xi32, #tpu.memory_space<vmem>> -> memref<128xi32, #tpu.memory_space<vmem>>
          %dma_wait3A_72 = arith.constant 0 : i32
          %dma_wait3A_73 = arith.constant 0 : i32
          %dma_wait3A_74 = tpu.memref_slice %arg12[%dma_wait3A_72, %dma_wait3A_73] : memref<10240x128xf32, #tpu.memory_space<vmem_shared>> -> memref<10240x128xf32, #tpu.memory_space<vmem_shared>>
          tpu.wait_indirect_dma semaphore(%run_scoped3A : memref<!tpu.dma_semaphore, #tpu.memory_space<semaphore_mem>>) src(%arg10 : memref<128x128xf32, #tpu.memory_space<vmem>>) dst(%dma_wait3A_74 : memref<10240x128xf32, #tpu.memory_space<vmem_shared>>)
          tpu.yield
        }) : () -> ()
      }
      %while3A_51 = arith.constant 1 : i32
      scf.for %while3A_52 = %while3A_49 to %while3A_45 step %while3A_51  : i32 {
        %dma_start3A = arith.constant 0 : i32
        %dma_start3A_53 = tpu.memref_slice %arg8[%while3A_52, %dma_start3A] : memref<40x128xi32, #tpu.memory_space<vmem>> -> memref<1x128xi32, #tpu.memory_space<vmem>>
        %dma_start3A_54 = tpu.memref_squeeze %dma_start3A_53 : memref<1x128xi32, #tpu.memory_space<vmem>> -> memref<128xi32, #tpu.memory_space<vmem>>
        %dma_start3A_55 = arith.constant 0 : i32
        %dma_start3A_56 = arith.constant 0 : i32
        %dma_start3A_57 = tpu.memref_slice %arg2[%dma_start3A_55, %dma_start3A_56] : memref<20000x128xf32, #tpu.memory_space<hbm>> -> memref<20000x128xf32, #tpu.memory_space<hbm>>
        tpu.enqueue_indirect_dma source(%dma_start3A_57 : memref<20000x128xf32, #tpu.memory_space<hbm>>) target(%arg10 : memref<128x128xf32, #tpu.memory_space<vmem>>) offsets(%dma_start3A_54 : memref<128xi32, #tpu.memory_space<vmem>>) semaphore(%arg13 : memref<!tpu.dma_semaphore, #tpu.memory_space<semaphore_mem>>)
        %dma_wait3A = arith.constant 0 : i32
        %dma_wait3A_58 = tpu.memref_slice %arg8[%while3A_52, %dma_wait3A] : memref<40x128xi32, #tpu.memory_space<vmem>> -> memref<1x128xi32, #tpu.memory_space<vmem>>
        %dma_wait3A_59 = tpu.memref_squeeze %dma_wait3A_58 : memref<1x128xi32, #tpu.memory_space<vmem>> -> memref<128xi32, #tpu.memory_space<vmem>>
        %dma_wait3A_60 = arith.constant 0 : i32
        %dma_wait3A_61 = arith.constant 0 : i32
        %dma_wait3A_62 = tpu.memref_slice %arg2[%dma_wait3A_60, %dma_wait3A_61] : memref<20000x128xf32, #tpu.memory_space<hbm>> -> memref<20000x128xf32, #tpu.memory_space<hbm>>
        tpu.wait_indirect_dma semaphore(%arg13 : memref<!tpu.dma_semaphore, #tpu.memory_space<semaphore_mem>>) src(%dma_wait3A_62 : memref<20000x128xf32, #tpu.memory_space<hbm>>) dst(%arg10 : memref<128x128xf32, #tpu.memory_space<vmem>>)
        "tpu.region"() ({
          %run_scoped3A = tpu.sem_alloc : memref<!tpu.dma_semaphore, #tpu.memory_space<semaphore_mem>>
          %dma_start3A_63 = arith.constant 0 : i32
          %dma_start3A_64 = tpu.memref_slice %arg9[%while3A_52, %dma_start3A_63] : memref<40x128xi32, #tpu.memory_space<vmem>> -> memref<1x128xi32, #tpu.memory_space<vmem>>
          %dma_start3A_65 = tpu.memref_squeeze %dma_start3A_64 : memref<1x128xi32, #tpu.memory_space<vmem>> -> memref<128xi32, #tpu.memory_space<vmem>>
          %dma_start3A_66 = arith.constant 0 : i32
          %dma_start3A_67 = arith.constant 0 : i32
          %dma_start3A_68 = tpu.memref_slice %arg12[%dma_start3A_66, %dma_start3A_67] : memref<10240x128xf32, #tpu.memory_space<vmem_shared>> -> memref<10240x128xf32, #tpu.memory_space<vmem_shared>>
          tpu.enqueue_indirect_dma source(%arg10 : memref<128x128xf32, #tpu.memory_space<vmem>>) target(%dma_start3A_68 : memref<10240x128xf32, #tpu.memory_space<vmem_shared>>) offsets(%dma_start3A_65 : memref<128xi32, #tpu.memory_space<vmem>>) semaphore(%run_scoped3A : memref<!tpu.dma_semaphore, #tpu.memory_space<semaphore_mem>>) {add = true}
          %dma_wait3A_69 = arith.constant 0 : i32
          %dma_wait3A_70 = tpu.memref_slice %arg9[%while3A_52, %dma_wait3A_69] : memref<40x128xi32, #tpu.memory_space<vmem>> -> memref<1x128xi32, #tpu.memory_space<vmem>>
          %dma_wait3A_71 = tpu.memref_squeeze %dma_wait3A_70 : memref<1x128xi32, #tpu.memory_space<vmem>> -> memref<128xi32, #tpu.memory_space<vmem>>
          %dma_wait3A_72 = arith.constant 0 : i32
          %dma_wait3A_73 = arith.constant 0 : i32
          %dma_wait3A_74 = tpu.memref_slice %arg12[%dma_wait3A_72, %dma_wait3A_73] : memref<10240x128xf32, #tpu.memory_space<vmem_shared>> -> memref<10240x128xf32, #tpu.memory_space<vmem_shared>>
          tpu.wait_indirect_dma semaphore(%run_scoped3A : memref<!tpu.dma_semaphore, #tpu.memory_space<semaphore_mem>>) src(%arg10 : memref<128x128xf32, #tpu.memory_space<vmem>>) dst(%dma_wait3A_74 : memref<10240x128xf32, #tpu.memory_space<vmem_shared>>)
          tpu.yield
        }) : () -> ()
      }
    }
    %barrier3A_29 = arith.constant 0 : index
    tpu.barrier barrier_id(%barrier3A_29)
    %mul3A_30 = arith.constant 640 : i32
    %mul3A_31 = arith.muli %arg1, %mul3A_30 : i32
    %mul3A_32 = arith.constant 640 : i32
    %mul3A_33 = arith.muli %arg1, %mul3A_32 : i32
    "tpu.region"() ({
      %run_scoped3A = tpu.sem_alloc : memref<!tpu.dma_semaphore, #tpu.memory_space<semaphore_mem>>
      %dma_start3A = arith.constant 0 : i32
      %dma_start3A_34 = tpu.memref_slice %arg7[%arg0, %mul3A_33, %dma_start3A] : memref<2x10240x128xf32, #tpu.memory_space<hbm>> -> memref<1x640x128xf32, #tpu.memory_space<hbm>>
      %dma_start3A_35 = tpu.memref_squeeze %dma_start3A_34 : memref<1x640x128xf32, #tpu.memory_space<hbm>> -> memref<640x128xf32, #tpu.memory_space<hbm>>
      %dma_start3A_36 = arith.constant 0 : i32
      %dma_start3A_37 = tpu.memref_slice %arg12[%mul3A_31, %dma_start3A_36] : memref<10240x128xf32, #tpu.memory_space<vmem_shared>> -> memref<640x128xf32, #tpu.memory_space<vmem_shared>>
      tpu.enqueue_dma source(%dma_start3A_37 : memref<640x128xf32, #tpu.memory_space<vmem_shared>>) target(%dma_start3A_35 : memref<640x128xf32, #tpu.memory_space<hbm>>) target_semaphore(%run_scoped3A : memref<!tpu.dma_semaphore, #tpu.memory_space<semaphore_mem>>)
      %dma_wait3A = arith.constant 0 : i32
      %dma_wait3A_38 = tpu.memref_slice %arg7[%arg0, %mul3A_33, %dma_wait3A] : memref<2x10240x128xf32, #tpu.memory_space<hbm>> -> memref<1x640x128xf32, #tpu.memory_space<hbm>>
      %dma_wait3A_39 = tpu.memref_squeeze %dma_wait3A_38 : memref<1x640x128xf32, #tpu.memory_space<hbm>> -> memref<640x128xf32, #tpu.memory_space<hbm>>
      %dma_wait3A_40 = arith.constant 0 : i32
      %dma_wait3A_41 = tpu.memref_slice %arg12[%mul3A_31, %dma_wait3A_40] : memref<10240x128xf32, #tpu.memory_space<vmem_shared>> -> memref<640x128xf32, #tpu.memory_space<vmem_shared>>
      tpu.wait_dma2 semaphore(%run_scoped3A : memref<!tpu.dma_semaphore, #tpu.memory_space<semaphore_mem>>) src(%dma_wait3A_41 : memref<640x128xf32, #tpu.memory_space<vmem_shared>>) dst(%dma_wait3A_39 : memref<640x128xf32, #tpu.memory_space<hbm>>)
      tpu.yield
    }) : () -> ()
    return
  }
}

#map = affine_map<(d0, d1) -> (0, 0)>
#map1 = affine_map<(d0, d1) -> (0, 0, 0, 0)>
#map2 = affine_map<(d0, d1) -> (0, 0, 0)>
module attributes {stable_mosaic.version = 14 : i64} {
  func.func @agg_kernel(%arg0: i32, %arg1: i32, %arg2: memref<20000x128xf32, #tpu.memory_space<hbm>>, %arg3: memref<2x16x200x128xi32, #tpu.memory_space<hbm>>, %arg4: memref<16x200x128xi32, #tpu.memory_space<hbm>>, %arg5: memref<16x16xi32, #tpu.memory_space<hbm>>, %arg6: memref<640x128xf32, #tpu.memory_space<hbm>>, %arg7: memref<2x10240x128xf32, #tpu.memory_space<hbm>>, %arg8: memref<40x128xi32, #tpu.memory_space<vmem>>, %arg9: memref<40x128xi32, #tpu.memory_space<vmem>>, %arg10: memref<128x128xf32, #tpu.memory_space<vmem>>, %arg11: memref<16xi32, #tpu.memory_space<vmem>>, %arg12: memref<10240x128xf32, #tpu.memory_space<vmem_shared>>, %arg13: memref<!tpu.dma_semaphore, #tpu.memory_space<semaphore_mem>>) attributes {dimension_semantics = [#tpu.dimension_semantics<core_parallel>, #tpu.dimension_semantics<subcore_parallel>], iteration_bounds = array<i64: 2, 16>, scalar_prefetch = 0 : i64, scratch_operands = 6 : i64, tpu.core_type = #tpu.core_type<sc_vector_subcore>, window_params = [{transform_indices = #map}, {transform_indices = #map1}, {transform_indices = #map2}, {transform_indices = #map}, {transform_indices = #map}, {transform_indices = #map2}]} {
    %mul3A = arith.constant 640 : i32
    %mul3A_0 = arith.muli %arg1, %mul3A : i32
    "tpu.region"() ({
      %run_scoped3A = tpu.sem_alloc : memref<!tpu.dma_semaphore, #tpu.memory_space<semaphore_mem>>
      %dma_start3A = arith.constant 0 : i32
      %dma_start3A_34 = tpu.memref_slice %arg12[%mul3A_0, %dma_start3A] : memref<10240x128xf32, #tpu.memory_space<vmem_shared>> -> memref<640x128xf32, #tpu.memory_space<vmem_shared>>
      tpu.enqueue_dma source(%arg6 : memref<640x128xf32, #tpu.memory_space<hbm>>) target(%dma_start3A_34 : memref<640x128xf32, #tpu.memory_space<vmem_shared>>) target_semaphore(%run_scoped3A : memref<!tpu.dma_semaphore, #tpu.memory_space<semaphore_mem>>)
      %dma_wait3A = arith.constant 0 : i32
      %dma_wait3A_35 = tpu.memref_slice %arg12[%mul3A_0, %dma_wait3A] : memref<10240x128xf32, #tpu.memory_space<vmem_shared>> -> memref<640x128xf32, #tpu.memory_space<vmem_shared>>
      tpu.wait_dma2 semaphore(%run_scoped3A : memref<!tpu.dma_semaphore, #tpu.memory_space<semaphore_mem>>) src(%arg6 : memref<640x128xf32, #tpu.memory_space<hbm>>) dst(%dma_wait3A_35 : memref<640x128xf32, #tpu.memory_space<vmem_shared>>)
      tpu.yield
    }) : () -> ()
    "tpu.region"() ({
      %run_scoped3A = tpu.sem_alloc : memref<!tpu.dma_semaphore, #tpu.memory_space<semaphore_mem>>
      %dma_start3A = arith.constant 0 : i32
      %dma_start3A_34 = tpu.memref_slice %arg5[%arg1, %dma_start3A] : memref<16x16xi32, #tpu.memory_space<hbm>> -> memref<1x16xi32, #tpu.memory_space<hbm>>
      %dma_start3A_35 = tpu.memref_squeeze %dma_start3A_34 : memref<1x16xi32, #tpu.memory_space<hbm>> -> memref<16xi32, #tpu.memory_space<hbm>>
      %dma_start3A_36 = arith.constant 0 : i32
      %dma_start3A_37 = tpu.memref_slice %arg5[%arg1, %dma_start3A_36] : memref<16x16xi32, #tpu.memory_space<hbm>> -> memref<1x16xi32, #tpu.memory_space<hbm>>
      %dma_start3A_38 = tpu.memref_squeeze %dma_start3A_37 : memref<1x16xi32, #tpu.memory_space<hbm>> -> memref<16xi32, #tpu.memory_space<hbm>>
      tpu.enqueue_dma source(%dma_start3A_38 : memref<16xi32, #tpu.memory_space<hbm>>) target(%arg11 : memref<16xi32, #tpu.memory_space<vmem>>) target_semaphore(%run_scoped3A : memref<!tpu.dma_semaphore, #tpu.memory_space<semaphore_mem>>)
      %dma_wait3A = arith.constant 0 : i32
      %dma_wait3A_39 = tpu.memref_slice %arg5[%arg1, %dma_wait3A] : memref<16x16xi32, #tpu.memory_space<hbm>> -> memref<1x16xi32, #tpu.memory_space<hbm>>
      %dma_wait3A_40 = tpu.memref_squeeze %dma_wait3A_39 : memref<1x16xi32, #tpu.memory_space<hbm>> -> memref<16xi32, #tpu.memory_space<hbm>>
      %dma_wait3A_41 = arith.constant 0 : i32
      %dma_wait3A_42 = tpu.memref_slice %arg5[%arg1, %dma_wait3A_41] : memref<16x16xi32, #tpu.memory_space<hbm>> -> memref<1x16xi32, #tpu.memory_space<hbm>>
      %dma_wait3A_43 = tpu.memref_squeeze %dma_wait3A_42 : memref<1x16xi32, #tpu.memory_space<hbm>> -> memref<16xi32, #tpu.memory_space<hbm>>
      tpu.wait_dma2 semaphore(%run_scoped3A : memref<!tpu.dma_semaphore, #tpu.memory_space<semaphore_mem>>) src(%dma_wait3A_43 : memref<16xi32, #tpu.memory_space<hbm>>) dst(%arg11 : memref<16xi32, #tpu.memory_space<vmem>>)
      tpu.yield
    }) : () -> ()
    %barrier3A = arith.constant 0 : index
    tpu.barrier barrier_id(%barrier3A)
    %get3A = arith.constant 0 : index
    %get3A_1 = tpu.vector_load %arg11[%get3A] {strides = array<i32>} : memref<16xi32, #tpu.memory_space<vmem>>, vector<16xi32>,
    %get3A_2 = vector.shape_cast %get3A_1 : vector<16xi32> to vector<16xi32>
    %slice3A = vector.extract_strided_slice %get3A_2 {offsets = [0], sizes = [1], strides = [1]} : vector<16xi32> to vector<1xi32>
    %squeeze3A = vector.extract %slice3A[0] : i32 from vector<1xi32>
    %add3A = arith.constant 39 : i32
    %add3A_3 = arith.addi %squeeze3A, %add3A : i32
    %jit3A = arith.constant 40 : i32
    %div3A = arith.divsi %add3A_3, %jit3A : i32
    %sign3A = arith.constant 0 : i32
    %sign3A_4 = arith.cmpi sgt, %add3A_3, %sign3A : i32
    %sign3A_5 = arith.extui %sign3A_4 : i1 to i32
    %sign3A_6 = arith.constant 0 : i32
    %sign3A_7 = arith.cmpi slt, %add3A_3, %sign3A_6 : i32
    %sign3A_8 = arith.extui %sign3A_7 : i1 to i32
    %sign3A_9 = arith.subi %sign3A_5, %sign3A_8 : i32
    %sign3A_10 = arith.constant 0 : i32
    %sign3A_11 = arith.cmpi sgt, %jit3A, %sign3A_10 : i32
    %sign3A_12 = arith.extui %sign3A_11 : i1 to i32
    %sign3A_13 = arith.constant 0 : i32
    %sign3A_14 = arith.cmpi slt, %jit3A, %sign3A_13 : i32
    %sign3A_15 = arith.extui %sign3A_14 : i1 to i32
    %sign3A_16 = arith.subi %sign3A_12, %sign3A_15 : i32
    %ne3A = arith.cmpi ne, %sign3A_9, %sign3A_16 : i32
    %rem3A = arith.remsi %add3A_3, %jit3A : i32
    %ne3A_17 = arith.constant 0 : i32
    %ne3A_18 = arith.cmpi ne, %rem3A, %ne3A_17 : i32
    %and3A = arith.andi %ne3A, %ne3A_18 : i1
    %sub3A = arith.constant 1 : i32
    %sub3A_19 = arith.subi %div3A, %sub3A : i32
    %select_n3A = arith.select %and3A, %sub3A_19, %div3A : i32
    %while3A = arith.constant 0 : i32
    %while3A_20 = arith.constant 0 : i32
    %while3A_21 = arith.subi %select_n3A, %while3A_20 : i32
    %while3A_22 = arith.addi %while3A_20, %while3A_21 : i32
    %while3A_23 = arith.constant 1 : i32
    %while3A_24 = arith.divsi %while3A_21, %while3A_23 : i32
    %while3A_25 = arith.muli %while3A_24, %while3A_23 : i32
    %while3A_26 = arith.addi %while3A_20, %while3A_25 : i32
    %while3A_27 = arith.constant 1 : i32
    scf.for %while3A_34 = %while3A_20 to %while3A_26 step %while3A_27  : i32 {
      %mul3A_35 = arith.constant 40 : i32
      %mul3A_36 = arith.muli %while3A_34, %mul3A_35 : i32
      "tpu.region"() ({
        %run_scoped3A = tpu.sem_alloc : memref<!tpu.dma_semaphore, #tpu.memory_space<semaphore_mem>>
        %dma_start3A = arith.constant 0 : i32
        %dma_start3A_52 = tpu.memref_slice %arg3[%arg0, %arg1, %mul3A_36, %dma_start3A] : memref<2x16x200x128xi32, #tpu.memory_space<hbm>> -> memref<1x1x40x128xi32, #tpu.memory_space<hbm>>
        %dma_start3A_53 = tpu.memref_squeeze %dma_start3A_52 : memref<1x1x40x128xi32, #tpu.memory_space<hbm>> -> memref<40x128xi32, #tpu.memory_space<hbm>>
        %dma_start3A_54 = arith.constant 0 : i32
        %dma_start3A_55 = tpu.memref_slice %arg3[%arg0, %arg1, %mul3A_36, %dma_start3A_54] : memref<2x16x200x128xi32, #tpu.memory_space<hbm>> -> memref<1x1x40x128xi32, #tpu.memory_space<hbm>>
        %dma_start3A_56 = tpu.memref_squeeze %dma_start3A_55 : memref<1x1x40x128xi32, #tpu.memory_space<hbm>> -> memref<40x128xi32, #tpu.memory_space<hbm>>
        tpu.enqueue_dma source(%dma_start3A_56 : memref<40x128xi32, #tpu.memory_space<hbm>>) target(%arg8 : memref<40x128xi32, #tpu.memory_space<vmem>>) target_semaphore(%run_scoped3A : memref<!tpu.dma_semaphore, #tpu.memory_space<semaphore_mem>>)
        %dma_wait3A = arith.constant 0 : i32
        %dma_wait3A_57 = tpu.memref_slice %arg3[%arg0, %arg1, %mul3A_36, %dma_wait3A] : memref<2x16x200x128xi32, #tpu.memory_space<hbm>> -> memref<1x1x40x128xi32, #tpu.memory_space<hbm>>
        %dma_wait3A_58 = tpu.memref_squeeze %dma_wait3A_57 : memref<1x1x40x128xi32, #tpu.memory_space<hbm>> -> memref<40x128xi32, #tpu.memory_space<hbm>>
        %dma_wait3A_59 = arith.constant 0 : i32
        %dma_wait3A_60 = tpu.memref_slice %arg3[%arg0, %arg1, %mul3A_36, %dma_wait3A_59] : memref<2x16x200x128xi32, #tpu.memory_space<hbm>> -> memref<1x1x40x128xi32, #tpu.memory_space<hbm>>
        %dma_wait3A_61 = tpu.memref_squeeze %dma_wait3A_60 : memref<1x1x40x128xi32, #tpu.memory_space<hbm>> -> memref<40x128xi32, #tpu.memory_space<hbm>>
        tpu.wait_dma2 semaphore(%run_scoped3A : memref<!tpu.dma_semaphore, #tpu.memory_space<semaphore_mem>>) src(%dma_wait3A_61 : memref<40x128xi32, #tpu.memory_space<hbm>>) dst(%arg8 : memref<40x128xi32, #tpu.memory_space<vmem>>)
        tpu.yield
      }) : () -> ()
      %mul3A_37 = arith.constant 40 : i32
      %mul3A_38 = arith.muli %while3A_34, %mul3A_37 : i32
      "tpu.region"() ({
        %run_scoped3A = tpu.sem_alloc : memref<!tpu.dma_semaphore, #tpu.memory_space<semaphore_mem>>
        %dma_start3A = arith.constant 0 : i32
        %dma_start3A_52 = tpu.memref_slice %arg4[%arg1, %mul3A_38, %dma_start3A] : memref<16x200x128xi32, #tpu.memory_space<hbm>> -> memref<1x40x128xi32, #tpu.memory_space<hbm>>
        %dma_start3A_53 = tpu.memref_squeeze %dma_start3A_52 : memref<1x40x128xi32, #tpu.memory_space<hbm>> -> memref<40x128xi32, #tpu.memory_space<hbm>>
        %dma_start3A_54 = arith.constant 0 : i32
        %dma_start3A_55 = tpu.memref_slice %arg4[%arg1, %mul3A_38, %dma_start3A_54] : memref<16x200x128xi32, #tpu.memory_space<hbm>> -> memref<1x40x128xi32, #tpu.memory_space<hbm>>
        %dma_start3A_56 = tpu.memref_squeeze %dma_start3A_55 : memref<1x40x128xi32, #tpu.memory_space<hbm>> -> memref<40x128xi32, #tpu.memory_space<hbm>>
        tpu.enqueue_dma source(%dma_start3A_56 : memref<40x128xi32, #tpu.memory_space<hbm>>) target(%arg9 : memref<40x128xi32, #tpu.memory_space<vmem>>) target_semaphore(%run_scoped3A : memref<!tpu.dma_semaphore, #tpu.memory_space<semaphore_mem>>)
        %dma_wait3A = arith.constant 0 : i32
        %dma_wait3A_57 = tpu.memref_slice %arg4[%arg1, %mul3A_38, %dma_wait3A] : memref<16x200x128xi32, #tpu.memory_space<hbm>> -> memref<1x40x128xi32, #tpu.memory_space<hbm>>
        %dma_wait3A_58 = tpu.memref_squeeze %dma_wait3A_57 : memref<1x40x128xi32, #tpu.memory_space<hbm>> -> memref<40x128xi32, #tpu.memory_space<hbm>>
        %dma_wait3A_59 = arith.constant 0 : i32
        %dma_wait3A_60 = tpu.memref_slice %arg4[%arg1, %mul3A_38, %dma_wait3A_59] : memref<16x200x128xi32, #tpu.memory_space<hbm>> -> memref<1x40x128xi32, #tpu.memory_space<hbm>>
        %dma_wait3A_61 = tpu.memref_squeeze %dma_wait3A_60 : memref<1x40x128xi32, #tpu.memory_space<hbm>> -> memref<40x128xi32, #tpu.memory_space<hbm>>
        tpu.wait_dma2 semaphore(%run_scoped3A : memref<!tpu.dma_semaphore, #tpu.memory_space<semaphore_mem>>) src(%dma_wait3A_61 : memref<40x128xi32, #tpu.memory_space<hbm>>) dst(%arg9 : memref<40x128xi32, #tpu.memory_space<vmem>>)
        tpu.yield
      }) : () -> ()
      %mul3A_39 = arith.constant 40 : i32
      %mul3A_40 = arith.muli %while3A_34, %mul3A_39 : i32
      %sub3A_41 = arith.subi %squeeze3A, %mul3A_40 : i32
      %min3A = arith.constant 40 : i32
      %min3A_42 = arith.minsi %min3A, %sub3A_41 : i32
      %while3A_43 = arith.constant 0 : i32
      %while3A_44 = arith.subi %min3A_42, %while3A_43 : i32
      %while3A_45 = arith.addi %while3A_43, %while3A_44 : i32
      %while3A_46 = arith.constant 1 : i32
      %while3A_47 = arith.divsi %while3A_44, %while3A_46 : i32
      %while3A_48 = arith.muli %while3A_47, %while3A_46 : i32
      %while3A_49 = arith.addi %while3A_43, %while3A_48 : i32
      %while3A_50 = arith.constant 1 : i32
      scf.for %while3A_52 = %while3A_43 to %while3A_49 step %while3A_50  : i32 {
        %dma_start3A = arith.constant 0 : i32
        %dma_start3A_53 = tpu.memref_slice %arg8[%while3A_52, %dma_start3A] : memref<40x128xi32, #tpu.memory_space<vmem>> -> memref<1x128xi32, #tpu.memory_space<vmem>>
        %dma_start3A_54 = tpu.memref_squeeze %dma_start3A_53 : memref<1x128xi32, #tpu.memory_space<vmem>> -> memref<128xi32, #tpu.memory_space<vmem>>
        %dma_start3A_55 = arith.constant 0 : i32
        %dma_start3A_56 = arith.constant 0 : i32
        %dma_start3A_57 = tpu.memref_slice %arg2[%dma_start3A_55, %dma_start3A_56] : memref<20000x128xf32, #tpu.memory_space<hbm>> -> memref<20000x128xf32, #tpu.memory_space<hbm>>
        tpu.enqueue_indirect_dma source(%dma_start3A_57 : memref<20000x128xf32, #tpu.memory_space<hbm>>) target(%arg10 : memref<128x128xf32, #tpu.memory_space<vmem>>) offsets(%dma_start3A_54 : memref<128xi32, #tpu.memory_space<vmem>>) semaphore(%arg13 : memref<!tpu.dma_semaphore, #tpu.memory_space<semaphore_mem>>)
        %dma_wait3A = arith.constant 0 : i32
        %dma_wait3A_58 = tpu.memref_slice %arg8[%while3A_52, %dma_wait3A] : memref<40x128xi32, #tpu.memory_space<vmem>> -> memref<1x128xi32, #tpu.memory_space<vmem>>
        %dma_wait3A_59 = tpu.memref_squeeze %dma_wait3A_58 : memref<1x128xi32, #tpu.memory_space<vmem>> -> memref<128xi32, #tpu.memory_space<vmem>>
        %dma_wait3A_60 = arith.constant 0 : i32
        %dma_wait3A_61 = arith.constant 0 : i32
        %dma_wait3A_62 = tpu.memref_slice %arg2[%dma_wait3A_60, %dma_wait3A_61] : memref<20000x128xf32, #tpu.memory_space<hbm>> -> memref<20000x128xf32, #tpu.memory_space<hbm>>
        tpu.wait_indirect_dma semaphore(%arg13 : memref<!tpu.dma_semaphore, #tpu.memory_space<semaphore_mem>>) src(%dma_wait3A_62 : memref<20000x128xf32, #tpu.memory_space<hbm>>) dst(%arg10 : memref<128x128xf32, #tpu.memory_space<vmem>>)
        "tpu.region"() ({
          %run_scoped3A = tpu.sem_alloc : memref<!tpu.dma_semaphore, #tpu.memory_space<semaphore_mem>>
          %dma_start3A_63 = arith.constant 0 : i32
          %dma_start3A_64 = tpu.memref_slice %arg9[%while3A_52, %dma_start3A_63] : memref<40x128xi32, #tpu.memory_space<vmem>> -> memref<1x128xi32, #tpu.memory_space<vmem>>
          %dma_start3A_65 = tpu.memref_squeeze %dma_start3A_64 : memref<1x128xi32, #tpu.memory_space<vmem>> -> memref<128xi32, #tpu.memory_space<vmem>>
          %dma_start3A_66 = arith.constant 0 : i32
          %dma_start3A_67 = arith.constant 0 : i32
          %dma_start3A_68 = tpu.memref_slice %arg12[%dma_start3A_66, %dma_start3A_67] : memref<10240x128xf32, #tpu.memory_space<vmem_shared>> -> memref<10240x128xf32, #tpu.memory_space<vmem_shared>>
          tpu.enqueue_indirect_dma source(%arg10 : memref<128x128xf32, #tpu.memory_space<vmem>>) target(%dma_start3A_68 : memref<10240x128xf32, #tpu.memory_space<vmem_shared>>) offsets(%dma_start3A_65 : memref<128xi32, #tpu.memory_space<vmem>>) semaphore(%run_scoped3A : memref<!tpu.dma_semaphore, #tpu.memory_space<semaphore_mem>>) {add = true}
          %dma_wait3A_69 = arith.constant 0 : i32
          %dma_wait3A_70 = tpu.memref_slice %arg9[%while3A_52, %dma_wait3A_69] : memref<40x128xi32, #tpu.memory_space<vmem>> -> memref<1x128xi32, #tpu.memory_space<vmem>>
          %dma_wait3A_71 = tpu.memref_squeeze %dma_wait3A_70 : memref<1x128xi32, #tpu.memory_space<vmem>> -> memref<128xi32, #tpu.memory_space<vmem>>
          %dma_wait3A_72 = arith.constant 0 : i32
          %dma_wait3A_73 = arith.constant 0 : i32
          %dma_wait3A_74 = tpu.memref_slice %arg12[%dma_wait3A_72, %dma_wait3A_73] : memref<10240x128xf32, #tpu.memory_space<vmem_shared>> -> memref<10240x128xf32, #tpu.memory_space<vmem_shared>>
          tpu.wait_indirect_dma semaphore(%run_scoped3A : memref<!tpu.dma_semaphore, #tpu.memory_space<semaphore_mem>>) src(%arg10 : memref<128x128xf32, #tpu.memory_space<vmem>>) dst(%dma_wait3A_74 : memref<10240x128xf32, #tpu.memory_space<vmem_shared>>)
          tpu.yield
        }) : () -> ()
      }
      %while3A_51 = arith.constant 1 : i32
      scf.for %while3A_52 = %while3A_49 to %while3A_45 step %while3A_51  : i32 {
        %dma_start3A = arith.constant 0 : i32
        %dma_start3A_53 = tpu.memref_slice %arg8[%while3A_52, %dma_start3A] : memref<40x128xi32, #tpu.memory_space<vmem>> -> memref<1x128xi32, #tpu.memory_space<vmem>>
        %dma_start3A_54 = tpu.memref_squeeze %dma_start3A_53 : memref<1x128xi32, #tpu.memory_space<vmem>> -> memref<128xi32, #tpu.memory_space<vmem>>
        %dma_start3A_55 = arith.constant 0 : i32
        %dma_start3A_56 = arith.constant 0 : i32
        %dma_start3A_57 = tpu.memref_slice %arg2[%dma_start3A_55, %dma_start3A_56] : memref<20000x128xf32, #tpu.memory_space<hbm>> -> memref<20000x128xf32, #tpu.memory_space<hbm>>
        tpu.enqueue_indirect_dma source(%dma_start3A_57 : memref<20000x128xf32, #tpu.memory_space<hbm>>) target(%arg10 : memref<128x128xf32, #tpu.memory_space<vmem>>) offsets(%dma_start3A_54 : memref<128xi32, #tpu.memory_space<vmem>>) semaphore(%arg13 : memref<!tpu.dma_semaphore, #tpu.memory_space<semaphore_mem>>)
        %dma_wait3A = arith.constant 0 : i32
        %dma_wait3A_58 = tpu.memref_slice %arg8[%while3A_52, %dma_wait3A] : memref<40x128xi32, #tpu.memory_space<vmem>> -> memref<1x128xi32, #tpu.memory_space<vmem>>
        %dma_wait3A_59 = tpu.memref_squeeze %dma_wait3A_58 : memref<1x128xi32, #tpu.memory_space<vmem>> -> memref<128xi32, #tpu.memory_space<vmem>>
        %dma_wait3A_60 = arith.constant 0 : i32
        %dma_wait3A_61 = arith.constant 0 : i32
        %dma_wait3A_62 = tpu.memref_slice %arg2[%dma_wait3A_60, %dma_wait3A_61] : memref<20000x128xf32, #tpu.memory_space<hbm>> -> memref<20000x128xf32, #tpu.memory_space<hbm>>
        tpu.wait_indirect_dma semaphore(%arg13 : memref<!tpu.dma_semaphore, #tpu.memory_space<semaphore_mem>>) src(%dma_wait3A_62 : memref<20000x128xf32, #tpu.memory_space<hbm>>) dst(%arg10 : memref<128x128xf32, #tpu.memory_space<vmem>>)
        "tpu.region"() ({
          %run_scoped3A = tpu.sem_alloc : memref<!tpu.dma_semaphore, #tpu.memory_space<semaphore_mem>>
          %dma_start3A_63 = arith.constant 0 : i32
          %dma_start3A_64 = tpu.memref_slice %arg9[%while3A_52, %dma_start3A_63] : memref<40x128xi32, #tpu.memory_space<vmem>> -> memref<1x128xi32, #tpu.memory_space<vmem>>
          %dma_start3A_65 = tpu.memref_squeeze %dma_start3A_64 : memref<1x128xi32, #tpu.memory_space<vmem>> -> memref<128xi32, #tpu.memory_space<vmem>>
          %dma_start3A_66 = arith.constant 0 : i32
          %dma_start3A_67 = arith.constant 0 : i32
          %dma_start3A_68 = tpu.memref_slice %arg12[%dma_start3A_66, %dma_start3A_67] : memref<10240x128xf32, #tpu.memory_space<vmem_shared>> -> memref<10240x128xf32, #tpu.memory_space<vmem_shared>>
          tpu.enqueue_indirect_dma source(%arg10 : memref<128x128xf32, #tpu.memory_space<vmem>>) target(%dma_start3A_68 : memref<10240x128xf32, #tpu.memory_space<vmem_shared>>) offsets(%dma_start3A_65 : memref<128xi32, #tpu.memory_space<vmem>>) semaphore(%run_scoped3A : memref<!tpu.dma_semaphore, #tpu.memory_space<semaphore_mem>>) {add = true}
          %dma_wait3A_69 = arith.constant 0 : i32
          %dma_wait3A_70 = tpu.memref_slice %arg9[%while3A_52, %dma_wait3A_69] : memref<40x128xi32, #tpu.memory_space<vmem>> -> memref<1x128xi32, #tpu.memory_space<vmem>>
          %dma_wait3A_71 = tpu.memref_squeeze %dma_wait3A_70 : memref<1x128xi32, #tpu.memory_space<vmem>> -> memref<128xi32, #tpu.memory_space<vmem>>
          %dma_wait3A_72 = arith.constant 0 : i32
          %dma_wait3A_73 = arith.constant 0 : i32
          %dma_wait3A_74 = tpu.memref_slice %arg12[%dma_wait3A_72, %dma_wait3A_73] : memref<10240x128xf32, #tpu.memory_space<vmem_shared>> -> memref<10240x128xf32, #tpu.memory_space<vmem_shared>>
          tpu.wait_indirect_dma semaphore(%run_scoped3A : memref<!tpu.dma_semaphore, #tpu.memory_space<semaphore_mem>>) src(%arg10 : memref<128x128xf32, #tpu.memory_space<vmem>>) dst(%dma_wait3A_74 : memref<10240x128xf32, #tpu.memory_space<vmem_shared>>)
          tpu.yield
        }) : () -> ()
      }
    }
    %while3A_28 = arith.constant 1 : i32
    scf.for %while3A_34 = %while3A_26 to %while3A_22 step %while3A_28  : i32 {
      %mul3A_35 = arith.constant 40 : i32
      %mul3A_36 = arith.muli %while3A_34, %mul3A_35 : i32
      "tpu.region"() ({
        %run_scoped3A = tpu.sem_alloc : memref<!tpu.dma_semaphore, #tpu.memory_space<semaphore_mem>>
        %dma_start3A = arith.constant 0 : i32
        %dma_start3A_52 = tpu.memref_slice %arg3[%arg0, %arg1, %mul3A_36, %dma_start3A] : memref<2x16x200x128xi32, #tpu.memory_space<hbm>> -> memref<1x1x40x128xi32, #tpu.memory_space<hbm>>
        %dma_start3A_53 = tpu.memref_squeeze %dma_start3A_52 : memref<1x1x40x128xi32, #tpu.memory_space<hbm>> -> memref<40x128xi32, #tpu.memory_space<hbm>>
        %dma_start3A_54 = arith.constant 0 : i32
        %dma_start3A_55 = tpu.memref_slice %arg3[%arg0, %arg1, %mul3A_36, %dma_start3A_54] : memref<2x16x200x128xi32, #tpu.memory_space<hbm>> -> memref<1x1x40x128xi32, #tpu.memory_space<hbm>>
        %dma_start3A_56 = tpu.memref_squeeze %dma_start3A_55 : memref<1x1x40x128xi32, #tpu.memory_space<hbm>> -> memref<40x128xi32, #tpu.memory_space<hbm>>
        tpu.enqueue_dma source(%dma_start3A_56 : memref<40x128xi32, #tpu.memory_space<hbm>>) target(%arg8 : memref<40x128xi32, #tpu.memory_space<vmem>>) target_semaphore(%run_scoped3A : memref<!tpu.dma_semaphore, #tpu.memory_space<semaphore_mem>>)
        %dma_wait3A = arith.constant 0 : i32
        %dma_wait3A_57 = tpu.memref_slice %arg3[%arg0, %arg1, %mul3A_36, %dma_wait3A] : memref<2x16x200x128xi32, #tpu.memory_space<hbm>> -> memref<1x1x40x128xi32, #tpu.memory_space<hbm>>
        %dma_wait3A_58 = tpu.memref_squeeze %dma_wait3A_57 : memref<1x1x40x128xi32, #tpu.memory_space<hbm>> -> memref<40x128xi32, #tpu.memory_space<hbm>>
        %dma_wait3A_59 = arith.constant 0 : i32
        %dma_wait3A_60 = tpu.memref_slice %arg3[%arg0, %arg1, %mul3A_36, %dma_wait3A_59] : memref<2x16x200x128xi32, #tpu.memory_space<hbm>> -> memref<1x1x40x128xi32, #tpu.memory_space<hbm>>
        %dma_wait3A_61 = tpu.memref_squeeze %dma_wait3A_60 : memref<1x1x40x128xi32, #tpu.memory_space<hbm>> -> memref<40x128xi32, #tpu.memory_space<hbm>>
        tpu.wait_dma2 semaphore(%run_scoped3A : memref<!tpu.dma_semaphore, #tpu.memory_space<semaphore_mem>>) src(%dma_wait3A_61 : memref<40x128xi32, #tpu.memory_space<hbm>>) dst(%arg8 : memref<40x128xi32, #tpu.memory_space<vmem>>)
        tpu.yield
      }) : () -> ()
      %mul3A_37 = arith.constant 40 : i32
      %mul3A_38 = arith.muli %while3A_34, %mul3A_37 : i32
      "tpu.region"() ({
        %run_scoped3A = tpu.sem_alloc : memref<!tpu.dma_semaphore, #tpu.memory_space<semaphore_mem>>
        %dma_start3A = arith.constant 0 : i32
        %dma_start3A_52 = tpu.memref_slice %arg4[%arg1, %mul3A_38, %dma_start3A] : memref<16x200x128xi32, #tpu.memory_space<hbm>> -> memref<1x40x128xi32, #tpu.memory_space<hbm>>
        %dma_start3A_53 = tpu.memref_squeeze %dma_start3A_52 : memref<1x40x128xi32, #tpu.memory_space<hbm>> -> memref<40x128xi32, #tpu.memory_space<hbm>>
        %dma_start3A_54 = arith.constant 0 : i32
        %dma_start3A_55 = tpu.memref_slice %arg4[%arg1, %mul3A_38, %dma_start3A_54] : memref<16x200x128xi32, #tpu.memory_space<hbm>> -> memref<1x40x128xi32, #tpu.memory_space<hbm>>
        %dma_start3A_56 = tpu.memref_squeeze %dma_start3A_55 : memref<1x40x128xi32, #tpu.memory_space<hbm>> -> memref<40x128xi32, #tpu.memory_space<hbm>>
        tpu.enqueue_dma source(%dma_start3A_56 : memref<40x128xi32, #tpu.memory_space<hbm>>) target(%arg9 : memref<40x128xi32, #tpu.memory_space<vmem>>) target_semaphore(%run_scoped3A : memref<!tpu.dma_semaphore, #tpu.memory_space<semaphore_mem>>)
        %dma_wait3A = arith.constant 0 : i32
        %dma_wait3A_57 = tpu.memref_slice %arg4[%arg1, %mul3A_38, %dma_wait3A] : memref<16x200x128xi32, #tpu.memory_space<hbm>> -> memref<1x40x128xi32, #tpu.memory_space<hbm>>
        %dma_wait3A_58 = tpu.memref_squeeze %dma_wait3A_57 : memref<1x40x128xi32, #tpu.memory_space<hbm>> -> memref<40x128xi32, #tpu.memory_space<hbm>>
        %dma_wait3A_59 = arith.constant 0 : i32
        %dma_wait3A_60 = tpu.memref_slice %arg4[%arg1, %mul3A_38, %dma_wait3A_59] : memref<16x200x128xi32, #tpu.memory_space<hbm>> -> memref<1x40x128xi32, #tpu.memory_space<hbm>>
        %dma_wait3A_61 = tpu.memref_squeeze %dma_wait3A_60 : memref<1x40x128xi32, #tpu.memory_space<hbm>> -> memref<40x128xi32, #tpu.memory_space<hbm>>
        tpu.wait_dma2 semaphore(%run_scoped3A : memref<!tpu.dma_semaphore, #tpu.memory_space<semaphore_mem>>) src(%dma_wait3A_61 : memref<40x128xi32, #tpu.memory_space<hbm>>) dst(%arg9 : memref<40x128xi32, #tpu.memory_space<vmem>>)
        tpu.yield
      }) : () -> ()
      %mul3A_39 = arith.constant 40 : i32
      %mul3A_40 = arith.muli %while3A_34, %mul3A_39 : i32
      %sub3A_41 = arith.subi %squeeze3A, %mul3A_40 : i32
      %min3A = arith.constant 40 : i32
      %min3A_42 = arith.minsi %min3A, %sub3A_41 : i32
      %while3A_43 = arith.constant 0 : i32
      %while3A_44 = arith.subi %min3A_42, %while3A_43 : i32
      %while3A_45 = arith.addi %while3A_43, %while3A_44 : i32
      %while3A_46 = arith.constant 1 : i32
      %while3A_47 = arith.divsi %while3A_44, %while3A_46 : i32
      %while3A_48 = arith.muli %while3A_47, %while3A_46 : i32
      %while3A_49 = arith.addi %while3A_43, %while3A_48 : i32
      %while3A_50 = arith.constant 1 : i32
      scf.for %while3A_52 = %while3A_43 to %while3A_49 step %while3A_50  : i32 {
        %dma_start3A = arith.constant 0 : i32
        %dma_start3A_53 = tpu.memref_slice %arg8[%while3A_52, %dma_start3A] : memref<40x128xi32, #tpu.memory_space<vmem>> -> memref<1x128xi32, #tpu.memory_space<vmem>>
        %dma_start3A_54 = tpu.memref_squeeze %dma_start3A_53 : memref<1x128xi32, #tpu.memory_space<vmem>> -> memref<128xi32, #tpu.memory_space<vmem>>
        %dma_start3A_55 = arith.constant 0 : i32
        %dma_start3A_56 = arith.constant 0 : i32
        %dma_start3A_57 = tpu.memref_slice %arg2[%dma_start3A_55, %dma_start3A_56] : memref<20000x128xf32, #tpu.memory_space<hbm>> -> memref<20000x128xf32, #tpu.memory_space<hbm>>
        tpu.enqueue_indirect_dma source(%dma_start3A_57 : memref<20000x128xf32, #tpu.memory_space<hbm>>) target(%arg10 : memref<128x128xf32, #tpu.memory_space<vmem>>) offsets(%dma_start3A_54 : memref<128xi32, #tpu.memory_space<vmem>>) semaphore(%arg13 : memref<!tpu.dma_semaphore, #tpu.memory_space<semaphore_mem>>)
        %dma_wait3A = arith.constant 0 : i32
        %dma_wait3A_58 = tpu.memref_slice %arg8[%while3A_52, %dma_wait3A] : memref<40x128xi32, #tpu.memory_space<vmem>> -> memref<1x128xi32, #tpu.memory_space<vmem>>
        %dma_wait3A_59 = tpu.memref_squeeze %dma_wait3A_58 : memref<1x128xi32, #tpu.memory_space<vmem>> -> memref<128xi32, #tpu.memory_space<vmem>>
        %dma_wait3A_60 = arith.constant 0 : i32
        %dma_wait3A_61 = arith.constant 0 : i32
        %dma_wait3A_62 = tpu.memref_slice %arg2[%dma_wait3A_60, %dma_wait3A_61] : memref<20000x128xf32, #tpu.memory_space<hbm>> -> memref<20000x128xf32, #tpu.memory_space<hbm>>
        tpu.wait_indirect_dma semaphore(%arg13 : memref<!tpu.dma_semaphore, #tpu.memory_space<semaphore_mem>>) src(%dma_wait3A_62 : memref<20000x128xf32, #tpu.memory_space<hbm>>) dst(%arg10 : memref<128x128xf32, #tpu.memory_space<vmem>>)
        "tpu.region"() ({
          %run_scoped3A = tpu.sem_alloc : memref<!tpu.dma_semaphore, #tpu.memory_space<semaphore_mem>>
          %dma_start3A_63 = arith.constant 0 : i32
          %dma_start3A_64 = tpu.memref_slice %arg9[%while3A_52, %dma_start3A_63] : memref<40x128xi32, #tpu.memory_space<vmem>> -> memref<1x128xi32, #tpu.memory_space<vmem>>
          %dma_start3A_65 = tpu.memref_squeeze %dma_start3A_64 : memref<1x128xi32, #tpu.memory_space<vmem>> -> memref<128xi32, #tpu.memory_space<vmem>>
          %dma_start3A_66 = arith.constant 0 : i32
          %dma_start3A_67 = arith.constant 0 : i32
          %dma_start3A_68 = tpu.memref_slice %arg12[%dma_start3A_66, %dma_start3A_67] : memref<10240x128xf32, #tpu.memory_space<vmem_shared>> -> memref<10240x128xf32, #tpu.memory_space<vmem_shared>>
          tpu.enqueue_indirect_dma source(%arg10 : memref<128x128xf32, #tpu.memory_space<vmem>>) target(%dma_start3A_68 : memref<10240x128xf32, #tpu.memory_space<vmem_shared>>) offsets(%dma_start3A_65 : memref<128xi32, #tpu.memory_space<vmem>>) semaphore(%run_scoped3A : memref<!tpu.dma_semaphore, #tpu.memory_space<semaphore_mem>>) {add = true}
          %dma_wait3A_69 = arith.constant 0 : i32
          %dma_wait3A_70 = tpu.memref_slice %arg9[%while3A_52, %dma_wait3A_69] : memref<40x128xi32, #tpu.memory_space<vmem>> -> memref<1x128xi32, #tpu.memory_space<vmem>>
          %dma_wait3A_71 = tpu.memref_squeeze %dma_wait3A_70 : memref<1x128xi32, #tpu.memory_space<vmem>> -> memref<128xi32, #tpu.memory_space<vmem>>
          %dma_wait3A_72 = arith.constant 0 : i32
          %dma_wait3A_73 = arith.constant 0 : i32
          %dma_wait3A_74 = tpu.memref_slice %arg12[%dma_wait3A_72, %dma_wait3A_73] : memref<10240x128xf32, #tpu.memory_space<vmem_shared>> -> memref<10240x128xf32, #tpu.memory_space<vmem_shared>>
          tpu.wait_indirect_dma semaphore(%run_scoped3A : memref<!tpu.dma_semaphore, #tpu.memory_space<semaphore_mem>>) src(%arg10 : memref<128x128xf32, #tpu.memory_space<vmem>>) dst(%dma_wait3A_74 : memref<10240x128xf32, #tpu.memory_space<vmem_shared>>)
          tpu.yield
        }) : () -> ()
      }
      %while3A_51 = arith.constant 1 : i32
      scf.for %while3A_52 = %while3A_49 to %while3A_45 step %while3A_51  : i32 {
        %dma_start3A = arith.constant 0 : i32
        %dma_start3A_53 = tpu.memref_slice %arg8[%while3A_52, %dma_start3A] : memref<40x128xi32, #tpu.memory_space<vmem>> -> memref<1x128xi32, #tpu.memory_space<vmem>>
        %dma_start3A_54 = tpu.memref_squeeze %dma_start3A_53 : memref<1x128xi32, #tpu.memory_space<vmem>> -> memref<128xi32, #tpu.memory_space<vmem>>
        %dma_start3A_55 = arith.constant 0 : i32
        %dma_start3A_56 = arith.constant 0 : i32
        %dma_start3A_57 = tpu.memref_slice %arg2[%dma_start3A_55, %dma_start3A_56] : memref<20000x128xf32, #tpu.memory_space<hbm>> -> memref<20000x128xf32, #tpu.memory_space<hbm>>
        tpu.enqueue_indirect_dma source(%dma_start3A_57 : memref<20000x128xf32, #tpu.memory_space<hbm>>) target(%arg10 : memref<128x128xf32, #tpu.memory_space<vmem>>) offsets(%dma_start3A_54 : memref<128xi32, #tpu.memory_space<vmem>>) semaphore(%arg13 : memref<!tpu.dma_semaphore, #tpu.memory_space<semaphore_mem>>)
        %dma_wait3A = arith.constant 0 : i32
        %dma_wait3A_58 = tpu.memref_slice %arg8[%while3A_52, %dma_wait3A] : memref<40x128xi32, #tpu.memory_space<vmem>> -> memref<1x128xi32, #tpu.memory_space<vmem>>
        %dma_wait3A_59 = tpu.memref_squeeze %dma_wait3A_58 : memref<1x128xi32, #tpu.memory_space<vmem>> -> memref<128xi32, #tpu.memory_space<vmem>>
        %dma_wait3A_60 = arith.constant 0 : i32
        %dma_wait3A_61 = arith.constant 0 : i32
        %dma_wait3A_62 = tpu.memref_slice %arg2[%dma_wait3A_60, %dma_wait3A_61] : memref<20000x128xf32, #tpu.memory_space<hbm>> -> memref<20000x128xf32, #tpu.memory_space<hbm>>
        tpu.wait_indirect_dma semaphore(%arg13 : memref<!tpu.dma_semaphore, #tpu.memory_space<semaphore_mem>>) src(%dma_wait3A_62 : memref<20000x128xf32, #tpu.memory_space<hbm>>) dst(%arg10 : memref<128x128xf32, #tpu.memory_space<vmem>>)
        "tpu.region"() ({
          %run_scoped3A = tpu.sem_alloc : memref<!tpu.dma_semaphore, #tpu.memory_space<semaphore_mem>>
          %dma_start3A_63 = arith.constant 0 : i32
          %dma_start3A_64 = tpu.memref_slice %arg9[%while3A_52, %dma_start3A_63] : memref<40x128xi32, #tpu.memory_space<vmem>> -> memref<1x128xi32, #tpu.memory_space<vmem>>
          %dma_start3A_65 = tpu.memref_squeeze %dma_start3A_64 : memref<1x128xi32, #tpu.memory_space<vmem>> -> memref<128xi32, #tpu.memory_space<vmem>>
          %dma_start3A_66 = arith.constant 0 : i32
          %dma_start3A_67 = arith.constant 0 : i32
          %dma_start3A_68 = tpu.memref_slice %arg12[%dma_start3A_66, %dma_start3A_67] : memref<10240x128xf32, #tpu.memory_space<vmem_shared>> -> memref<10240x128xf32, #tpu.memory_space<vmem_shared>>
          tpu.enqueue_indirect_dma source(%arg10 : memref<128x128xf32, #tpu.memory_space<vmem>>) target(%dma_start3A_68 : memref<10240x128xf32, #tpu.memory_space<vmem_shared>>) offsets(%dma_start3A_65 : memref<128xi32, #tpu.memory_space<vmem>>) semaphore(%run_scoped3A : memref<!tpu.dma_semaphore, #tpu.memory_space<semaphore_mem>>) {add = true}
          %dma_wait3A_69 = arith.constant 0 : i32
          %dma_wait3A_70 = tpu.memref_slice %arg9[%while3A_52, %dma_wait3A_69] : memref<40x128xi32, #tpu.memory_space<vmem>> -> memref<1x128xi32, #tpu.memory_space<vmem>>
          %dma_wait3A_71 = tpu.memref_squeeze %dma_wait3A_70 : memref<1x128xi32, #tpu.memory_space<vmem>> -> memref<128xi32, #tpu.memory_space<vmem>>
          %dma_wait3A_72 = arith.constant 0 : i32
          %dma_wait3A_73 = arith.constant 0 : i32
          %dma_wait3A_74 = tpu.memref_slice %arg12[%dma_wait3A_72, %dma_wait3A_73] : memref<10240x128xf32, #tpu.memory_space<vmem_shared>> -> memref<10240x128xf32, #tpu.memory_space<vmem_shared>>
          tpu.wait_indirect_dma semaphore(%run_scoped3A : memref<!tpu.dma_semaphore, #tpu.memory_space<semaphore_mem>>) src(%arg10 : memref<128x128xf32, #tpu.memory_space<vmem>>) dst(%dma_wait3A_74 : memref<10240x128xf32, #tpu.memory_space<vmem_shared>>)
          tpu.yield
        }) : () -> ()
      }
    }
    %barrier3A_29 = arith.constant 0 : index
    tpu.barrier barrier_id(%barrier3A_29)
    %mul3A_30 = arith.constant 640 : i32
    %mul3A_31 = arith.muli %arg1, %mul3A_30 : i32
    %mul3A_32 = arith.constant 640 : i32
    %mul3A_33 = arith.muli %arg1, %mul3A_32 : i32
    "tpu.region"() ({
      %run_scoped3A = tpu.sem_alloc : memref<!tpu.dma_semaphore, #tpu.memory_space<semaphore_mem>>
      %dma_start3A = arith.constant 0 : i32
      %dma_start3A_34 = tpu.memref_slice %arg7[%arg0, %mul3A_33, %dma_start3A] : memref<2x10240x128xf32, #tpu.memory_space<hbm>> -> memref<1x640x128xf32, #tpu.memory_space<hbm>>
      %dma_start3A_35 = tpu.memref_squeeze %dma_start3A_34 : memref<1x640x128xf32, #tpu.memory_space<hbm>> -> memref<640x128xf32, #tpu.memory_space<hbm>>
      %dma_start3A_36 = arith.constant 0 : i32
      %dma_start3A_37 = tpu.memref_slice %arg12[%mul3A_31, %dma_start3A_36] : memref<10240x128xf32, #tpu.memory_space<vmem_shared>> -> memref<640x128xf32, #tpu.memory_space<vmem_shared>>
      tpu.enqueue_dma source(%dma_start3A_37 : memref<640x128xf32, #tpu.memory_space<vmem_shared>>) target(%dma_start3A_35 : memref<640x128xf32, #tpu.memory_space<hbm>>) target_semaphore(%run_scoped3A : memref<!tpu.dma_semaphore, #tpu.memory_space<semaphore_mem>>)
      %dma_wait3A = arith.constant 0 : i32
      %dma_wait3A_38 = tpu.memref_slice %arg7[%arg0, %mul3A_33, %dma_wait3A] : memref<2x10240x128xf32, #tpu.memory_space<hbm>> -> memref<1x640x128xf32, #tpu.memory_space<hbm>>
      %dma_wait3A_39 = tpu.memref_squeeze %dma_wait3A_38 : memref<1x640x128xf32, #tpu.memory_space<hbm>> -> memref<640x128xf32, #tpu.memory_space<hbm>>
      %dma_wait3A_40 = arith.constant 0 : i32
      %dma_wait3A_41 = tpu.memref_slice %arg12[%mul3A_31, %dma_wait3A_40] : memref<10240x128xf32, #tpu.memory_space<vmem_shared>> -> memref<640x128xf32, #tpu.memory_space<vmem_shared>>
      tpu.wait_dma2 semaphore(%run_scoped3A : memref<!tpu.dma_semaphore, #tpu.memory_space<semaphore_mem>>) src(%dma_wait3A_41 : memref<640x128xf32, #tpu.memory_space<vmem_shared>>) dst(%dma_wait3A_39 : memref<640x128xf32, #tpu.memory_space<hbm>>)
      tpu.yield
    }) : () -> ()
    return
  }
}

module attributes {stable_mosaic.version = 14 : i64} {
  func.func @_mlp_first_body(%arg0: i32, %arg1: memref<2000x128xf32, #tpu.memory_space<vmem>>, %arg2: memref<1x2000x128xf32, #tpu.memory_space<vmem>>, %arg3: memref<128x256xf32, #tpu.memory_space<vmem>>, %arg4: memref<1x256xf32, #tpu.memory_space<vmem>>, %arg5: memref<256x256xf32, #tpu.memory_space<vmem>>, %arg6: memref<1x256xf32, #tpu.memory_space<vmem>>, %arg7: memref<2x2000x128xf32, #tpu.memory_space<vmem>>) attributes {dimension_semantics = [#tpu.dimension_semantics<arbitrary>], iteration_bounds = array<i64: 5>, scalar_prefetch = 0 : i64, scratch_operands = 0 : i64, tpu.core_type = #tpu.core_type<tc>, window_params = [{transform_indices = @transform_0, window_bounds = array<i64: 2000, 128>}, {transform_indices = @transform_1, window_bounds = array<i64: 1, 2000, 128>}, {pipeline_mode = #tpu.pipeline_mode<synchronous>, transform_indices = @transform_2, window_bounds = array<i64: 128, 256>}, {pipeline_mode = #tpu.pipeline_mode<synchronous>, transform_indices = @transform_3, window_bounds = array<i64: 1, 256>}, {pipeline_mode = #tpu.pipeline_mode<synchronous>, transform_indices = @transform_4, window_bounds = array<i64: 256, 256>}, {pipeline_mode = #tpu.pipeline_mode<synchronous>, transform_indices = @transform_5, window_bounds = array<i64: 1, 256>}, {transform_indices = @transform_6, window_bounds = array<i64: 2, 2000, 128>}]} {
    %get3A = arith.constant 0 : index
    %get3A_0 = arith.constant 0 : index
    %get3A_1 = vector.load %arg1[%get3A, %get3A_0] : memref<2000x128xf32, #tpu.memory_space<vmem>>, vector<2000x128xf32>
    %get3A_2 = arith.constant 0 : index
    %get3A_3 = arith.constant 0 : index
    %get3A_4 = arith.constant 0 : index
    %get3A_5 = vector.load %arg2[%get3A_2, %get3A_3, %get3A_4] : memref<1x2000x128xf32, #tpu.memory_space<vmem>>, vector<1x2000x128xf32>
    %get3A_6 = vector.shape_cast %get3A_5 : vector<1x2000x128xf32> to vector<2000x128xf32>
    %add3A = arith.addf %get3A_1, %get3A_6 : vector<2000x128xf32>
    %get3A_7 = arith.constant 0 : index
    %get3A_8 = arith.constant 0 : index
    %get3A_9 = vector.load %arg3[%get3A_7, %get3A_8] : memref<128x256xf32, #tpu.memory_space<vmem>>, vector<128x256xf32>
    %convert_element_type3A = arith.truncf %add3A : vector<2000x128xf32> to vector<2000x128xbf16>
    %convert_element_type3A_10 = arith.truncf %get3A_9 : vector<128x256xf32> to vector<128x256xbf16>
    %dot_general3A = arith.constant dense<0.000000e+00> : vector<2000x256xf32>
    %dot_general3A_11 = tpu.matmul %convert_element_type3A, %convert_element_type3A_10, %dot_general3A {dimension_numbers = #tpu.dot_dimension_numbers<[1], [0], [0], [1], [0, 0, 1, 1], [], []>, transpose_lhs_hint = false} : vector<2000x128xbf16>, vector<128x256xbf16>, vector<2000x256xf32> -> vector<2000x256xf32>
    %get3A_12 = arith.constant 0 : index
    %get3A_13 = arith.constant 0 : index
    %get3A_14 = vector.load %arg4[%get3A_12, %get3A_13] : memref<1x256xf32, #tpu.memory_space<vmem>>, vector<1x256xf32>
    %add3A_15 = vector.broadcast %get3A_14 : vector<1x256xf32> to vector<2000x256xf32>
    %add3A_16 = arith.addf %dot_general3A_11, %add3A_15 : vector<2000x256xf32>
    %max3A = arith.constant 0.000000e+00 : f32
    %max3A_17 = vector.broadcast %max3A : f32 to vector<2000x256xf32>
    %max3A_18 = arith.maximumf %add3A_16, %max3A_17 : vector<2000x256xf32>
    %get3A_19 = arith.constant 0 : index
    %get3A_20 = arith.constant 0 : index
    %get3A_21 = vector.load %arg5[%get3A_19, %get3A_20] : memref<256x256xf32, #tpu.memory_space<vmem>>, vector<256x256xf32>
    %convert_element_type3A_22 = arith.truncf %max3A_18 : vector<2000x256xf32> to vector<2000x256xbf16>
    %convert_element_type3A_23 = arith.truncf %get3A_21 : vector<256x256xf32> to vector<256x256xbf16>
    %dot_general3A_24 = arith.constant dense<0.000000e+00> : vector<2000x256xf32>
    %dot_general3A_25 = tpu.matmul %convert_element_type3A_22, %convert_element_type3A_23, %dot_general3A_24 {dimension_numbers = #tpu.dot_dimension_numbers<[1], [0], [0], [1], [0, 0, 1, 1], [], []>, transpose_lhs_hint = false} : vector<2000x256xbf16>, vector<256x256xbf16>, vector<2000x256xf32> -> vector<2000x256xf32>
    %get3A_26 = arith.constant 0 : index
    %get3A_27 = arith.constant 0 : index
    %get3A_28 = vector.load %arg6[%get3A_26, %get3A_27] : memref<1x256xf32, #tpu.memory_space<vmem>>, vector<1x256xf32>
    %add3A_29 = vector.broadcast %get3A_28 : vector<1x256xf32> to vector<2000x256xf32>
    %add3A_30 = arith.addf %dot_general3A_25, %add3A_29 : vector<2000x256xf32>
    %max3A_31 = arith.constant 0.000000e+00 : f32
    %max3A_32 = vector.broadcast %max3A_31 : f32 to vector<2000x256xf32>
    %max3A_33 = arith.maximumf %add3A_30, %max3A_32 : vector<2000x256xf32>
    %slice3A = vector.extract_strided_slice %max3A_33 {offsets = [0, 0], sizes = [2000, 128], strides = [1, 1]} : vector<2000x256xf32> to vector<2000x128xf32>
    %swap3A = arith.constant 0 : index
    %swap3A_34 = arith.constant 0 : index
    %swap3A_35 = arith.constant 0 : index
    %swap3A_36 = vector.load %arg7[%swap3A, %swap3A_34, %swap3A_35] : memref<2x2000x128xf32, #tpu.memory_space<vmem>>, vector<1x2000x128xf32>
    %swap3A_37 = vector.shape_cast %swap3A_36 : vector<1x2000x128xf32> to vector<2000x128xf32>
    %swap3A_38 = vector.shape_cast %slice3A : vector<2000x128xf32> to vector<1x2000x128xf32>
    tpu.vector_store %arg7[%swap3A, %swap3A_34, %swap3A_35], %swap3A_38 {strides = array<i32>} : memref<2x2000x128xf32, #tpu.memory_space<vmem>>, vector<1x2000x128xf32>,
    %slice3A_39 = vector.extract_strided_slice %max3A_33 {offsets = [0, 128], sizes = [2000, 128], strides = [1, 1]} : vector<2000x256xf32> to vector<2000x128xf32>
    %swap3A_40 = arith.constant 1 : index
    %swap3A_41 = arith.constant 0 : index
    %swap3A_42 = arith.constant 0 : index
    %swap3A_43 = vector.load %arg7[%swap3A_40, %swap3A_41, %swap3A_42] : memref<2x2000x128xf32, #tpu.memory_space<vmem>>, vector<1x2000x128xf32>
    %swap3A_44 = vector.shape_cast %swap3A_43 : vector<1x2000x128xf32> to vector<2000x128xf32>
    %swap3A_45 = vector.shape_cast %slice3A_39 : vector<2000x128xf32> to vector<1x2000x128xf32>
    tpu.vector_store %arg7[%swap3A_40, %swap3A_41, %swap3A_42], %swap3A_45 {strides = array<i32>} : memref<2x2000x128xf32, #tpu.memory_space<vmem>>, vector<1x2000x128xf32>,
    return
  }
  func.func @transform_0(%arg0: i32) -> (i32, i32) {
    %c0_i32 = arith.constant 0 : i32
    %c0_i32_0 = arith.constant 0 : i32
    return %arg0, %c0_i32 : i32, i32
  }
  func.func @transform_1(%arg0: i32) -> (i32, i32, i32) {
    %c0_i32 = arith.constant 0 : i32
    %c0_i32_0 = arith.constant 0 : i32
    %c0_i32_1 = arith.constant 0 : i32
    return %c0_i32, %arg0, %c0_i32_0 : i32, i32, i32
  }
  func.func @transform_2(%arg0: i32) -> (i32, i32) {
    %c0_i32 = arith.constant 0 : i32
    %c0_i32_0 = arith.constant 0 : i32
    %c0_i32_1 = arith.constant 0 : i32
    return %c0_i32, %c0_i32_0 : i32, i32
  }
  func.func @transform_3(%arg0: i32) -> (i32, i32) {
    %c0_i32 = arith.constant 0 : i32
    %c0_i32_0 = arith.constant 0 : i32
    %c0_i32_1 = arith.constant 0 : i32
    return %c0_i32, %c0_i32_0 : i32, i32
  }
  func.func @transform_4(%arg0: i32) -> (i32, i32) {
    %c0_i32 = arith.constant 0 : i32
    %c0_i32_0 = arith.constant 0 : i32
    %c0_i32_1 = arith.constant 0 : i32
    return %c0_i32, %c0_i32_0 : i32, i32
  }
  func.func @transform_5(%arg0: i32) -> (i32, i32) {
    %c0_i32 = arith.constant 0 : i32
    %c0_i32_0 = arith.constant 0 : i32
    %c0_i32_1 = arith.constant 0 : i32
    return %c0_i32, %c0_i32_0 : i32, i32
  }
  func.func @transform_6(%arg0: i32) -> (i32, i32, i32) {
    %c0_i32 = arith.constant 0 : i32
    %c0_i32_0 = arith.constant 0 : i32
    %c0_i32_1 = arith.constant 0 : i32
    return %c0_i32, %arg0, %c0_i32_0 : i32, i32, i32
  }
}

module attributes {stable_mosaic.version = 14 : i64} {
  func.func @_mlp_body(%arg0: i32, %arg1: memref<2x2000x128xf32, #tpu.memory_space<vmem>>, %arg2: memref<2x2000x128xf32, #tpu.memory_space<vmem>>, %arg3: memref<256x256xf32, #tpu.memory_space<vmem>>, %arg4: memref<1x256xf32, #tpu.memory_space<vmem>>, %arg5: memref<256x256xf32, #tpu.memory_space<vmem>>, %arg6: memref<1x256xf32, #tpu.memory_space<vmem>>, %arg7: memref<2x2000x128xf32, #tpu.memory_space<vmem>>) attributes {dimension_semantics = [#tpu.dimension_semantics<arbitrary>], iteration_bounds = array<i64: 5>, scalar_prefetch = 0 : i64, scratch_operands = 0 : i64, tpu.core_type = #tpu.core_type<tc>, window_params = [{transform_indices = @transform_0, window_bounds = array<i64: 2, 2000, 128>}, {transform_indices = @transform_1, window_bounds = array<i64: 2, 2000, 128>}, {pipeline_mode = #tpu.pipeline_mode<synchronous>, transform_indices = @transform_2, window_bounds = array<i64: 256, 256>}, {pipeline_mode = #tpu.pipeline_mode<synchronous>, transform_indices = @transform_3, window_bounds = array<i64: 1, 256>}, {pipeline_mode = #tpu.pipeline_mode<synchronous>, transform_indices = @transform_4, window_bounds = array<i64: 256, 256>}, {pipeline_mode = #tpu.pipeline_mode<synchronous>, transform_indices = @transform_5, window_bounds = array<i64: 1, 256>}, {transform_indices = @transform_6, window_bounds = array<i64: 2, 2000, 128>}]} {
    %get3A = arith.constant 0 : index
    %get3A_0 = arith.constant 0 : index
    %get3A_1 = arith.constant 0 : index
    %get3A_2 = vector.load %arg1[%get3A, %get3A_0, %get3A_1] : memref<2x2000x128xf32, #tpu.memory_space<vmem>>, vector<1x2000x128xf32>
    %get3A_3 = vector.shape_cast %get3A_2 : vector<1x2000x128xf32> to vector<2000x128xf32>
    %get3A_4 = arith.constant 1 : index
    %get3A_5 = arith.constant 0 : index
    %get3A_6 = arith.constant 0 : index
    %get3A_7 = vector.load %arg1[%get3A_4, %get3A_5, %get3A_6] : memref<2x2000x128xf32, #tpu.memory_space<vmem>>, vector<1x2000x128xf32>
    %get3A_8 = vector.shape_cast %get3A_7 : vector<1x2000x128xf32> to vector<2000x128xf32>
    %concatenate3A = tpu.concatenate %get3A_3, %get3A_8 in 1 : vector<2000x128xf32>, vector<2000x128xf32> -> vector<2000x256xf32>
    %get3A_9 = arith.constant 0 : index
    %get3A_10 = arith.constant 0 : index
    %get3A_11 = arith.constant 0 : index
    %get3A_12 = vector.load %arg2[%get3A_9, %get3A_10, %get3A_11] : memref<2x2000x128xf32, #tpu.memory_space<vmem>>, vector<1x2000x128xf32>
    %get3A_13 = vector.shape_cast %get3A_12 : vector<1x2000x128xf32> to vector<2000x128xf32>
    %get3A_14 = arith.constant 1 : index
    %get3A_15 = arith.constant 0 : index
    %get3A_16 = arith.constant 0 : index
    %get3A_17 = vector.load %arg2[%get3A_14, %get3A_15, %get3A_16] : memref<2x2000x128xf32, #tpu.memory_space<vmem>>, vector<1x2000x128xf32>
    %get3A_18 = vector.shape_cast %get3A_17 : vector<1x2000x128xf32> to vector<2000x128xf32>
    %concatenate3A_19 = tpu.concatenate %get3A_13, %get3A_18 in 1 : vector<2000x128xf32>, vector<2000x128xf32> -> vector<2000x256xf32>
    %add3A = arith.addf %concatenate3A, %concatenate3A_19 : vector<2000x256xf32>
    %get3A_20 = arith.constant 0 : index
    %get3A_21 = arith.constant 0 : index
    %get3A_22 = vector.load %arg3[%get3A_20, %get3A_21] : memref<256x256xf32, #tpu.memory_space<vmem>>, vector<256x256xf32>
    %convert_element_type3A = arith.truncf %add3A : vector<2000x256xf32> to vector<2000x256xbf16>
    %convert_element_type3A_23 = arith.truncf %get3A_22 : vector<256x256xf32> to vector<256x256xbf16>
    %dot_general3A = arith.constant dense<0.000000e+00> : vector<2000x256xf32>
    %dot_general3A_24 = tpu.matmul %convert_element_type3A, %convert_element_type3A_23, %dot_general3A {dimension_numbers = #tpu.dot_dimension_numbers<[1], [0], [0], [1], [0, 0, 1, 1], [], []>, transpose_lhs_hint = false} : vector<2000x256xbf16>, vector<256x256xbf16>, vector<2000x256xf32> -> vector<2000x256xf32>
    %get3A_25 = arith.constant 0 : index
    %get3A_26 = arith.constant 0 : index
    %get3A_27 = vector.load %arg4[%get3A_25, %get3A_26] : memref<1x256xf32, #tpu.memory_space<vmem>>, vector<1x256xf32>
    %add3A_28 = vector.broadcast %get3A_27 : vector<1x256xf32> to vector<2000x256xf32>
    %add3A_29 = arith.addf %dot_general3A_24, %add3A_28 : vector<2000x256xf32>
    %max3A = arith.constant 0.000000e+00 : f32
    %max3A_30 = vector.broadcast %max3A : f32 to vector<2000x256xf32>
    %max3A_31 = arith.maximumf %add3A_29, %max3A_30 : vector<2000x256xf32>
    %get3A_32 = arith.constant 0 : index
    %get3A_33 = arith.constant 0 : index
    %get3A_34 = vector.load %arg5[%get3A_32, %get3A_33] : memref<256x256xf32, #tpu.memory_space<vmem>>, vector<256x256xf32>
    %convert_element_type3A_35 = arith.truncf %max3A_31 : vector<2000x256xf32> to vector<2000x256xbf16>
    %convert_element_type3A_36 = arith.truncf %get3A_34 : vector<256x256xf32> to vector<256x256xbf16>
    %dot_general3A_37 = arith.constant dense<0.000000e+00> : vector<2000x256xf32>
    %dot_general3A_38 = tpu.matmul %convert_element_type3A_35, %convert_element_type3A_36, %dot_general3A_37 {dimension_numbers = #tpu.dot_dimension_numbers<[1], [0], [0], [1], [0, 0, 1, 1], [], []>, transpose_lhs_hint = false} : vector<2000x256xbf16>, vector<256x256xbf16>, vector<2000x256xf32> -> vector<2000x256xf32>
    %get3A_39 = arith.constant 0 : index
    %get3A_40 = arith.constant 0 : index
    %get3A_41 = vector.load %arg6[%get3A_39, %get3A_40] : memref<1x256xf32, #tpu.memory_space<vmem>>, vector<1x256xf32>
    %add3A_42 = vector.broadcast %get3A_41 : vector<1x256xf32> to vector<2000x256xf32>
    %add3A_43 = arith.addf %dot_general3A_38, %add3A_42 : vector<2000x256xf32>
    %max3A_44 = arith.constant 0.000000e+00 : f32
    %max3A_45 = vector.broadcast %max3A_44 : f32 to vector<2000x256xf32>
    %max3A_46 = arith.maximumf %add3A_43, %max3A_45 : vector<2000x256xf32>
    %slice3A = vector.extract_strided_slice %max3A_46 {offsets = [0, 0], sizes = [2000, 128], strides = [1, 1]} : vector<2000x256xf32> to vector<2000x128xf32>
    %swap3A = arith.constant 0 : index
    %swap3A_47 = arith.constant 0 : index
    %swap3A_48 = arith.constant 0 : index
    %swap3A_49 = vector.load %arg7[%swap3A, %swap3A_47, %swap3A_48] : memref<2x2000x128xf32, #tpu.memory_space<vmem>>, vector<1x2000x128xf32>
    %swap3A_50 = vector.shape_cast %swap3A_49 : vector<1x2000x128xf32> to vector<2000x128xf32>
    %swap3A_51 = vector.shape_cast %slice3A : vector<2000x128xf32> to vector<1x2000x128xf32>
    tpu.vector_store %arg7[%swap3A, %swap3A_47, %swap3A_48], %swap3A_51 {strides = array<i32>} : memref<2x2000x128xf32, #tpu.memory_space<vmem>>, vector<1x2000x128xf32>,
    %slice3A_52 = vector.extract_strided_slice %max3A_46 {offsets = [0, 128], sizes = [2000, 128], strides = [1, 1]} : vector<2000x256xf32> to vector<2000x128xf32>
    %swap3A_53 = arith.constant 1 : index
    %swap3A_54 = arith.constant 0 : index
    %swap3A_55 = arith.constant 0 : index
    %swap3A_56 = vector.load %arg7[%swap3A_53, %swap3A_54, %swap3A_55] : memref<2x2000x128xf32, #tpu.memory_space<vmem>>, vector<1x2000x128xf32>
    %swap3A_57 = vector.shape_cast %swap3A_56 : vector<1x2000x128xf32> to vector<2000x128xf32>
    %swap3A_58 = vector.shape_cast %slice3A_52 : vector<2000x128xf32> to vector<1x2000x128xf32>
    tpu.vector_store %arg7[%swap3A_53, %swap3A_54, %swap3A_55], %swap3A_58 {strides = array<i32>} : memref<2x2000x128xf32, #tpu.memory_space<vmem>>, vector<1x2000x128xf32>,
    return
  }
  func.func @transform_0(%arg0: i32) -> (i32, i32, i32) {
    %c0_i32 = arith.constant 0 : i32
    %c0_i32_0 = arith.constant 0 : i32
    %c0_i32_1 = arith.constant 0 : i32
    return %c0_i32, %arg0, %c0_i32_0 : i32, i32, i32
  }
  func.func @transform_1(%arg0: i32) -> (i32, i32, i32) {
    %c0_i32 = arith.constant 0 : i32
    %c0_i32_0 = arith.constant 0 : i32
    %c0_i32_1 = arith.constant 0 : i32
    return %c0_i32, %arg0, %c0_i32_0 : i32, i32, i32
  }
  func.func @transform_2(%arg0: i32) -> (i32, i32) {
    %c0_i32 = arith.constant 0 : i32
    %c0_i32_0 = arith.constant 0 : i32
    %c0_i32_1 = arith.constant 0 : i32
    return %c0_i32, %c0_i32_0 : i32, i32
  }
  func.func @transform_3(%arg0: i32) -> (i32, i32) {
    %c0_i32 = arith.constant 0 : i32
    %c0_i32_0 = arith.constant 0 : i32
    %c0_i32_1 = arith.constant 0 : i32
    return %c0_i32, %c0_i32_0 : i32, i32
  }
  func.func @transform_4(%arg0: i32) -> (i32, i32) {
    %c0_i32 = arith.constant 0 : i32
    %c0_i32_0 = arith.constant 0 : i32
    %c0_i32_1 = arith.constant 0 : i32
    return %c0_i32, %c0_i32_0 : i32, i32
  }
  func.func @transform_5(%arg0: i32) -> (i32, i32) {
    %c0_i32 = arith.constant 0 : i32
    %c0_i32_0 = arith.constant 0 : i32
    %c0_i32_1 = arith.constant 0 : i32
    return %c0_i32, %c0_i32_0 : i32, i32
  }
  func.func @transform_6(%arg0: i32) -> (i32, i32, i32) {
    %c0_i32 = arith.constant 0 : i32
    %c0_i32_0 = arith.constant 0 : i32
    %c0_i32_1 = arith.constant 0 : i32
    return %c0_i32, %arg0, %c0_i32_0 : i32, i32, i32
  }
}

module attributes {stable_mosaic.version = 14 : i64} {
  func.func @_mlp_last_body(%arg0: i32, %arg1: memref<2x2000x128xf32, #tpu.memory_space<vmem>>, %arg2: memref<2x2000x128xf32, #tpu.memory_space<vmem>>, %arg3: memref<256x256xf32, #tpu.memory_space<vmem>>, %arg4: memref<1x256xf32, #tpu.memory_space<vmem>>, %arg5: memref<256x256xf32, #tpu.memory_space<vmem>>, %arg6: memref<1x256xf32, #tpu.memory_space<vmem>>, %arg7: memref<2000x256xf32, #tpu.memory_space<vmem>>, %arg8: memref<8x256xf32, #tpu.memory_space<vmem>>, %arg9: memref<8x256xf32, #tpu.memory_space<vmem>>) attributes {dimension_semantics = [#tpu.dimension_semantics<arbitrary>], iteration_bounds = array<i64: 5>, scalar_prefetch = 0 : i64, scratch_operands = 1 : i64, tpu.core_type = #tpu.core_type<tc>, window_params = [{transform_indices = @transform_0, window_bounds = array<i64: 2, 2000, 128>}, {transform_indices = @transform_1, window_bounds = array<i64: 2, 2000, 128>}, {pipeline_mode = #tpu.pipeline_mode<synchronous>, transform_indices = @transform_2, window_bounds = array<i64: 256, 256>}, {pipeline_mode = #tpu.pipeline_mode<synchronous>, transform_indices = @transform_3, window_bounds = array<i64: 1, 256>}, {pipeline_mode = #tpu.pipeline_mode<synchronous>, transform_indices = @transform_4, window_bounds = array<i64: 256, 256>}, {pipeline_mode = #tpu.pipeline_mode<synchronous>, transform_indices = @transform_5, window_bounds = array<i64: 1, 256>}, {transform_indices = @transform_6, window_bounds = array<i64: 2000, 256>}, {pipeline_mode = #tpu.pipeline_mode<synchronous>, transform_indices = @transform_7, window_bounds = array<i64: 8, 256>}]} {
    %get3A = arith.constant 0 : index
    %get3A_0 = arith.constant 0 : index
    %get3A_1 = arith.constant 0 : index
    %get3A_2 = vector.load %arg1[%get3A, %get3A_0, %get3A_1] : memref<2x2000x128xf32, #tpu.memory_space<vmem>>, vector<1x2000x128xf32>
    %get3A_3 = vector.shape_cast %get3A_2 : vector<1x2000x128xf32> to vector<2000x128xf32>
    %get3A_4 = arith.constant 1 : index
    %get3A_5 = arith.constant 0 : index
    %get3A_6 = arith.constant 0 : index
    %get3A_7 = vector.load %arg1[%get3A_4, %get3A_5, %get3A_6] : memref<2x2000x128xf32, #tpu.memory_space<vmem>>, vector<1x2000x128xf32>
    %get3A_8 = vector.shape_cast %get3A_7 : vector<1x2000x128xf32> to vector<2000x128xf32>
    %concatenate3A = tpu.concatenate %get3A_3, %get3A_8 in 1 : vector<2000x128xf32>, vector<2000x128xf32> -> vector<2000x256xf32>
    %get3A_9 = arith.constant 0 : index
    %get3A_10 = arith.constant 0 : index
    %get3A_11 = arith.constant 0 : index
    %get3A_12 = vector.load %arg2[%get3A_9, %get3A_10, %get3A_11] : memref<2x2000x128xf32, #tpu.memory_space<vmem>>, vector<1x2000x128xf32>
    %get3A_13 = vector.shape_cast %get3A_12 : vector<1x2000x128xf32> to vector<2000x128xf32>
    %get3A_14 = arith.constant 1 : index
    %get3A_15 = arith.constant 0 : index
    %get3A_16 = arith.constant 0 : index
    %get3A_17 = vector.load %arg2[%get3A_14, %get3A_15, %get3A_16] : memref<2x2000x128xf32, #tpu.memory_space<vmem>>, vector<1x2000x128xf32>
    %get3A_18 = vector.shape_cast %get3A_17 : vector<1x2000x128xf32> to vector<2000x128xf32>
    %concatenate3A_19 = tpu.concatenate %get3A_13, %get3A_18 in 1 : vector<2000x128xf32>, vector<2000x128xf32> -> vector<2000x256xf32>
    %add3A = arith.addf %concatenate3A, %concatenate3A_19 : vector<2000x256xf32>
    %get3A_20 = arith.constant 0 : index
    %get3A_21 = arith.constant 0 : index
    %get3A_22 = vector.load %arg3[%get3A_20, %get3A_21] : memref<256x256xf32, #tpu.memory_space<vmem>>, vector<256x256xf32>
    %convert_element_type3A = arith.truncf %add3A : vector<2000x256xf32> to vector<2000x256xbf16>
    %convert_element_type3A_23 = arith.truncf %get3A_22 : vector<256x256xf32> to vector<256x256xbf16>
    %dot_general3A = arith.constant dense<0.000000e+00> : vector<2000x256xf32>
    %dot_general3A_24 = tpu.matmul %convert_element_type3A, %convert_element_type3A_23, %dot_general3A {dimension_numbers = #tpu.dot_dimension_numbers<[1], [0], [0], [1], [0, 0, 1, 1], [], []>, transpose_lhs_hint = false} : vector<2000x256xbf16>, vector<256x256xbf16>, vector<2000x256xf32> -> vector<2000x256xf32>
    %get3A_25 = arith.constant 0 : index
    %get3A_26 = arith.constant 0 : index
    %get3A_27 = vector.load %arg4[%get3A_25, %get3A_26] : memref<1x256xf32, #tpu.memory_space<vmem>>, vector<1x256xf32>
    %add3A_28 = vector.broadcast %get3A_27 : vector<1x256xf32> to vector<2000x256xf32>
    %add3A_29 = arith.addf %dot_general3A_24, %add3A_28 : vector<2000x256xf32>
    %max3A = arith.constant 0.000000e+00 : f32
    %max3A_30 = vector.broadcast %max3A : f32 to vector<2000x256xf32>
    %max3A_31 = arith.maximumf %add3A_29, %max3A_30 : vector<2000x256xf32>
    %get3A_32 = arith.constant 0 : index
    %get3A_33 = arith.constant 0 : index
    %get3A_34 = vector.load %arg5[%get3A_32, %get3A_33] : memref<256x256xf32, #tpu.memory_space<vmem>>, vector<256x256xf32>
    %convert_element_type3A_35 = arith.truncf %max3A_31 : vector<2000x256xf32> to vector<2000x256xbf16>
    %convert_element_type3A_36 = arith.truncf %get3A_34 : vector<256x256xf32> to vector<256x256xbf16>
    %dot_general3A_37 = arith.constant dense<0.000000e+00> : vector<2000x256xf32>
    %dot_general3A_38 = tpu.matmul %convert_element_type3A_35, %convert_element_type3A_36, %dot_general3A_37 {dimension_numbers = #tpu.dot_dimension_numbers<[1], [0], [0], [1], [0, 0, 1, 1], [], []>, transpose_lhs_hint = false} : vector<2000x256xbf16>, vector<256x256xbf16>, vector<2000x256xf32> -> vector<2000x256xf32>
    %get3A_39 = arith.constant 0 : index
    %get3A_40 = arith.constant 0 : index
    %get3A_41 = vector.load %arg6[%get3A_39, %get3A_40] : memref<1x256xf32, #tpu.memory_space<vmem>>, vector<1x256xf32>
    %add3A_42 = vector.broadcast %get3A_41 : vector<1x256xf32> to vector<2000x256xf32>
    %add3A_43 = arith.addf %dot_general3A_38, %add3A_42 : vector<2000x256xf32>
    %swap3A = arith.constant 0 : index
    %swap3A_44 = arith.constant 0 : index
    %swap3A_45 = vector.load %arg7[%swap3A, %swap3A_44] : memref<2000x256xf32, #tpu.memory_space<vmem>>, vector<2000x256xf32>
    tpu.vector_store %arg7[%swap3A, %swap3A_44], %add3A_43 {strides = array<i32>} : memref<2000x256xf32, #tpu.memory_space<vmem>>, vector<2000x256xf32>,
    %eq3A = arith.constant 0 : i32
    %eq3A_46 = arith.cmpi eq, %arg0, %eq3A : i32
    %convert_element_type3A_47 = arith.extui %eq3A_46 : i1 to i32
    %cond3A = arith.constant 0 : i32
    %cond3A_48 = arith.cmpi ne, %convert_element_type3A_47, %cond3A : i32
    scf.if %cond3A_48 {
      %broadcast_in_dim3A_72 = arith.constant 0.000000e+00 : f32
      %broadcast_in_dim3A_73 = vector.broadcast %broadcast_in_dim3A_72 : f32 to vector<8x256xf32>
      %swap3A_74 = arith.constant 0 : index
      %swap3A_75 = arith.constant 0 : index
      %swap3A_76 = vector.load %arg9[%swap3A_74, %swap3A_75] : memref<8x256xf32, #tpu.memory_space<vmem>>, vector<8x256xf32>
      tpu.vector_store %arg9[%swap3A_74, %swap3A_75], %broadcast_in_dim3A_73 {strides = array<i32>} : memref<8x256xf32, #tpu.memory_space<vmem>>, vector<8x256xf32>,
    } else {
    }
    %get3A_49 = arith.constant 0 : index
    %get3A_50 = arith.constant 0 : index
    %get3A_51 = vector.load %arg9[%get3A_49, %get3A_50] : memref<8x256xf32, #tpu.memory_space<vmem>>, vector<1x256xf32>
    %reduce_sum3A = arith.constant dense<0.000000e+00> : vector<256xf32>
    %reduce_sum3A_52 = vector.multi_reduction <add>, %add3A_43, %reduce_sum3A [0] : vector<2000x256xf32> to vector<256xf32>
    %broadcast_in_dim3A = vector.shape_cast %reduce_sum3A_52 : vector<256xf32> to vector<1x256xf32>
    %add3A_53 = arith.addf %get3A_51, %broadcast_in_dim3A : vector<1x256xf32>
    %swap3A_54 = arith.constant 0 : index
    %swap3A_55 = arith.constant 0 : index
    %swap3A_56 = vector.load %arg9[%swap3A_54, %swap3A_55] : memref<8x256xf32, #tpu.memory_space<vmem>>, vector<1x256xf32>
    tpu.vector_store %arg9[%swap3A_54, %swap3A_55], %add3A_53 {strides = array<i32>} : memref<8x256xf32, #tpu.memory_space<vmem>>, vector<1x256xf32>,
    %get3A_57 = arith.constant 1 : index
    %get3A_58 = arith.constant 0 : index
    %get3A_59 = vector.load %arg9[%get3A_57, %get3A_58] : memref<8x256xf32, #tpu.memory_space<vmem>>, vector<1x256xf32>
    %mul3A = arith.mulf %add3A_43, %add3A_43 : vector<2000x256xf32>
    %reduce_sum3A_60 = arith.constant dense<0.000000e+00> : vector<256xf32>
    %reduce_sum3A_61 = vector.multi_reduction <add>, %mul3A, %reduce_sum3A_60 [0] : vector<2000x256xf32> to vector<256xf32>
    %broadcast_in_dim3A_62 = vector.shape_cast %reduce_sum3A_61 : vector<256xf32> to vector<1x256xf32>
    %add3A_63 = arith.addf %get3A_59, %broadcast_in_dim3A_62 : vector<1x256xf32>
    %swap3A_64 = arith.constant 1 : index
    %swap3A_65 = arith.constant 0 : index
    %swap3A_66 = vector.load %arg9[%swap3A_64, %swap3A_65] : memref<8x256xf32, #tpu.memory_space<vmem>>, vector<1x256xf32>
    tpu.vector_store %arg9[%swap3A_64, %swap3A_65], %add3A_63 {strides = array<i32>} : memref<8x256xf32, #tpu.memory_space<vmem>>, vector<1x256xf32>,
    %eq3A_67 = arith.constant 4 : i32
    %eq3A_68 = arith.cmpi eq, %arg0, %eq3A_67 : i32
    %convert_element_type3A_69 = arith.extui %eq3A_68 : i1 to i32
    %cond3A_70 = arith.constant 0 : i32
    %cond3A_71 = arith.cmpi ne, %convert_element_type3A_69, %cond3A_70 : i32
    scf.if %cond3A_71 {
      %get3A_72 = arith.constant 0 : index
      %get3A_73 = arith.constant 0 : index
      %get3A_74 = vector.load %arg9[%get3A_72, %get3A_73] : memref<8x256xf32, #tpu.memory_space<vmem>>, vector<8x256xf32>
      %swap3A_75 = arith.constant 0 : index
      %swap3A_76 = arith.constant 0 : index
      %swap3A_77 = vector.load %arg8[%swap3A_75, %swap3A_76] : memref<8x256xf32, #tpu.memory_space<vmem>>, vector<8x256xf32>
      tpu.vector_store %arg8[%swap3A_75, %swap3A_76], %get3A_74 {strides = array<i32>} : memref<8x256xf32, #tpu.memory_space<vmem>>, vector<8x256xf32>,
    } else {
    }
    return
  }
  func.func @transform_0(%arg0: i32) -> (i32, i32, i32) {
    %c0_i32 = arith.constant 0 : i32
    %c0_i32_0 = arith.constant 0 : i32
    %c0_i32_1 = arith.constant 0 : i32
    return %c0_i32, %arg0, %c0_i32_0 : i32, i32, i32
  }
  func.func @transform_1(%arg0: i32) -> (i32, i32, i32) {
    %c0_i32 = arith.constant 0 : i32
    %c0_i32_0 = arith.constant 0 : i32
    %c0_i32_1 = arith.constant 0 : i32
    return %c0_i32, %arg0, %c0_i32_0 : i32, i32, i32
  }
  func.func @transform_2(%arg0: i32) -> (i32, i32) {
    %c0_i32 = arith.constant 0 : i32
    %c0_i32_0 = arith.constant 0 : i32
    %c0_i32_1 = arith.constant 0 : i32
    return %c0_i32, %c0_i32_0 : i32, i32
  }
  func.func @transform_3(%arg0: i32) -> (i32, i32) {
    %c0_i32 = arith.constant 0 : i32
    %c0_i32_0 = arith.constant 0 : i32
    %c0_i32_1 = arith.constant 0 : i32
    return %c0_i32, %c0_i32_0 : i32, i32
  }
  func.func @transform_4(%arg0: i32) -> (i32, i32) {
    %c0_i32 = arith.constant 0 : i32
    %c0_i32_0 = arith.constant 0 : i32
    %c0_i32_1 = arith.constant 0 : i32
    return %c0_i32, %c0_i32_0 : i32, i32
  }
  func.func @transform_5(%arg0: i32) -> (i32, i32) {
    %c0_i32 = arith.constant 0 : i32
    %c0_i32_0 = arith.constant 0 : i32
    %c0_i32_1 = arith.constant 0 : i32
    return %c0_i32, %c0_i32_0 : i32, i32
  }
  func.func @transform_6(%arg0: i32) -> (i32, i32) {
    %c0_i32 = arith.constant 0 : i32
    %c0_i32_0 = arith.constant 0 : i32
    return %arg0, %c0_i32 : i32, i32
  }
  func.func @transform_7(%arg0: i32) -> (i32, i32) {
    %c0_i32 = arith.constant 0 : i32
    %c0_i32_0 = arith.constant 0 : i32
    %c0_i32_1 = arith.constant 0 : i32
    return %c0_i32, %c0_i32_0 : i32, i32
  }
}

module attributes {stable_mosaic.version = 14 : i64} {
  func.func @_pool_body(%arg0: i32, %arg1: memref<1000x256xf32, #tpu.memory_space<vmem>>, %arg2: memref<8x256xf32, #tpu.memory_space<vmem>>, %arg3: memref<1x256xf32, #tpu.memory_space<vmem>>, %arg4: memref<1x256xf32, #tpu.memory_space<vmem>>, %arg5: memref<1x1x1000xi32, #tpu.memory_space<vmem>>, %arg6: memref<1x1000x1xi32, #tpu.memory_space<vmem>>, %arg7: memref<10x2xi32, #tpu.memory_space<smem>>, %arg8: memref<512x256xf32, #tpu.memory_space<vmem>>, %arg9: memref<1x256xf32, #tpu.memory_space<vmem>>, %arg10: memref<256x10xf32, #tpu.memory_space<vmem>>, %arg11: memref<1x10xf32, #tpu.memory_space<vmem>>, %arg12: memref<64x10xf32, #tpu.memory_space<vmem>>, %arg13: memref<8x256xf32, #tpu.memory_space<vmem>>, %arg14: memref<64x256xf32, #tpu.memory_space<vmem>>, %arg15: memref<64x256xf32, #tpu.memory_space<vmem>>, %arg16: memref<64x128xf32, #tpu.memory_space<vmem>>) attributes {dimension_semantics = [#tpu.dimension_semantics<arbitrary>], iteration_bounds = array<i64: 10>, scalar_prefetch = 0 : i64, scratch_operands = 4 : i64, tpu.core_type = #tpu.core_type<tc>, window_params = [{transform_indices = @transform_0, window_bounds = array<i64: 1000, 256>}, {pipeline_mode = #tpu.pipeline_mode<synchronous>, transform_indices = @transform_1, window_bounds = array<i64: 8, 256>}, {pipeline_mode = #tpu.pipeline_mode<synchronous>, transform_indices = @transform_2, window_bounds = array<i64: 1, 256>}, {pipeline_mode = #tpu.pipeline_mode<synchronous>, transform_indices = @transform_3, window_bounds = array<i64: 1, 256>}, {transform_indices = @transform_4, window_bounds = array<i64: 1, 1, 1000>}, {transform_indices = @transform_5, window_bounds = array<i64: 1, 1000, 1>}, {transform_indices = @transform_6, window_bounds = array<i64: 10, 2>}, {pipeline_mode = #tpu.pipeline_mode<synchronous>, transform_indices = @transform_7, window_bounds = array<i64: 512, 256>}, {pipeline_mode = #tpu.pipeline_mode<synchronous>, transform_indices = @transform_8, window_bounds = array<i64: 1, 256>}, {pipeline_mode = #tpu.pipeline_mode<synchronous>, transform_indices = @transform_9, window_bounds = array<i64: 256, 10>}, {pipeline_mode = #tpu.pipeline_mode<synchronous>, transform_indices = @transform_10, window_bounds = array<i64: 1, 10>}, {pipeline_mode = #tpu.pipeline_mode<synchronous>, transform_indices = @transform_11, window_bounds = array<i64: 64, 10>}]} {
    %eq3A = arith.constant 0 : i32
    %eq3A_0 = arith.cmpi eq, %arg0, %eq3A : i32
    %convert_element_type3A = arith.extui %eq3A_0 : i1 to i32
    %cond3A = arith.constant 0 : i32
    %cond3A_1 = arith.cmpi ne, %convert_element_type3A, %cond3A : i32
    scf.if %cond3A_1 {
      %get3A_64 = arith.constant 0 : index
      %get3A_65 = arith.constant 0 : index
      %get3A_66 = vector.load %arg2[%get3A_64, %get3A_65] : memref<8x256xf32, #tpu.memory_space<vmem>>, vector<1x256xf32>
      %mul3A_67 = arith.constant 9.99999974E-5 : f32
      %mul3A_68 = vector.broadcast %mul3A_67 : f32 to vector<1x256xf32>
      %mul3A_69 = arith.mulf %get3A_66, %mul3A_68 : vector<1x256xf32>
      %get3A_70 = arith.constant 1 : index
      %get3A_71 = arith.constant 0 : index
      %get3A_72 = vector.load %arg2[%get3A_70, %get3A_71] : memref<8x256xf32, #tpu.memory_space<vmem>>, vector<1x256xf32>
      %mul3A_73 = arith.constant 9.99999974E-5 : f32
      %mul3A_74 = vector.broadcast %mul3A_73 : f32 to vector<1x256xf32>
      %mul3A_75 = arith.mulf %get3A_72, %mul3A_74 : vector<1x256xf32>
      %mul3A_76 = arith.mulf %mul3A_69, %mul3A_69 : vector<1x256xf32>
      %sub3A = arith.subf %mul3A_75, %mul3A_76 : vector<1x256xf32>
      %add3A_77 = arith.constant 9.99999974E-6 : f32
      %add3A_78 = vector.broadcast %add3A_77 : f32 to vector<1x256xf32>
      %add3A_79 = arith.addf %sub3A, %add3A_78 : vector<1x256xf32>
      %rsqrt3A = math.rsqrt %add3A_79 : vector<1x256xf32>
      %get3A_80 = arith.constant 0 : index
      %get3A_81 = arith.constant 0 : index
      %get3A_82 = vector.load %arg3[%get3A_80, %get3A_81] : memref<1x256xf32, #tpu.memory_space<vmem>>, vector<1x256xf32>
      %mul3A_83 = arith.mulf %get3A_82, %rsqrt3A : vector<1x256xf32>
      %swap3A_84 = arith.constant 0 : index
      %swap3A_85 = arith.constant 0 : index
      %swap3A_86 = vector.load %arg13[%swap3A_84, %swap3A_85] : memref<8x256xf32, #tpu.memory_space<vmem>>, vector<1x256xf32>
      tpu.vector_store %arg13[%swap3A_84, %swap3A_85], %mul3A_83 {strides = array<i32>} : memref<8x256xf32, #tpu.memory_space<vmem>>, vector<1x256xf32>,
      %get3A_87 = arith.constant 0 : index
      %get3A_88 = arith.constant 0 : index
      %get3A_89 = vector.load %arg4[%get3A_87, %get3A_88] : memref<1x256xf32, #tpu.memory_space<vmem>>, vector<1x256xf32>
      %mul3A_90 = arith.mulf %mul3A_69, %mul3A_83 : vector<1x256xf32>
      %sub3A_91 = arith.subf %get3A_89, %mul3A_90 : vector<1x256xf32>
      %swap3A_92 = arith.constant 1 : index
      %swap3A_93 = arith.constant 0 : index
      %swap3A_94 = vector.load %arg13[%swap3A_92, %swap3A_93] : memref<8x256xf32, #tpu.memory_space<vmem>>, vector<1x256xf32>
      tpu.vector_store %arg13[%swap3A_92, %swap3A_93], %sub3A_91 {strides = array<i32>} : memref<8x256xf32, #tpu.memory_space<vmem>>, vector<1x256xf32>,
      %broadcast_in_dim3A_95 = arith.constant 0xFF800000 : f32
      %broadcast_in_dim3A_96 = vector.broadcast %broadcast_in_dim3A_95 : f32 to vector<64x256xf32>
      %swap3A_97 = arith.constant 0 : index
      %swap3A_98 = arith.constant 0 : index
      %swap3A_99 = vector.load %arg14[%swap3A_97, %swap3A_98] : memref<64x256xf32, #tpu.memory_space<vmem>>, vector<64x256xf32>
      tpu.vector_store %arg14[%swap3A_97, %swap3A_98], %broadcast_in_dim3A_96 {strides = array<i32>} : memref<64x256xf32, #tpu.memory_space<vmem>>, vector<64x256xf32>,
      %broadcast_in_dim3A_100 = arith.constant 0.000000e+00 : f32
      %broadcast_in_dim3A_101 = vector.broadcast %broadcast_in_dim3A_100 : f32 to vector<64x256xf32>
      %swap3A_102 = arith.constant 0 : index
      %swap3A_103 = arith.constant 0 : index
      %swap3A_104 = vector.load %arg15[%swap3A_102, %swap3A_103] : memref<64x256xf32, #tpu.memory_space<vmem>>, vector<64x256xf32>
      tpu.vector_store %arg15[%swap3A_102, %swap3A_103], %broadcast_in_dim3A_101 {strides = array<i32>} : memref<64x256xf32, #tpu.memory_space<vmem>>, vector<64x256xf32>,
      %broadcast_in_dim3A_105 = arith.constant 0.000000e+00 : f32
      %broadcast_in_dim3A_106 = vector.broadcast %broadcast_in_dim3A_105 : f32 to vector<64x128xf32>
      %swap3A_107 = arith.constant 0 : index
      %swap3A_108 = arith.constant 0 : index
      %swap3A_109 = vector.load %arg16[%swap3A_107, %swap3A_108] : memref<64x128xf32, #tpu.memory_space<vmem>>, vector<64x128xf32>
      tpu.vector_store %arg16[%swap3A_107, %swap3A_108], %broadcast_in_dim3A_106 {strides = array<i32>} : memref<64x128xf32, #tpu.memory_space<vmem>>, vector<64x128xf32>,
    } else {
    }
    %get3A = arith.constant 0 : index
    %get3A_2 = arith.constant 0 : index
    %get3A_3 = vector.load %arg1[%get3A, %get3A_2] : memref<1000x256xf32, #tpu.memory_space<vmem>>, vector<1000x256xf32>
    %get3A_4 = arith.constant 0 : index
    %get3A_5 = arith.constant 0 : index
    %get3A_6 = vector.load %arg13[%get3A_4, %get3A_5] : memref<8x256xf32, #tpu.memory_space<vmem>>, vector<1x256xf32>
    %mul3A = vector.broadcast %get3A_6 : vector<1x256xf32> to vector<1000x256xf32>
    %mul3A_7 = arith.mulf %get3A_3, %mul3A : vector<1000x256xf32>
    %get3A_8 = arith.constant 1 : index
    %get3A_9 = arith.constant 0 : index
    %get3A_10 = vector.load %arg13[%get3A_8, %get3A_9] : memref<8x256xf32, #tpu.memory_space<vmem>>, vector<1x256xf32>
    %add3A = vector.broadcast %get3A_10 : vector<1x256xf32> to vector<1000x256xf32>
    %add3A_11 = arith.addf %mul3A_7, %add3A : vector<1000x256xf32>
    %get3A_12 = arith.constant 0 : index
    %get3A_13 = arith.constant 0 : index
    %get3A_14 = arith.constant 0 : index
    %get3A_15 = vector.load %arg5[%get3A_12, %get3A_13, %get3A_14] : memref<1x1x1000xi32, #tpu.memory_space<vmem>>, vector<1x1x1000xi32>
    %get3A_16 = vector.shape_cast %get3A_15 : vector<1x1x1000xi32> to vector<1x1000xi32>
    %iota3A = tpu.iota {dimensions = array<i32: 0>} : vector<64x1000xi32>
    %eq3A_17 = vector.broadcast %get3A_16 : vector<1x1000xi32> to vector<64x1000xi32>
    %eq3A_18 = arith.cmpi eq, %eq3A_17, %iota3A : vector<64x1000xi32>
    %convert_element_type3A_19 = arith.extui %eq3A_18 : vector<64x1000xi1> to vector<64x1000xi32>
    %convert_element_type3A_20 = arith.sitofp %convert_element_type3A_19 : vector<64x1000xi32> to vector<64x1000xf32>
    %get3A_21 = arith.constant 0 : index
    %get3A_22 = arith.constant 0 : index
    %get3A_23 = vector.load %arg15[%get3A_21, %get3A_22] : memref<64x256xf32, #tpu.memory_space<vmem>>, vector<64x256xf32>
    %dot_general3A = arith.constant dense<0.000000e+00> : vector<64x256xf32>
    %dot_general3A_24 = tpu.matmul %convert_element_type3A_20, %add3A_11, %dot_general3A {dimension_numbers = #tpu.dot_dimension_numbers<[1], [0], [0], [1], [0, 0, 1, 1], [], []>, precision = #tpu.contract_precision<fp32>, transpose_lhs_hint = false} : vector<64x1000xf32>, vector<1000x256xf32>, vector<64x256xf32> -> vector<64x256xf32>
    %add3A_25 = arith.addf %get3A_23, %dot_general3A_24 : vector<64x256xf32>
    %swap3A = arith.constant 0 : index
    %swap3A_26 = arith.constant 0 : index
    %swap3A_27 = vector.load %arg15[%swap3A, %swap3A_26] : memref<64x256xf32, #tpu.memory_space<vmem>>, vector<64x256xf32>
    tpu.vector_store %arg15[%swap3A, %swap3A_26], %add3A_25 {strides = array<i32>} : memref<64x256xf32, #tpu.memory_space<vmem>>, vector<64x256xf32>,
    %get3A_28 = arith.constant 0 : index
    %get3A_29 = arith.constant 0 : index
    %get3A_30 = vector.load %arg16[%get3A_28, %get3A_29] : memref<64x128xf32, #tpu.memory_space<vmem>>, vector<64x128xf32>
    %reduce_sum3A = arith.constant dense<0.000000e+00> : vector<64xf32>
    %reduce_sum3A_31 = vector.multi_reduction <add>, %convert_element_type3A_20, %reduce_sum3A [1] : vector<64x1000xf32> to vector<64xf32>
    %broadcast_in_dim3A = vector.shape_cast %reduce_sum3A_31 : vector<64xf32> to vector<64x1xf32>
    %broadcast_in_dim3A_32 = vector.shape_cast %broadcast_in_dim3A : vector<64x1xf32> to vector<64x1xf32>
    %broadcast_in_dim3A_33 = vector.broadcast %broadcast_in_dim3A_32 : vector<64x1xf32> to vector<64x128xf32>
    %add3A_34 = arith.addf %get3A_30, %broadcast_in_dim3A_33 : vector<64x128xf32>
    %swap3A_35 = arith.constant 0 : index
    %swap3A_36 = arith.constant 0 : index
    %swap3A_37 = vector.load %arg16[%swap3A_35, %swap3A_36] : memref<64x128xf32, #tpu.memory_space<vmem>>, vector<64x128xf32>
    tpu.vector_store %arg16[%swap3A_35, %swap3A_36], %add3A_34 {strides = array<i32>} : memref<64x128xf32, #tpu.memory_space<vmem>>, vector<64x128xf32>,
    %get3A_38 = arith.constant 0 : index
    %get3A_39 = arith.constant 0 : index
    %get3A_40 = arith.constant 0 : index
    %get3A_41 = vector.load %arg6[%get3A_38, %get3A_39, %get3A_40] : memref<1x1000x1xi32, #tpu.memory_space<vmem>>, vector<1x1000x1xi32>
    %get3A_42 = vector.shape_cast %get3A_41 : vector<1x1000x1xi32> to vector<1000x1xi32>
    %get3A_43 = arith.index_cast %arg0 : i32 to index
    %get3A_44 = arith.constant 0 : index
    %get3A_45 = memref.load %arg7[%get3A_43, %get3A_44] : memref<10x2xi32, #tpu.memory_space<smem>>
    %get3A_46 = arith.index_cast %arg0 : i32 to index
    %get3A_47 = arith.constant 1 : index
    %get3A_48 = memref.load %arg7[%get3A_46, %get3A_47] : memref<10x2xi32, #tpu.memory_space<smem>>
    %add3A_49 = arith.constant 1 : i32
    %add3A_50 = arith.addi %get3A_48, %add3A_49 : i32
    %while3A = arith.constant 0 : i32
    %while3A_51 = arith.subi %add3A_50, %get3A_45 : i32
    %while3A_52 = arith.addi %get3A_45, %while3A_51 : i32
    %while3A_53 = arith.constant 1 : i32
    %while3A_54 = arith.divsi %while3A_51, %while3A_53 : i32
    %while3A_55 = arith.muli %while3A_54, %while3A_53 : i32
    %while3A_56 = arith.addi %get3A_45, %while3A_55 : i32
    %while3A_57 = arith.constant 1 : i32
    scf.for %while3A_64 = %get3A_45 to %while3A_56 step %while3A_57  : i32 {
      %eq3A_65 = vector.broadcast %while3A_64 : i32 to vector<1000x1xi32>
      %eq3A_66 = arith.cmpi eq, %get3A_42, %eq3A_65 : vector<1000x1xi32>
      %jit3A = arith.constant 0.000000e+00 : f32
      %jit3A_67 = arith.constant 0xFF800000 : f32
      %broadcast_in_dim3A_68 = vector.broadcast %jit3A : f32 to vector<1000x1xf32>
      %broadcast_in_dim3A_69 = vector.broadcast %jit3A_67 : f32 to vector<1000x1xf32>
      %select_n3A = arith.select %eq3A_66, %broadcast_in_dim3A_68, %broadcast_in_dim3A_69 : vector<1000x1xi1>, vector<1000x1xf32>
      %add3A_70 = vector.broadcast %select_n3A : vector<1000x1xf32> to vector<1000x256xf32>
      %add3A_71 = arith.addf %add3A_11, %add3A_70 : vector<1000x256xf32>
      %reduce_max3A = arith.constant dense<0xFF800000> : vector<256xf32>
      %reduce_max3A_72 = vector.multi_reduction <maximumf>, %add3A_71, %reduce_max3A [0] : vector<1000x256xf32> to vector<256xf32>
      %broadcast_in_dim3A_73 = vector.shape_cast %reduce_max3A_72 : vector<256xf32> to vector<1x256xf32>
      %get3A_74 = arith.index_cast %while3A_64 : i32 to index
      %get3A_75 = arith.constant 0 : index
      %get3A_76 = vector.load %arg14[%get3A_74, %get3A_75] : memref<64x256xf32, #tpu.memory_space<vmem>>, vector<1x256xf32>
      %max3A = arith.maximumf %get3A_76, %broadcast_in_dim3A_73 : vector<1x256xf32>
      %swap3A_77 = arith.index_cast %while3A_64 : i32 to index
      %swap3A_78 = arith.constant 0 : index
      %swap3A_79 = vector.load %arg14[%swap3A_77, %swap3A_78] : memref<64x256xf32, #tpu.memory_space<vmem>>, vector<1x256xf32>
      tpu.vector_store %arg14[%swap3A_77, %swap3A_78], %max3A {strides = array<i32>} : memref<64x256xf32, #tpu.memory_space<vmem>>, vector<1x256xf32>,
    }
    %while3A_58 = arith.constant 1 : i32
    scf.for %while3A_64 = %while3A_56 to %while3A_52 step %while3A_58  : i32 {
      %eq3A_65 = vector.broadcast %while3A_64 : i32 to vector<1000x1xi32>
      %eq3A_66 = arith.cmpi eq, %get3A_42, %eq3A_65 : vector<1000x1xi32>
      %jit3A = arith.constant 0.000000e+00 : f32
      %jit3A_67 = arith.constant 0xFF800000 : f32
      %broadcast_in_dim3A_68 = vector.broadcast %jit3A : f32 to vector<1000x1xf32>
      %broadcast_in_dim3A_69 = vector.broadcast %jit3A_67 : f32 to vector<1000x1xf32>
      %select_n3A = arith.select %eq3A_66, %broadcast_in_dim3A_68, %broadcast_in_dim3A_69 : vector<1000x1xi1>, vector<1000x1xf32>
      %add3A_70 = vector.broadcast %select_n3A : vector<1000x1xf32> to vector<1000x256xf32>
      %add3A_71 = arith.addf %add3A_11, %add3A_70 : vector<1000x256xf32>
      %reduce_max3A = arith.constant dense<0xFF800000> : vector<256xf32>
      %reduce_max3A_72 = vector.multi_reduction <maximumf>, %add3A_71, %reduce_max3A [0] : vector<1000x256xf32> to vector<256xf32>
      %broadcast_in_dim3A_73 = vector.shape_cast %reduce_max3A_72 : vector<256xf32> to vector<1x256xf32>
      %get3A_74 = arith.index_cast %while3A_64 : i32 to index
      %get3A_75 = arith.constant 0 : index
      %get3A_76 = vector.load %arg14[%get3A_74, %get3A_75] : memref<64x256xf32, #tpu.memory_space<vmem>>, vector<1x256xf32>
      %max3A = arith.maximumf %get3A_76, %broadcast_in_dim3A_73 : vector<1x256xf32>
      %swap3A_77 = arith.index_cast %while3A_64 : i32 to index
      %swap3A_78 = arith.constant 0 : index
      %swap3A_79 = vector.load %arg14[%swap3A_77, %swap3A_78] : memref<64x256xf32, #tpu.memory_space<vmem>>, vector<1x256xf32>
      tpu.vector_store %arg14[%swap3A_77, %swap3A_78], %max3A {strides = array<i32>} : memref<64x256xf32, #tpu.memory_space<vmem>>, vector<1x256xf32>,
    }
    %eq3A_59 = arith.constant 9 : i32
    %eq3A_60 = arith.cmpi eq, %arg0, %eq3A_59 : i32
    %convert_element_type3A_61 = arith.extui %eq3A_60 : i1 to i32
    %cond3A_62 = arith.constant 0 : i32
    %cond3A_63 = arith.cmpi ne, %convert_element_type3A_61, %cond3A_62 : i32
    scf.if %cond3A_63 {
      %get3A_64 = arith.constant 0 : index
      %get3A_65 = arith.constant 0 : index
      %get3A_66 = vector.load %arg16[%get3A_64, %get3A_65] : memref<64x128xf32, #tpu.memory_space<vmem>>, vector<64x1xf32>
      %get3A_67 = arith.constant 0 : index
      %get3A_68 = arith.constant 0 : index
      %get3A_69 = vector.load %arg15[%get3A_67, %get3A_68] : memref<64x256xf32, #tpu.memory_space<vmem>>, vector<64x256xf32>
      %max3A = arith.constant 1.000000e+00 : f32
      %max3A_70 = vector.broadcast %max3A : f32 to vector<64x1xf32>
      %max3A_71 = arith.maximumf %get3A_66, %max3A_70 : vector<64x1xf32>
      %div3A = vector.broadcast %max3A_71 : vector<64x1xf32> to vector<64x256xf32>
      %div3A_72 = arith.divf %get3A_69, %div3A : vector<64x256xf32>
      %get3A_73 = arith.constant 0 : index
      %get3A_74 = arith.constant 0 : index
      %get3A_75 = vector.load %arg14[%get3A_73, %get3A_74] : memref<64x256xf32, #tpu.memory_space<vmem>>, vector<64x256xf32>
      %concatenate3A = tpu.concatenate %get3A_75, %div3A_72 in 1 : vector<64x256xf32>, vector<64x256xf32> -> vector<64x512xf32>
      %get3A_76 = arith.constant 0 : index
      %get3A_77 = arith.constant 0 : index
      %get3A_78 = vector.load %arg8[%get3A_76, %get3A_77] : memref<512x256xf32, #tpu.memory_space<vmem>>, vector<512x256xf32>
      %convert_element_type3A_79 = arith.truncf %concatenate3A : vector<64x512xf32> to vector<64x512xbf16>
      %convert_element_type3A_80 = arith.truncf %get3A_78 : vector<512x256xf32> to vector<512x256xbf16>
      %dot_general3A_81 = arith.constant dense<0.000000e+00> : vector<64x256xf32>
      %dot_general3A_82 = tpu.matmul %convert_element_type3A_79, %convert_element_type3A_80, %dot_general3A_81 {dimension_numbers = #tpu.dot_dimension_numbers<[1], [0], [0], [1], [0, 0, 1, 1], [], []>, transpose_lhs_hint = false} : vector<64x512xbf16>, vector<512x256xbf16>, vector<64x256xf32> -> vector<64x256xf32>
      %get3A_83 = arith.constant 0 : index
      %get3A_84 = arith.constant 0 : index
      %get3A_85 = vector.load %arg9[%get3A_83, %get3A_84] : memref<1x256xf32, #tpu.memory_space<vmem>>, vector<1x256xf32>
      %add3A_86 = vector.broadcast %get3A_85 : vector<1x256xf32> to vector<64x256xf32>
      %add3A_87 = arith.addf %dot_general3A_82, %add3A_86 : vector<64x256xf32>
      %max3A_88 = arith.constant 0.000000e+00 : f32
      %max3A_89 = vector.broadcast %max3A_88 : f32 to vector<64x256xf32>
      %max3A_90 = arith.maximumf %add3A_87, %max3A_89 : vector<64x256xf32>
      %get3A_91 = arith.constant 0 : index
      %get3A_92 = arith.constant 0 : index
      %get3A_93 = vector.load %arg10[%get3A_91, %get3A_92] : memref<256x10xf32, #tpu.memory_space<vmem>>, vector<256x10xf32>
      %convert_element_type3A_94 = arith.truncf %max3A_90 : vector<64x256xf32> to vector<64x256xbf16>
      %convert_element_type3A_95 = arith.truncf %get3A_93 : vector<256x10xf32> to vector<256x10xbf16>
      %dot_general3A_96 = arith.constant dense<0.000000e+00> : vector<64x10xf32>
      %dot_general3A_97 = tpu.matmul %convert_element_type3A_94, %convert_element_type3A_95, %dot_general3A_96 {dimension_numbers = #tpu.dot_dimension_numbers<[1], [0], [0], [1], [0, 0, 1, 1], [], []>, transpose_lhs_hint = false} : vector<64x256xbf16>, vector<256x10xbf16>, vector<64x10xf32> -> vector<64x10xf32>
      %get3A_98 = arith.constant 0 : index
      %get3A_99 = arith.constant 0 : index
      %get3A_100 = vector.load %arg11[%get3A_98, %get3A_99] : memref<1x10xf32, #tpu.memory_space<vmem>>, vector<1x10xf32>
      %add3A_101 = vector.broadcast %get3A_100 : vector<1x10xf32> to vector<64x10xf32>
      %add3A_102 = arith.addf %dot_general3A_97, %add3A_101 : vector<64x10xf32>
      %swap3A_103 = arith.constant 0 : index
      %swap3A_104 = arith.constant 0 : index
      %swap3A_105 = vector.load %arg12[%swap3A_103, %swap3A_104] : memref<64x10xf32, #tpu.memory_space<vmem>>, vector<64x10xf32>
      tpu.vector_store %arg12[%swap3A_103, %swap3A_104], %add3A_102 {strides = array<i32>} : memref<64x10xf32, #tpu.memory_space<vmem>>, vector<64x10xf32>,
    } else {
    }
    return
  }
  func.func @transform_0(%arg0: i32) -> (i32, i32) {
    %c0_i32 = arith.constant 0 : i32
    %c0_i32_0 = arith.constant 0 : i32
    return %arg0, %c0_i32 : i32, i32
  }
  func.func @transform_1(%arg0: i32) -> (i32, i32) {
    %c0_i32 = arith.constant 0 : i32
    %c0_i32_0 = arith.constant 0 : i32
    %c0_i32_1 = arith.constant 0 : i32
    return %c0_i32, %c0_i32_0 : i32, i32
  }
  func.func @transform_2(%arg0: i32) -> (i32, i32) {
    %c0_i32 = arith.constant 0 : i32
    %c0_i32_0 = arith.constant 0 : i32
    %c0_i32_1 = arith.constant 0 : i32
    return %c0_i32, %c0_i32_0 : i32, i32
  }
  func.func @transform_3(%arg0: i32) -> (i32, i32) {
    %c0_i32 = arith.constant 0 : i32
    %c0_i32_0 = arith.constant 0 : i32
    %c0_i32_1 = arith.constant 0 : i32
    return %c0_i32, %c0_i32_0 : i32, i32
  }
  func.func @transform_4(%arg0: i32) -> (i32, i32, i32) {
    %c0_i32 = arith.constant 0 : i32
    %c0_i32_0 = arith.constant 0 : i32
    %c0_i32_1 = arith.constant 0 : i32
    return %arg0, %c0_i32, %c0_i32_0 : i32, i32, i32
  }
  func.func @transform_5(%arg0: i32) -> (i32, i32, i32) {
    %c0_i32 = arith.constant 0 : i32
    %c0_i32_0 = arith.constant 0 : i32
    %c0_i32_1 = arith.constant 0 : i32
    return %arg0, %c0_i32, %c0_i32_0 : i32, i32, i32
  }
  func.func @transform_6(%arg0: i32) -> (i32, i32) {
    %c0_i32 = arith.constant 0 : i32
    %c0_i32_0 = arith.constant 0 : i32
    %c0_i32_1 = arith.constant 0 : i32
    return %c0_i32, %c0_i32_0 : i32, i32
  }
  func.func @transform_7(%arg0: i32) -> (i32, i32) {
    %c0_i32 = arith.constant 0 : i32
    %c0_i32_0 = arith.constant 0 : i32
    %c0_i32_1 = arith.constant 0 : i32
    return %c0_i32, %c0_i32_0 : i32, i32
  }
  func.func @transform_8(%arg0: i32) -> (i32, i32) {
    %c0_i32 = arith.constant 0 : i32
    %c0_i32_0 = arith.constant 0 : i32
    %c0_i32_1 = arith.constant 0 : i32
    return %c0_i32, %c0_i32_0 : i32, i32
  }
  func.func @transform_9(%arg0: i32) -> (i32, i32) {
    %c0_i32 = arith.constant 0 : i32
    %c0_i32_0 = arith.constant 0 : i32
    %c0_i32_1 = arith.constant 0 : i32
    return %c0_i32, %c0_i32_0 : i32, i32
  }
  func.func @transform_10(%arg0: i32) -> (i32, i32) {
    %c0_i32 = arith.constant 0 : i32
    %c0_i32_0 = arith.constant 0 : i32
    %c0_i32_1 = arith.constant 0 : i32
    return %c0_i32, %c0_i32_0 : i32, i32
  }
  func.func @transform_11(%arg0: i32) -> (i32, i32) {
    %c0_i32 = arith.constant 0 : i32
    %c0_i32_0 = arith.constant 0 : i32
    %c0_i32_1 = arith.constant 0 : i32
    return %c0_i32, %c0_i32_0 : i32, i32
  }
}

</mosaic_0001>

<sc_bundles>
// kernel: gather_offload_async_start.1
scs
__scs_entry_jumppad:
0x0: {  	(pc) =	sbr.rel $0x88, $3  }
0x1: {  	(tag) =	ssettag $0x0;
	lr =	simm.s32 $0x1  }
0x2: {  	[smem:$0x3F88] =	sst lr;
	_ =	strace $0xD0000000  }
0x3: {  	_ = 	snop  }
0x4: {  	_ = 	snop  }
0x5: {  	_ = 	snop  }
0x6: {  	_ = 	snop  }
0x7: {  	_ = 	snop  }
__scs_overlays_trampoline_lowered:
0x8: {  	[smem:$0x3F97] =	sst s0  }
0x9: {  	[smem:$0x3F98] =	sst s1  }
0xa: {  	[smem:$0x3F99] =	sst s2  }
0xb: {  	[smem:$0x3F9A] =	sst s3  }
0xc: {  	[smem:$0x3F9B] =	sst s4  }
0xd: {  	[smem:$0x3F9C] =	sst s5  }
0xe: {  	[smem:$0x3F9D] =	sst s6  }
0xf: {  	[smem:$0x3F9E] =	sst s7  }
0x10: {  	[smem:$0x3F9F] =	sst s8  }
0x11: {  	[smem:$0x3FA0] =	sst s9;
	s0 =	simm.s32 @!p0 $0x0  }
0x12: {  	s1 =	sld [smem:$0x3F86];
	s0 =	simm.s32 @p0 $0x1  }
0x13: {  	[smem:$0x3FA1] =	sst s0;
	s0 =	simm.s32 @!p1 $0x0  }
0x14: {  	s2 =	sld [smem:$0x3F85];
	s0 =	simm.s32 @p1 $0x1  }
0x15: {  	[smem:$0x3FA2] =	sst s0;
	s0 =	simm.s32 @!p2 $0x0  }
0x16: {  	s3 =	sld [smem:$0x3FDB];
	s0 =	simm.s32 @p2 $0x1  }
0x17: {  	s4 =	simm.s32 $0x1BF5;
	[smem:$0x3FA4] =	sst s0  }
0x18: {  	s0 =	sld [smem:$0x3F87];
	_ =	swait.ge [sflag:s4], $0x0  }
0x19: {  	s7 =	sld [smem:$0x3F88]  }
0x1a: {  	s8 =	sadd.s32 $0xFFFFE003, lr  }
0x1b: {  	s9 =	sadd.s32 $0xFFFFFEF7, lr;
	s5 =	simm.s32 $0xFFFFFFFF;
	p2 =	slt.u32 s8, $0xFFFFF086  }
0x1c: {  	p1 =	slt.u32 s9, $0xF7A;
	s5 =	simm.s32 @!p2 $0x0  }
0x1d: {  	s5 =	simm.s32 @p1 $0x1;
	p0 =	seq.s32 s7, s2  }
0x1e: {  	s7 =	smul.u32 @!p0 $0xF7A, s2;
	p2 =	seq.s32 @!p0 s5, $0x0  }
0x1f: {  	s9 =	smul.u32 $0xF7A, s1;
	s8 =	simm.s32 @!p0 $0x1BF5;
	p2 =	por !p2, p0  }
0x20: {  	[sflag:s8] =	ssyncset.s32 @!p0 $0xFFFFF086;
	s6 =	sadd.s32 @!p0 s3, s7;
	s7 =	simm.s32 @!p0 $0x108  }
0x21: {  	s3 =	sadd.s32 s3, s9;
	s6 =	sadd.s32 @!p0 $0x88, s6;
	s7 =	simm.s32 @p2 $0x1082  }
0x22: {  	[simem:s7], [sflag:s8] =	dma.local @!p0 [hbm:s6], $0xF7A  }
0x23: {  	s9 =	sor.u32 $0xD0000000, s2;
	s6 =	simm.s32 $0x108;
	_ =	swait.ge @!p0 [sflag:s8], $0x0  }
0x24: {  	s3 =	sadd.s32 $0x88, s3;
	s6 =	simm.s32 @!p1 $0x1082;
	[sflag:s4] =	ssyncset.s32 $0xFFFFF086  }
0x25: {  	[simem:s6], [sflag:s4] =	dma.local [hbm:s3], $0xF7A  }
0x26: {  	[smem:$0x3F88] =	sst s1;
	(tag) =	ssettag s2;
	_ =	strace s9  }
0x27: {  	s1 =	sld [smem:$0x3F98]  }
0x28: {  	s2 =	sld [smem:$0x3F99]  }
0x29: {  	s4 =	sld [smem:$0x3F9B]  }
0x2a: {  	p0 =	seq.s32 s5, $0x0;
	s5 =	sld [smem:$0x3F9C]  }
0x2b: {  	s6 =	sld [smem:$0x3F9D]  }
0x2c: {  	s7 =	sld [smem:$0x3F9E]  }
0x2d: {  	s3 =	simm.s32 $0x108;
	s8 =	sld [smem:$0x3F9F]  }
0x2e: {  	s3 =	simm.s32 @!p0 $0x1082;
	s9 =	sld [smem:$0x3FA0]  }
0x2f: {  	lr =	sadd.s32 s0, s3;
	s0 =	sld [smem:$0x3F97]  }
0x30: {  	s3 =	sld [smem:$0x3F9A]  }
0x31: {  	[smem:$0x3FA3] =	sst s10  }
0x32: {  	s10 =	sld [smem:$0x3FA1];
	_ =	sdelay $0x3  }
0x33: {  	p0 =	seq.s32 s10, $0x1;
	s10 =	sld [smem:$0x3FA3];
	_ =	sdelay $0x3  }
0x34: {  	[smem:$0x3FA3] =	sst s10  }
0x35: {  	s10 =	sld [smem:$0x3FA2];
	_ =	sdelay $0x3  }
0x36: {  	p1 =	seq.s32 s10, $0x1;
	s10 =	sld [smem:$0x3FA3];
	_ =	sdelay $0x3  }
0x37: {  	[smem:$0x3FA3] =	sst s10  }
0x38: {  	s10 =	sld [smem:$0x3FA4]  }
0x39: {  	_ = 	snop;
	(pc) =	sbr.ind lr, $3  }
0x3a: {  	_ = 	snop  }
0x3b: {  	_ = 	snop  }
0x3c: {  	p2 =	seq.s32 s10, $0x1;
	s10 =	sld [smem:$0x3FA3]  }
0x3d: {  	_ =	shalt  }
0x3e: {  	_ =	shalt  }
0x3f: {  	_ =	shalt  }
0x40: {  	_ =	shalt  }
0x41: {  	_ =	shalt  }
0x42: {  	_ =	shalt  }
0x43: {  	_ =	shalt  }
0x44: {  	_ =	shalt  }
0x45: {  	_ =	shalt  }
0x46: {  	_ =	shalt  }
0x47: {  	_ =	shalt  }
0x48: {  	_ =	shalt  }
0x49: {  	_ =	shalt  }
0x4a: {  	_ =	shalt  }
0x4b: {  	_ =	shalt  }
0x4c: {  	_ =	shalt  }
0x4d: {  	_ =	shalt  }
0x4e: {  	_ =	shalt  }
0x4f: {  	_ =	shalt  }
0x50: {  	_ =	shalt  }
0x51: {  	_ =	shalt  }
0x52: {  	_ =	shalt  }
0x53: {  	_ =	shalt  }
0x54: {  	_ =	shalt  }
0x55: {  	_ =	shalt  }
0x56: {  	_ =	shalt  }
0x57: {  	_ =	shalt  }
0x58: {  	_ =	shalt  }
0x59: {  	_ =	shalt  }
0x5a: {  	_ =	shalt  }
0x5b: {  	_ =	shalt  }
0x5c: {  	_ =	shalt  }
0x5d: {  	_ =	shalt  }
0x5e: {  	_ =	shalt  }
0x5f: {  	_ =	shalt  }
0x60: {  	_ =	shalt  }
0x61: {  	_ =	shalt  }
0x62: {  	_ =	shalt  }
0x63: {  	_ =	shalt  }
0x64: {  	_ =	shalt  }
0x65: {  	_ =	shalt  }
0x66: {  	_ =	shalt  }
0x67: {  	_ =	shalt  }
0x68: {  	_ =	shalt  }
0x69: {  	_ =	shalt  }
0x6a: {  	_ =	shalt  }
0x6b: {  	_ =	shalt  }
0x6c: {  	_ =	shalt  }
0x6d: {  	_ =	shalt  }
0x6e: {  	_ =	shalt  }
0x6f: {  	_ =	shalt  }
0x70: {  	_ =	shalt  }
0x71: {  	_ =	shalt  }
0x72: {  	_ =	shalt  }
0x73: {  	_ =	shalt  }
0x74: {  	_ =	shalt  }
0x75: {  	_ =	shalt  }
0x76: {  	_ =	shalt  }
0x77: {  	_ =	shalt  }
0x78: {  	_ =	shalt  }
0x79: {  	_ =	shalt  }
0x7a: {  	_ =	shalt  }
0x7b: {  	_ =	shalt  }
0x7c: {  	_ =	shalt  }
0x7d: {  	_ =	shalt  }
0x7e: {  	_ =	shalt  }
0x7f: {  	_ =	shalt  }
0x80: {  	_ =	shalt  }
0x81: {  	_ =	shalt  }
0x82: {  	_ =	shalt  }
0x83: {  	_ =	shalt  }
0x84: {  	_ =	shalt  }
0x85: {  	_ =	shalt  }
0x86: {  	_ =	shalt  }
0x87: {  	_ =	shalt  }
.Lfunc_end0:
.L_simem_size_0:
called_computation.1_lowered:
.L_overlay_start_0:
0x88: {  	s2 =	sld [smem:$0x3FD9]  }
0x89: {  	s3 =	sld [smem:$0x3FFE];
	_ =	sdelay $0x1  }
0x8a: {  	s1 =	srdreg.scid  }
0x8b: {  	s0 =	sand.u32 $0x1, s1  }
0x8c: {  	s16 =	sshll.u32 s0, $0xA;
	s2 =	sadd.s32 s3, s2  }
0x8d: {  	s2 =	sadd.s32 s2, s16  }
0x8e: {  	[smem:$0x3FAF] =	sst s2  }
0x8f: {  	_ = 	snop  }
0x90: {  	(tm) =	ssettm $0x1  }
0x91: {  	s17 =	sld [smem:$0x3FFB];
	_ =	sdelay $0x3  }
0x92: {  	_ =	strace s17  }
0x93: {  	s2 =	sld [smem:$0x3FFC];
	_ =	sdelay $0x3  }
0x94: {  	_ =	strace s2  }
0x95: {  	s2 =	sld [smem:$0x3FFD];
	_ =	sdelay $0x3  }
0x96: {  	_ =	strace s2  }
0x97: {  	_ =	strace $0x8FFFFFFF  }
0x98: {  	s18 =	sld [smem:$0x3FDB];
	_ =	sdelay $0x1  }
0x99: {  	s19 =	simm.s32 $_scs_section_size  }
0x9a: {  	s4 =	simm.s32 $_size__tile_overlayer_lowered;
	s5 =	simm.s32 $_tile_overlayer_lowered  }
0x9b: {  	s22 =	simm.s32 $0x1BFF;
	s21 =	sshll.u32 s5, $0x1;
	s2 =	sadd.s32 s19, s18  }
0x9c: {  	s6 =	simm.s32 $0x0;
	s20 =	sshll.u32 s4, $0x1;
	s4 =	sadd.s32 s21, s2  }
0x9d: {  	[timem:s6], [sflag:s22] =	dma.local [hbm:s4], s20  }
0x9e: {  	_ =	swait.ge [sflag:s22], s20  }
0x9f: {  	s3 =	ssub.s32 $0x0, s20;
	[sflag:s22] =	ssyncset.done $0x0  }
0xa0: {  	[sflag:s22] =	ssyncadd.s32 s3;
	_ =	sdelay $0x1  }
0xa1: {  	s23 =	simm.s32 $0x1B8B  }
0xa2: {  	_ =	swait.ge [sflag:s23], $0x1  }
0xa3: {  	[sflag:s23] =	ssyncset.done $0x0  }
0xa4: {  	s25 =	simm.s32 $0x1B8E;
	s24 =	sld [smem:$0x3FFE];
	[sflag:s23] =	ssyncadd.s32 $0xFFFFFFFF  }
0xa5: {  	s26 =	simm.s32 $execute0_lowered;
	[smem:$0x3FD2] =	sst s25  }
0xa6: {  	s4 =	sshll.u32 s26, $0x1;
	_ =	strace $0x80000046;
	[dreg:$0x1] =	wrdreg $0xFFFFFFFF  }
0xa7: {  	s28 =	simm.s32 $_size_execute0_lowered;
	s2 =	sadd.s32 s2, s4;
	[dreg:$0x0] =	wrdreg $0x0  }
0xa8: {  	s4 =	sshll.u32 s28, $0x1;
	[dreg:$0x2] =	wrdreg s2  }
0xa9: {  	[dreg:$0x3] =	wrdreg s4  }
0xaa: {  	[dreg:$0x4] =	wrdreg $0xC0  }
0xab: {  	_ =	task [dreg:s6], $0x5FFFF  }
0xac: {  	[dreg:$0x1] =	wrdreg $0xFFFFFFFF  }
0xad: {  	[dreg:$0x0] =	wrdreg $0x60  }
0xae: {  	[dreg:$0x2] =	wrdreg s24  }
0xaf: {  	[dreg:$0x3] =	wrdreg $0x9  }
0xb0: {  	_ =	task.clear_ibuf [dreg:s6], $0x4FFFF;
	_ =	strace $0x90000046  }
0xb1: {  	s29 =	simm.s32 $0x9;
	_ =	strace $0x80000048  }
0xb2: {  	_ =	swait.ge [sflag:s29], $0x1  }
0xb3: {  	[sflag:s29] =	ssyncadd.s32 $0xFFFFFFFF  }
0xb4: {  	_ =	strace $0x90000048  }
0xb5: {  	_ =	sfence  }
0xb6: {  	s30 =	sld [smem:$0x0];
	_ =	sdelay $0x2  }
0xb7: {  	s31 =	sshll.u32 s1, $0xD;
	s1 =	sshrl.u32 s1, $0x2  }
0xb8: {  	s3 =	sand.u32 $0x4000, s31;
	s1 =	sadd.s32 s1, s30  }
0xb9: {  	s0 =	sor.u32 s3, s0;
	s1 =	sshll.u32 s1, $0x11  }
0xba: {  	s0 =	sor.u32 s1, s0  }
0xbb: {  	s0 =	sadd.s32 $0x8F2B, s0  }
0xbc: {  	[sflag:s0] =	ssyncadd.remote.s32 $0x1  }
0xbd: {  	_ =	sfence.sel $0xFFFF  }
0xbe: {  	[dreg:$0x0] =	wrdreg $0xFFFFFFFF;
	(pc) =	sbr.abs _section_cstart, $3  }
0xbf: {  	[dreg:$0x1] =	wrdreg $0xFFFFFFFF  }
0xc0: {  	_ =	task.clear_ibuf [dreg:s6], $0x2FFFF;
	_ =	strace $0x9FFFFFFF  }
0xc1: {  	(tm) =	ssettm $0x7FFFFFFF  }
tec
execute0_lowered:
.L_overlay_start_1:
0x0: {  	(tag) =	ssettag $0x1  }
0x1: {  	s8 =	rddreg [dreg:$0x0]  }
0x2: {  	s0 =	rddreg [dreg:$0x1];
	_ =	strace $0x80000047;
	s1 =	stileid.u32  }
0x3: {  	s3 =	srdreg.scid;
	s4 =	simm.s32 $0x1;
	s7 =	simm.s32 $0x1  }
0x4: {  	s9 =	simm.s32 $0x1;
	s10 =	simm.s32 $0x3;
	s13 =	simm.s32 $0x0  }
0x5: {  	s12 =	simm.s32 $0x0;
	s5 =	sand.u32 $0x1, s3;
	s6 =	sshll.u32 s1, $0x1  }
0x6: {  	s2 =	sadd.s32 $0x15A00, s8;
	s3 =	sadd.s32 $0x1F800, s8;
	s5 =	sor.u32 s6, s5  }
.Ltmp0:
0x7: {  	[sflag:s4] =	ssyncpa.u1 $0x0;
	p0 =	slt.u32 s5, $0x9;
	(pc) =	sbr.rel .LBB2_1-.Ltmp0, $4  }
0x8: {  	s6 =	simm.s32 $0x2;
	s7 =	simm.s32 @!p0 $0x0;
	p0 =	sne.s32 s5, $0x8  }
0x9: {  	[sflag:s6] =	ssyncpa.u1 $0x0;
	s5 =	smul.u32 $0x1F40, s5;
	s9 =	simm.s32 @!p0 $0x0  }
0xa: {  	s8 =	sadd.s32 $0x29800, s8;
	[sflag:s10] =	ssyncpa.u1 $0x0;
	s7 =	sadd.s32 s9, s7  }
0xb: {  	vm0 =	vmmov $0xffff;
	s10 =	simm.s32 $0x0;
	s11 =	smov.u32 s5;
	s9 =	sadd.s32 $0x1, s7  }
.LBB2_4:
0xc: {  	v2 =	vnsel vm1, $0x0, v2  }
0xd: {  	vm1 =	vgt.s32 v0, $0x0;
	v2 =	vmin.u32 v2, $0x4E1FF  }
0xe: {  	v0 =	vnsel vm1, $0x0, v0  }
0xf: {  	v0 =	vmin.u32 v0, $0x4E1FF  }
0x10: {  	[tilespmem:s18], [sflag:$0x1] =	stream.indirect_vreg.gather [hbm4b:s2+s10], $0x1, v1, vm0, $0x4038;
	[tilespmem:$0x7D00] =	vst v63  }
0x11: {  	(ifvalue) =	ssetifvalue $0x7FFFFFFF  }
0x12: {  	[tilespmem:s15], [sflag:$0x1] =	stream.indirect_vreg.gather [hbm4b:s2+s10], $0x1, v2, vm0, $0x4038;
	[tilespmem:$0x7D00] =	vst v63  }
0x13: {  	s29 =	sadd.s32 $0x10, s15;
	(ifvalue) =	ssetifvalue $0x7FFFFFFF  }
0x14: {  	[tilespmem:s29], [sflag:$0x1] =	stream.indirect_vreg.gather [hbm4b:s2+s10], $0x1, v0, vm0, $0x4038;
	[tilespmem:$0x7D00] =	vst v63  }
0x15: {  	_ =	swait.ge [sflag:s4], $0x1F40  }
0x16: {  	s30 =	sshrl.u32 s13, $0x3;
	[sflag:s4] =	ssyncset.done $0x0  }
0x17: {  	s31 =	sand.u32 $0x7, s13;
	s15 =	sadd.s32 s8, s30;
	[sflag:s4] =	ssyncadd.s32 $0xFFFFE0C0  }
0x18: {  	[hbm4b:s15+s31] =	stream.linear.scatter [tilespmem:s14], [sflag:$0x3], $0x1F40, $0x38;
	[tilespmem:$0x7D00] =	vst v63  }
.LBB2_5:
0x19: {  	s15 =	sadd.s32 $0x3E800, s11  }
0x1a: {  	p1 =	sgt.s32 s15, $0x4E1FF  }
0x1b: {  	s15 =	smov.u32 @p1 s5;
	p1 =	sne.s32 s12, s9  }
.Ltmp1:
0x1c: {  	p0 =	slt.u32 s12, $0x2;
	(pc) =	sbr.rel @!p1 .LBB2_6-.Ltmp1, $4  }
0x1d: {  	s14 =	simm.s32 @!p0 $0x3  }
0x1e: {  	_ =	swait.ge @!p0 [sflag:s14], $0x1F40  }
0x1f: {  	s16 =	sadd.s32 $0x1, s12;
	s13 =	smov.u32 s11;
	[sflag:s14] =	ssyncset.done @!p0 $0x0  }
0x20: {  	s12 =	smov.u32 s16;
	s11 =	smov.u32 s15;
	[sflag:s14] =	ssyncadd.s32 @!p0 $0xFFFFE0C0  }
.LBB2_1:
0x21: {  	p0 =	sge.u32 s12, s7  }
0x22: {  	s14 =	sxor.u32 @!p0 $0x1, s12  }
0x23: {  	s14 =	smul.u32 @!p0 $0x7D00, s14  }
0x24: {  	s31 =	sadd.s32 $0xFFFFFFFF, s12;
	s15 =	sshrl.u32 @!p0 s11, $0x3  }
0x25: {  	s16 =	sand.u32 @!p0 $0x7, s11;
	s15 =	sadd.s32 @!p0 s3, s15;
	s14 =	sshra.s32 @!p0 s14, $0x2  }
0x26: {  	[tilespmem:s14], [sflag:$0x2] =	stream.linear.gather @!p0 [hbm4b:s15+s16], $0x1F40, $0x38;
	[tilespmem:$0x7D00] =	vst v63  }
0x27: {  	p0 =	sge.u32 s31, s7  }
.Ltmp2:
0x28: {  	_ = 	snop;
	(pc) =	sbr.rel @p0 .LBB2_5-.Ltmp2, $1  }
0x29: {  	_ =	sdelay $0x3  }
0x2a: {  	s14 =	sand.u32 $0x1, s12  }
0x2b: {  	_ =	swait.ge [sflag:s6], $0x1F40;
	p0 =	seq.s32 s14, $0x1;
	s14 =	simm.s32 $0x1F40  }
0x2c: {  	[sflag:s6] =	ssyncset.done $0x0;
	s14 =	simm.s32 @!p0 $0x0  }
0x2d: {  	[sflag:s6] =	ssyncadd.s32 $0xFFFFE0C0;
	(ifvalue) =	ssetifvalue $0x7FFFFFFF;
	v0 =	vld.msk [tilespmem:s14+$0x0 ss:$0x1], $0xffff;
	_ =	sdelay $0x4  }
0x2e: {  	s15 =	sadd.s32 $0x10, s14;
	vm1 =	vgt.s32 v0, $0x0  }
0x2f: {  	v2 =	vld.msk [tilespmem:s15+$0x0 ss:$0x1], $0xffff;
	v1 =	vnsel vm1, $0x0, v0  }
0x30: {  	v1 =	vmin.u32 v1, $0x4E1FF;
	_ =	sdelay $0x2  }
0x31: {  	s17 =	simm.s32 $0x20;
	s14 =	sadd.s32 $0x3E80, s14;
	s16 =	sadd.s32 $0x10, s15  }
0x32: {  	s15 =	sadd.s32 $0x10, s14;
	s18 =	smov.u32 s14;
	v0 =	vld.msk [tilespmem:s16+$0x0 ss:$0x1], $0xffff;
	vm1 =	vgt.s32 v2, $0x0;
	(ifvalue) =	ssetifvalue $0x7FFFFFFF  }
.LBB2_3:
0x33: {  	[tilespmem:s18], [sflag:$0x1] =	stream.indirect_vreg.gather [hbm4b:s2+s10], $0x1, v1, vm0, $0x4038;
	[tilespmem:$0x7D00] =	vst v63  }
0x34: {  	s17 =	sadd.s32 $0x10, s17  }
0x35: {  	v2 =	vnsel vm1, $0x0, v2;
	p0 =	slt.u32 s17, $0x1F30  }
.Ltmp3:
0x36: {  	s18 =	smov.u32 s15;
	v1 =	vmin.u32 v2, $0x4E1FF;
	(pc) =	sbr.rel @p0 .LBB2_3-.Ltmp3, $3  }
0x37: {  	_ =	sdelay $0x1  }
0x38: {  	s16 =	sadd.s32 $0x10, s16  }
0x39: {  	vm1 =	vgt.s32 v0, $0x0;
	s15 =	sadd.s32 $0x10, s15;
	v2 =	vmov v0;
	(ifvalue) =	ssetifvalue $0x7FFFFFFF;
	v0 =	vld.msk [tilespmem:s16+$0x0 ss:$0x1], $0xffff  }
.Ltmp4:
0x3a: {  	_ = 	snop;
	(pc) =	sbr.rel .LBB2_4-.Ltmp4, $1  }
0x3b: {  	_ =	sdelay $0x3  }
.LBB2_6:
0x3c: {  	_ =	sfence.sel $0x180000  }
0x3d: {  	s2 =	simm.s32 $0x2;
	[bflag:$0x0] =	sbarrier.arrive $0xFFFF  }
0x3e: {  	s30 =	simm.s32 $0x3;
	[sflag:s2] =	ssyncpa.u1 $0x1  }
0x3f: {  	s31 =	simm.s32 $0x1;
	[sflag:s30] =	ssyncpa.u1 $0x1  }
0x40: {  	[sflag:s31] =	ssyncpa.u1 $0x1  }
0x41: {  	p0 =	sne.s32 s1, $0x0;
	_ =	strace $0x90000047  }
0x42: {  	s0 =	sadd.s32 @!p0 $0x100000, s0;
	[bflag:$0x2] =	sbarrier.arrive $0xFFFF  }
0x43: {  	[sflag:s0] =	ssyncadd.tile.s32 @!p0 $0x1;
	_ =	shalt  }
.Lfunc_end2:
_tile_overlayer_lowered:
.L_overlay_start_2:
0x44: {  	(tag) =	ssettag $0x2  }
0x45: {  	s0 =	rddreg [dreg:$0x0];
	s2 =	stileid.u32  }
0x46: {  	s1 =	rddreg [dreg:$0x1];
	p0 =	sne.s32 s2, $0x0  }
0x47: {  	s3 =	rddreg [dreg:$0x2];
	[bflag:$0x3] =	sbarrier.arrive $0xFFFF;
	s2 =	simm.s32 @!p0 $0x1C01  }
0x48: {  	[timem:s3], [sflag:s2] =	dma.local @!p0 [hbm:s0], s1  }
0x49: {  	s0 =	simm.s32 @!p0 $0x1  }
0x4a: {  	_ =	swait.ge @!p0 [sflag:s0], s1  }
0x4b: {  	s1 =	ssub.s32 @!p0 $0x0, s1;
	[sflag:s0] =	ssyncset.done @!p0 $0x0  }
0x4c: {  	[sflag:s0] =	ssyncadd.s32 @!p0 s1  }
0x4d: {  	[bflag:$0x3] =	sbarrier.arrive $0xFFFF  }
0x4e: {  	_ =	shalt  }

// kernel: gather_offload_async_start.2
scs
__scs_entry_jumppad:
0x0: {  	(pc) =	sbr.rel $0x88, $3  }
0x1: {  	(tag) =	ssettag $0x0;
	lr =	simm.s32 $0x1  }
0x2: {  	[smem:$0x3F88] =	sst lr;
	_ =	strace $0xD0000000  }
0x3: {  	_ = 	snop  }
0x4: {  	_ = 	snop  }
0x5: {  	_ = 	snop  }
0x6: {  	_ = 	snop  }
0x7: {  	_ = 	snop  }
__scs_overlays_trampoline_lowered:
0x8: {  	[smem:$0x3F97] =	sst s0  }
0x9: {  	[smem:$0x3F98] =	sst s1  }
0xa: {  	[smem:$0x3F99] =	sst s2  }
0xb: {  	[smem:$0x3F9A] =	sst s3  }
0xc: {  	[smem:$0x3F9B] =	sst s4  }
0xd: {  	[smem:$0x3F9C] =	sst s5  }
0xe: {  	[smem:$0x3F9D] =	sst s6  }
0xf: {  	[smem:$0x3F9E] =	sst s7  }
0x10: {  	[smem:$0x3F9F] =	sst s8  }
0x11: {  	[smem:$0x3FA0] =	sst s9;
	s0 =	simm.s32 @!p0 $0x0  }
0x12: {  	s1 =	sld [smem:$0x3F86];
	s0 =	simm.s32 @p0 $0x1  }
0x13: {  	[smem:$0x3FA1] =	sst s0;
	s0 =	simm.s32 @!p1 $0x0  }
0x14: {  	s2 =	sld [smem:$0x3F85];
	s0 =	simm.s32 @p1 $0x1  }
0x15: {  	[smem:$0x3FA2] =	sst s0;
	s0 =	simm.s32 @!p2 $0x0  }
0x16: {  	s3 =	sld [smem:$0x3FDB];
	s0 =	simm.s32 @p2 $0x1  }
0x17: {  	s4 =	simm.s32 $0x1BF5;
	[smem:$0x3FA4] =	sst s0  }
0x18: {  	s0 =	sld [smem:$0x3F87];
	_ =	swait.ge [sflag:s4], $0x0  }
0x19: {  	s7 =	sld [smem:$0x3F88]  }
0x1a: {  	s8 =	sadd.s32 $0xFFFFE003, lr  }
0x1b: {  	s9 =	sadd.s32 $0xFFFFFEF7, lr;
	s5 =	simm.s32 $0xFFFFFFFF;
	p2 =	slt.u32 s8, $0xFFFFF086  }
0x1c: {  	p1 =	slt.u32 s9, $0xF7A;
	s5 =	simm.s32 @!p2 $0x0  }
0x1d: {  	s5 =	simm.s32 @p1 $0x1;
	p0 =	seq.s32 s7, s2  }
0x1e: {  	s7 =	smul.u32 @!p0 $0xF7A, s2;
	p2 =	seq.s32 @!p0 s5, $0x0  }
0x1f: {  	s9 =	smul.u32 $0xF7A, s1;
	s8 =	simm.s32 @!p0 $0x1BF5;
	p2 =	por !p2, p0  }
0x20: {  	[sflag:s8] =	ssyncset.s32 @!p0 $0xFFFFF086;
	s6 =	sadd.s32 @!p0 s3, s7;
	s7 =	simm.s32 @!p0 $0x108  }
0x21: {  	s3 =	sadd.s32 s3, s9;
	s6 =	sadd.s32 @!p0 $0x88, s6;
	s7 =	simm.s32 @p2 $0x1082  }
0x22: {  	[simem:s7], [sflag:s8] =	dma.local @!p0 [hbm:s6], $0xF7A  }
0x23: {  	s9 =	sor.u32 $0xD0000000, s2;
	s6 =	simm.s32 $0x108;
	_ =	swait.ge @!p0 [sflag:s8], $0x0  }
0x24: {  	s3 =	sadd.s32 $0x88, s3;
	s6 =	simm.s32 @!p1 $0x1082;
	[sflag:s4] =	ssyncset.s32 $0xFFFFF086  }
0x25: {  	[simem:s6], [sflag:s4] =	dma.local [hbm:s3], $0xF7A  }
0x26: {  	[smem:$0x3F88] =	sst s1;
	(tag) =	ssettag s2;
	_ =	strace s9  }
0x27: {  	s1 =	sld [smem:$0x3F98]  }
0x28: {  	s2 =	sld [smem:$0x3F99]  }
0x29: {  	s4 =	sld [smem:$0x3F9B]  }
0x2a: {  	p0 =	seq.s32 s5, $0x0;
	s5 =	sld [smem:$0x3F9C]  }
0x2b: {  	s6 =	sld [smem:$0x3F9D]  }
0x2c: {  	s7 =	sld [smem:$0x3F9E]  }
0x2d: {  	s3 =	simm.s32 $0x108;
	s8 =	sld [smem:$0x3F9F]  }
0x2e: {  	s3 =	simm.s32 @!p0 $0x1082;
	s9 =	sld [smem:$0x3FA0]  }
0x2f: {  	lr =	sadd.s32 s0, s3;
	s0 =	sld [smem:$0x3F97]  }
0x30: {  	s3 =	sld [smem:$0x3F9A]  }
0x31: {  	[smem:$0x3FA3] =	sst s10  }
0x32: {  	s10 =	sld [smem:$0x3FA1];
	_ =	sdelay $0x3  }
0x33: {  	p0 =	seq.s32 s10, $0x1;
	s10 =	sld [smem:$0x3FA3];
	_ =	sdelay $0x3  }
0x34: {  	[smem:$0x3FA3] =	sst s10  }
0x35: {  	s10 =	sld [smem:$0x3FA2];
	_ =	sdelay $0x3  }
0x36: {  	p1 =	seq.s32 s10, $0x1;
	s10 =	sld [smem:$0x3FA3];
	_ =	sdelay $0x3  }
0x37: {  	[smem:$0x3FA3] =	sst s10  }
0x38: {  	s10 =	sld [smem:$0x3FA4]  }
0x39: {  	_ = 	snop;
	(pc) =	sbr.ind lr, $3  }
0x3a: {  	_ = 	snop  }
0x3b: {  	_ = 	snop  }
0x3c: {  	p2 =	seq.s32 s10, $0x1;
	s10 =	sld [smem:$0x3FA3]  }
0x3d: {  	_ =	shalt  }
0x3e: {  	_ =	shalt  }
0x3f: {  	_ =	shalt  }
0x40: {  	_ =	shalt  }
0x41: {  	_ =	shalt  }
0x42: {  	_ =	shalt  }
0x43: {  	_ =	shalt  }
0x44: {  	_ =	shalt  }
0x45: {  	_ =	shalt  }
0x46: {  	_ =	shalt  }
0x47: {  	_ =	shalt  }
0x48: {  	_ =	shalt  }
0x49: {  	_ =	shalt  }
0x4a: {  	_ =	shalt  }
0x4b: {  	_ =	shalt  }
0x4c: {  	_ =	shalt  }
0x4d: {  	_ =	shalt  }
0x4e: {  	_ =	shalt  }
0x4f: {  	_ =	shalt  }
0x50: {  	_ =	shalt  }
0x51: {  	_ =	shalt  }
0x52: {  	_ =	shalt  }
0x53: {  	_ =	shalt  }
0x54: {  	_ =	shalt  }
0x55: {  	_ =	shalt  }
0x56: {  	_ =	shalt  }
0x57: {  	_ =	shalt  }
0x58: {  	_ =	shalt  }
0x59: {  	_ =	shalt  }
0x5a: {  	_ =	shalt  }
0x5b: {  	_ =	shalt  }
0x5c: {  	_ =	shalt  }
0x5d: {  	_ =	shalt  }
0x5e: {  	_ =	shalt  }
0x5f: {  	_ =	shalt  }
0x60: {  	_ =	shalt  }
0x61: {  	_ =	shalt  }
0x62: {  	_ =	shalt  }
0x63: {  	_ =	shalt  }
0x64: {  	_ =	shalt  }
0x65: {  	_ =	shalt  }
0x66: {  	_ =	shalt  }
0x67: {  	_ =	shalt  }
0x68: {  	_ =	shalt  }
0x69: {  	_ =	shalt  }
0x6a: {  	_ =	shalt  }
0x6b: {  	_ =	shalt  }
0x6c: {  	_ =	shalt  }
0x6d: {  	_ =	shalt  }
0x6e: {  	_ =	shalt  }
0x6f: {  	_ =	shalt  }
0x70: {  	_ =	shalt  }
0x71: {  	_ =	shalt  }
0x72: {  	_ =	shalt  }
0x73: {  	_ =	shalt  }
0x74: {  	_ =	shalt  }
0x75: {  	_ =	shalt  }
0x76: {  	_ =	shalt  }
0x77: {  	_ =	shalt  }
0x78: {  	_ =	shalt  }
0x79: {  	_ =	shalt  }
0x7a: {  	_ =	shalt  }
0x7b: {  	_ =	shalt  }
0x7c: {  	_ =	shalt  }
0x7d: {  	_ =	shalt  }
0x7e: {  	_ =	shalt  }
0x7f: {  	_ =	shalt  }
0x80: {  	_ =	shalt  }
0x81: {  	_ =	shalt  }
0x82: {  	_ =	shalt  }
0x83: {  	_ =	shalt  }
0x84: {  	_ =	shalt  }
0x85: {  	_ =	shalt  }
0x86: {  	_ =	shalt  }
0x87: {  	_ =	shalt  }
.Lfunc_end0:
.L_simem_size_0:
called_computation.2_lowered:
.L_overlay_start_0:
0x88: {  	s2 =	sld [smem:$0x3FD9]  }
0x89: {  	s3 =	sld [smem:$0x3FFE];
	_ =	sdelay $0x1  }
0x8a: {  	s1 =	srdreg.scid  }
0x8b: {  	s0 =	sand.u32 $0x1, s1  }
0x8c: {  	s17 =	sshll.u32 s0, $0xA;
	s2 =	sadd.s32 s3, s2  }
0x8d: {  	s2 =	sadd.s32 s2, s17  }
0x8e: {  	[smem:$0x3FAF] =	sst s2  }
0x8f: {  	_ = 	snop  }
0x90: {  	(tm) =	ssettm $0x1  }
0x91: {  	s18 =	sld [smem:$0x3FFB];
	_ =	sdelay $0x3  }
0x92: {  	_ =	strace s18  }
0x93: {  	s2 =	sld [smem:$0x3FFC];
	_ =	sdelay $0x3  }
0x94: {  	_ =	strace s2  }
0x95: {  	s2 =	sld [smem:$0x3FFD];
	_ =	sdelay $0x3  }
0x96: {  	_ =	strace s2  }
0x97: {  	_ =	strace $0x8FFFFFFF  }
0x98: {  	s19 =	sld [smem:$0x3FDB];
	_ =	sdelay $0x1  }
0x99: {  	s20 =	simm.s32 $_scs_section_size  }
0x9a: {  	s4 =	simm.s32 $_size__tile_overlayer_lowered;
	s5 =	simm.s32 $_tile_overlayer_lowered  }
0x9b: {  	s6 =	simm.s32 $0x1BFF;
	s21 =	sshll.u32 s5, $0x1;
	s3 =	sadd.s32 s20, s19  }
0x9c: {  	s22 =	simm.s32 $0x0;
	s4 =	sshll.u32 s4, $0x1;
	s5 =	sadd.s32 s21, s3  }
0x9d: {  	[timem:s22], [sflag:s6] =	dma.local [hbm:s5], s4  }
0x9e: {  	_ =	swait.ge [sflag:s6], s4  }
0x9f: {  	s4 =	ssub.s32 $0x0, s4;
	[sflag:s6] =	ssyncset.done $0x0  }
0xa0: {  	[sflag:s6] =	ssyncadd.s32 s4;
	_ =	sdelay $0x1  }
0xa1: {  	s23 =	simm.s32 $0x1B8B  }
0xa2: {  	_ =	swait.ge [sflag:s23], $0x1  }
0xa3: {  	[sflag:s23] =	ssyncset.done $0x0  }
0xa4: {  	[sflag:s23] =	ssyncadd.s32 $0xFFFFFFFF  }
0xa5: {  	s4 =	sld [smem:$0x0]  }
0xa6: {  	s5 =	sand.u32 $0xFFFFFFFE, s1  }
0xa7: {  	p0 =	sne.s32 s1, s5  }
0xa8: {  	s5 =	sshll.u32 @p0 s5, $0xE  }
0xa9: {  	s5 =	sadd.s32 @p0 $0x11B8D, s5;
	s6 =	sshll.u32 @p0 s4, $0x11  }
0xaa: {  	s5 =	sor.u32 @p0 s6, s5  }
0xab: {  	[sflag:s5] =	ssyncadd.remote.s32 @p0 $0x1;
	_ =	sdelay $0x1  }
0xac: {  	s5 =	simm.s32 @p0 $0x1B8D  }
0xad: {  	_ =	swait.eq @p0 [sflag:s5], $0x1  }
0xae: {  	[sflag:s5] =	ssyncadd.s32 @p0 $0xFFFFFFFF  }
0xaf: {  	s6 =	sshll.u32 @!p0 s1, $0xE  }
0xb0: {  	s6 =	sor.u32 @!p0 $0x4000, s6;
	s5 =	simm.s32 @!p0 $0x1B8D  }
0xb1: {  	s4 =	sshll.u32 @!p0 s4, $0x11;
	s6 =	sadd.s32 @!p0 $0x11B8D, s6;
	_ =	swait.eq @!p0 [sflag:s5], $0x1  }
0xb2: {  	s4 =	sor.u32 @!p0 s4, s6;
	[sflag:s5] =	ssyncadd.s32 @!p0 $0xFFFFFFFF  }
0xb3: {  	s25 =	simm.s32 $0x1B8E;
	s24 =	sld [smem:$0x3FFE];
	[sflag:s4] =	ssyncadd.remote.s32 @!p0 $0x1  }
0xb4: {  	s26 =	simm.s32 $execute0_lowered;
	[smem:$0x3FD2] =	sst s25  }
0xb5: {  	s5 =	sshll.u32 s26, $0x1;
	_ =	strace $0x8000004F;
	[dreg:$0x1] =	wrdreg $0xFFFFFFFF  }
0xb6: {  	s28 =	simm.s32 $_size_execute0_lowered;
	s3 =	sadd.s32 s3, s5;
	[dreg:$0x0] =	wrdreg $0x0  }
0xb7: {  	s5 =	sshll.u32 s28, $0x1;
	[dreg:$0x2] =	wrdreg s3  }
0xb8: {  	[dreg:$0x3] =	wrdreg s5  }
0xb9: {  	[dreg:$0x4] =	wrdreg $0xC0  }
0xba: {  	_ =	task [dreg:s22], $0x5FFFF  }
0xbb: {  	[dreg:$0x1] =	wrdreg $0xFFFFFFFF  }
0xbc: {  	[dreg:$0x0] =	wrdreg $0x60  }
0xbd: {  	[dreg:$0x2] =	wrdreg s24  }
0xbe: {  	[dreg:$0x3] =	wrdreg $0xA  }
0xbf: {  	_ =	task.clear_ibuf [dreg:s22], $0x4FFFF;
	_ =	strace $0x9000004F  }
0xc0: {  	s29 =	simm.s32 $0xA;
	_ =	strace $0x80000051  }
0xc1: {  	_ =	swait.ge [sflag:s29], $0x1  }
0xc2: {  	[sflag:s29] =	ssyncadd.s32 $0xFFFFFFFF  }
0xc3: {  	_ =	strace $0x90000051  }
0xc4: {  	_ =	sfence  }
0xc5: {  	s30 =	sld [smem:$0x0];
	_ =	sdelay $0x2  }
0xc6: {  	s31 =	sshll.u32 s1, $0xD;
	s1 =	sshrl.u32 s1, $0x2  }
0xc7: {  	s4 =	sand.u32 $0x4000, s31;
	s1 =	sadd.s32 s1, s30  }
0xc8: {  	s0 =	sor.u32 s4, s0;
	s1 =	sshll.u32 s1, $0x11  }
0xc9: {  	s0 =	sor.u32 s1, s0  }
0xca: {  	s0 =	sadd.s32 $0x8F2B, s0  }
0xcb: {  	[sflag:s0] =	ssyncadd.remote.s32 $0x1  }
0xcc: {  	_ =	sfence.sel $0xFFFF  }
0xcd: {  	[dreg:$0x0] =	wrdreg $0xFFFFFFFF;
	(pc) =	sbr.abs _section_cstart, $3  }
0xce: {  	[dreg:$0x1] =	wrdreg $0xFFFFFFFF  }
0xcf: {  	_ =	task.clear_ibuf [dreg:s22], $0x2FFFF;
	_ =	strace $0x9FFFFFFF  }
0xd0: {  	(tm) =	ssettm $0x7FFFFFFF  }
0xd1: {  	_ =	shalt  }
tec
execute0_lowered:
.L_overlay_start_1:
0x0: {  	(tag) =	ssettag $0x1  }
0x1: {  	s8 =	rddreg [dreg:$0x0];
	s1 =	stileid.u32  }
0x2: {  	s2 =	srdreg.scid;
	s0 =	rddreg [dreg:$0x1]  }
0x3: {  	_ =	strace $0x80000050;
	s5 =	simm.s32 $0x1;
	s9 =	simm.s32 $0x1  }
0x4: {  	s10 =	simm.s32 $0x3;
	s2 =	sand.u32 $0x1, s2;
	s3 =	sshll.u32 s1, $0x1  }
0x5: {  	s13 =	simm.s32 $0x0;
	s12 =	simm.s32 $0x0;
	s6 =	sor.u32 s3, s2  }
0x6: {  	[sflag:s5] =	ssyncpa.u1 $0x0;
	s2 =	sadd.s32 $0x15A00, s8;
	s4 =	smul.u32 $0x2800, s6  }
0x7: {  	s3 =	sadd.s32 $0x81800, s8;
	p0 =	slt.u32 s6, $0x9;
	s6 =	simm.s32 $0x50000  }
.Ltmp0:
0x8: {  	s6 =	simm.s32 @!p0 $0x0;
	s7 =	ssub.s32 $0x64000, s4;
	(pc) =	sbr.rel .LBB2_1-.Ltmp0, $4  }
0x9: {  	s9 =	simm.s32 @!p0 $0x0;
	p0 =	sne.s32 s7, s6;
	s7 =	simm.s32 $0x1  }
0xa: {  	s8 =	sadd.s32 $0x9A800, s8;
	s6 =	simm.s32 $0x2;
	s7 =	simm.s32 @!p0 $0x0  }
0xb: {  	s11 =	smov.u32 s4;
	[sflag:s6] =	ssyncpa.u1 $0x0;
	s7 =	sadd.s32 s9, s7  }
0xc: {  	vm0 =	vmmov $0xffff;
	[sflag:s10] =	ssyncpa.u1 $0x0;
	s10 =	simm.s32 $0x0;
	s9 =	sadd.s32 $0x1, s7  }
.LBB2_4:
0xd: {  	v2 =	vnsel vm1, $0x0, v2  }
0xe: {  	vm1 =	vgt.s32 v0, $0x0;
	v2 =	vmin.u32 v2, $0x4E1FF  }
0xf: {  	v0 =	vnsel vm1, $0x0, v0  }
0x10: {  	v0 =	vmin.u32 v0, $0x4E1FF  }
0x11: {  	[tilespmem:s18], [sflag:$0x1] =	stream.indirect_vreg.gather [hbm4b:s2+s10], $0x1, v1, vm0, $0x4038;
	[tilespmem:$0xA000] =	vst v63  }
0x12: {  	(ifvalue) =	ssetifvalue $0x7FFFFFFF  }
0x13: {  	[tilespmem:s15], [sflag:$0x1] =	stream.indirect_vreg.gather [hbm4b:s2+s10], $0x1, v2, vm0, $0x4038;
	[tilespmem:$0xA000] =	vst v63  }
0x14: {  	s29 =	sadd.s32 $0x10, s15;
	(ifvalue) =	ssetifvalue $0x7FFFFFFF  }
0x15: {  	[tilespmem:s29], [sflag:$0x1] =	stream.indirect_vreg.gather [hbm4b:s2+s10], $0x1, v0, vm0, $0x4038;
	[tilespmem:$0xA000] =	vst v63  }
0x16: {  	_ =	swait.ge [sflag:s5], $0x2800  }
0x17: {  	s30 =	sshrl.u32 s13, $0x3;
	[sflag:s5] =	ssyncset.done $0x0  }
0x18: {  	s31 =	sand.u32 $0x7, s13;
	s15 =	sadd.s32 s8, s30;
	[sflag:s5] =	ssyncadd.s32 $0xFFFFD800  }
0x19: {  	[hbm4b:s15+s31] =	stream.linear.scatter [tilespmem:s14], [sflag:$0x3], $0x2800, $0x38;
	[tilespmem:$0xA000] =	vst v63  }
.LBB2_5:
0x1a: {  	s15 =	sadd.s32 $0x50000, s11  }
0x1b: {  	p1 =	sgt.s32 s15, $0x63FFF  }
0x1c: {  	s15 =	smov.u32 @p1 s4;
	p1 =	sne.s32 s12, s9  }
.Ltmp1:
0x1d: {  	p0 =	slt.u32 s12, $0x2;
	(pc) =	sbr.rel @!p1 .LBB2_6-.Ltmp1, $4  }
0x1e: {  	s14 =	simm.s32 @!p0 $0x3  }
0x1f: {  	_ =	swait.ge @!p0 [sflag:s14], $0x2800  }
0x20: {  	s16 =	sadd.s32 $0x1, s12;
	s13 =	smov.u32 s11;
	[sflag:s14] =	ssyncset.done @!p0 $0x0  }
0x21: {  	s12 =	smov.u32 s16;
	s11 =	smov.u32 s15;
	[sflag:s14] =	ssyncadd.s32 @!p0 $0xFFFFD800  }
.LBB2_1:
0x22: {  	p0 =	sge.u32 s12, s7  }
0x23: {  	s14 =	sxor.u32 @!p0 $0x1, s12  }
0x24: {  	s14 =	smul.u32 @!p0 $0xA000, s14  }
0x25: {  	s31 =	sadd.s32 $0xFFFFFFFF, s12;
	s15 =	sshrl.u32 @!p0 s11, $0x3  }
0x26: {  	s16 =	sand.u32 @!p0 $0x7, s11;
	s15 =	sadd.s32 @!p0 s3, s15;
	s14 =	sshra.s32 @!p0 s14, $0x2  }
0x27: {  	[tilespmem:s14], [sflag:$0x2] =	stream.linear.gather @!p0 [hbm4b:s15+s16], $0x2800, $0x38;
	[tilespmem:$0xA000] =	vst v63  }
0x28: {  	p0 =	sge.u32 s31, s7  }
.Ltmp2:
0x29: {  	_ = 	snop;
	(pc) =	sbr.rel @p0 .LBB2_5-.Ltmp2, $1  }
0x2a: {  	_ =	sdelay $0x3  }
0x2b: {  	s14 =	sand.u32 $0x1, s12  }
0x2c: {  	_ =	swait.ge [sflag:s6], $0x2800;
	p0 =	seq.s32 s14, $0x1;
	s14 =	simm.s32 $0x2800  }
0x2d: {  	[sflag:s6] =	ssyncset.done $0x0;
	s14 =	simm.s32 @!p0 $0x0  }
0x2e: {  	[sflag:s6] =	ssyncadd.s32 $0xFFFFD800;
	(ifvalue) =	ssetifvalue $0x7FFFFFFF;
	v0 =	vld.msk [tilespmem:s14+$0x0 ss:$0x1], $0xffff;
	_ =	sdelay $0x4  }
0x2f: {  	s15 =	sadd.s32 $0x10, s14;
	vm1 =	vgt.s32 v0, $0x0  }
0x30: {  	v2 =	vld.msk [tilespmem:s15+$0x0 ss:$0x1], $0xffff;
	v1 =	vnsel vm1, $0x0, v0  }
0x31: {  	v1 =	vmin.u32 v1, $0x4E1FF;
	_ =	sdelay $0x2  }
0x32: {  	s17 =	simm.s32 $0x20;
	s14 =	sor.u32 $0x5000, s14;
	s16 =	sadd.s32 $0x10, s15  }
0x33: {  	s15 =	sadd.s32 $0x10, s14;
	s18 =	smov.u32 s14;
	v0 =	vld.msk [tilespmem:s16+$0x0 ss:$0x1], $0xffff;
	vm1 =	vgt.s32 v2, $0x0;
	(ifvalue) =	ssetifvalue $0x7FFFFFFF  }
.LBB2_3:
0x34: {  	[tilespmem:s18], [sflag:$0x1] =	stream.indirect_vreg.gather [hbm4b:s2+s10], $0x1, v1, vm0, $0x4038;
	[tilespmem:$0xA000] =	vst v63  }
0x35: {  	s17 =	sadd.s32 $0x10, s17  }
0x36: {  	v2 =	vnsel vm1, $0x0, v2;
	p0 =	slt.u32 s17, $0x27F0  }
.Ltmp3:
0x37: {  	s18 =	smov.u32 s15;
	v1 =	vmin.u32 v2, $0x4E1FF;
	(pc) =	sbr.rel @p0 .LBB2_3-.Ltmp3, $3  }
0x38: {  	_ =	sdelay $0x1  }
0x39: {  	s16 =	sadd.s32 $0x10, s16  }
0x3a: {  	vm1 =	vgt.s32 v0, $0x0;
	s15 =	sadd.s32 $0x10, s15;
	v2 =	vmov v0;
	(ifvalue) =	ssetifvalue $0x7FFFFFFF;
	v0 =	vld.msk [tilespmem:s16+$0x0 ss:$0x1], $0xffff  }
.Ltmp4:
0x3b: {  	_ = 	snop;
	(pc) =	sbr.rel .LBB2_4-.Ltmp4, $1  }
0x3c: {  	_ =	sdelay $0x3  }
.LBB2_6:
0x3d: {  	_ =	sfence.sel $0x180000  }
0x3e: {  	s2 =	simm.s32 $0x2;
	[bflag:$0x0] =	sbarrier.arrive $0xFFFF  }
0x3f: {  	s30 =	simm.s32 $0x3;
	[sflag:s2] =	ssyncpa.u1 $0x1  }
0x40: {  	s31 =	simm.s32 $0x1;
	[sflag:s30] =	ssyncpa.u1 $0x1  }
0x41: {  	[sflag:s31] =	ssyncpa.u1 $0x1  }
0x42: {  	p0 =	sne.s32 s1, $0x0;
	_ =	strace $0x90000050  }
0x43: {  	s0 =	sadd.s32 @!p0 $0x100000, s0;
	[bflag:$0x2] =	sbarrier.arrive $0xFFFF  }
0x44: {  	[sflag:s0] =	ssyncadd.tile.s32 @!p0 $0x1;
	_ =	shalt  }
.Lfunc_end2:
_tile_overlayer_lowered:
.L_overlay_start_2:
0x45: {  	(tag) =	ssettag $0x2  }
0x46: {  	s0 =	rddreg [dreg:$0x0];
	s2 =	stileid.u32  }
0x47: {  	s1 =	rddreg [dreg:$0x1];
	p0 =	sne.s32 s2, $0x0  }
0x48: {  	s3 =	rddreg [dreg:$0x2];
	[bflag:$0x3] =	sbarrier.arrive $0xFFFF;
	s2 =	simm.s32 @!p0 $0x1C01  }
0x49: {  	[timem:s3], [sflag:s2] =	dma.local @!p0 [hbm:s0], s1  }
0x4a: {  	s0 =	simm.s32 @!p0 $0x1  }
0x4b: {  	_ =	swait.ge @!p0 [sflag:s0], s1  }
0x4c: {  	s1 =	ssub.s32 @!p0 $0x0, s1;
	[sflag:s0] =	ssyncset.done @!p0 $0x0  }
0x4d: {  	[sflag:s0] =	ssyncadd.s32 @!p0 s1  }
0x4e: {  	[bflag:$0x3] =	sbarrier.arrive $0xFFFF  }
0x4f: {  	_ =	shalt  }

// kernel: gather_offload_async_start.3
scs
__scs_entry_jumppad:
0x0: {  	(pc) =	sbr.rel $0x88, $3  }
0x1: {  	(tag) =	ssettag $0x0;
	lr =	simm.s32 $0x1  }
0x2: {  	[smem:$0x3F88] =	sst lr;
	_ =	strace $0xD0000000  }
0x3: {  	_ = 	snop  }
0x4: {  	_ = 	snop  }
0x5: {  	_ = 	snop  }
0x6: {  	_ = 	snop  }
0x7: {  	_ = 	snop  }
__scs_overlays_trampoline_lowered:
0x8: {  	[smem:$0x3F97] =	sst s0  }
0x9: {  	[smem:$0x3F98] =	sst s1  }
0xa: {  	[smem:$0x3F99] =	sst s2  }
0xb: {  	[smem:$0x3F9A] =	sst s3  }
0xc: {  	[smem:$0x3F9B] =	sst s4  }
0xd: {  	[smem:$0x3F9C] =	sst s5  }
0xe: {  	[smem:$0x3F9D] =	sst s6  }
0xf: {  	[smem:$0x3F9E] =	sst s7  }
0x10: {  	[smem:$0x3F9F] =	sst s8  }
0x11: {  	[smem:$0x3FA0] =	sst s9;
	s0 =	simm.s32 @!p0 $0x0  }
0x12: {  	s1 =	sld [smem:$0x3F86];
	s0 =	simm.s32 @p0 $0x1  }
0x13: {  	[smem:$0x3FA1] =	sst s0;
	s0 =	simm.s32 @!p1 $0x0  }
0x14: {  	s2 =	sld [smem:$0x3F85];
	s0 =	simm.s32 @p1 $0x1  }
0x15: {  	[smem:$0x3FA2] =	sst s0;
	s0 =	simm.s32 @!p2 $0x0  }
0x16: {  	s3 =	sld [smem:$0x3FDB];
	s0 =	simm.s32 @p2 $0x1  }
0x17: {  	s4 =	simm.s32 $0x1BF5;
	[smem:$0x3FA4] =	sst s0  }
0x18: {  	s0 =	sld [smem:$0x3F87];
	_ =	swait.ge [sflag:s4], $0x0  }
0x19: {  	s7 =	sld [smem:$0x3F88]  }
0x1a: {  	s8 =	sadd.s32 $0xFFFFE003, lr  }
0x1b: {  	s9 =	sadd.s32 $0xFFFFFEF7, lr;
	s5 =	simm.s32 $0xFFFFFFFF;
	p2 =	slt.u32 s8, $0xFFFFF086  }
0x1c: {  	p1 =	slt.u32 s9, $0xF7A;
	s5 =	simm.s32 @!p2 $0x0  }
0x1d: {  	s5 =	simm.s32 @p1 $0x1;
	p0 =	seq.s32 s7, s2  }
0x1e: {  	s7 =	smul.u32 @!p0 $0xF7A, s2;
	p2 =	seq.s32 @!p0 s5, $0x0  }
0x1f: {  	s9 =	smul.u32 $0xF7A, s1;
	s8 =	simm.s32 @!p0 $0x1BF5;
	p2 =	por !p2, p0  }
0x20: {  	[sflag:s8] =	ssyncset.s32 @!p0 $0xFFFFF086;
	s6 =	sadd.s32 @!p0 s3, s7;
	s7 =	simm.s32 @!p0 $0x108  }
0x21: {  	s3 =	sadd.s32 s3, s9;
	s6 =	sadd.s32 @!p0 $0x88, s6;
	s7 =	simm.s32 @p2 $0x1082  }
0x22: {  	[simem:s7], [sflag:s8] =	dma.local @!p0 [hbm:s6], $0xF7A  }
0x23: {  	s9 =	sor.u32 $0xD0000000, s2;
	s6 =	simm.s32 $0x108;
	_ =	swait.ge @!p0 [sflag:s8], $0x0  }
0x24: {  	s3 =	sadd.s32 $0x88, s3;
	s6 =	simm.s32 @!p1 $0x1082;
	[sflag:s4] =	ssyncset.s32 $0xFFFFF086  }
0x25: {  	[simem:s6], [sflag:s4] =	dma.local [hbm:s3], $0xF7A  }
0x26: {  	[smem:$0x3F88] =	sst s1;
	(tag) =	ssettag s2;
	_ =	strace s9  }
0x27: {  	s1 =	sld [smem:$0x3F98]  }
0x28: {  	s2 =	sld [smem:$0x3F99]  }
0x29: {  	s4 =	sld [smem:$0x3F9B]  }
0x2a: {  	p0 =	seq.s32 s5, $0x0;
	s5 =	sld [smem:$0x3F9C]  }
0x2b: {  	s6 =	sld [smem:$0x3F9D]  }
0x2c: {  	s7 =	sld [smem:$0x3F9E]  }
0x2d: {  	s3 =	simm.s32 $0x108;
	s8 =	sld [smem:$0x3F9F]  }
0x2e: {  	s3 =	simm.s32 @!p0 $0x1082;
	s9 =	sld [smem:$0x3FA0]  }
0x2f: {  	lr =	sadd.s32 s0, s3;
	s0 =	sld [smem:$0x3F97]  }
0x30: {  	s3 =	sld [smem:$0x3F9A]  }
0x31: {  	[smem:$0x3FA3] =	sst s10  }
0x32: {  	s10 =	sld [smem:$0x3FA1];
	_ =	sdelay $0x3  }
0x33: {  	p0 =	seq.s32 s10, $0x1;
	s10 =	sld [smem:$0x3FA3];
	_ =	sdelay $0x3  }
0x34: {  	[smem:$0x3FA3] =	sst s10  }
0x35: {  	s10 =	sld [smem:$0x3FA2];
	_ =	sdelay $0x3  }
0x36: {  	p1 =	seq.s32 s10, $0x1;
	s10 =	sld [smem:$0x3FA3];
	_ =	sdelay $0x3  }
0x37: {  	[smem:$0x3FA3] =	sst s10  }
0x38: {  	s10 =	sld [smem:$0x3FA4]  }
0x39: {  	_ = 	snop;
	(pc) =	sbr.ind lr, $3  }
0x3a: {  	_ = 	snop  }
0x3b: {  	_ = 	snop  }
0x3c: {  	p2 =	seq.s32 s10, $0x1;
	s10 =	sld [smem:$0x3FA3]  }
0x3d: {  	_ =	shalt  }
0x3e: {  	_ =	shalt  }
0x3f: {  	_ =	shalt  }
0x40: {  	_ =	shalt  }
0x41: {  	_ =	shalt  }
0x42: {  	_ =	shalt  }
0x43: {  	_ =	shalt  }
0x44: {  	_ =	shalt  }
0x45: {  	_ =	shalt  }
0x46: {  	_ =	shalt  }
0x47: {  	_ =	shalt  }
0x48: {  	_ =	shalt  }
0x49: {  	_ =	shalt  }
0x4a: {  	_ =	shalt  }
0x4b: {  	_ =	shalt  }
0x4c: {  	_ =	shalt  }
0x4d: {  	_ =	shalt  }
0x4e: {  	_ =	shalt  }
0x4f: {  	_ =	shalt  }
0x50: {  	_ =	shalt  }
0x51: {  	_ =	shalt  }
0x52: {  	_ =	shalt  }
0x53: {  	_ =	shalt  }
0x54: {  	_ =	shalt  }
0x55: {  	_ =	shalt  }
0x56: {  	_ =	shalt  }
0x57: {  	_ =	shalt  }
0x58: {  	_ =	shalt  }
0x59: {  	_ =	shalt  }
0x5a: {  	_ =	shalt  }
0x5b: {  	_ =	shalt  }
0x5c: {  	_ =	shalt  }
0x5d: {  	_ =	shalt  }
0x5e: {  	_ =	shalt  }
0x5f: {  	_ =	shalt  }
0x60: {  	_ =	shalt  }
0x61: {  	_ =	shalt  }
0x62: {  	_ =	shalt  }
0x63: {  	_ =	shalt  }
0x64: {  	_ =	shalt  }
0x65: {  	_ =	shalt  }
0x66: {  	_ =	shalt  }
0x67: {  	_ =	shalt  }
0x68: {  	_ =	shalt  }
0x69: {  	_ =	shalt  }
0x6a: {  	_ =	shalt  }
0x6b: {  	_ =	shalt  }
0x6c: {  	_ =	shalt  }
0x6d: {  	_ =	shalt  }
0x6e: {  	_ =	shalt  }
0x6f: {  	_ =	shalt  }
0x70: {  	_ =	shalt  }
0x71: {  	_ =	shalt  }
0x72: {  	_ =	shalt  }
0x73: {  	_ =	shalt  }
0x74: {  	_ =	shalt  }
0x75: {  	_ =	shalt  }
0x76: {  	_ =	shalt  }
0x77: {  	_ =	shalt  }
0x78: {  	_ =	shalt  }
0x79: {  	_ =	shalt  }
0x7a: {  	_ =	shalt  }
0x7b: {  	_ =	shalt  }
0x7c: {  	_ =	shalt  }
0x7d: {  	_ =	shalt  }
0x7e: {  	_ =	shalt  }
0x7f: {  	_ =	shalt  }
0x80: {  	_ =	shalt  }
0x81: {  	_ =	shalt  }
0x82: {  	_ =	shalt  }
0x83: {  	_ =	shalt  }
0x84: {  	_ =	shalt  }
0x85: {  	_ =	shalt  }
0x86: {  	_ =	shalt  }
0x87: {  	_ =	shalt  }
.Lfunc_end0:
.L_simem_size_0:
called_computation.3_lowered:
.L_overlay_start_0:
0x88: {  	s2 =	sld [smem:$0x3FD9]  }
0x89: {  	s3 =	sld [smem:$0x3FFE];
	_ =	sdelay $0x1  }
0x8a: {  	s1 =	srdreg.scid  }
0x8b: {  	s0 =	sand.u32 $0x1, s1  }
0x8c: {  	s17 =	sshll.u32 s0, $0xA;
	s2 =	sadd.s32 s3, s2  }
0x8d: {  	s2 =	sadd.s32 s2, s17  }
0x8e: {  	[smem:$0x3FAF] =	sst s2  }
0x8f: {  	_ = 	snop  }
0x90: {  	(tm) =	ssettm $0x1  }
0x91: {  	s18 =	sld [smem:$0x3FFB];
	_ =	sdelay $0x3  }
0x92: {  	_ =	strace s18  }
0x93: {  	s2 =	sld [smem:$0x3FFC];
	_ =	sdelay $0x3  }
0x94: {  	_ =	strace s2  }
0x95: {  	s2 =	sld [smem:$0x3FFD];
	_ =	sdelay $0x3  }
0x96: {  	_ =	strace s2  }
0x97: {  	_ =	strace $0x8FFFFFFF  }
0x98: {  	s19 =	sld [smem:$0x3FDB];
	_ =	sdelay $0x1  }
0x99: {  	s20 =	simm.s32 $_scs_section_size  }
0x9a: {  	s4 =	simm.s32 $_size__tile_overlayer_lowered;
	s5 =	simm.s32 $_tile_overlayer_lowered  }
0x9b: {  	s6 =	simm.s32 $0x1BFF;
	s21 =	sshll.u32 s5, $0x1;
	s3 =	sadd.s32 s20, s19  }
0x9c: {  	s22 =	simm.s32 $0x0;
	s4 =	sshll.u32 s4, $0x1;
	s5 =	sadd.s32 s21, s3  }
0x9d: {  	[timem:s22], [sflag:s6] =	dma.local [hbm:s5], s4  }
0x9e: {  	_ =	swait.ge [sflag:s6], s4  }
0x9f: {  	s4 =	ssub.s32 $0x0, s4;
	[sflag:s6] =	ssyncset.done $0x0  }
0xa0: {  	[sflag:s6] =	ssyncadd.s32 s4;
	_ =	sdelay $0x1  }
0xa1: {  	s23 =	simm.s32 $0x1B8B  }
0xa2: {  	_ =	swait.ge [sflag:s23], $0x1  }
0xa3: {  	[sflag:s23] =	ssyncset.done $0x0  }
0xa4: {  	[sflag:s23] =	ssyncadd.s32 $0xFFFFFFFF  }
0xa5: {  	s4 =	sld [smem:$0x0]  }
0xa6: {  	s5 =	sand.u32 $0xFFFFFFFE, s1  }
0xa7: {  	p0 =	sne.s32 s1, s5  }
0xa8: {  	s5 =	sshll.u32 @p0 s5, $0xE  }
0xa9: {  	s5 =	sadd.s32 @p0 $0x11B8D, s5;
	s6 =	sshll.u32 @p0 s4, $0x11  }
0xaa: {  	s5 =	sor.u32 @p0 s6, s5  }
0xab: {  	[sflag:s5] =	ssyncadd.remote.s32 @p0 $0x1;
	_ =	sdelay $0x1  }
0xac: {  	s5 =	simm.s32 @p0 $0x1B8D  }
0xad: {  	_ =	swait.eq @p0 [sflag:s5], $0x1  }
0xae: {  	[sflag:s5] =	ssyncadd.s32 @p0 $0xFFFFFFFF  }
0xaf: {  	s6 =	sshll.u32 @!p0 s1, $0xE  }
0xb0: {  	s6 =	sor.u32 @!p0 $0x4000, s6;
	s5 =	simm.s32 @!p0 $0x1B8D  }
0xb1: {  	s4 =	sshll.u32 @!p0 s4, $0x11;
	s6 =	sadd.s32 @!p0 $0x11B8D, s6;
	_ =	swait.eq @!p0 [sflag:s5], $0x1  }
0xb2: {  	s4 =	sor.u32 @!p0 s4, s6;
	[sflag:s5] =	ssyncadd.s32 @!p0 $0xFFFFFFFF  }
0xb3: {  	s25 =	simm.s32 $0x1B8E;
	s24 =	sld [smem:$0x3FFE];
	[sflag:s4] =	ssyncadd.remote.s32 @!p0 $0x1  }
0xb4: {  	s26 =	simm.s32 $execute0_lowered;
	[smem:$0x3FD2] =	sst s25  }
0xb5: {  	s5 =	sshll.u32 s26, $0x1;
	_ =	strace $0x8000004C;
	[dreg:$0x1] =	wrdreg $0xFFFFFFFF  }
0xb6: {  	s28 =	simm.s32 $_size_execute0_lowered;
	s3 =	sadd.s32 s3, s5;
	[dreg:$0x0] =	wrdreg $0x0  }
0xb7: {  	s5 =	sshll.u32 s28, $0x1;
	[dreg:$0x2] =	wrdreg s3  }
0xb8: {  	[dreg:$0x3] =	wrdreg s5  }
0xb9: {  	[dreg:$0x4] =	wrdreg $0xC0  }
0xba: {  	_ =	task [dreg:s22], $0x5FFFF  }
0xbb: {  	[dreg:$0x1] =	wrdreg $0xFFFFFFFF  }
0xbc: {  	[dreg:$0x0] =	wrdreg $0x60  }
0xbd: {  	[dreg:$0x2] =	wrdreg s24  }
0xbe: {  	[dreg:$0x3] =	wrdreg $0x9  }
0xbf: {  	_ =	task.clear_ibuf [dreg:s22], $0x4FFFF;
	_ =	strace $0x9000004C  }
0xc0: {  	s29 =	simm.s32 $0x9;
	_ =	strace $0x8000004E  }
0xc1: {  	_ =	swait.ge [sflag:s29], $0x1  }
0xc2: {  	[sflag:s29] =	ssyncadd.s32 $0xFFFFFFFF  }
0xc3: {  	_ =	strace $0x9000004E  }
0xc4: {  	_ =	sfence  }
0xc5: {  	s30 =	sld [smem:$0x0];
	_ =	sdelay $0x2  }
0xc6: {  	s31 =	sshll.u32 s1, $0xD;
	s1 =	sshrl.u32 s1, $0x2  }
0xc7: {  	s4 =	sand.u32 $0x4000, s31;
	s1 =	sadd.s32 s1, s30  }
0xc8: {  	s0 =	sor.u32 s4, s0;
	s1 =	sshll.u32 s1, $0x11  }
0xc9: {  	s0 =	sor.u32 s1, s0  }
0xca: {  	s0 =	sadd.s32 $0x8F2B, s0  }
0xcb: {  	[sflag:s0] =	ssyncadd.remote.s32 $0x1  }
0xcc: {  	_ =	sfence.sel $0xFFFF  }
0xcd: {  	[dreg:$0x0] =	wrdreg $0xFFFFFFFF;
	(pc) =	sbr.abs _section_cstart, $3  }
0xce: {  	[dreg:$0x1] =	wrdreg $0xFFFFFFFF  }
0xcf: {  	_ =	task.clear_ibuf [dreg:s22], $0x2FFFF;
	_ =	strace $0x9FFFFFFF  }
0xd0: {  	(tm) =	ssettm $0x7FFFFFFF  }
0xd1: {  	_ =	shalt  }
tec
execute0_lowered:
.L_overlay_start_1:
0x0: {  	(tag) =	ssettag $0x1  }
0x1: {  	s8 =	rddreg [dreg:$0x0];
	s1 =	stileid.u32  }
0x2: {  	s2 =	srdreg.scid;
	s0 =	rddreg [dreg:$0x1]  }
0x3: {  	_ =	strace $0x8000004D;
	s5 =	simm.s32 $0x1;
	s9 =	simm.s32 $0x1  }
0x4: {  	s10 =	simm.s32 $0x3;
	s2 =	sand.u32 $0x1, s2;
	s3 =	sshll.u32 s1, $0x1  }
0x5: {  	s13 =	simm.s32 $0x0;
	s12 =	simm.s32 $0x0;
	s6 =	sor.u32 s3, s2  }
0x6: {  	[sflag:s5] =	ssyncpa.u1 $0x0;
	s2 =	sadd.s32 $0x29800, s8;
	s4 =	smul.u32 $0x2800, s6  }
0x7: {  	s3 =	sadd.s32 $0x81800, s8;
	p0 =	slt.u32 s6, $0x9;
	s6 =	simm.s32 $0x50000  }
.Ltmp0:
0x8: {  	s6 =	simm.s32 @!p0 $0x0;
	s7 =	ssub.s32 $0x64000, s4;
	(pc) =	sbr.rel .LBB2_1-.Ltmp0, $4  }
0x9: {  	s9 =	simm.s32 @!p0 $0x0;
	p0 =	sne.s32 s7, s6;
	s7 =	simm.s32 $0x1  }
0xa: {  	s8 =	sadd.s32 $0x8E000, s8;
	s6 =	simm.s32 $0x2;
	s7 =	simm.s32 @!p0 $0x0  }
0xb: {  	s11 =	smov.u32 s4;
	[sflag:s6] =	ssyncpa.u1 $0x0;
	s7 =	sadd.s32 s9, s7  }
0xc: {  	vm0 =	vmmov $0xffff;
	[sflag:s10] =	ssyncpa.u1 $0x0;
	s10 =	simm.s32 $0x0;
	s9 =	sadd.s32 $0x1, s7  }
.LBB2_4:
0xd: {  	v2 =	vnsel vm1, $0x0, v2  }
0xe: {  	vm1 =	vgt.s32 v0, $0x0;
	v2 =	vmin.u32 v2, $0x4E1FF  }
0xf: {  	v0 =	vnsel vm1, $0x0, v0  }
0x10: {  	v0 =	vmin.u32 v0, $0x4E1FF  }
0x11: {  	[tilespmem:s18], [sflag:$0x1] =	stream.indirect_vreg.gather [hbm4b:s2+s10], $0x1, v1, vm0, $0x4038;
	[tilespmem:$0xA000] =	vst v63  }
0x12: {  	(ifvalue) =	ssetifvalue $0x7FFFFFFF  }
0x13: {  	[tilespmem:s15], [sflag:$0x1] =	stream.indirect_vreg.gather [hbm4b:s2+s10], $0x1, v2, vm0, $0x4038;
	[tilespmem:$0xA000] =	vst v63  }
0x14: {  	s29 =	sadd.s32 $0x10, s15;
	(ifvalue) =	ssetifvalue $0x7FFFFFFF  }
0x15: {  	[tilespmem:s29], [sflag:$0x1] =	stream.indirect_vreg.gather [hbm4b:s2+s10], $0x1, v0, vm0, $0x4038;
	[tilespmem:$0xA000] =	vst v63  }
0x16: {  	_ =	swait.ge [sflag:s5], $0x2800  }
0x17: {  	s30 =	sshrl.u32 s13, $0x3;
	[sflag:s5] =	ssyncset.done $0x0  }
0x18: {  	s31 =	sand.u32 $0x7, s13;
	s15 =	sadd.s32 s8, s30;
	[sflag:s5] =	ssyncadd.s32 $0xFFFFD800  }
0x19: {  	[hbm4b:s15+s31] =	stream.linear.scatter [tilespmem:s14], [sflag:$0x3], $0x2800, $0x38;
	[tilespmem:$0xA000] =	vst v63  }
.LBB2_5:
0x1a: {  	s15 =	sadd.s32 $0x50000, s11  }
0x1b: {  	p1 =	sgt.s32 s15, $0x63FFF  }
0x1c: {  	s15 =	smov.u32 @p1 s4;
	p1 =	sne.s32 s12, s9  }
.Ltmp1:
0x1d: {  	p0 =	slt.u32 s12, $0x2;
	(pc) =	sbr.rel @!p1 .LBB2_6-.Ltmp1, $4  }
0x1e: {  	s14 =	simm.s32 @!p0 $0x3  }
0x1f: {  	_ =	swait.ge @!p0 [sflag:s14], $0x2800  }
0x20: {  	s16 =	sadd.s32 $0x1, s12;
	s13 =	smov.u32 s11;
	[sflag:s14] =	ssyncset.done @!p0 $0x0  }
0x21: {  	s12 =	smov.u32 s16;
	s11 =	smov.u32 s15;
	[sflag:s14] =	ssyncadd.s32 @!p0 $0xFFFFD800  }
.LBB2_1:
0x22: {  	p0 =	sge.u32 s12, s7  }
0x23: {  	s14 =	sxor.u32 @!p0 $0x1, s12  }
0x24: {  	s14 =	smul.u32 @!p0 $0xA000, s14  }
0x25: {  	s31 =	sadd.s32 $0xFFFFFFFF, s12;
	s15 =	sshrl.u32 @!p0 s11, $0x3  }
0x26: {  	s16 =	sand.u32 @!p0 $0x7, s11;
	s15 =	sadd.s32 @!p0 s3, s15;
	s14 =	sshra.s32 @!p0 s14, $0x2  }
0x27: {  	[tilespmem:s14], [sflag:$0x2] =	stream.linear.gather @!p0 [hbm4b:s15+s16], $0x2800, $0x38;
	[tilespmem:$0xA000] =	vst v63  }
0x28: {  	p0 =	sge.u32 s31, s7  }
.Ltmp2:
0x29: {  	_ = 	snop;
	(pc) =	sbr.rel @p0 .LBB2_5-.Ltmp2, $1  }
0x2a: {  	_ =	sdelay $0x3  }
0x2b: {  	s14 =	sand.u32 $0x1, s12  }
0x2c: {  	_ =	swait.ge [sflag:s6], $0x2800;
	p0 =	seq.s32 s14, $0x1;
	s14 =	simm.s32 $0x2800  }
0x2d: {  	[sflag:s6] =	ssyncset.done $0x0;
	s14 =	simm.s32 @!p0 $0x0  }
0x2e: {  	[sflag:s6] =	ssyncadd.s32 $0xFFFFD800;
	(ifvalue) =	ssetifvalue $0x7FFFFFFF;
	v0 =	vld.msk [tilespmem:s14+$0x0 ss:$0x1], $0xffff;
	_ =	sdelay $0x4  }
0x2f: {  	s15 =	sadd.s32 $0x10, s14;
	vm1 =	vgt.s32 v0, $0x0  }
0x30: {  	v2 =	vld.msk [tilespmem:s15+$0x0 ss:$0x1], $0xffff;
	v1 =	vnsel vm1, $0x0, v0  }
0x31: {  	v1 =	vmin.u32 v1, $0x4E1FF;
	_ =	sdelay $0x2  }
0x32: {  	s17 =	simm.s32 $0x20;
	s14 =	sor.u32 $0x5000, s14;
	s16 =	sadd.s32 $0x10, s15  }
0x33: {  	s15 =	sadd.s32 $0x10, s14;
	s18 =	smov.u32 s14;
	v0 =	vld.msk [tilespmem:s16+$0x0 ss:$0x1], $0xffff;
	vm1 =	vgt.s32 v2, $0x0;
	(ifvalue) =	ssetifvalue $0x7FFFFFFF  }
.LBB2_3:
0x34: {  	[tilespmem:s18], [sflag:$0x1] =	stream.indirect_vreg.gather [hbm4b:s2+s10], $0x1, v1, vm0, $0x4038;
	[tilespmem:$0xA000] =	vst v63  }
0x35: {  	s17 =	sadd.s32 $0x10, s17  }
0x36: {  	v2 =	vnsel vm1, $0x0, v2;
	p0 =	slt.u32 s17, $0x27F0  }
.Ltmp3:
0x37: {  	s18 =	smov.u32 s15;
	v1 =	vmin.u32 v2, $0x4E1FF;
	(pc) =	sbr.rel @p0 .LBB2_3-.Ltmp3, $3  }
0x38: {  	_ =	sdelay $0x1  }
0x39: {  	s16 =	sadd.s32 $0x10, s16  }
0x3a: {  	vm1 =	vgt.s32 v0, $0x0;
	s15 =	sadd.s32 $0x10, s15;
	v2 =	vmov v0;
	(ifvalue) =	ssetifvalue $0x7FFFFFFF;
	v0 =	vld.msk [tilespmem:s16+$0x0 ss:$0x1], $0xffff  }
.Ltmp4:
0x3b: {  	_ = 	snop;
	(pc) =	sbr.rel .LBB2_4-.Ltmp4, $1  }
0x3c: {  	_ =	sdelay $0x3  }
.LBB2_6:
0x3d: {  	_ =	sfence.sel $0x180000  }
0x3e: {  	s2 =	simm.s32 $0x2;
	[bflag:$0x0] =	sbarrier.arrive $0xFFFF  }
0x3f: {  	s30 =	simm.s32 $0x3;
	[sflag:s2] =	ssyncpa.u1 $0x1  }
0x40: {  	s31 =	simm.s32 $0x1;
	[sflag:s30] =	ssyncpa.u1 $0x1  }
0x41: {  	[sflag:s31] =	ssyncpa.u1 $0x1  }
0x42: {  	p0 =	sne.s32 s1, $0x0;
	_ =	strace $0x9000004D  }
0x43: {  	s0 =	sadd.s32 @!p0 $0x100000, s0;
	[bflag:$0x2] =	sbarrier.arrive $0xFFFF  }
0x44: {  	[sflag:s0] =	ssyncadd.tile.s32 @!p0 $0x1;
	_ =	shalt  }
.Lfunc_end2:
_tile_overlayer_lowered:
.L_overlay_start_2:
0x45: {  	(tag) =	ssettag $0x2  }
0x46: {  	s0 =	rddreg [dreg:$0x0];
	s2 =	stileid.u32  }
0x47: {  	s1 =	rddreg [dreg:$0x1];
	p0 =	sne.s32 s2, $0x0  }
0x48: {  	s3 =	rddreg [dreg:$0x2];
	[bflag:$0x3] =	sbarrier.arrive $0xFFFF;
	s2 =	simm.s32 @!p0 $0x1C01  }
0x49: {  	[timem:s3], [sflag:s2] =	dma.local @!p0 [hbm:s0], s1  }
0x4a: {  	s0 =	simm.s32 @!p0 $0x1  }
0x4b: {  	_ =	swait.ge @!p0 [sflag:s0], s1  }
0x4c: {  	s1 =	ssub.s32 @!p0 $0x0, s1;
	[sflag:s0] =	ssyncset.done @!p0 $0x0  }
0x4d: {  	[sflag:s0] =	ssyncadd.s32 @!p0 s1  }
0x4e: {  	[bflag:$0x3] =	sbarrier.arrive $0xFFFF  }
0x4f: {  	_ =	shalt  }

// kernel: gather_offload_async_start
scs
__scs_entry_jumppad:
0x0: {  	(pc) =	sbr.rel $0x88, $3  }
0x1: {  	(tag) =	ssettag $0x0;
	lr =	simm.s32 $0x1  }
0x2: {  	[smem:$0x3F88] =	sst lr;
	_ =	strace $0xD0000000  }
0x3: {  	_ = 	snop  }
0x4: {  	_ = 	snop  }
0x5: {  	_ = 	snop  }
0x6: {  	_ = 	snop  }
0x7: {  	_ = 	snop  }
__scs_overlays_trampoline_lowered:
0x8: {  	[smem:$0x3F97] =	sst s0  }
0x9: {  	[smem:$0x3F98] =	sst s1  }
0xa: {  	[smem:$0x3F99] =	sst s2  }
0xb: {  	[smem:$0x3F9A] =	sst s3  }
0xc: {  	[smem:$0x3F9B] =	sst s4  }
0xd: {  	[smem:$0x3F9C] =	sst s5  }
0xe: {  	[smem:$0x3F9D] =	sst s6  }
0xf: {  	[smem:$0x3F9E] =	sst s7  }
0x10: {  	[smem:$0x3F9F] =	sst s8  }
0x11: {  	[smem:$0x3FA0] =	sst s9;
	s0 =	simm.s32 @!p0 $0x0  }
0x12: {  	s1 =	sld [smem:$0x3F86];
	s0 =	simm.s32 @p0 $0x1  }
0x13: {  	[smem:$0x3FA1] =	sst s0;
	s0 =	simm.s32 @!p1 $0x0  }
0x14: {  	s2 =	sld [smem:$0x3F85];
	s0 =	simm.s32 @p1 $0x1  }
0x15: {  	[smem:$0x3FA2] =	sst s0;
	s0 =	simm.s32 @!p2 $0x0  }
0x16: {  	s3 =	sld [smem:$0x3FDB];
	s0 =	simm.s32 @p2 $0x1  }
0x17: {  	s4 =	simm.s32 $0x1BF5;
	[smem:$0x3FA4] =	sst s0  }
0x18: {  	s0 =	sld [smem:$0x3F87];
	_ =	swait.ge [sflag:s4], $0x0  }
0x19: {  	s7 =	sld [smem:$0x3F88]  }
0x1a: {  	s8 =	sadd.s32 $0xFFFFE003, lr  }
0x1b: {  	s9 =	sadd.s32 $0xFFFFFEF7, lr;
	s5 =	simm.s32 $0xFFFFFFFF;
	p2 =	slt.u32 s8, $0xFFFFF086  }
0x1c: {  	p1 =	slt.u32 s9, $0xF7A;
	s5 =	simm.s32 @!p2 $0x0  }
0x1d: {  	s5 =	simm.s32 @p1 $0x1;
	p0 =	seq.s32 s7, s2  }
0x1e: {  	s7 =	smul.u32 @!p0 $0xF7A, s2;
	p2 =	seq.s32 @!p0 s5, $0x0  }
0x1f: {  	s9 =	smul.u32 $0xF7A, s1;
	s8 =	simm.s32 @!p0 $0x1BF5;
	p2 =	por !p2, p0  }
0x20: {  	[sflag:s8] =	ssyncset.s32 @!p0 $0xFFFFF086;
	s6 =	sadd.s32 @!p0 s3, s7;
	s7 =	simm.s32 @!p0 $0x108  }
0x21: {  	s3 =	sadd.s32 s3, s9;
	s6 =	sadd.s32 @!p0 $0x88, s6;
	s7 =	simm.s32 @p2 $0x1082  }
0x22: {  	[simem:s7], [sflag:s8] =	dma.local @!p0 [hbm:s6], $0xF7A  }
0x23: {  	s9 =	sor.u32 $0xD0000000, s2;
	s6 =	simm.s32 $0x108;
	_ =	swait.ge @!p0 [sflag:s8], $0x0  }
0x24: {  	s3 =	sadd.s32 $0x88, s3;
	s6 =	simm.s32 @!p1 $0x1082;
	[sflag:s4] =	ssyncset.s32 $0xFFFFF086  }
0x25: {  	[simem:s6], [sflag:s4] =	dma.local [hbm:s3], $0xF7A  }
0x26: {  	[smem:$0x3F88] =	sst s1;
	(tag) =	ssettag s2;
	_ =	strace s9  }
0x27: {  	s1 =	sld [smem:$0x3F98]  }
0x28: {  	s2 =	sld [smem:$0x3F99]  }
0x29: {  	s4 =	sld [smem:$0x3F9B]  }
0x2a: {  	p0 =	seq.s32 s5, $0x0;
	s5 =	sld [smem:$0x3F9C]  }
0x2b: {  	s6 =	sld [smem:$0x3F9D]  }
0x2c: {  	s7 =	sld [smem:$0x3F9E]  }
0x2d: {  	s3 =	simm.s32 $0x108;
	s8 =	sld [smem:$0x3F9F]  }
0x2e: {  	s3 =	simm.s32 @!p0 $0x1082;
	s9 =	sld [smem:$0x3FA0]  }
0x2f: {  	lr =	sadd.s32 s0, s3;
	s0 =	sld [smem:$0x3F97]  }
0x30: {  	s3 =	sld [smem:$0x3F9A]  }
0x31: {  	[smem:$0x3FA3] =	sst s10  }
0x32: {  	s10 =	sld [smem:$0x3FA1];
	_ =	sdelay $0x3  }
0x33: {  	p0 =	seq.s32 s10, $0x1;
	s10 =	sld [smem:$0x3FA3];
	_ =	sdelay $0x3  }
0x34: {  	[smem:$0x3FA3] =	sst s10  }
0x35: {  	s10 =	sld [smem:$0x3FA2];
	_ =	sdelay $0x3  }
0x36: {  	p1 =	seq.s32 s10, $0x1;
	s10 =	sld [smem:$0x3FA3];
	_ =	sdelay $0x3  }
0x37: {  	[smem:$0x3FA3] =	sst s10  }
0x38: {  	s10 =	sld [smem:$0x3FA4]  }
0x39: {  	_ = 	snop;
	(pc) =	sbr.ind lr, $3  }
0x3a: {  	_ = 	snop  }
0x3b: {  	_ = 	snop  }
0x3c: {  	p2 =	seq.s32 s10, $0x1;
	s10 =	sld [smem:$0x3FA3]  }
0x3d: {  	_ =	shalt  }
0x3e: {  	_ =	shalt  }
0x3f: {  	_ =	shalt  }
0x40: {  	_ =	shalt  }
0x41: {  	_ =	shalt  }
0x42: {  	_ =	shalt  }
0x43: {  	_ =	shalt  }
0x44: {  	_ =	shalt  }
0x45: {  	_ =	shalt  }
0x46: {  	_ =	shalt  }
0x47: {  	_ =	shalt  }
0x48: {  	_ =	shalt  }
0x49: {  	_ =	shalt  }
0x4a: {  	_ =	shalt  }
0x4b: {  	_ =	shalt  }
0x4c: {  	_ =	shalt  }
0x4d: {  	_ =	shalt  }
0x4e: {  	_ =	shalt  }
0x4f: {  	_ =	shalt  }
0x50: {  	_ =	shalt  }
0x51: {  	_ =	shalt  }
0x52: {  	_ =	shalt  }
0x53: {  	_ =	shalt  }
0x54: {  	_ =	shalt  }
0x55: {  	_ =	shalt  }
0x56: {  	_ =	shalt  }
0x57: {  	_ =	shalt  }
0x58: {  	_ =	shalt  }
0x59: {  	_ =	shalt  }
0x5a: {  	_ =	shalt  }
0x5b: {  	_ =	shalt  }
0x5c: {  	_ =	shalt  }
0x5d: {  	_ =	shalt  }
0x5e: {  	_ =	shalt  }
0x5f: {  	_ =	shalt  }
0x60: {  	_ =	shalt  }
0x61: {  	_ =	shalt  }
0x62: {  	_ =	shalt  }
0x63: {  	_ =	shalt  }
0x64: {  	_ =	shalt  }
0x65: {  	_ =	shalt  }
0x66: {  	_ =	shalt  }
0x67: {  	_ =	shalt  }
0x68: {  	_ =	shalt  }
0x69: {  	_ =	shalt  }
0x6a: {  	_ =	shalt  }
0x6b: {  	_ =	shalt  }
0x6c: {  	_ =	shalt  }
0x6d: {  	_ =	shalt  }
0x6e: {  	_ =	shalt  }
0x6f: {  	_ =	shalt  }
0x70: {  	_ =	shalt  }
0x71: {  	_ =	shalt  }
0x72: {  	_ =	shalt  }
0x73: {  	_ =	shalt  }
0x74: {  	_ =	shalt  }
0x75: {  	_ =	shalt  }
0x76: {  	_ =	shalt  }
0x77: {  	_ =	shalt  }
0x78: {  	_ =	shalt  }
0x79: {  	_ =	shalt  }
0x7a: {  	_ =	shalt  }
0x7b: {  	_ =	shalt  }
0x7c: {  	_ =	shalt  }
0x7d: {  	_ =	shalt  }
0x7e: {  	_ =	shalt  }
0x7f: {  	_ =	shalt  }
0x80: {  	_ =	shalt  }
0x81: {  	_ =	shalt  }
0x82: {  	_ =	shalt  }
0x83: {  	_ =	shalt  }
0x84: {  	_ =	shalt  }
0x85: {  	_ =	shalt  }
0x86: {  	_ =	shalt  }
0x87: {  	_ =	shalt  }
.Lfunc_end0:
.L_simem_size_0:
called_computation_lowered:
.L_overlay_start_0:
0x88: {  	s2 =	sld [smem:$0x3FD9]  }
0x89: {  	s3 =	sld [smem:$0x3FFE];
	_ =	sdelay $0x1  }
0x8a: {  	s1 =	srdreg.scid  }
0x8b: {  	s0 =	sand.u32 $0x1, s1  }
0x8c: {  	s16 =	sshll.u32 s0, $0xA;
	s2 =	sadd.s32 s3, s2  }
0x8d: {  	s2 =	sadd.s32 s2, s16  }
0x8e: {  	[smem:$0x3FAF] =	sst s2  }
0x8f: {  	_ = 	snop  }
0x90: {  	(tm) =	ssettm $0x1  }
0x91: {  	s17 =	sld [smem:$0x3FFB];
	_ =	sdelay $0x3  }
0x92: {  	_ =	strace s17  }
0x93: {  	s2 =	sld [smem:$0x3FFC];
	_ =	sdelay $0x3  }
0x94: {  	_ =	strace s2  }
0x95: {  	s2 =	sld [smem:$0x3FFD];
	_ =	sdelay $0x3  }
0x96: {  	_ =	strace s2  }
0x97: {  	_ =	strace $0x8FFFFFFF  }
0x98: {  	s18 =	sld [smem:$0x3FDB];
	_ =	sdelay $0x1  }
0x99: {  	s19 =	simm.s32 $_scs_section_size  }
0x9a: {  	s4 =	simm.s32 $_size__tile_overlayer_lowered;
	s5 =	simm.s32 $_tile_overlayer_lowered  }
0x9b: {  	s22 =	simm.s32 $0x1BFF;
	s21 =	sshll.u32 s5, $0x1;
	s2 =	sadd.s32 s19, s18  }
0x9c: {  	s6 =	simm.s32 $0x0;
	s20 =	sshll.u32 s4, $0x1;
	s4 =	sadd.s32 s21, s2  }
0x9d: {  	[timem:s6], [sflag:s22] =	dma.local [hbm:s4], s20  }
0x9e: {  	_ =	swait.ge [sflag:s22], s20  }
0x9f: {  	s3 =	ssub.s32 $0x0, s20;
	[sflag:s22] =	ssyncset.done $0x0  }
0xa0: {  	[sflag:s22] =	ssyncadd.s32 s3;
	_ =	sdelay $0x1  }
0xa1: {  	s23 =	simm.s32 $0x1B8B  }
0xa2: {  	_ =	swait.ge [sflag:s23], $0x1  }
0xa3: {  	[sflag:s23] =	ssyncset.done $0x0  }
0xa4: {  	s25 =	simm.s32 $0x1B8E;
	s24 =	sld [smem:$0x3FFE];
	[sflag:s23] =	ssyncadd.s32 $0xFFFFFFFF  }
0xa5: {  	s26 =	simm.s32 $execute0_lowered;
	[smem:$0x3FD2] =	sst s25  }
0xa6: {  	s4 =	sshll.u32 s26, $0x1;
	_ =	strace $0x80000049;
	[dreg:$0x1] =	wrdreg $0xFFFFFFFF  }
0xa7: {  	s28 =	simm.s32 $_size_execute0_lowered;
	s2 =	sadd.s32 s2, s4;
	[dreg:$0x0] =	wrdreg $0x0  }
0xa8: {  	s4 =	sshll.u32 s28, $0x1;
	[dreg:$0x2] =	wrdreg s2  }
0xa9: {  	[dreg:$0x3] =	wrdreg s4  }
0xaa: {  	[dreg:$0x4] =	wrdreg $0xC0  }
0xab: {  	_ =	task [dreg:s6], $0x5FFFF  }
0xac: {  	[dreg:$0x1] =	wrdreg $0xFFFFFFFF  }
0xad: {  	[dreg:$0x0] =	wrdreg $0x60  }
0xae: {  	[dreg:$0x2] =	wrdreg s24  }
0xaf: {  	[dreg:$0x3] =	wrdreg $0xA  }
0xb0: {  	_ =	task.clear_ibuf [dreg:s6], $0x4FFFF;
	_ =	strace $0x90000049  }
0xb1: {  	s29 =	simm.s32 $0xA;
	_ =	strace $0x8000004B  }
0xb2: {  	_ =	swait.ge [sflag:s29], $0x1  }
0xb3: {  	[sflag:s29] =	ssyncadd.s32 $0xFFFFFFFF  }
0xb4: {  	_ =	strace $0x9000004B  }
0xb5: {  	_ =	sfence  }
0xb6: {  	s30 =	sld [smem:$0x0];
	_ =	sdelay $0x2  }
0xb7: {  	s31 =	sshll.u32 s1, $0xD;
	s1 =	sshrl.u32 s1, $0x2  }
0xb8: {  	s3 =	sand.u32 $0x4000, s31;
	s1 =	sadd.s32 s1, s30  }
0xb9: {  	s0 =	sor.u32 s3, s0;
	s1 =	sshll.u32 s1, $0x11  }
0xba: {  	s0 =	sor.u32 s1, s0  }
0xbb: {  	s0 =	sadd.s32 $0x8F2B, s0  }
0xbc: {  	[sflag:s0] =	ssyncadd.remote.s32 $0x1  }
0xbd: {  	_ =	sfence.sel $0xFFFF  }
0xbe: {  	[dreg:$0x0] =	wrdreg $0xFFFFFFFF;
	(pc) =	sbr.abs _section_cstart, $3  }
0xbf: {  	[dreg:$0x1] =	wrdreg $0xFFFFFFFF  }
0xc0: {  	_ =	task.clear_ibuf [dreg:s6], $0x2FFFF;
	_ =	strace $0x9FFFFFFF  }
0xc1: {  	(tm) =	ssettm $0x7FFFFFFF  }
tec
execute0_lowered:
.L_overlay_start_1:
0x0: {  	(tag) =	ssettag $0x1  }
0x1: {  	s8 =	rddreg [dreg:$0x0]  }
0x2: {  	s0 =	rddreg [dreg:$0x1];
	_ =	strace $0x8000004A;
	s1 =	stileid.u32  }
0x3: {  	s3 =	srdreg.scid;
	s4 =	simm.s32 $0x1;
	s7 =	simm.s32 $0x1  }
0x4: {  	s9 =	simm.s32 $0x1;
	s10 =	simm.s32 $0x3;
	s13 =	simm.s32 $0x0  }
0x5: {  	s12 =	simm.s32 $0x0;
	s5 =	sand.u32 $0x1, s3;
	s6 =	sshll.u32 s1, $0x1  }
0x6: {  	s2 =	sadd.s32 $0xBC00, s8;
	s3 =	sadd.s32 $0x1F800, s8;
	s5 =	sor.u32 s6, s5  }
.Ltmp0:
0x7: {  	[sflag:s4] =	ssyncpa.u1 $0x0;
	p0 =	slt.u32 s5, $0x9;
	(pc) =	sbr.rel .LBB2_1-.Ltmp0, $4  }
0x8: {  	s6 =	simm.s32 $0x2;
	s7 =	simm.s32 @!p0 $0x0;
	p0 =	sne.s32 s5, $0x8  }
0x9: {  	[sflag:s6] =	ssyncpa.u1 $0x0;
	s5 =	smul.u32 $0x1F40, s5;
	s9 =	simm.s32 @!p0 $0x0  }
0xa: {  	s8 =	sadd.s32 $0x15A00, s8;
	[sflag:s10] =	ssyncpa.u1 $0x0;
	s7 =	sadd.s32 s9, s7  }
0xb: {  	vm0 =	vmmov $0xffff;
	s10 =	simm.s32 $0x0;
	s11 =	smov.u32 s5;
	s9 =	sadd.s32 $0x1, s7  }
.LBB2_4:
0xc: {  	v2 =	vnsel vm1, $0x0, v2  }
0xd: {  	vm1 =	vgt.s32 v0, $0x0;
	v2 =	vmin.u32 v2, $0x4E1FF  }
0xe: {  	v0 =	vnsel vm1, $0x0, v0  }
0xf: {  	v0 =	vmin.u32 v0, $0x4E1FF  }
0x10: {  	[tilespmem:s18], [sflag:$0x1] =	stream.indirect_vreg.gather [hbm4b:s2+s10], $0x1, v1, vm0, $0x4038;
	[tilespmem:$0x7D00] =	vst v63  }
0x11: {  	(ifvalue) =	ssetifvalue $0x7FFFFFFF  }
0x12: {  	[tilespmem:s15], [sflag:$0x1] =	stream.indirect_vreg.gather [hbm4b:s2+s10], $0x1, v2, vm0, $0x4038;
	[tilespmem:$0x7D00] =	vst v63  }
0x13: {  	s29 =	sadd.s32 $0x10, s15;
	(ifvalue) =	ssetifvalue $0x7FFFFFFF  }
0x14: {  	[tilespmem:s29], [sflag:$0x1] =	stream.indirect_vreg.gather [hbm4b:s2+s10], $0x1, v0, vm0, $0x4038;
	[tilespmem:$0x7D00] =	vst v63  }
0x15: {  	_ =	swait.ge [sflag:s4], $0x1F40  }
0x16: {  	s30 =	sshrl.u32 s13, $0x3;
	[sflag:s4] =	ssyncset.done $0x0  }
0x17: {  	s31 =	sand.u32 $0x7, s13;
	s15 =	sadd.s32 s8, s30;
	[sflag:s4] =	ssyncadd.s32 $0xFFFFE0C0  }
0x18: {  	[hbm4b:s15+s31] =	stream.linear.scatter [tilespmem:s14], [sflag:$0x3], $0x1F40, $0x38;
	[tilespmem:$0x7D00] =	vst v63  }
.LBB2_5:
0x19: {  	s15 =	sadd.s32 $0x3E800, s11  }
0x1a: {  	p1 =	sgt.s32 s15, $0x4E1FF  }
0x1b: {  	s15 =	smov.u32 @p1 s5;
	p1 =	sne.s32 s12, s9  }
.Ltmp1:
0x1c: {  	p0 =	slt.u32 s12, $0x2;
	(pc) =	sbr.rel @!p1 .LBB2_6-.Ltmp1, $4  }
0x1d: {  	s14 =	simm.s32 @!p0 $0x3  }
0x1e: {  	_ =	swait.ge @!p0 [sflag:s14], $0x1F40  }
0x1f: {  	s16 =	sadd.s32 $0x1, s12;
	s13 =	smov.u32 s11;
	[sflag:s14] =	ssyncset.done @!p0 $0x0  }
0x20: {  	s12 =	smov.u32 s16;
	s11 =	smov.u32 s15;
	[sflag:s14] =	ssyncadd.s32 @!p0 $0xFFFFE0C0  }
.LBB2_1:
0x21: {  	p0 =	sge.u32 s12, s7  }
0x22: {  	s14 =	sxor.u32 @!p0 $0x1, s12  }
0x23: {  	s14 =	smul.u32 @!p0 $0x7D00, s14  }
0x24: {  	s31 =	sadd.s32 $0xFFFFFFFF, s12;
	s15 =	sshrl.u32 @!p0 s11, $0x3  }
0x25: {  	s16 =	sand.u32 @!p0 $0x7, s11;
	s15 =	sadd.s32 @!p0 s3, s15;
	s14 =	sshra.s32 @!p0 s14, $0x2  }
0x26: {  	[tilespmem:s14], [sflag:$0x2] =	stream.linear.gather @!p0 [hbm4b:s15+s16], $0x1F40, $0x38;
	[tilespmem:$0x7D00] =	vst v63  }
0x27: {  	p0 =	sge.u32 s31, s7  }
.Ltmp2:
0x28: {  	_ = 	snop;
	(pc) =	sbr.rel @p0 .LBB2_5-.Ltmp2, $1  }
0x29: {  	_ =	sdelay $0x3  }
0x2a: {  	s14 =	sand.u32 $0x1, s12  }
0x2b: {  	_ =	swait.ge [sflag:s6], $0x1F40;
	p0 =	seq.s32 s14, $0x1;
	s14 =	simm.s32 $0x1F40  }
0x2c: {  	[sflag:s6] =	ssyncset.done $0x0;
	s14 =	simm.s32 @!p0 $0x0  }
0x2d: {  	[sflag:s6] =	ssyncadd.s32 $0xFFFFE0C0;
	(ifvalue) =	ssetifvalue $0x7FFFFFFF;
	v0 =	vld.msk [tilespmem:s14+$0x0 ss:$0x1], $0xffff;
	_ =	sdelay $0x4  }
0x2e: {  	s15 =	sadd.s32 $0x10, s14;
	vm1 =	vgt.s32 v0, $0x0  }
0x2f: {  	v2 =	vld.msk [tilespmem:s15+$0x0 ss:$0x1], $0xffff;
	v1 =	vnsel vm1, $0x0, v0  }
0x30: {  	v1 =	vmin.u32 v1, $0x4E1FF;
	_ =	sdelay $0x2  }
0x31: {  	s17 =	simm.s32 $0x20;
	s14 =	sadd.s32 $0x3E80, s14;
	s16 =	sadd.s32 $0x10, s15  }
0x32: {  	s15 =	sadd.s32 $0x10, s14;
	s18 =	smov.u32 s14;
	v0 =	vld.msk [tilespmem:s16+$0x0 ss:$0x1], $0xffff;
	vm1 =	vgt.s32 v2, $0x0;
	(ifvalue) =	ssetifvalue $0x7FFFFFFF  }
.LBB2_3:
0x33: {  	[tilespmem:s18], [sflag:$0x1] =	stream.indirect_vreg.gather [hbm4b:s2+s10], $0x1, v1, vm0, $0x4038;
	[tilespmem:$0x7D00] =	vst v63  }
0x34: {  	s17 =	sadd.s32 $0x10, s17  }
0x35: {  	v2 =	vnsel vm1, $0x0, v2;
	p0 =	slt.u32 s17, $0x1F30  }
.Ltmp3:
0x36: {  	s18 =	smov.u32 s15;
	v1 =	vmin.u32 v2, $0x4E1FF;
	(pc) =	sbr.rel @p0 .LBB2_3-.Ltmp3, $3  }
0x37: {  	_ =	sdelay $0x1  }
0x38: {  	s16 =	sadd.s32 $0x10, s16  }
0x39: {  	vm1 =	vgt.s32 v0, $0x0;
	s15 =	sadd.s32 $0x10, s15;
	v2 =	vmov v0;
	(ifvalue) =	ssetifvalue $0x7FFFFFFF;
	v0 =	vld.msk [tilespmem:s16+$0x0 ss:$0x1], $0xffff  }
.Ltmp4:
0x3a: {  	_ = 	snop;
	(pc) =	sbr.rel .LBB2_4-.Ltmp4, $1  }
0x3b: {  	_ =	sdelay $0x3  }
.LBB2_6:
0x3c: {  	_ =	sfence.sel $0x180000  }
0x3d: {  	s2 =	simm.s32 $0x2;
	[bflag:$0x0] =	sbarrier.arrive $0xFFFF  }
0x3e: {  	s30 =	simm.s32 $0x3;
	[sflag:s2] =	ssyncpa.u1 $0x1  }
0x3f: {  	s31 =	simm.s32 $0x1;
	[sflag:s30] =	ssyncpa.u1 $0x1  }
0x40: {  	[sflag:s31] =	ssyncpa.u1 $0x1  }
0x41: {  	p0 =	sne.s32 s1, $0x0;
	_ =	strace $0x9000004A  }
0x42: {  	s0 =	sadd.s32 @!p0 $0x100000, s0;
	[bflag:$0x2] =	sbarrier.arrive $0xFFFF  }
0x43: {  	[sflag:s0] =	ssyncadd.tile.s32 @!p0 $0x1;
	_ =	shalt  }
.Lfunc_end2:
_tile_overlayer_lowered:
.L_overlay_start_2:
0x44: {  	(tag) =	ssettag $0x2  }
0x45: {  	s0 =	rddreg [dreg:$0x0];
	s2 =	stileid.u32  }
0x46: {  	s1 =	rddreg [dreg:$0x1];
	p0 =	sne.s32 s2, $0x0  }
0x47: {  	s3 =	rddreg [dreg:$0x2];
	[bflag:$0x3] =	sbarrier.arrive $0xFFFF;
	s2 =	simm.s32 @!p0 $0x1C01  }
0x48: {  	[timem:s3], [sflag:s2] =	dma.local @!p0 [hbm:s0], s1  }
0x49: {  	s0 =	simm.s32 @!p0 $0x1  }
0x4a: {  	_ =	swait.ge @!p0 [sflag:s0], s1  }
0x4b: {  	s1 =	ssub.s32 @!p0 $0x0, s1;
	[sflag:s0] =	ssyncset.done @!p0 $0x0  }
0x4c: {  	[sflag:s0] =	ssyncadd.s32 @!p0 s1  }
0x4d: {  	[bflag:$0x3] =	sbarrier.arrive $0xFFFF  }
0x4e: {  	_ =	shalt  }

// kernel: kernel.11.cloned.1.call-start
scs
__scs_entry_jumppad:
0x0: {  	(pc) =	sbr.rel $0x88, $3  }
0x1: {  	(tag) =	ssettag $0x0;
	lr =	simm.s32 $0x1  }
0x2: {  	[smem:$0x3F88] =	sst lr;
	_ =	strace $0xD0000000  }
0x3: {  	_ = 	snop  }
0x4: {  	_ = 	snop  }
0x5: {  	_ = 	snop  }
0x6: {  	_ = 	snop  }
0x7: {  	_ = 	snop  }
__scs_overlays_trampoline_lowered:
0x8: {  	[smem:$0x3F97] =	sst s0  }
0x9: {  	[smem:$0x3F98] =	sst s1  }
0xa: {  	[smem:$0x3F99] =	sst s2  }
0xb: {  	[smem:$0x3F9A] =	sst s3  }
0xc: {  	[smem:$0x3F9B] =	sst s4  }
0xd: {  	[smem:$0x3F9C] =	sst s5  }
0xe: {  	[smem:$0x3F9D] =	sst s6  }
0xf: {  	[smem:$0x3F9E] =	sst s7  }
0x10: {  	[smem:$0x3F9F] =	sst s8  }
0x11: {  	[smem:$0x3FA0] =	sst s9;
	s0 =	simm.s32 @!p0 $0x0  }
0x12: {  	s1 =	sld [smem:$0x3F86];
	s0 =	simm.s32 @p0 $0x1  }
0x13: {  	[smem:$0x3FA1] =	sst s0;
	s0 =	simm.s32 @!p1 $0x0  }
0x14: {  	s2 =	sld [smem:$0x3F85];
	s0 =	simm.s32 @p1 $0x1  }
0x15: {  	[smem:$0x3FA2] =	sst s0;
	s0 =	simm.s32 @!p2 $0x0  }
0x16: {  	s3 =	sld [smem:$0x3FDB];
	s0 =	simm.s32 @p2 $0x1  }
0x17: {  	s4 =	simm.s32 $0x1BF5;
	[smem:$0x3FA4] =	sst s0  }
0x18: {  	s0 =	sld [smem:$0x3F87];
	_ =	swait.ge [sflag:s4], $0x0  }
0x19: {  	s7 =	sld [smem:$0x3F88]  }
0x1a: {  	s8 =	sadd.s32 $0xFFFFE003, lr  }
0x1b: {  	s9 =	sadd.s32 $0xFFFFFEF7, lr;
	s5 =	simm.s32 $0xFFFFFFFF;
	p2 =	slt.u32 s8, $0xFFFFF086  }
0x1c: {  	p1 =	slt.u32 s9, $0xF7A;
	s5 =	simm.s32 @!p2 $0x0  }
0x1d: {  	s5 =	simm.s32 @p1 $0x1;
	p0 =	seq.s32 s7, s2  }
0x1e: {  	s7 =	smul.u32 @!p0 $0xF7A, s2;
	p2 =	seq.s32 @!p0 s5, $0x0  }
0x1f: {  	s9 =	smul.u32 $0xF7A, s1;
	s8 =	simm.s32 @!p0 $0x1BF5;
	p2 =	por !p2, p0  }
0x20: {  	[sflag:s8] =	ssyncset.s32 @!p0 $0xFFFFF086;
	s6 =	sadd.s32 @!p0 s3, s7;
	s7 =	simm.s32 @!p0 $0x108  }
0x21: {  	s3 =	sadd.s32 s3, s9;
	s6 =	sadd.s32 @!p0 $0x88, s6;
	s7 =	simm.s32 @p2 $0x1082  }
0x22: {  	[simem:s7], [sflag:s8] =	dma.local @!p0 [hbm:s6], $0xF7A  }
0x23: {  	s9 =	sor.u32 $0xD0000000, s2;
	s6 =	simm.s32 $0x108;
	_ =	swait.ge @!p0 [sflag:s8], $0x0  }
0x24: {  	s3 =	sadd.s32 $0x88, s3;
	s6 =	simm.s32 @!p1 $0x1082;
	[sflag:s4] =	ssyncset.s32 $0xFFFFF086  }
0x25: {  	[simem:s6], [sflag:s4] =	dma.local [hbm:s3], $0xF7A  }
0x26: {  	[smem:$0x3F88] =	sst s1;
	(tag) =	ssettag s2;
	_ =	strace s9  }
0x27: {  	s1 =	sld [smem:$0x3F98]  }
0x28: {  	s2 =	sld [smem:$0x3F99]  }
0x29: {  	s4 =	sld [smem:$0x3F9B]  }
0x2a: {  	p0 =	seq.s32 s5, $0x0;
	s5 =	sld [smem:$0x3F9C]  }
0x2b: {  	s6 =	sld [smem:$0x3F9D]  }
0x2c: {  	s7 =	sld [smem:$0x3F9E]  }
0x2d: {  	s3 =	simm.s32 $0x108;
	s8 =	sld [smem:$0x3F9F]  }
0x2e: {  	s3 =	simm.s32 @!p0 $0x1082;
	s9 =	sld [smem:$0x3FA0]  }
0x2f: {  	lr =	sadd.s32 s0, s3;
	s0 =	sld [smem:$0x3F97]  }
0x30: {  	s3 =	sld [smem:$0x3F9A]  }
0x31: {  	[smem:$0x3FA3] =	sst s10  }
0x32: {  	s10 =	sld [smem:$0x3FA1];
	_ =	sdelay $0x3  }
0x33: {  	p0 =	seq.s32 s10, $0x1;
	s10 =	sld [smem:$0x3FA3];
	_ =	sdelay $0x3  }
0x34: {  	[smem:$0x3FA3] =	sst s10  }
0x35: {  	s10 =	sld [smem:$0x3FA2];
	_ =	sdelay $0x3  }
0x36: {  	p1 =	seq.s32 s10, $0x1;
	s10 =	sld [smem:$0x3FA3];
	_ =	sdelay $0x3  }
0x37: {  	[smem:$0x3FA3] =	sst s10  }
0x38: {  	s10 =	sld [smem:$0x3FA4]  }
0x39: {  	_ = 	snop;
	(pc) =	sbr.ind lr, $3  }
0x3a: {  	_ = 	snop  }
0x3b: {  	_ = 	snop  }
0x3c: {  	p2 =	seq.s32 s10, $0x1;
	s10 =	sld [smem:$0x3FA3]  }
0x3d: {  	_ =	shalt  }
0x3e: {  	_ =	shalt  }
0x3f: {  	_ =	shalt  }
0x40: {  	_ =	shalt  }
0x41: {  	_ =	shalt  }
0x42: {  	_ =	shalt  }
0x43: {  	_ =	shalt  }
0x44: {  	_ =	shalt  }
0x45: {  	_ =	shalt  }
0x46: {  	_ =	shalt  }
0x47: {  	_ =	shalt  }
0x48: {  	_ =	shalt  }
0x49: {  	_ =	shalt  }
0x4a: {  	_ =	shalt  }
0x4b: {  	_ =	shalt  }
0x4c: {  	_ =	shalt  }
0x4d: {  	_ =	shalt  }
0x4e: {  	_ =	shalt  }
0x4f: {  	_ =	shalt  }
0x50: {  	_ =	shalt  }
0x51: {  	_ =	shalt  }
0x52: {  	_ =	shalt  }
0x53: {  	_ =	shalt  }
0x54: {  	_ =	shalt  }
0x55: {  	_ =	shalt  }
0x56: {  	_ =	shalt  }
0x57: {  	_ =	shalt  }
0x58: {  	_ =	shalt  }
0x59: {  	_ =	shalt  }
0x5a: {  	_ =	shalt  }
0x5b: {  	_ =	shalt  }
0x5c: {  	_ =	shalt  }
0x5d: {  	_ =	shalt  }
0x5e: {  	_ =	shalt  }
0x5f: {  	_ =	shalt  }
0x60: {  	_ =	shalt  }
0x61: {  	_ =	shalt  }
0x62: {  	_ =	shalt  }
0x63: {  	_ =	shalt  }
0x64: {  	_ =	shalt  }
0x65: {  	_ =	shalt  }
0x66: {  	_ =	shalt  }
0x67: {  	_ =	shalt  }
0x68: {  	_ =	shalt  }
0x69: {  	_ =	shalt  }
0x6a: {  	_ =	shalt  }
0x6b: {  	_ =	shalt  }
0x6c: {  	_ =	shalt  }
0x6d: {  	_ =	shalt  }
0x6e: {  	_ =	shalt  }
0x6f: {  	_ =	shalt  }
0x70: {  	_ =	shalt  }
0x71: {  	_ =	shalt  }
0x72: {  	_ =	shalt  }
0x73: {  	_ =	shalt  }
0x74: {  	_ =	shalt  }
0x75: {  	_ =	shalt  }
0x76: {  	_ =	shalt  }
0x77: {  	_ =	shalt  }
0x78: {  	_ =	shalt  }
0x79: {  	_ =	shalt  }
0x7a: {  	_ =	shalt  }
0x7b: {  	_ =	shalt  }
0x7c: {  	_ =	shalt  }
0x7d: {  	_ =	shalt  }
0x7e: {  	_ =	shalt  }
0x7f: {  	_ =	shalt  }
0x80: {  	_ =	shalt  }
0x81: {  	_ =	shalt  }
0x82: {  	_ =	shalt  }
0x83: {  	_ =	shalt  }
0x84: {  	_ =	shalt  }
0x85: {  	_ =	shalt  }
0x86: {  	_ =	shalt  }
0x87: {  	_ =	shalt  }
.Lfunc_end0:
.L_simem_size_0:
called_computation.4_lowered:
.L_overlay_start_0:
0x88: {  	s2 =	sld [smem:$0x3FD9]  }
0x89: {  	s3 =	sld [smem:$0x3FFE];
	_ =	sdelay $0x1  }
0x8a: {  	s1 =	srdreg.scid  }
0x8b: {  	s0 =	sand.u32 $0x1, s1  }
0x8c: {  	s17 =	sshll.u32 s0, $0xA;
	s2 =	sadd.s32 s3, s2  }
0x8d: {  	s2 =	sadd.s32 s2, s17  }
0x8e: {  	[smem:$0x3FAF] =	sst s2  }
0x8f: {  	_ = 	snop  }
0x90: {  	s2 =	sld [smem:$0x3FD0];
	(tm) =	ssettm $0x1  }
0x91: {  	s18 =	sld [smem:$0x3FFB];
	_ =	sdelay $0x3  }
0x92: {  	_ =	strace s18  }
0x93: {  	s3 =	sld [smem:$0x3FFC];
	_ =	sdelay $0x3  }
0x94: {  	_ =	strace s3  }
0x95: {  	s3 =	sld [smem:$0x3FFD];
	_ =	sdelay $0x3  }
0x96: {  	_ =	strace s3  }
0x97: {  	_ =	strace $0x8FFFFFFF  }
0x98: {  	s19 =	sld [smem:$0x3FDB];
	_ =	sdelay $0x1  }
0x99: {  	s4 =	simm.s32 $_scs_section_size  }
0x9a: {  	s5 =	simm.s32 $_size__tile_overlayer_lowered;
	s6 =	simm.s32 $_tile_overlayer_lowered  }
0x9b: {  	s22 =	simm.s32 $0x1BFF;
	s21 =	sshll.u32 s6, $0x1;
	s3 =	sadd.s32 s4, s19  }
0x9c: {  	s7 =	simm.s32 $0x0;
	s20 =	sshll.u32 s5, $0x1;
	s5 =	sadd.s32 s21, s3  }
0x9d: {  	[timem:s7], [sflag:s22] =	dma.local [hbm:s5], s20  }
0x9e: {  	_ =	swait.ge [sflag:s22], s20  }
0x9f: {  	s4 =	ssub.s32 $0x0, s20;
	[sflag:s22] =	ssyncset.done $0x0  }
0xa0: {  	[sflag:s22] =	ssyncadd.s32 s4;
	_ =	sdelay $0x1  }
0xa1: {  	s23 =	simm.s32 $0x1B8B  }
0xa2: {  	_ =	swait.ge [sflag:s23], $0x1  }
0xa3: {  	[sflag:s23] =	ssyncset.done $0x0  }
0xa4: {  	s25 =	simm.s32 $0x1B8E;
	s24 =	sld [smem:$0x3FFE];
	[sflag:s23] =	ssyncadd.s32 $0xFFFFFFFF  }
0xa5: {  	s26 =	simm.s32 $execute0_lowered;
	[smem:$0x3FD2] =	sst s25  }
0xa6: {  	s5 =	sshll.u32 s26, $0x1;
	_ =	strace $0x80000052;
	[dreg:$0x1] =	wrdreg $0xFFFFFFFF  }
0xa7: {  	s28 =	simm.s32 $_size_execute0_lowered;
	s3 =	sadd.s32 s3, s5;
	[dreg:$0x0] =	wrdreg $0x0  }
0xa8: {  	s5 =	sshll.u32 s28, $0x1;
	[dreg:$0x2] =	wrdreg s3  }
0xa9: {  	[dreg:$0x3] =	wrdreg s5  }
0xaa: {  	[dreg:$0x4] =	wrdreg $0xC0  }
0xab: {  	_ =	task [dreg:s7], $0x5FFFF  }
0xac: {  	[dreg:$0x1] =	wrdreg $0xFFFFFFFF  }
0xad: {  	[dreg:$0x0] =	wrdreg $0x60  }
0xae: {  	[dreg:$0x2] =	wrdreg s24  }
0xaf: {  	[dreg:$0x3] =	wrdreg s2  }
0xb0: {  	[dreg:$0x4] =	wrdreg $0x68800  }
0xb1: {  	[dreg:$0x5] =	wrdreg $0x9  }
0xb2: {  	_ =	task.clear_ibuf [dreg:s7], $0x6FFFF;
	_ =	strace $0x90000052  }
0xb3: {  	s29 =	simm.s32 $0x9;
	_ =	strace $0x80000054  }
0xb4: {  	_ =	swait.ge [sflag:s29], $0x1  }
0xb5: {  	[sflag:s29] =	ssyncadd.s32 $0xFFFFFFFF  }
0xb6: {  	_ =	strace $0x90000054  }
0xb7: {  	_ =	sfence  }
0xb8: {  	s30 =	sld [smem:$0x0];
	_ =	sdelay $0x2  }
0xb9: {  	s31 =	sshll.u32 s1, $0xD;
	s1 =	sshrl.u32 s1, $0x2  }
0xba: {  	s3 =	sand.u32 $0x4000, s31;
	s1 =	sadd.s32 s1, s30  }
0xbb: {  	s0 =	sor.u32 s3, s0;
	s1 =	sshll.u32 s1, $0x11  }
0xbc: {  	s0 =	sor.u32 s1, s0  }
0xbd: {  	s0 =	sadd.s32 $0x8F2B, s0  }
0xbe: {  	[sflag:s0] =	ssyncadd.remote.s32 $0x1  }
0xbf: {  	_ =	sfence.sel $0xFFFF  }
0xc0: {  	[dreg:$0x0] =	wrdreg $0xFFFFFFFF;
	(pc) =	sbr.abs _section_cstart, $3  }
0xc1: {  	[dreg:$0x1] =	wrdreg $0xFFFFFFFF  }
0xc2: {  	_ =	task.clear_ibuf [dreg:s7], $0x2FFFF;
	_ =	strace $0x9FFFFFFF  }
0xc3: {  	(tm) =	ssettm $0x7FFFFFFF  }
tec
execute0_lowered:
.L_overlay_start_1:
0x0: {  	(tag) =	ssettag $0x1  }
0x1: {  	s8 =	rddreg [dreg:$0x0]  }
0x2: {  	s10 =	rddreg [dreg:$0x1]  }
0x3: {  	s1 =	rddreg [dreg:$0x2]  }
0x4: {  	s2 =	srdreg.scid;
	s0 =	rddreg [dreg:$0x3];
	s3 =	simm.s32 $0x0  }
0x5: {  	s17 =	simm.s32 $0x1;
	s18 =	simm.s32 $0x80;
	s19 =	simm.s32 $0x2800  }
0x6: {  	s20 =	simm.s32 $0x0;
	s9 =	sand.u32 $0x1, s2;
	s2 =	stileid.u32  }
0x7: {  	[smem:$0x7FF] =	sst s3;
	s4 =	sadd.s32 $0x33600, s8;
	s11 =	smul.u32 $0x140000, s9  }
0x8: {  	s5 =	sadd.s32 $0x9000, s8;
	s6 =	sadd.s32 $0x81800, s8;
	s12 =	smul.u32 $0x14000, s2  }
0x9: {  	s7 =	sadd.s32 $0x22000, s8;
	_ =	strace $0x80000053;
	s13 =	smul.u32 $0x50000, s2  }
0xa: {  	s25 =	ssub.s32 $0x2, s9;
	s28 =	smul.u32 $0x64000, s9;
	s30 =	sshll.u32 s2, $0x6  }
0xb: {  	s31 =	sshll.u32 s2, $0x4;
	s26 =	sshrl.u32 s25, $0x1;
	s9 =	sor.u32 $0x1C02, s30  }
.Ltmp0:
0xc: {  	s10 =	sadd.s32 s10, s31;
	s11 =	sadd.s32 s12, s11;
	(pc) =	sbr.rel .LBB2_1-.Ltmp0, $4  }
0xd: {  	s15 =	ssub.s32 s25, s26;
	s29 =	sshrl.u32 s13, $0x2;
	s11 =	sshrl.u32 s11, $0x3  }
0xe: {  	s16 =	sadd.s32 s29, s1;
	s14 =	sadd.s32 s11, s8;
	s8 =	smul.u32 $0x6400, s2  }
0xf: {  	s13 =	smax.u32 s15, $0x1;
	s15 =	simm.s32 $0x2;
	s12 =	sadd.s32 $0x8E000, s14  }
0x10: {  	s14 =	sshrl.u32 s16, $0x3;
	s16 =	simm.s32 $0x6800;
	s11 =	sadd.s32 s28, s8  }
.LBB2_7:
0x11: {  	s20 =	sadd.s32 $0x1, s20  }
0x12: {  	p0 =	sne.s32 s20, s13  }
.Ltmp1:
0x13: {  	[bflag:$0x0] =	sbarrier.arrive $0xFFFF;
	(pc) =	sbr.rel @!p0 .LBB2_8-.Ltmp1, $4  }
0x14: {  	[hbm:s12], [sflag:s9] =	dma.local [spmem:s14], $0x2800  }
0x15: {  	_ =	swait.ge [sflag:s15], $0x2800  }
0x16: {  	[sflag:s15] =	ssyncset.done $0x0  }
0x17: {  	[sflag:s15] =	ssyncadd.s32 $0xFFFFD800  }
.LBB2_1:
0x18: {  	[spmem:s14], [sflag:s9] =	dma.local [hbm:s7], $0x2800  }
0x19: {  	_ =	swait.ge [sflag:s15], $0x2800  }
0x1a: {  	[sflag:s15] =	ssyncset.done $0x0  }
0x1b: {  	[sflag:s15] =	ssyncadd.s32 $0xFFFFD800  }
0x1c: {  	[tilespmem:s16], [sflag:$0x2] =	stream.linear.gather [hbm4b:s10+s3], $0x80, $0x38;
	[tilespmem:$0x1A880] =	vst v63  }
0x1d: {  	_ =	swait.ge [sflag:s15], $0x80  }
0x1e: {  	[sflag:s15] =	ssyncset.done $0x0  }
0x1f: {  	[sflag:s15] =	ssyncadd.s32 $0xFFFFFF80  }
0x20: {  	[bflag:$0x0] =	sbarrier.arrive $0xFFFF  }
0x21: {  	v0 =	vld [tilespmem:$0x6800];
	_ =	sdelay $0x4  }
0x22: {  	(v2sf) =	vpush v0, $0x0;
	_ =	sdelay $0xe  }
0x23: {  	s21 =	spop (v2sf)  }
0x24: {  	s22 =	sadd.s32 $0x27, s21  }
0x25: {  	s23 =	smulhi.u32 $0x66666667, s22;
	s24 =	sshra.s32 s22, $0x1F  }
0x26: {  	s24 =	smul.u32 $0x66666667, s24;
	_ =	sdelay $0x1  }
0x27: {  	s23 =	sadd.s32 s24, s23  }
0x28: {  	s24 =	sshrl.u32 s23, $0x1F;
	s23 =	sshra.s32 s23, $0x4  }
0x29: {  	s23 =	sadd.s32 s24, s23  }
0x2a: {  	s24 =	smul.u32 $0xFFFFFFD8, s23  }
0x2b: {  	s25 =	ssub.s32 $0xFFFFFFD9, s21  }
0x2c: {  	p0 =	slt.s32 s22, $0x1;
	p1 =	sne.s32 s24, s25  }
0x2d: {  	p0 =	por !p0, !p1  }
0x2e: {  	s22 =	simm.s32 $0x1;
	p0 =	por !p0, !p0  }
0x2f: {  	s22 =	simm.s32 @!p0 $0x0  }
0x30: {  	s22 =	ssub.s32 s23, s22  }
0x31: {  	p0 =	slt.s32 s22, $0x1  }
.Ltmp2:
0x32: {  	_ = 	snop;
	(pc) =	sbr.rel @!p0 .LBB2_2-.Ltmp2, $4  }
.Ltmp3:
0x33: {  	_ = 	snop;
	(pc) =	sbr.rel @p0 .LBB2_7-.Ltmp3, $4  }
0x34: {  	_ = 	snop  }
0x35: {  	_ = 	snop  }
0x36: {  	s24 =	simm.s32 $0x0;
	s23 =	smov.u32 s21  }
0x37: {  	_ = 	snop  }
.LBB2_5:
0x38: {  	[sflag:s15] =	ssyncadd.s32 $0xFFFFC000  }
.LBB2_6:
0x39: {  	s24 =	sadd.s32 $0x1, s24  }
0x3a: {  	p0 =	sne.s32 s24, s22  }
.Ltmp4:
0x3b: {  	_ = 	snop;
	(pc) =	sbr.rel @!p0 .LBB2_7-.Ltmp4, $2  }
0x3c: {  	_ =	sdelay $0x2  }
0x3d: {  	s23 =	sadd.s32 $0xFFFFFFD8, s23  }
.LBB2_2:
0x3e: {  	s26 =	smul.u32 $0x1400, s24;
	_ =	sdelay $0x1  }
0x3f: {  	s25 =	sadd.s32 s11, s26  }
0x40: {  	s31 =	smul.u32 $0xFFFFFFD8, s24;
	s25 =	sshrl.u32 s25, $0x3  }
0x41: {  	s26 =	sadd.s32 s8, s26;
	s28 =	sadd.s32 s5, s25;
	s25 =	simm.s32 $0x0  }
0x42: {  	[tilespmem:s25], [sflag:$0x2] =	stream.linear.gather [hbm4b:s28+s25], $0x1400, $0x38;
	[tilespmem:$0x1A880] =	vst v63  }
0x43: {  	s26 =	sshrl.u32 s26, $0x3;
	s28 =	sadd.s32 s21, s31;
	_ =	swait.ge [sflag:s15], $0x1400  }
0x44: {  	s29 =	sadd.s32 s6, s26;
	p0 =	slt.s32 s28, $0x1;
	[sflag:s15] =	ssyncset.done $0x0  }
.Ltmp5:
0x45: {  	s26 =	simm.s32 $0x1400;
	[sflag:s15] =	ssyncadd.s32 $0xFFFFEC00;
	(pc) =	sbr.rel @p0 .LBB2_6-.Ltmp5, $4  }
0x46: {  	[tilespmem:s26], [sflag:$0x2] =	stream.linear.gather [hbm4b:s29+s25], $0x1400, $0x38;
	[tilespmem:$0x1A880] =	vst v63  }
0x47: {  	_ =	swait.ge [sflag:s15], $0x1400  }
0x48: {  	[sflag:s15] =	ssyncset.done $0x0  }
0x49: {  	[sflag:s15] =	ssyncadd.s32 $0xFFFFEC00  }
0x4a: {  	[tilespmem:s19], [sflag:$0x1] =	stream.indirect.gather [hbm4b:s4+s18], $0x80, s25, s18, $0xb8;
	[tilespmem:$0x1A880] =	vst v63  }
0x4b: {  	p0 =	sgt.s32 s23, $0x1;
	s28 =	smov.u32 s23  }
0x4c: {  	s28 =	simm.s32 @!p0 $0x1  }
0x4d: {  	s28 =	smin.u32 s28, $0x28  }
0x4e: {  	_ =	swait.ge [sflag:s17], $0x4000;
	p0 =	sne.s32 s28, $0x1  }
.Ltmp6:
0x4f: {  	[sflag:s17] =	ssyncset.done $0x0;
	(pc) =	sbr.rel @!p0 .LBB2_5-.Ltmp6, $4  }
0x50: {  	[sflag:s17] =	ssyncadd.s32 $0xFFFFC000  }
0x51: {  	[spmem:s1] =	stream.indirect.scatter.add.f32 [tilespmem:s19], [sflag:$0x2], $0x80, s26, s18, $0xb8;
	[tilespmem:$0x1A880] =	vst v63  }
0x52: {  	_ =	swait.ge [sflag:s15], $0x4000  }
0x53: {  	s28 =	sadd.s32 $0xFFFFFFFF, s28;
	[sflag:s15] =	ssyncset.done $0x0  }
.LBB2_4:
0x54: {  	[sflag:s15] =	ssyncadd.s32 $0xFFFFC000;
	s25 =	sadd.s32 $0x80, s25;
	s26 =	sadd.s32 $0x80, s26  }
0x55: {  	[tilespmem:s19], [sflag:$0x1] =	stream.indirect.gather [hbm4b:s4+s18], $0x80, s25, s18, $0xb8;
	[tilespmem:$0x1A880] =	vst v63  }
0x56: {  	p0 =	sne.s32 s28, $0x1;
	s28 =	sadd.s32 $0xFFFFFFFF, s28;
	_ =	swait.ge [sflag:s17], $0x4000  }
.Ltmp7:
0x57: {  	[sflag:s17] =	ssyncset.done $0x0;
	(pc) =	sbr.rel @p0 .LBB2_4-.Ltmp7, $4  }
0x58: {  	[sflag:s17] =	ssyncadd.s32 $0xFFFFC000  }
0x59: {  	[spmem:s1] =	stream.indirect.scatter.add.f32 [tilespmem:s19], [sflag:$0x2], $0x80, s26, s18, $0xb8;
	[tilespmem:$0x1A880] =	vst v63  }
0x5a: {  	_ =	swait.ge [sflag:s15], $0x4000  }
0x5b: {  	[sflag:s15] =	ssyncset.done $0x0  }
.Ltmp8:
0x5c: {  	_ = 	snop;
	(pc) =	sbr.rel .LBB2_5-.Ltmp8, $1  }
0x5d: {  	_ =	sdelay $0x3  }
.LBB2_8:
0x5e: {  	_ =	sfence.sel $0x180000  }
0x5f: {  	[bflag:$0x0] =	sbarrier.arrive $0xFFFF  }
0x60: {  	p0 =	sne.s32 s2, $0x0;
	_ =	strace $0x90000053  }
0x61: {  	s0 =	sadd.s32 @!p0 $0x100000, s0;
	[bflag:$0x2] =	sbarrier.arrive $0xFFFF  }
0x62: {  	[sflag:s0] =	ssyncadd.tile.s32 @!p0 $0x1;
	_ =	shalt  }
.Lfunc_end2:
_tile_overlayer_lowered:
.L_overlay_start_2:
0x63: {  	(tag) =	ssettag $0x2  }
0x64: {  	s0 =	rddreg [dreg:$0x0];
	s2 =	stileid.u32  }
0x65: {  	s1 =	rddreg [dreg:$0x1];
	p0 =	sne.s32 s2, $0x0  }
0x66: {  	s3 =	rddreg [dreg:$0x2];
	[bflag:$0x3] =	sbarrier.arrive $0xFFFF;
	s2 =	simm.s32 @!p0 $0x1C02  }
0x67: {  	[timem:s3], [sflag:s2] =	dma.local @!p0 [hbm:s0], s1  }
0x68: {  	s0 =	simm.s32 @!p0 $0x2  }
0x69: {  	_ =	swait.ge @!p0 [sflag:s0], s1  }
0x6a: {  	s1 =	ssub.s32 @!p0 $0x0, s1;
	[sflag:s0] =	ssyncset.done @!p0 $0x0  }
0x6b: {  	[sflag:s0] =	ssyncadd.s32 @!p0 s1  }
0x6c: {  	[bflag:$0x3] =	sbarrier.arrive $0xFFFF  }
0x6d: {  	_ =	shalt  }

// kernel: kernel.14.cloned.1.call-start
scs
__scs_entry_jumppad:
0x0: {  	(pc) =	sbr.rel $0x88, $3  }
0x1: {  	(tag) =	ssettag $0x0;
	lr =	simm.s32 $0x1  }
0x2: {  	[smem:$0x3F88] =	sst lr;
	_ =	strace $0xD0000000  }
0x3: {  	_ = 	snop  }
0x4: {  	_ = 	snop  }
0x5: {  	_ = 	snop  }
0x6: {  	_ = 	snop  }
0x7: {  	_ = 	snop  }
__scs_overlays_trampoline_lowered:
0x8: {  	[smem:$0x3F97] =	sst s0  }
0x9: {  	[smem:$0x3F98] =	sst s1  }
0xa: {  	[smem:$0x3F99] =	sst s2  }
0xb: {  	[smem:$0x3F9A] =	sst s3  }
0xc: {  	[smem:$0x3F9B] =	sst s4  }
0xd: {  	[smem:$0x3F9C] =	sst s5  }
0xe: {  	[smem:$0x3F9D] =	sst s6  }
0xf: {  	[smem:$0x3F9E] =	sst s7  }
0x10: {  	[smem:$0x3F9F] =	sst s8  }
0x11: {  	[smem:$0x3FA0] =	sst s9;
	s0 =	simm.s32 @!p0 $0x0  }
0x12: {  	s1 =	sld [smem:$0x3F86];
	s0 =	simm.s32 @p0 $0x1  }
0x13: {  	[smem:$0x3FA1] =	sst s0;
	s0 =	simm.s32 @!p1 $0x0  }
0x14: {  	s2 =	sld [smem:$0x3F85];
	s0 =	simm.s32 @p1 $0x1  }
0x15: {  	[smem:$0x3FA2] =	sst s0;
	s0 =	simm.s32 @!p2 $0x0  }
0x16: {  	s3 =	sld [smem:$0x3FDB];
	s0 =	simm.s32 @p2 $0x1  }
0x17: {  	s4 =	simm.s32 $0x1BF5;
	[smem:$0x3FA4] =	sst s0  }
0x18: {  	s0 =	sld [smem:$0x3F87];
	_ =	swait.ge [sflag:s4], $0x0  }
0x19: {  	s7 =	sld [smem:$0x3F88]  }
0x1a: {  	s8 =	sadd.s32 $0xFFFFE003, lr  }
0x1b: {  	s9 =	sadd.s32 $0xFFFFFEF7, lr;
	s5 =	simm.s32 $0xFFFFFFFF;
	p2 =	slt.u32 s8, $0xFFFFF086  }
0x1c: {  	p1 =	slt.u32 s9, $0xF7A;
	s5 =	simm.s32 @!p2 $0x0  }
0x1d: {  	s5 =	simm.s32 @p1 $0x1;
	p0 =	seq.s32 s7, s2  }
0x1e: {  	s7 =	smul.u32 @!p0 $0xF7A, s2;
	p2 =	seq.s32 @!p0 s5, $0x0  }
0x1f: {  	s9 =	smul.u32 $0xF7A, s1;
	s8 =	simm.s32 @!p0 $0x1BF5;
	p2 =	por !p2, p0  }
0x20: {  	[sflag:s8] =	ssyncset.s32 @!p0 $0xFFFFF086;
	s6 =	sadd.s32 @!p0 s3, s7;
	s7 =	simm.s32 @!p0 $0x108  }
0x21: {  	s3 =	sadd.s32 s3, s9;
	s6 =	sadd.s32 @!p0 $0x88, s6;
	s7 =	simm.s32 @p2 $0x1082  }
0x22: {  	[simem:s7], [sflag:s8] =	dma.local @!p0 [hbm:s6], $0xF7A  }
0x23: {  	s9 =	sor.u32 $0xD0000000, s2;
	s6 =	simm.s32 $0x108;
	_ =	swait.ge @!p0 [sflag:s8], $0x0  }
0x24: {  	s3 =	sadd.s32 $0x88, s3;
	s6 =	simm.s32 @!p1 $0x1082;
	[sflag:s4] =	ssyncset.s32 $0xFFFFF086  }
0x25: {  	[simem:s6], [sflag:s4] =	dma.local [hbm:s3], $0xF7A  }
0x26: {  	[smem:$0x3F88] =	sst s1;
	(tag) =	ssettag s2;
	_ =	strace s9  }
0x27: {  	s1 =	sld [smem:$0x3F98]  }
0x28: {  	s2 =	sld [smem:$0x3F99]  }
0x29: {  	s4 =	sld [smem:$0x3F9B]  }
0x2a: {  	p0 =	seq.s32 s5, $0x0;
	s5 =	sld [smem:$0x3F9C]  }
0x2b: {  	s6 =	sld [smem:$0x3F9D]  }
0x2c: {  	s7 =	sld [smem:$0x3F9E]  }
0x2d: {  	s3 =	simm.s32 $0x108;
	s8 =	sld [smem:$0x3F9F]  }
0x2e: {  	s3 =	simm.s32 @!p0 $0x1082;
	s9 =	sld [smem:$0x3FA0]  }
0x2f: {  	lr =	sadd.s32 s0, s3;
	s0 =	sld [smem:$0x3F97]  }
0x30: {  	s3 =	sld [smem:$0x3F9A]  }
0x31: {  	[smem:$0x3FA3] =	sst s10  }
0x32: {  	s10 =	sld [smem:$0x3FA1];
	_ =	sdelay $0x3  }
0x33: {  	p0 =	seq.s32 s10, $0x1;
	s10 =	sld [smem:$0x3FA3];
	_ =	sdelay $0x3  }
0x34: {  	[smem:$0x3FA3] =	sst s10  }
0x35: {  	s10 =	sld [smem:$0x3FA2];
	_ =	sdelay $0x3  }
0x36: {  	p1 =	seq.s32 s10, $0x1;
	s10 =	sld [smem:$0x3FA3];
	_ =	sdelay $0x3  }
0x37: {  	[smem:$0x3FA3] =	sst s10  }
0x38: {  	s10 =	sld [smem:$0x3FA4]  }
0x39: {  	_ = 	snop;
	(pc) =	sbr.ind lr, $3  }
0x3a: {  	_ = 	snop  }
0x3b: {  	_ = 	snop  }
0x3c: {  	p2 =	seq.s32 s10, $0x1;
	s10 =	sld [smem:$0x3FA3]  }
0x3d: {  	_ =	shalt  }
0x3e: {  	_ =	shalt  }
0x3f: {  	_ =	shalt  }
0x40: {  	_ =	shalt  }
0x41: {  	_ =	shalt  }
0x42: {  	_ =	shalt  }
0x43: {  	_ =	shalt  }
0x44: {  	_ =	shalt  }
0x45: {  	_ =	shalt  }
0x46: {  	_ =	shalt  }
0x47: {  	_ =	shalt  }
0x48: {  	_ =	shalt  }
0x49: {  	_ =	shalt  }
0x4a: {  	_ =	shalt  }
0x4b: {  	_ =	shalt  }
0x4c: {  	_ =	shalt  }
0x4d: {  	_ =	shalt  }
0x4e: {  	_ =	shalt  }
0x4f: {  	_ =	shalt  }
0x50: {  	_ =	shalt  }
0x51: {  	_ =	shalt  }
0x52: {  	_ =	shalt  }
0x53: {  	_ =	shalt  }
0x54: {  	_ =	shalt  }
0x55: {  	_ =	shalt  }
0x56: {  	_ =	shalt  }
0x57: {  	_ =	shalt  }
0x58: {  	_ =	shalt  }
0x59: {  	_ =	shalt  }
0x5a: {  	_ =	shalt  }
0x5b: {  	_ =	shalt  }
0x5c: {  	_ =	shalt  }
0x5d: {  	_ =	shalt  }
0x5e: {  	_ =	shalt  }
0x5f: {  	_ =	shalt  }
0x60: {  	_ =	shalt  }
0x61: {  	_ =	shalt  }
0x62: {  	_ =	shalt  }
0x63: {  	_ =	shalt  }
0x64: {  	_ =	shalt  }
0x65: {  	_ =	shalt  }
0x66: {  	_ =	shalt  }
0x67: {  	_ =	shalt  }
0x68: {  	_ =	shalt  }
0x69: {  	_ =	shalt  }
0x6a: {  	_ =	shalt  }
0x6b: {  	_ =	shalt  }
0x6c: {  	_ =	shalt  }
0x6d: {  	_ =	shalt  }
0x6e: {  	_ =	shalt  }
0x6f: {  	_ =	shalt  }
0x70: {  	_ =	shalt  }
0x71: {  	_ =	shalt  }
0x72: {  	_ =	shalt  }
0x73: {  	_ =	shalt  }
0x74: {  	_ =	shalt  }
0x75: {  	_ =	shalt  }
0x76: {  	_ =	shalt  }
0x77: {  	_ =	shalt  }
0x78: {  	_ =	shalt  }
0x79: {  	_ =	shalt  }
0x7a: {  	_ =	shalt  }
0x7b: {  	_ =	shalt  }
0x7c: {  	_ =	shalt  }
0x7d: {  	_ =	shalt  }
0x7e: {  	_ =	shalt  }
0x7f: {  	_ =	shalt  }
0x80: {  	_ =	shalt  }
0x81: {  	_ =	shalt  }
0x82: {  	_ =	shalt  }
0x83: {  	_ =	shalt  }
0x84: {  	_ =	shalt  }
0x85: {  	_ =	shalt  }
0x86: {  	_ =	shalt  }
0x87: {  	_ =	shalt  }
.Lfunc_end0:
.L_simem_size_0:
called_computation.5_lowered:
.L_overlay_start_0:
0x88: {  	s2 =	sld [smem:$0x3FD9]  }
0x89: {  	s3 =	sld [smem:$0x3FFE];
	_ =	sdelay $0x1  }
0x8a: {  	s1 =	srdreg.scid  }
0x8b: {  	s0 =	sand.u32 $0x1, s1  }
0x8c: {  	s17 =	sshll.u32 s0, $0xA;
	s2 =	sadd.s32 s3, s2  }
0x8d: {  	s2 =	sadd.s32 s2, s17  }
0x8e: {  	[smem:$0x3FAF] =	sst s2  }
0x8f: {  	_ = 	snop  }
0x90: {  	s2 =	sld [smem:$0x3FD0];
	(tm) =	ssettm $0x1  }
0x91: {  	s18 =	sld [smem:$0x3FFB];
	_ =	sdelay $0x3  }
0x92: {  	_ =	strace s18  }
0x93: {  	s3 =	sld [smem:$0x3FFC];
	_ =	sdelay $0x3  }
0x94: {  	_ =	strace s3  }
0x95: {  	s3 =	sld [smem:$0x3FFD];
	_ =	sdelay $0x3  }
0x96: {  	_ =	strace s3  }
0x97: {  	_ =	strace $0x8FFFFFFF  }
0x98: {  	s19 =	sld [smem:$0x3FDB];
	_ =	sdelay $0x1  }
0x99: {  	s4 =	simm.s32 $_scs_section_size  }
0x9a: {  	s5 =	simm.s32 $_size__tile_overlayer_lowered;
	s6 =	simm.s32 $_tile_overlayer_lowered  }
0x9b: {  	s22 =	simm.s32 $0x1BFF;
	s21 =	sshll.u32 s6, $0x1;
	s3 =	sadd.s32 s4, s19  }
0x9c: {  	s7 =	simm.s32 $0x0;
	s20 =	sshll.u32 s5, $0x1;
	s5 =	sadd.s32 s21, s3  }
0x9d: {  	[timem:s7], [sflag:s22] =	dma.local [hbm:s5], s20  }
0x9e: {  	_ =	swait.ge [sflag:s22], s20  }
0x9f: {  	s4 =	ssub.s32 $0x0, s20;
	[sflag:s22] =	ssyncset.done $0x0  }
0xa0: {  	[sflag:s22] =	ssyncadd.s32 s4;
	_ =	sdelay $0x1  }
0xa1: {  	s23 =	simm.s32 $0x1B8B  }
0xa2: {  	_ =	swait.ge [sflag:s23], $0x1  }
0xa3: {  	[sflag:s23] =	ssyncset.done $0x0  }
0xa4: {  	s25 =	simm.s32 $0x1B8E;
	s24 =	sld [smem:$0x3FFE];
	[sflag:s23] =	ssyncadd.s32 $0xFFFFFFFF  }
0xa5: {  	s26 =	simm.s32 $execute0_lowered;
	[smem:$0x3FD2] =	sst s25  }
0xa6: {  	s5 =	sshll.u32 s26, $0x1;
	_ =	strace $0x80000055;
	[dreg:$0x1] =	wrdreg $0xFFFFFFFF  }
0xa7: {  	s28 =	simm.s32 $_size_execute0_lowered;
	s3 =	sadd.s32 s3, s5;
	[dreg:$0x0] =	wrdreg $0x0  }
0xa8: {  	s5 =	sshll.u32 s28, $0x1;
	[dreg:$0x2] =	wrdreg s3  }
0xa9: {  	[dreg:$0x3] =	wrdreg s5  }
0xaa: {  	[dreg:$0x4] =	wrdreg $0xC0  }
0xab: {  	_ =	task [dreg:s7], $0x5FFFF  }
0xac: {  	[dreg:$0x1] =	wrdreg $0xFFFFFFFF  }
0xad: {  	[dreg:$0x0] =	wrdreg $0x60  }
0xae: {  	[dreg:$0x2] =	wrdreg s24  }
0xaf: {  	[dreg:$0x3] =	wrdreg s2  }
0xb0: {  	[dreg:$0x4] =	wrdreg $0x68800  }
0xb1: {  	[dreg:$0x5] =	wrdreg $0x9  }
0xb2: {  	_ =	task.clear_ibuf [dreg:s7], $0x6FFFF;
	_ =	strace $0x90000055  }
0xb3: {  	s29 =	simm.s32 $0x9;
	_ =	strace $0x80000057  }
0xb4: {  	_ =	swait.ge [sflag:s29], $0x1  }
0xb5: {  	[sflag:s29] =	ssyncadd.s32 $0xFFFFFFFF  }
0xb6: {  	_ =	strace $0x90000057  }
0xb7: {  	_ =	sfence  }
0xb8: {  	s30 =	sld [smem:$0x0];
	_ =	sdelay $0x2  }
0xb9: {  	s31 =	sshll.u32 s1, $0xD;
	s1 =	sshrl.u32 s1, $0x2  }
0xba: {  	s3 =	sand.u32 $0x4000, s31;
	s1 =	sadd.s32 s1, s30  }
0xbb: {  	s0 =	sor.u32 s3, s0;
	s1 =	sshll.u32 s1, $0x11  }
0xbc: {  	s0 =	sor.u32 s1, s0  }
0xbd: {  	s0 =	sadd.s32 $0x8F2B, s0  }
0xbe: {  	[sflag:s0] =	ssyncadd.remote.s32 $0x1  }
0xbf: {  	_ =	sfence.sel $0xFFFF  }
0xc0: {  	[dreg:$0x0] =	wrdreg $0xFFFFFFFF;
	(pc) =	sbr.abs _section_cstart, $3  }
0xc1: {  	[dreg:$0x1] =	wrdreg $0xFFFFFFFF  }
0xc2: {  	_ =	task.clear_ibuf [dreg:s7], $0x2FFFF;
	_ =	strace $0x9FFFFFFF  }
0xc3: {  	(tm) =	ssettm $0x7FFFFFFF  }
tec
execute0_lowered:
.L_overlay_start_1:
0x0: {  	(tag) =	ssettag $0x1  }
0x1: {  	s8 =	rddreg [dreg:$0x0]  }
0x2: {  	s10 =	rddreg [dreg:$0x1]  }
0x3: {  	s1 =	rddreg [dreg:$0x2]  }
0x4: {  	s2 =	srdreg.scid;
	s0 =	rddreg [dreg:$0x3];
	s3 =	simm.s32 $0x0  }
0x5: {  	s17 =	simm.s32 $0x1;
	s18 =	simm.s32 $0x80;
	s19 =	simm.s32 $0x2800  }
0x6: {  	s20 =	simm.s32 $0x0;
	s9 =	sand.u32 $0x1, s2;
	s2 =	stileid.u32  }
0x7: {  	[smem:$0x7FF] =	sst s3;
	s4 =	sadd.s32 $0x24800, s8;
	s11 =	smul.u32 $0x140000, s9  }
0x8: {  	s5 =	sadd.s32 $0x9000, s8;
	s6 =	sadd.s32 $0x81800, s8;
	s12 =	smul.u32 $0x14000, s2  }
0x9: {  	s7 =	sadd.s32 $0x22000, s8;
	_ =	strace $0x80000056;
	s13 =	smul.u32 $0x50000, s2  }
0xa: {  	s25 =	ssub.s32 $0x2, s9;
	s28 =	smul.u32 $0x64000, s9;
	s30 =	sshll.u32 s2, $0x6  }
0xb: {  	s31 =	sshll.u32 s2, $0x4;
	s26 =	sshrl.u32 s25, $0x1;
	s9 =	sor.u32 $0x1C02, s30  }
.Ltmp0:
0xc: {  	s10 =	sadd.s32 s10, s31;
	s11 =	sadd.s32 s12, s11;
	(pc) =	sbr.rel .LBB2_1-.Ltmp0, $4  }
0xd: {  	s15 =	ssub.s32 s25, s26;
	s29 =	sshrl.u32 s13, $0x2;
	s11 =	sshrl.u32 s11, $0x3  }
0xe: {  	s16 =	sadd.s32 s29, s1;
	s14 =	sadd.s32 s11, s8;
	s8 =	smul.u32 $0x6400, s2  }
0xf: {  	s13 =	smax.u32 s15, $0x1;
	s15 =	simm.s32 $0x2;
	s12 =	sadd.s32 $0x8E000, s14  }
0x10: {  	s14 =	sshrl.u32 s16, $0x3;
	s16 =	simm.s32 $0x6800;
	s11 =	sadd.s32 s28, s8  }
.LBB2_7:
0x11: {  	s20 =	sadd.s32 $0x1, s20  }
0x12: {  	p0 =	sne.s32 s20, s13  }
.Ltmp1:
0x13: {  	[bflag:$0x0] =	sbarrier.arrive $0xFFFF;
	(pc) =	sbr.rel @!p0 .LBB2_8-.Ltmp1, $4  }
0x14: {  	[hbm:s12], [sflag:s9] =	dma.local [spmem:s14], $0x2800  }
0x15: {  	_ =	swait.ge [sflag:s15], $0x2800  }
0x16: {  	[sflag:s15] =	ssyncset.done $0x0  }
0x17: {  	[sflag:s15] =	ssyncadd.s32 $0xFFFFD800  }
.LBB2_1:
0x18: {  	[spmem:s14], [sflag:s9] =	dma.local [hbm:s7], $0x2800  }
0x19: {  	_ =	swait.ge [sflag:s15], $0x2800  }
0x1a: {  	[sflag:s15] =	ssyncset.done $0x0  }
0x1b: {  	[sflag:s15] =	ssyncadd.s32 $0xFFFFD800  }
0x1c: {  	[tilespmem:s16], [sflag:$0x2] =	stream.linear.gather [hbm4b:s10+s3], $0x80, $0x38;
	[tilespmem:$0x1A880] =	vst v63  }
0x1d: {  	_ =	swait.ge [sflag:s15], $0x80  }
0x1e: {  	[sflag:s15] =	ssyncset.done $0x0  }
0x1f: {  	[sflag:s15] =	ssyncadd.s32 $0xFFFFFF80  }
0x20: {  	[bflag:$0x0] =	sbarrier.arrive $0xFFFF  }
0x21: {  	v0 =	vld [tilespmem:$0x6800];
	_ =	sdelay $0x4  }
0x22: {  	(v2sf) =	vpush v0, $0x0;
	_ =	sdelay $0xe  }
0x23: {  	s21 =	spop (v2sf)  }
0x24: {  	s22 =	sadd.s32 $0x27, s21  }
0x25: {  	s23 =	smulhi.u32 $0x66666667, s22;
	s24 =	sshra.s32 s22, $0x1F  }
0x26: {  	s24 =	smul.u32 $0x66666667, s24;
	_ =	sdelay $0x1  }
0x27: {  	s23 =	sadd.s32 s24, s23  }
0x28: {  	s24 =	sshrl.u32 s23, $0x1F;
	s23 =	sshra.s32 s23, $0x4  }
0x29: {  	s23 =	sadd.s32 s24, s23  }
0x2a: {  	s24 =	smul.u32 $0xFFFFFFD8, s23  }
0x2b: {  	s25 =	ssub.s32 $0xFFFFFFD9, s21  }
0x2c: {  	p0 =	slt.s32 s22, $0x1;
	p1 =	sne.s32 s24, s25  }
0x2d: {  	p0 =	por !p0, !p1  }
0x2e: {  	s22 =	simm.s32 $0x1;
	p0 =	por !p0, !p0  }
0x2f: {  	s22 =	simm.s32 @!p0 $0x0  }
0x30: {  	s22 =	ssub.s32 s23, s22  }
0x31: {  	p0 =	slt.s32 s22, $0x1  }
.Ltmp2:
0x32: {  	_ = 	snop;
	(pc) =	sbr.rel @!p0 .LBB2_2-.Ltmp2, $4  }
.Ltmp3:
0x33: {  	_ = 	snop;
	(pc) =	sbr.rel @p0 .LBB2_7-.Ltmp3, $4  }
0x34: {  	_ = 	snop  }
0x35: {  	_ = 	snop  }
0x36: {  	s24 =	simm.s32 $0x0;
	s23 =	smov.u32 s21  }
0x37: {  	_ = 	snop  }
.LBB2_5:
0x38: {  	[sflag:s15] =	ssyncadd.s32 $0xFFFFC000  }
.LBB2_6:
0x39: {  	s24 =	sadd.s32 $0x1, s24  }
0x3a: {  	p0 =	sne.s32 s24, s22  }
.Ltmp4:
0x3b: {  	_ = 	snop;
	(pc) =	sbr.rel @!p0 .LBB2_7-.Ltmp4, $2  }
0x3c: {  	_ =	sdelay $0x2  }
0x3d: {  	s23 =	sadd.s32 $0xFFFFFFD8, s23  }
.LBB2_2:
0x3e: {  	s26 =	smul.u32 $0x1400, s24;
	_ =	sdelay $0x1  }
0x3f: {  	s25 =	sadd.s32 s11, s26  }
0x40: {  	s31 =	smul.u32 $0xFFFFFFD8, s24;
	s25 =	sshrl.u32 s25, $0x3  }
0x41: {  	s26 =	sadd.s32 s8, s26;
	s28 =	sadd.s32 s5, s25;
	s25 =	simm.s32 $0x0  }
0x42: {  	[tilespmem:s25], [sflag:$0x2] =	stream.linear.gather [hbm4b:s28+s25], $0x1400, $0x38;
	[tilespmem:$0x1A880] =	vst v63  }
0x43: {  	s26 =	sshrl.u32 s26, $0x3;
	s28 =	sadd.s32 s21, s31;
	_ =	swait.ge [sflag:s15], $0x1400  }
0x44: {  	s29 =	sadd.s32 s6, s26;
	p0 =	slt.s32 s28, $0x1;
	[sflag:s15] =	ssyncset.done $0x0  }
.Ltmp5:
0x45: {  	s26 =	simm.s32 $0x1400;
	[sflag:s15] =	ssyncadd.s32 $0xFFFFEC00;
	(pc) =	sbr.rel @p0 .LBB2_6-.Ltmp5, $4  }
0x46: {  	[tilespmem:s26], [sflag:$0x2] =	stream.linear.gather [hbm4b:s29+s25], $0x1400, $0x38;
	[tilespmem:$0x1A880] =	vst v63  }
0x47: {  	_ =	swait.ge [sflag:s15], $0x1400  }
0x48: {  	[sflag:s15] =	ssyncset.done $0x0  }
0x49: {  	[sflag:s15] =	ssyncadd.s32 $0xFFFFEC00  }
0x4a: {  	[tilespmem:s19], [sflag:$0x1] =	stream.indirect.gather [hbm4b:s4+s18], $0x80, s25, s18, $0xb8;
	[tilespmem:$0x1A880] =	vst v63  }
0x4b: {  	p0 =	sgt.s32 s23, $0x1;
	s28 =	smov.u32 s23  }
0x4c: {  	s28 =	simm.s32 @!p0 $0x1  }
0x4d: {  	s28 =	smin.u32 s28, $0x28  }
0x4e: {  	_ =	swait.ge [sflag:s17], $0x4000;
	p0 =	sne.s32 s28, $0x1  }
.Ltmp6:
0x4f: {  	[sflag:s17] =	ssyncset.done $0x0;
	(pc) =	sbr.rel @!p0 .LBB2_5-.Ltmp6, $4  }
0x50: {  	[sflag:s17] =	ssyncadd.s32 $0xFFFFC000  }
0x51: {  	[spmem:s1] =	stream.indirect.scatter.add.f32 [tilespmem:s19], [sflag:$0x2], $0x80, s26, s18, $0xb8;
	[tilespmem:$0x1A880] =	vst v63  }
0x52: {  	_ =	swait.ge [sflag:s15], $0x4000  }
0x53: {  	s28 =	sadd.s32 $0xFFFFFFFF, s28;
	[sflag:s15] =	ssyncset.done $0x0  }
.LBB2_4:
0x54: {  	[sflag:s15] =	ssyncadd.s32 $0xFFFFC000;
	s25 =	sadd.s32 $0x80, s25;
	s26 =	sadd.s32 $0x80, s26  }
0x55: {  	[tilespmem:s19], [sflag:$0x1] =	stream.indirect.gather [hbm4b:s4+s18], $0x80, s25, s18, $0xb8;
	[tilespmem:$0x1A880] =	vst v63  }
0x56: {  	p0 =	sne.s32 s28, $0x1;
	s28 =	sadd.s32 $0xFFFFFFFF, s28;
	_ =	swait.ge [sflag:s17], $0x4000  }
.Ltmp7:
0x57: {  	[sflag:s17] =	ssyncset.done $0x0;
	(pc) =	sbr.rel @p0 .LBB2_4-.Ltmp7, $4  }
0x58: {  	[sflag:s17] =	ssyncadd.s32 $0xFFFFC000  }
0x59: {  	[spmem:s1] =	stream.indirect.scatter.add.f32 [tilespmem:s19], [sflag:$0x2], $0x80, s26, s18, $0xb8;
	[tilespmem:$0x1A880] =	vst v63  }
0x5a: {  	_ =	swait.ge [sflag:s15], $0x4000  }
0x5b: {  	[sflag:s15] =	ssyncset.done $0x0  }
.Ltmp8:
0x5c: {  	_ = 	snop;
	(pc) =	sbr.rel .LBB2_5-.Ltmp8, $1  }
0x5d: {  	_ =	sdelay $0x3  }
.LBB2_8:
0x5e: {  	_ =	sfence.sel $0x180000  }
0x5f: {  	[bflag:$0x0] =	sbarrier.arrive $0xFFFF  }
0x60: {  	p0 =	sne.s32 s2, $0x0;
	_ =	strace $0x90000056  }
0x61: {  	s0 =	sadd.s32 @!p0 $0x100000, s0;
	[bflag:$0x2] =	sbarrier.arrive $0xFFFF  }
0x62: {  	[sflag:s0] =	ssyncadd.tile.s32 @!p0 $0x1;
	_ =	shalt  }
.Lfunc_end2:
_tile_overlayer_lowered:
.L_overlay_start_2:
0x63: {  	(tag) =	ssettag $0x2  }
0x64: {  	s0 =	rddreg [dreg:$0x0];
	s2 =	stileid.u32  }
0x65: {  	s1 =	rddreg [dreg:$0x1];
	p0 =	sne.s32 s2, $0x0  }
0x66: {  	s3 =	rddreg [dreg:$0x2];
	[bflag:$0x3] =	sbarrier.arrive $0xFFFF;
	s2 =	simm.s32 @!p0 $0x1C02  }
0x67: {  	[timem:s3], [sflag:s2] =	dma.local @!p0 [hbm:s0], s1  }
0x68: {  	s0 =	simm.s32 @!p0 $0x2  }
0x69: {  	_ =	swait.ge @!p0 [sflag:s0], s1  }
0x6a: {  	s1 =	ssub.s32 @!p0 $0x0, s1;
	[sflag:s0] =	ssyncset.done @!p0 $0x0  }
0x6b: {  	[sflag:s0] =	ssyncadd.s32 @!p0 s1  }
0x6c: {  	[bflag:$0x3] =	sbarrier.arrive $0xFFFF  }
0x6d: {  	_ =	shalt  }

// kernel: kernel.17.cloned.1.call-start
scs
__scs_entry_jumppad:
0x0: {  	(pc) =	sbr.rel $0x88, $3  }
0x1: {  	(tag) =	ssettag $0x0;
	lr =	simm.s32 $0x1  }
0x2: {  	[smem:$0x3F88] =	sst lr;
	_ =	strace $0xD0000000  }
0x3: {  	_ = 	snop  }
0x4: {  	_ = 	snop  }
0x5: {  	_ = 	snop  }
0x6: {  	_ = 	snop  }
0x7: {  	_ = 	snop  }
__scs_overlays_trampoline_lowered:
0x8: {  	[smem:$0x3F97] =	sst s0  }
0x9: {  	[smem:$0x3F98] =	sst s1  }
0xa: {  	[smem:$0x3F99] =	sst s2  }
0xb: {  	[smem:$0x3F9A] =	sst s3  }
0xc: {  	[smem:$0x3F9B] =	sst s4  }
0xd: {  	[smem:$0x3F9C] =	sst s5  }
0xe: {  	[smem:$0x3F9D] =	sst s6  }
0xf: {  	[smem:$0x3F9E] =	sst s7  }
0x10: {  	[smem:$0x3F9F] =	sst s8  }
0x11: {  	[smem:$0x3FA0] =	sst s9;
	s0 =	simm.s32 @!p0 $0x0  }
0x12: {  	s1 =	sld [smem:$0x3F86];
	s0 =	simm.s32 @p0 $0x1  }
0x13: {  	[smem:$0x3FA1] =	sst s0;
	s0 =	simm.s32 @!p1 $0x0  }
0x14: {  	s2 =	sld [smem:$0x3F85];
	s0 =	simm.s32 @p1 $0x1  }
0x15: {  	[smem:$0x3FA2] =	sst s0;
	s0 =	simm.s32 @!p2 $0x0  }
0x16: {  	s3 =	sld [smem:$0x3FDB];
	s0 =	simm.s32 @p2 $0x1  }
0x17: {  	s4 =	simm.s32 $0x1BF5;
	[smem:$0x3FA4] =	sst s0  }
0x18: {  	s0 =	sld [smem:$0x3F87];
	_ =	swait.ge [sflag:s4], $0x0  }
0x19: {  	s7 =	sld [smem:$0x3F88]  }
0x1a: {  	s8 =	sadd.s32 $0xFFFFE003, lr  }
0x1b: {  	s9 =	sadd.s32 $0xFFFFFEF7, lr;
	s5 =	simm.s32 $0xFFFFFFFF;
	p2 =	slt.u32 s8, $0xFFFFF086  }
0x1c: {  	p1 =	slt.u32 s9, $0xF7A;
	s5 =	simm.s32 @!p2 $0x0  }
0x1d: {  	s5 =	simm.s32 @p1 $0x1;
	p0 =	seq.s32 s7, s2  }
0x1e: {  	s7 =	smul.u32 @!p0 $0xF7A, s2;
	p2 =	seq.s32 @!p0 s5, $0x0  }
0x1f: {  	s9 =	smul.u32 $0xF7A, s1;
	s8 =	simm.s32 @!p0 $0x1BF5;
	p2 =	por !p2, p0  }
0x20: {  	[sflag:s8] =	ssyncset.s32 @!p0 $0xFFFFF086;
	s6 =	sadd.s32 @!p0 s3, s7;
	s7 =	simm.s32 @!p0 $0x108  }
0x21: {  	s3 =	sadd.s32 s3, s9;
	s6 =	sadd.s32 @!p0 $0x88, s6;
	s7 =	simm.s32 @p2 $0x1082  }
0x22: {  	[simem:s7], [sflag:s8] =	dma.local @!p0 [hbm:s6], $0xF7A  }
0x23: {  	s9 =	sor.u32 $0xD0000000, s2;
	s6 =	simm.s32 $0x108;
	_ =	swait.ge @!p0 [sflag:s8], $0x0  }
0x24: {  	s3 =	sadd.s32 $0x88, s3;
	s6 =	simm.s32 @!p1 $0x1082;
	[sflag:s4] =	ssyncset.s32 $0xFFFFF086  }
0x25: {  	[simem:s6], [sflag:s4] =	dma.local [hbm:s3], $0xF7A  }
0x26: {  	[smem:$0x3F88] =	sst s1;
	(tag) =	ssettag s2;
	_ =	strace s9  }
0x27: {  	s1 =	sld [smem:$0x3F98]  }
0x28: {  	s2 =	sld [smem:$0x3F99]  }
0x29: {  	s4 =	sld [smem:$0x3F9B]  }
0x2a: {  	p0 =	seq.s32 s5, $0x0;
	s5 =	sld [smem:$0x3F9C]  }
0x2b: {  	s6 =	sld [smem:$0x3F9D]  }
0x2c: {  	s7 =	sld [smem:$0x3F9E]  }
0x2d: {  	s3 =	simm.s32 $0x108;
	s8 =	sld [smem:$0x3F9F]  }
0x2e: {  	s3 =	simm.s32 @!p0 $0x1082;
	s9 =	sld [smem:$0x3FA0]  }
0x2f: {  	lr =	sadd.s32 s0, s3;
	s0 =	sld [smem:$0x3F97]  }
0x30: {  	s3 =	sld [smem:$0x3F9A]  }
0x31: {  	[smem:$0x3FA3] =	sst s10  }
0x32: {  	s10 =	sld [smem:$0x3FA1];
	_ =	sdelay $0x3  }
0x33: {  	p0 =	seq.s32 s10, $0x1;
	s10 =	sld [smem:$0x3FA3];
	_ =	sdelay $0x3  }
0x34: {  	[smem:$0x3FA3] =	sst s10  }
0x35: {  	s10 =	sld [smem:$0x3FA2];
	_ =	sdelay $0x3  }
0x36: {  	p1 =	seq.s32 s10, $0x1;
	s10 =	sld [smem:$0x3FA3];
	_ =	sdelay $0x3  }
0x37: {  	[smem:$0x3FA3] =	sst s10  }
0x38: {  	s10 =	sld [smem:$0x3FA4]  }
0x39: {  	_ = 	snop;
	(pc) =	sbr.ind lr, $3  }
0x3a: {  	_ = 	snop  }
0x3b: {  	_ = 	snop  }
0x3c: {  	p2 =	seq.s32 s10, $0x1;
	s10 =	sld [smem:$0x3FA3]  }
0x3d: {  	_ =	shalt  }
0x3e: {  	_ =	shalt  }
0x3f: {  	_ =	shalt  }
0x40: {  	_ =	shalt  }
0x41: {  	_ =	shalt  }
0x42: {  	_ =	shalt  }
0x43: {  	_ =	shalt  }
0x44: {  	_ =	shalt  }
0x45: {  	_ =	shalt  }
0x46: {  	_ =	shalt  }
0x47: {  	_ =	shalt  }
0x48: {  	_ =	shalt  }
0x49: {  	_ =	shalt  }
0x4a: {  	_ =	shalt  }
0x4b: {  	_ =	shalt  }
0x4c: {  	_ =	shalt  }
0x4d: {  	_ =	shalt  }
0x4e: {  	_ =	shalt  }
0x4f: {  	_ =	shalt  }
0x50: {  	_ =	shalt  }
0x51: {  	_ =	shalt  }
0x52: {  	_ =	shalt  }
0x53: {  	_ =	shalt  }
0x54: {  	_ =	shalt  }
0x55: {  	_ =	shalt  }
0x56: {  	_ =	shalt  }
0x57: {  	_ =	shalt  }
0x58: {  	_ =	shalt  }
0x59: {  	_ =	shalt  }
0x5a: {  	_ =	shalt  }
0x5b: {  	_ =	shalt  }
0x5c: {  	_ =	shalt  }
0x5d: {  	_ =	shalt  }
0x5e: {  	_ =	shalt  }
0x5f: {  	_ =	shalt  }
0x60: {  	_ =	shalt  }
0x61: {  	_ =	shalt  }
0x62: {  	_ =	shalt  }
0x63: {  	_ =	shalt  }
0x64: {  	_ =	shalt  }
0x65: {  	_ =	shalt  }
0x66: {  	_ =	shalt  }
0x67: {  	_ =	shalt  }
0x68: {  	_ =	shalt  }
0x69: {  	_ =	shalt  }
0x6a: {  	_ =	shalt  }
0x6b: {  	_ =	shalt  }
0x6c: {  	_ =	shalt  }
0x6d: {  	_ =	shalt  }
0x6e: {  	_ =	shalt  }
0x6f: {  	_ =	shalt  }
0x70: {  	_ =	shalt  }
0x71: {  	_ =	shalt  }
0x72: {  	_ =	shalt  }
0x73: {  	_ =	shalt  }
0x74: {  	_ =	shalt  }
0x75: {  	_ =	shalt  }
0x76: {  	_ =	shalt  }
0x77: {  	_ =	shalt  }
0x78: {  	_ =	shalt  }
0x79: {  	_ =	shalt  }
0x7a: {  	_ =	shalt  }
0x7b: {  	_ =	shalt  }
0x7c: {  	_ =	shalt  }
0x7d: {  	_ =	shalt  }
0x7e: {  	_ =	shalt  }
0x7f: {  	_ =	shalt  }
0x80: {  	_ =	shalt  }
0x81: {  	_ =	shalt  }
0x82: {  	_ =	shalt  }
0x83: {  	_ =	shalt  }
0x84: {  	_ =	shalt  }
0x85: {  	_ =	shalt  }
0x86: {  	_ =	shalt  }
0x87: {  	_ =	shalt  }
.Lfunc_end0:
.L_simem_size_0:
called_computation.6_lowered:
.L_overlay_start_0:
0x88: {  	s2 =	sld [smem:$0x3FD9]  }
0x89: {  	s3 =	sld [smem:$0x3FFE];
	_ =	sdelay $0x1  }
0x8a: {  	s1 =	srdreg.scid  }
0x8b: {  	s0 =	sand.u32 $0x1, s1  }
0x8c: {  	s17 =	sshll.u32 s0, $0xA;
	s2 =	sadd.s32 s3, s2  }
0x8d: {  	s2 =	sadd.s32 s2, s17  }
0x8e: {  	[smem:$0x3FAF] =	sst s2  }
0x8f: {  	_ = 	snop  }
0x90: {  	s2 =	sld [smem:$0x3FD0];
	(tm) =	ssettm $0x1  }
0x91: {  	s18 =	sld [smem:$0x3FFB];
	_ =	sdelay $0x3  }
0x92: {  	_ =	strace s18  }
0x93: {  	s3 =	sld [smem:$0x3FFC];
	_ =	sdelay $0x3  }
0x94: {  	_ =	strace s3  }
0x95: {  	s3 =	sld [smem:$0x3FFD];
	_ =	sdelay $0x3  }
0x96: {  	_ =	strace s3  }
0x97: {  	_ =	strace $0x8FFFFFFF  }
0x98: {  	s19 =	sld [smem:$0x3FDB];
	_ =	sdelay $0x1  }
0x99: {  	s4 =	simm.s32 $_scs_section_size  }
0x9a: {  	s5 =	simm.s32 $_size__tile_overlayer_lowered;
	s6 =	simm.s32 $_tile_overlayer_lowered  }
0x9b: {  	s22 =	simm.s32 $0x1BFF;
	s21 =	sshll.u32 s6, $0x1;
	s3 =	sadd.s32 s4, s19  }
0x9c: {  	s7 =	simm.s32 $0x0;
	s20 =	sshll.u32 s5, $0x1;
	s5 =	sadd.s32 s21, s3  }
0x9d: {  	[timem:s7], [sflag:s22] =	dma.local [hbm:s5], s20  }
0x9e: {  	_ =	swait.ge [sflag:s22], s20  }
0x9f: {  	s4 =	ssub.s32 $0x0, s20;
	[sflag:s22] =	ssyncset.done $0x0  }
0xa0: {  	[sflag:s22] =	ssyncadd.s32 s4;
	_ =	sdelay $0x1  }
0xa1: {  	s23 =	simm.s32 $0x1B8B  }
0xa2: {  	_ =	swait.ge [sflag:s23], $0x1  }
0xa3: {  	[sflag:s23] =	ssyncset.done $0x0  }
0xa4: {  	s25 =	simm.s32 $0x1B8E;
	s24 =	sld [smem:$0x3FFE];
	[sflag:s23] =	ssyncadd.s32 $0xFFFFFFFF  }
0xa5: {  	s26 =	simm.s32 $execute0_lowered;
	[smem:$0x3FD2] =	sst s25  }
0xa6: {  	s5 =	sshll.u32 s26, $0x1;
	_ =	strace $0x80000058;
	[dreg:$0x1] =	wrdreg $0xFFFFFFFF  }
0xa7: {  	s28 =	simm.s32 $_size_execute0_lowered;
	s3 =	sadd.s32 s3, s5;
	[dreg:$0x0] =	wrdreg $0x0  }
0xa8: {  	s5 =	sshll.u32 s28, $0x1;
	[dreg:$0x2] =	wrdreg s3  }
0xa9: {  	[dreg:$0x3] =	wrdreg s5  }
0xaa: {  	[dreg:$0x4] =	wrdreg $0xC0  }
0xab: {  	_ =	task [dreg:s7], $0x5FFFF  }
0xac: {  	[dreg:$0x1] =	wrdreg $0xFFFFFFFF  }
0xad: {  	[dreg:$0x0] =	wrdreg $0x60  }
0xae: {  	[dreg:$0x2] =	wrdreg s24  }
0xaf: {  	[dreg:$0x3] =	wrdreg s2  }
0xb0: {  	[dreg:$0x4] =	wrdreg $0x68800  }
0xb1: {  	[dreg:$0x5] =	wrdreg $0x9  }
0xb2: {  	_ =	task.clear_ibuf [dreg:s7], $0x6FFFF;
	_ =	strace $0x90000058  }
0xb3: {  	s29 =	simm.s32 $0x9;
	_ =	strace $0x8000005A  }
0xb4: {  	_ =	swait.ge [sflag:s29], $0x1  }
0xb5: {  	[sflag:s29] =	ssyncadd.s32 $0xFFFFFFFF  }
0xb6: {  	_ =	strace $0x9000005A  }
0xb7: {  	_ =	sfence  }
0xb8: {  	s30 =	sld [smem:$0x0];
	_ =	sdelay $0x2  }
0xb9: {  	s31 =	sshll.u32 s1, $0xD;
	s1 =	sshrl.u32 s1, $0x2  }
0xba: {  	s3 =	sand.u32 $0x4000, s31;
	s1 =	sadd.s32 s1, s30  }
0xbb: {  	s0 =	sor.u32 s3, s0;
	s1 =	sshll.u32 s1, $0x11  }
0xbc: {  	s0 =	sor.u32 s1, s0  }
0xbd: {  	s0 =	sadd.s32 $0x8F2B, s0  }
0xbe: {  	[sflag:s0] =	ssyncadd.remote.s32 $0x1  }
0xbf: {  	_ =	sfence.sel $0xFFFF  }
0xc0: {  	[dreg:$0x0] =	wrdreg $0xFFFFFFFF;
	(pc) =	sbr.abs _section_cstart, $3  }
0xc1: {  	[dreg:$0x1] =	wrdreg $0xFFFFFFFF  }
0xc2: {  	_ =	task.clear_ibuf [dreg:s7], $0x2FFFF;
	_ =	strace $0x9FFFFFFF  }
0xc3: {  	(tm) =	ssettm $0x7FFFFFFF  }
tec
execute0_lowered:
.L_overlay_start_1:
0x0: {  	(tag) =	ssettag $0x1  }
0x1: {  	s8 =	rddreg [dreg:$0x0]  }
0x2: {  	s10 =	rddreg [dreg:$0x1]  }
0x3: {  	s1 =	rddreg [dreg:$0x2]  }
0x4: {  	s2 =	srdreg.scid;
	s0 =	rddreg [dreg:$0x3];
	s3 =	simm.s32 $0x0  }
0x5: {  	s17 =	simm.s32 $0x1;
	s18 =	simm.s32 $0x80;
	s19 =	simm.s32 $0x2800  }
0x6: {  	s20 =	simm.s32 $0x0;
	s9 =	sand.u32 $0x1, s2;
	s2 =	stileid.u32  }
0x7: {  	[smem:$0x7FF] =	sst s3;
	s4 =	sadd.s32 $0x24800, s8;
	s11 =	smul.u32 $0x140000, s9  }
0x8: {  	s5 =	sadd.s32 $0x9000, s8;
	s6 =	sadd.s32 $0x81800, s8;
	s12 =	smul.u32 $0x14000, s2  }
0x9: {  	s7 =	sadd.s32 $0x22000, s8;
	_ =	strace $0x80000059;
	s13 =	smul.u32 $0x50000, s2  }
0xa: {  	s25 =	ssub.s32 $0x2, s9;
	s28 =	smul.u32 $0x64000, s9;
	s30 =	sshll.u32 s2, $0x6  }
0xb: {  	s31 =	sshll.u32 s2, $0x4;
	s26 =	sshrl.u32 s25, $0x1;
	s9 =	sor.u32 $0x1C02, s30  }
.Ltmp0:
0xc: {  	s10 =	sadd.s32 s10, s31;
	s11 =	sadd.s32 s12, s11;
	(pc) =	sbr.rel .LBB2_1-.Ltmp0, $4  }
0xd: {  	s15 =	ssub.s32 s25, s26;
	s29 =	sshrl.u32 s13, $0x2;
	s11 =	sshrl.u32 s11, $0x3  }
0xe: {  	s16 =	sadd.s32 s29, s1;
	s14 =	sadd.s32 s11, s8;
	s8 =	smul.u32 $0x6400, s2  }
0xf: {  	s13 =	smax.u32 s15, $0x1;
	s15 =	simm.s32 $0x2;
	s12 =	sadd.s32 $0x8E000, s14  }
0x10: {  	s14 =	sshrl.u32 s16, $0x3;
	s16 =	simm.s32 $0x6800;
	s11 =	sadd.s32 s28, s8  }
.LBB2_7:
0x11: {  	s20 =	sadd.s32 $0x1, s20  }
0x12: {  	p0 =	sne.s32 s20, s13  }
.Ltmp1:
0x13: {  	[bflag:$0x0] =	sbarrier.arrive $0xFFFF;
	(pc) =	sbr.rel @!p0 .LBB2_8-.Ltmp1, $4  }
0x14: {  	[hbm:s12], [sflag:s9] =	dma.local [spmem:s14], $0x2800  }
0x15: {  	_ =	swait.ge [sflag:s15], $0x2800  }
0x16: {  	[sflag:s15] =	ssyncset.done $0x0  }
0x17: {  	[sflag:s15] =	ssyncadd.s32 $0xFFFFD800  }
.LBB2_1:
0x18: {  	[spmem:s14], [sflag:s9] =	dma.local [hbm:s7], $0x2800  }
0x19: {  	_ =	swait.ge [sflag:s15], $0x2800  }
0x1a: {  	[sflag:s15] =	ssyncset.done $0x0  }
0x1b: {  	[sflag:s15] =	ssyncadd.s32 $0xFFFFD800  }
0x1c: {  	[tilespmem:s16], [sflag:$0x2] =	stream.linear.gather [hbm4b:s10+s3], $0x80, $0x38;
	[tilespmem:$0x1A880] =	vst v63  }
0x1d: {  	_ =	swait.ge [sflag:s15], $0x80  }
0x1e: {  	[sflag:s15] =	ssyncset.done $0x0  }
0x1f: {  	[sflag:s15] =	ssyncadd.s32 $0xFFFFFF80  }
0x20: {  	[bflag:$0x0] =	sbarrier.arrive $0xFFFF  }
0x21: {  	v0 =	vld [tilespmem:$0x6800];
	_ =	sdelay $0x4  }
0x22: {  	(v2sf) =	vpush v0, $0x0;
	_ =	sdelay $0xe  }
0x23: {  	s21 =	spop (v2sf)  }
0x24: {  	s22 =	sadd.s32 $0x27, s21  }
0x25: {  	s23 =	smulhi.u32 $0x66666667, s22;
	s24 =	sshra.s32 s22, $0x1F  }
0x26: {  	s24 =	smul.u32 $0x66666667, s24;
	_ =	sdelay $0x1  }
0x27: {  	s23 =	sadd.s32 s24, s23  }
0x28: {  	s24 =	sshrl.u32 s23, $0x1F;
	s23 =	sshra.s32 s23, $0x4  }
0x29: {  	s23 =	sadd.s32 s24, s23  }
0x2a: {  	s24 =	smul.u32 $0xFFFFFFD8, s23  }
0x2b: {  	s25 =	ssub.s32 $0xFFFFFFD9, s21  }
0x2c: {  	p0 =	slt.s32 s22, $0x1;
	p1 =	sne.s32 s24, s25  }
0x2d: {  	p0 =	por !p0, !p1  }
0x2e: {  	s22 =	simm.s32 $0x1;
	p0 =	por !p0, !p0  }
0x2f: {  	s22 =	simm.s32 @!p0 $0x0  }
0x30: {  	s22 =	ssub.s32 s23, s22  }
0x31: {  	p0 =	slt.s32 s22, $0x1  }
.Ltmp2:
0x32: {  	_ = 	snop;
	(pc) =	sbr.rel @!p0 .LBB2_2-.Ltmp2, $4  }
.Ltmp3:
0x33: {  	_ = 	snop;
	(pc) =	sbr.rel @p0 .LBB2_7-.Ltmp3, $4  }
0x34: {  	_ = 	snop  }
0x35: {  	_ = 	snop  }
0x36: {  	s24 =	simm.s32 $0x0;
	s23 =	smov.u32 s21  }
0x37: {  	_ = 	snop  }
.LBB2_5:
0x38: {  	[sflag:s15] =	ssyncadd.s32 $0xFFFFC000  }
.LBB2_6:
0x39: {  	s24 =	sadd.s32 $0x1, s24  }
0x3a: {  	p0 =	sne.s32 s24, s22  }
.Ltmp4:
0x3b: {  	_ = 	snop;
	(pc) =	sbr.rel @!p0 .LBB2_7-.Ltmp4, $2  }
0x3c: {  	_ =	sdelay $0x2  }
0x3d: {  	s23 =	sadd.s32 $0xFFFFFFD8, s23  }
.LBB2_2:
0x3e: {  	s26 =	smul.u32 $0x1400, s24;
	_ =	sdelay $0x1  }
0x3f: {  	s25 =	sadd.s32 s11, s26  }
0x40: {  	s31 =	smul.u32 $0xFFFFFFD8, s24;
	s25 =	sshrl.u32 s25, $0x3  }
0x41: {  	s26 =	sadd.s32 s8, s26;
	s28 =	sadd.s32 s5, s25;
	s25 =	simm.s32 $0x0  }
0x42: {  	[tilespmem:s25], [sflag:$0x2] =	stream.linear.gather [hbm4b:s28+s25], $0x1400, $0x38;
	[tilespmem:$0x1A880] =	vst v63  }
0x43: {  	s26 =	sshrl.u32 s26, $0x3;
	s28 =	sadd.s32 s21, s31;
	_ =	swait.ge [sflag:s15], $0x1400  }
0x44: {  	s29 =	sadd.s32 s6, s26;
	p0 =	slt.s32 s28, $0x1;
	[sflag:s15] =	ssyncset.done $0x0  }
.Ltmp5:
0x45: {  	s26 =	simm.s32 $0x1400;
	[sflag:s15] =	ssyncadd.s32 $0xFFFFEC00;
	(pc) =	sbr.rel @p0 .LBB2_6-.Ltmp5, $4  }
0x46: {  	[tilespmem:s26], [sflag:$0x2] =	stream.linear.gather [hbm4b:s29+s25], $0x1400, $0x38;
	[tilespmem:$0x1A880] =	vst v63  }
0x47: {  	_ =	swait.ge [sflag:s15], $0x1400  }
0x48: {  	[sflag:s15] =	ssyncset.done $0x0  }
0x49: {  	[sflag:s15] =	ssyncadd.s32 $0xFFFFEC00  }
0x4a: {  	[tilespmem:s19], [sflag:$0x1] =	stream.indirect.gather [hbm4b:s4+s18], $0x80, s25, s18, $0xb8;
	[tilespmem:$0x1A880] =	vst v63  }
0x4b: {  	p0 =	sgt.s32 s23, $0x1;
	s28 =	smov.u32 s23  }
0x4c: {  	s28 =	simm.s32 @!p0 $0x1  }
0x4d: {  	s28 =	smin.u32 s28, $0x28  }
0x4e: {  	_ =	swait.ge [sflag:s17], $0x4000;
	p0 =	sne.s32 s28, $0x1  }
.Ltmp6:
0x4f: {  	[sflag:s17] =	ssyncset.done $0x0;
	(pc) =	sbr.rel @!p0 .LBB2_5-.Ltmp6, $4  }
0x50: {  	[sflag:s17] =	ssyncadd.s32 $0xFFFFC000  }
0x51: {  	[spmem:s1] =	stream.indirect.scatter.add.f32 [tilespmem:s19], [sflag:$0x2], $0x80, s26, s18, $0xb8;
	[tilespmem:$0x1A880] =	vst v63  }
0x52: {  	_ =	swait.ge [sflag:s15], $0x4000  }
0x53: {  	s28 =	sadd.s32 $0xFFFFFFFF, s28;
	[sflag:s15] =	ssyncset.done $0x0  }
.LBB2_4:
0x54: {  	[sflag:s15] =	ssyncadd.s32 $0xFFFFC000;
	s25 =	sadd.s32 $0x80, s25;
	s26 =	sadd.s32 $0x80, s26  }
0x55: {  	[tilespmem:s19], [sflag:$0x1] =	stream.indirect.gather [hbm4b:s4+s18], $0x80, s25, s18, $0xb8;
	[tilespmem:$0x1A880] =	vst v63  }
0x56: {  	p0 =	sne.s32 s28, $0x1;
	s28 =	sadd.s32 $0xFFFFFFFF, s28;
	_ =	swait.ge [sflag:s17], $0x4000  }
.Ltmp7:
0x57: {  	[sflag:s17] =	ssyncset.done $0x0;
	(pc) =	sbr.rel @p0 .LBB2_4-.Ltmp7, $4  }
0x58: {  	[sflag:s17] =	ssyncadd.s32 $0xFFFFC000  }
0x59: {  	[spmem:s1] =	stream.indirect.scatter.add.f32 [tilespmem:s19], [sflag:$0x2], $0x80, s26, s18, $0xb8;
	[tilespmem:$0x1A880] =	vst v63  }
0x5a: {  	_ =	swait.ge [sflag:s15], $0x4000  }
0x5b: {  	[sflag:s15] =	ssyncset.done $0x0  }
.Ltmp8:
0x5c: {  	_ = 	snop;
	(pc) =	sbr.rel .LBB2_5-.Ltmp8, $1  }
0x5d: {  	_ =	sdelay $0x3  }
.LBB2_8:
0x5e: {  	_ =	sfence.sel $0x180000  }
0x5f: {  	[bflag:$0x0] =	sbarrier.arrive $0xFFFF  }
0x60: {  	p0 =	sne.s32 s2, $0x0;
	_ =	strace $0x90000059  }
0x61: {  	s0 =	sadd.s32 @!p0 $0x100000, s0;
	[bflag:$0x2] =	sbarrier.arrive $0xFFFF  }
0x62: {  	[sflag:s0] =	ssyncadd.tile.s32 @!p0 $0x1;
	_ =	shalt  }
.Lfunc_end2:
_tile_overlayer_lowered:
.L_overlay_start_2:
0x63: {  	(tag) =	ssettag $0x2  }
0x64: {  	s0 =	rddreg [dreg:$0x0];
	s2 =	stileid.u32  }
0x65: {  	s1 =	rddreg [dreg:$0x1];
	p0 =	sne.s32 s2, $0x0  }
0x66: {  	s3 =	rddreg [dreg:$0x2];
	[bflag:$0x3] =	sbarrier.arrive $0xFFFF;
	s2 =	simm.s32 @!p0 $0x1C02  }
0x67: {  	[timem:s3], [sflag:s2] =	dma.local @!p0 [hbm:s0], s1  }
0x68: {  	s0 =	simm.s32 @!p0 $0x2  }
0x69: {  	_ =	swait.ge @!p0 [sflag:s0], s1  }
0x6a: {  	s1 =	ssub.s32 @!p0 $0x0, s1;
	[sflag:s0] =	ssyncset.done @!p0 $0x0  }
0x6b: {  	[sflag:s0] =	ssyncadd.s32 @!p0 s1  }
0x6c: {  	[bflag:$0x3] =	sbarrier.arrive $0xFFFF  }
0x6d: {  	_ =	shalt  }

// kernel: kernel.20.cloned.1.call-start
scs
__scs_entry_jumppad:
0x0: {  	(pc) =	sbr.rel $0x88, $3  }
0x1: {  	(tag) =	ssettag $0x0;
	lr =	simm.s32 $0x1  }
0x2: {  	[smem:$0x3F88] =	sst lr;
	_ =	strace $0xD0000000  }
0x3: {  	_ = 	snop  }
0x4: {  	_ = 	snop  }
0x5: {  	_ = 	snop  }
0x6: {  	_ = 	snop  }
0x7: {  	_ = 	snop  }
__scs_overlays_trampoline_lowered:
0x8: {  	[smem:$0x3F97] =	sst s0  }
0x9: {  	[smem:$0x3F98] =	sst s1  }
0xa: {  	[smem:$0x3F99] =	sst s2  }
0xb: {  	[smem:$0x3F9A] =	sst s3  }
0xc: {  	[smem:$0x3F9B] =	sst s4  }
0xd: {  	[smem:$0x3F9C] =	sst s5  }
0xe: {  	[smem:$0x3F9D] =	sst s6  }
0xf: {  	[smem:$0x3F9E] =	sst s7  }
0x10: {  	[smem:$0x3F9F] =	sst s8  }
0x11: {  	[smem:$0x3FA0] =	sst s9;
	s0 =	simm.s32 @!p0 $0x0  }
0x12: {  	s1 =	sld [smem:$0x3F86];
	s0 =	simm.s32 @p0 $0x1  }
0x13: {  	[smem:$0x3FA1] =	sst s0;
	s0 =	simm.s32 @!p1 $0x0  }
0x14: {  	s2 =	sld [smem:$0x3F85];
	s0 =	simm.s32 @p1 $0x1  }
0x15: {  	[smem:$0x3FA2] =	sst s0;
	s0 =	simm.s32 @!p2 $0x0  }
0x16: {  	s3 =	sld [smem:$0x3FDB];
	s0 =	simm.s32 @p2 $0x1  }
0x17: {  	s4 =	simm.s32 $0x1BF5;
	[smem:$0x3FA4] =	sst s0  }
0x18: {  	s0 =	sld [smem:$0x3F87];
	_ =	swait.ge [sflag:s4], $0x0  }
0x19: {  	s7 =	sld [smem:$0x3F88]  }
0x1a: {  	s8 =	sadd.s32 $0xFFFFE003, lr  }
0x1b: {  	s9 =	sadd.s32 $0xFFFFFEF7, lr;
	s5 =	simm.s32 $0xFFFFFFFF;
	p2 =	slt.u32 s8, $0xFFFFF086  }
0x1c: {  	p1 =	slt.u32 s9, $0xF7A;
	s5 =	simm.s32 @!p2 $0x0  }
0x1d: {  	s5 =	simm.s32 @p1 $0x1;
	p0 =	seq.s32 s7, s2  }
0x1e: {  	s7 =	smul.u32 @!p0 $0xF7A, s2;
	p2 =	seq.s32 @!p0 s5, $0x0  }
0x1f: {  	s9 =	smul.u32 $0xF7A, s1;
	s8 =	simm.s32 @!p0 $0x1BF5;
	p2 =	por !p2, p0  }
0x20: {  	[sflag:s8] =	ssyncset.s32 @!p0 $0xFFFFF086;
	s6 =	sadd.s32 @!p0 s3, s7;
	s7 =	simm.s32 @!p0 $0x108  }
0x21: {  	s3 =	sadd.s32 s3, s9;
	s6 =	sadd.s32 @!p0 $0x88, s6;
	s7 =	simm.s32 @p2 $0x1082  }
0x22: {  	[simem:s7], [sflag:s8] =	dma.local @!p0 [hbm:s6], $0xF7A  }
0x23: {  	s9 =	sor.u32 $0xD0000000, s2;
	s6 =	simm.s32 $0x108;
	_ =	swait.ge @!p0 [sflag:s8], $0x0  }
0x24: {  	s3 =	sadd.s32 $0x88, s3;
	s6 =	simm.s32 @!p1 $0x1082;
	[sflag:s4] =	ssyncset.s32 $0xFFFFF086  }
0x25: {  	[simem:s6], [sflag:s4] =	dma.local [hbm:s3], $0xF7A  }
0x26: {  	[smem:$0x3F88] =	sst s1;
	(tag) =	ssettag s2;
	_ =	strace s9  }
0x27: {  	s1 =	sld [smem:$0x3F98]  }
0x28: {  	s2 =	sld [smem:$0x3F99]  }
0x29: {  	s4 =	sld [smem:$0x3F9B]  }
0x2a: {  	p0 =	seq.s32 s5, $0x0;
	s5 =	sld [smem:$0x3F9C]  }
0x2b: {  	s6 =	sld [smem:$0x3F9D]  }
0x2c: {  	s7 =	sld [smem:$0x3F9E]  }
0x2d: {  	s3 =	simm.s32 $0x108;
	s8 =	sld [smem:$0x3F9F]  }
0x2e: {  	s3 =	simm.s32 @!p0 $0x1082;
	s9 =	sld [smem:$0x3FA0]  }
0x2f: {  	lr =	sadd.s32 s0, s3;
	s0 =	sld [smem:$0x3F97]  }
0x30: {  	s3 =	sld [smem:$0x3F9A]  }
0x31: {  	[smem:$0x3FA3] =	sst s10  }
0x32: {  	s10 =	sld [smem:$0x3FA1];
	_ =	sdelay $0x3  }
0x33: {  	p0 =	seq.s32 s10, $0x1;
	s10 =	sld [smem:$0x3FA3];
	_ =	sdelay $0x3  }
0x34: {  	[smem:$0x3FA3] =	sst s10  }
0x35: {  	s10 =	sld [smem:$0x3FA2];
	_ =	sdelay $0x3  }
0x36: {  	p1 =	seq.s32 s10, $0x1;
	s10 =	sld [smem:$0x3FA3];
	_ =	sdelay $0x3  }
0x37: {  	[smem:$0x3FA3] =	sst s10  }
0x38: {  	s10 =	sld [smem:$0x3FA4]  }
0x39: {  	_ = 	snop;
	(pc) =	sbr.ind lr, $3  }
0x3a: {  	_ = 	snop  }
0x3b: {  	_ = 	snop  }
0x3c: {  	p2 =	seq.s32 s10, $0x1;
	s10 =	sld [smem:$0x3FA3]  }
0x3d: {  	_ =	shalt  }
0x3e: {  	_ =	shalt  }
0x3f: {  	_ =	shalt  }
0x40: {  	_ =	shalt  }
0x41: {  	_ =	shalt  }
0x42: {  	_ =	shalt  }
0x43: {  	_ =	shalt  }
0x44: {  	_ =	shalt  }
0x45: {  	_ =	shalt  }
0x46: {  	_ =	shalt  }
0x47: {  	_ =	shalt  }
0x48: {  	_ =	shalt  }
0x49: {  	_ =	shalt  }
0x4a: {  	_ =	shalt  }
0x4b: {  	_ =	shalt  }
0x4c: {  	_ =	shalt  }
0x4d: {  	_ =	shalt  }
0x4e: {  	_ =	shalt  }
0x4f: {  	_ =	shalt  }
0x50: {  	_ =	shalt  }
0x51: {  	_ =	shalt  }
0x52: {  	_ =	shalt  }
0x53: {  	_ =	shalt  }
0x54: {  	_ =	shalt  }
0x55: {  	_ =	shalt  }
0x56: {  	_ =	shalt  }
0x57: {  	_ =	shalt  }
0x58: {  	_ =	shalt  }
0x59: {  	_ =	shalt  }
0x5a: {  	_ =	shalt  }
0x5b: {  	_ =	shalt  }
0x5c: {  	_ =	shalt  }
0x5d: {  	_ =	shalt  }
0x5e: {  	_ =	shalt  }
0x5f: {  	_ =	shalt  }
0x60: {  	_ =	shalt  }
0x61: {  	_ =	shalt  }
0x62: {  	_ =	shalt  }
0x63: {  	_ =	shalt  }
0x64: {  	_ =	shalt  }
0x65: {  	_ =	shalt  }
0x66: {  	_ =	shalt  }
0x67: {  	_ =	shalt  }
0x68: {  	_ =	shalt  }
0x69: {  	_ =	shalt  }
0x6a: {  	_ =	shalt  }
0x6b: {  	_ =	shalt  }
0x6c: {  	_ =	shalt  }
0x6d: {  	_ =	shalt  }
0x6e: {  	_ =	shalt  }
0x6f: {  	_ =	shalt  }
0x70: {  	_ =	shalt  }
0x71: {  	_ =	shalt  }
0x72: {  	_ =	shalt  }
0x73: {  	_ =	shalt  }
0x74: {  	_ =	shalt  }
0x75: {  	_ =	shalt  }
0x76: {  	_ =	shalt  }
0x77: {  	_ =	shalt  }
0x78: {  	_ =	shalt  }
0x79: {  	_ =	shalt  }
0x7a: {  	_ =	shalt  }
0x7b: {  	_ =	shalt  }
0x7c: {  	_ =	shalt  }
0x7d: {  	_ =	shalt  }
0x7e: {  	_ =	shalt  }
0x7f: {  	_ =	shalt  }
0x80: {  	_ =	shalt  }
0x81: {  	_ =	shalt  }
0x82: {  	_ =	shalt  }
0x83: {  	_ =	shalt  }
0x84: {  	_ =	shalt  }
0x85: {  	_ =	shalt  }
0x86: {  	_ =	shalt  }
0x87: {  	_ =	shalt  }
.Lfunc_end0:
.L_simem_size_0:
called_computation.7_lowered:
.L_overlay_start_0:
0x88: {  	s2 =	sld [smem:$0x3FD9]  }
0x89: {  	s3 =	sld [smem:$0x3FFE];
	_ =	sdelay $0x1  }
0x8a: {  	s1 =	srdreg.scid  }
0x8b: {  	s0 =	sand.u32 $0x1, s1  }
0x8c: {  	s17 =	sshll.u32 s0, $0xA;
	s2 =	sadd.s32 s3, s2  }
0x8d: {  	s2 =	sadd.s32 s2, s17  }
0x8e: {  	[smem:$0x3FAF] =	sst s2  }
0x8f: {  	_ = 	snop  }
0x90: {  	s2 =	sld [smem:$0x3FD0];
	(tm) =	ssettm $0x1  }
0x91: {  	s18 =	sld [smem:$0x3FFB];
	_ =	sdelay $0x3  }
0x92: {  	_ =	strace s18  }
0x93: {  	s3 =	sld [smem:$0x3FFC];
	_ =	sdelay $0x3  }
0x94: {  	_ =	strace s3  }
0x95: {  	s3 =	sld [smem:$0x3FFD];
	_ =	sdelay $0x3  }
0x96: {  	_ =	strace s3  }
0x97: {  	_ =	strace $0x8FFFFFFF  }
0x98: {  	s19 =	sld [smem:$0x3FDB];
	_ =	sdelay $0x1  }
0x99: {  	s4 =	simm.s32 $_scs_section_size  }
0x9a: {  	s5 =	simm.s32 $_size__tile_overlayer_lowered;
	s6 =	simm.s32 $_tile_overlayer_lowered  }
0x9b: {  	s22 =	simm.s32 $0x1BFF;
	s21 =	sshll.u32 s6, $0x1;
	s3 =	sadd.s32 s4, s19  }
0x9c: {  	s7 =	simm.s32 $0x0;
	s20 =	sshll.u32 s5, $0x1;
	s5 =	sadd.s32 s21, s3  }
0x9d: {  	[timem:s7], [sflag:s22] =	dma.local [hbm:s5], s20  }
0x9e: {  	_ =	swait.ge [sflag:s22], s20  }
0x9f: {  	s4 =	ssub.s32 $0x0, s20;
	[sflag:s22] =	ssyncset.done $0x0  }
0xa0: {  	[sflag:s22] =	ssyncadd.s32 s4;
	_ =	sdelay $0x1  }
0xa1: {  	s23 =	simm.s32 $0x1B8B  }
0xa2: {  	_ =	swait.ge [sflag:s23], $0x1  }
0xa3: {  	[sflag:s23] =	ssyncset.done $0x0  }
0xa4: {  	s25 =	simm.s32 $0x1B8E;
	s24 =	sld [smem:$0x3FFE];
	[sflag:s23] =	ssyncadd.s32 $0xFFFFFFFF  }
0xa5: {  	s26 =	simm.s32 $execute0_lowered;
	[smem:$0x3FD2] =	sst s25  }
0xa6: {  	s5 =	sshll.u32 s26, $0x1;
	_ =	strace $0x8000005B;
	[dreg:$0x1] =	wrdreg $0xFFFFFFFF  }
0xa7: {  	s28 =	simm.s32 $_size_execute0_lowered;
	s3 =	sadd.s32 s3, s5;
	[dreg:$0x0] =	wrdreg $0x0  }
0xa8: {  	s5 =	sshll.u32 s28, $0x1;
	[dreg:$0x2] =	wrdreg s3  }
0xa9: {  	[dreg:$0x3] =	wrdreg s5  }
0xaa: {  	[dreg:$0x4] =	wrdreg $0xC0  }
0xab: {  	_ =	task [dreg:s7], $0x5FFFF  }
0xac: {  	[dreg:$0x1] =	wrdreg $0xFFFFFFFF  }
0xad: {  	[dreg:$0x0] =	wrdreg $0x60  }
0xae: {  	[dreg:$0x2] =	wrdreg s24  }
0xaf: {  	[dreg:$0x3] =	wrdreg s2  }
0xb0: {  	[dreg:$0x4] =	wrdreg $0x68800  }
0xb1: {  	[dreg:$0x5] =	wrdreg $0x9  }
0xb2: {  	_ =	task.clear_ibuf [dreg:s7], $0x6FFFF;
	_ =	strace $0x9000005B  }
0xb3: {  	s29 =	simm.s32 $0x9;
	_ =	strace $0x8000005D  }
0xb4: {  	_ =	swait.ge [sflag:s29], $0x1  }
0xb5: {  	[sflag:s29] =	ssyncadd.s32 $0xFFFFFFFF  }
0xb6: {  	_ =	strace $0x9000005D  }
0xb7: {  	_ =	sfence  }
0xb8: {  	s30 =	sld [smem:$0x0];
	_ =	sdelay $0x2  }
0xb9: {  	s31 =	sshll.u32 s1, $0xD;
	s1 =	sshrl.u32 s1, $0x2  }
0xba: {  	s3 =	sand.u32 $0x4000, s31;
	s1 =	sadd.s32 s1, s30  }
0xbb: {  	s0 =	sor.u32 s3, s0;
	s1 =	sshll.u32 s1, $0x11  }
0xbc: {  	s0 =	sor.u32 s1, s0  }
0xbd: {  	s0 =	sadd.s32 $0x8F2B, s0  }
0xbe: {  	[sflag:s0] =	ssyncadd.remote.s32 $0x1  }
0xbf: {  	_ =	sfence.sel $0xFFFF  }
0xc0: {  	[dreg:$0x0] =	wrdreg $0xFFFFFFFF;
	(pc) =	sbr.abs _section_cstart, $3  }
0xc1: {  	[dreg:$0x1] =	wrdreg $0xFFFFFFFF  }
0xc2: {  	_ =	task.clear_ibuf [dreg:s7], $0x2FFFF;
	_ =	strace $0x9FFFFFFF  }
0xc3: {  	(tm) =	ssettm $0x7FFFFFFF  }
tec
execute0_lowered:
.L_overlay_start_1:
0x0: {  	(tag) =	ssettag $0x1  }
0x1: {  	s8 =	rddreg [dreg:$0x0]  }
0x2: {  	s10 =	rddreg [dreg:$0x1]  }
0x3: {  	s1 =	rddreg [dreg:$0x2]  }
0x4: {  	s2 =	srdreg.scid;
	s0 =	rddreg [dreg:$0x3];
	s3 =	simm.s32 $0x0  }
0x5: {  	s17 =	simm.s32 $0x1;
	s18 =	simm.s32 $0x80;
	s19 =	simm.s32 $0x2800  }
0x6: {  	s20 =	simm.s32 $0x0;
	s9 =	sand.u32 $0x1, s2;
	s2 =	stileid.u32  }
0x7: {  	[smem:$0x7FF] =	sst s3;
	s4 =	sadd.s32 $0x24800, s8;
	s11 =	smul.u32 $0x140000, s9  }
0x8: {  	s5 =	sadd.s32 $0x9000, s8;
	s6 =	sadd.s32 $0x81800, s8;
	s12 =	smul.u32 $0x14000, s2  }
0x9: {  	s7 =	sadd.s32 $0x22000, s8;
	_ =	strace $0x8000005C;
	s13 =	smul.u32 $0x50000, s2  }
0xa: {  	s25 =	ssub.s32 $0x2, s9;
	s28 =	smul.u32 $0x64000, s9;
	s30 =	sshll.u32 s2, $0x6  }
0xb: {  	s31 =	sshll.u32 s2, $0x4;
	s26 =	sshrl.u32 s25, $0x1;
	s9 =	sor.u32 $0x1C02, s30  }
.Ltmp0:
0xc: {  	s10 =	sadd.s32 s10, s31;
	s11 =	sadd.s32 s12, s11;
	(pc) =	sbr.rel .LBB2_1-.Ltmp0, $4  }
0xd: {  	s15 =	ssub.s32 s25, s26;
	s29 =	sshrl.u32 s13, $0x2;
	s11 =	sshrl.u32 s11, $0x3  }
0xe: {  	s16 =	sadd.s32 s29, s1;
	s14 =	sadd.s32 s11, s8;
	s8 =	smul.u32 $0x6400, s2  }
0xf: {  	s13 =	smax.u32 s15, $0x1;
	s15 =	simm.s32 $0x2;
	s12 =	sadd.s32 $0x8E000, s14  }
0x10: {  	s14 =	sshrl.u32 s16, $0x3;
	s16 =	simm.s32 $0x6800;
	s11 =	sadd.s32 s28, s8  }
.LBB2_7:
0x11: {  	s20 =	sadd.s32 $0x1, s20  }
0x12: {  	p0 =	sne.s32 s20, s13  }
.Ltmp1:
0x13: {  	[bflag:$0x0] =	sbarrier.arrive $0xFFFF;
	(pc) =	sbr.rel @!p0 .LBB2_8-.Ltmp1, $4  }
0x14: {  	[hbm:s12], [sflag:s9] =	dma.local [spmem:s14], $0x2800  }
0x15: {  	_ =	swait.ge [sflag:s15], $0x2800  }
0x16: {  	[sflag:s15] =	ssyncset.done $0x0  }
0x17: {  	[sflag:s15] =	ssyncadd.s32 $0xFFFFD800  }
.LBB2_1:
0x18: {  	[spmem:s14], [sflag:s9] =	dma.local [hbm:s7], $0x2800  }
0x19: {  	_ =	swait.ge [sflag:s15], $0x2800  }
0x1a: {  	[sflag:s15] =	ssyncset.done $0x0  }
0x1b: {  	[sflag:s15] =	ssyncadd.s32 $0xFFFFD800  }
0x1c: {  	[tilespmem:s16], [sflag:$0x2] =	stream.linear.gather [hbm4b:s10+s3], $0x80, $0x38;
	[tilespmem:$0x1A880] =	vst v63  }
0x1d: {  	_ =	swait.ge [sflag:s15], $0x80  }
0x1e: {  	[sflag:s15] =	ssyncset.done $0x0  }
0x1f: {  	[sflag:s15] =	ssyncadd.s32 $0xFFFFFF80  }
0x20: {  	[bflag:$0x0] =	sbarrier.arrive $0xFFFF  }
0x21: {  	v0 =	vld [tilespmem:$0x6800];
	_ =	sdelay $0x4  }
0x22: {  	(v2sf) =	vpush v0, $0x0;
	_ =	sdelay $0xe  }
0x23: {  	s21 =	spop (v2sf)  }
0x24: {  	s22 =	sadd.s32 $0x27, s21  }
0x25: {  	s23 =	smulhi.u32 $0x66666667, s22;
	s24 =	sshra.s32 s22, $0x1F  }
0x26: {  	s24 =	smul.u32 $0x66666667, s24;
	_ =	sdelay $0x1  }
0x27: {  	s23 =	sadd.s32 s24, s23  }
0x28: {  	s24 =	sshrl.u32 s23, $0x1F;
	s23 =	sshra.s32 s23, $0x4  }
0x29: {  	s23 =	sadd.s32 s24, s23  }
0x2a: {  	s24 =	smul.u32 $0xFFFFFFD8, s23  }
0x2b: {  	s25 =	ssub.s32 $0xFFFFFFD9, s21  }
0x2c: {  	p0 =	slt.s32 s22, $0x1;
	p1 =	sne.s32 s24, s25  }
0x2d: {  	p0 =	por !p0, !p1  }
0x2e: {  	s22 =	simm.s32 $0x1;
	p0 =	por !p0, !p0  }
0x2f: {  	s22 =	simm.s32 @!p0 $0x0  }
0x30: {  	s22 =	ssub.s32 s23, s22  }
0x31: {  	p0 =	slt.s32 s22, $0x1  }
.Ltmp2:
0x32: {  	_ = 	snop;
	(pc) =	sbr.rel @!p0 .LBB2_2-.Ltmp2, $4  }
.Ltmp3:
0x33: {  	_ = 	snop;
	(pc) =	sbr.rel @p0 .LBB2_7-.Ltmp3, $4  }
0x34: {  	_ = 	snop  }
0x35: {  	_ = 	snop  }
0x36: {  	s24 =	simm.s32 $0x0;
	s23 =	smov.u32 s21  }
0x37: {  	_ = 	snop  }
.LBB2_5:
0x38: {  	[sflag:s15] =	ssyncadd.s32 $0xFFFFC000  }
.LBB2_6:
0x39: {  	s24 =	sadd.s32 $0x1, s24  }
0x3a: {  	p0 =	sne.s32 s24, s22  }
.Ltmp4:
0x3b: {  	_ = 	snop;
	(pc) =	sbr.rel @!p0 .LBB2_7-.Ltmp4, $2  }
0x3c: {  	_ =	sdelay $0x2  }
0x3d: {  	s23 =	sadd.s32 $0xFFFFFFD8, s23  }
.LBB2_2:
0x3e: {  	s26 =	smul.u32 $0x1400, s24;
	_ =	sdelay $0x1  }
0x3f: {  	s25 =	sadd.s32 s11, s26  }
0x40: {  	s31 =	smul.u32 $0xFFFFFFD8, s24;
	s25 =	sshrl.u32 s25, $0x3  }
0x41: {  	s26 =	sadd.s32 s8, s26;
	s28 =	sadd.s32 s5, s25;
	s25 =	simm.s32 $0x0  }
0x42: {  	[tilespmem:s25], [sflag:$0x2] =	stream.linear.gather [hbm4b:s28+s25], $0x1400, $0x38;
	[tilespmem:$0x1A880] =	vst v63  }
0x43: {  	s26 =	sshrl.u32 s26, $0x3;
	s28 =	sadd.s32 s21, s31;
	_ =	swait.ge [sflag:s15], $0x1400  }
0x44: {  	s29 =	sadd.s32 s6, s26;
	p0 =	slt.s32 s28, $0x1;
	[sflag:s15] =	ssyncset.done $0x0  }
.Ltmp5:
0x45: {  	s26 =	simm.s32 $0x1400;
	[sflag:s15] =	ssyncadd.s32 $0xFFFFEC00;
	(pc) =	sbr.rel @p0 .LBB2_6-.Ltmp5, $4  }
0x46: {  	[tilespmem:s26], [sflag:$0x2] =	stream.linear.gather [hbm4b:s29+s25], $0x1400, $0x38;
	[tilespmem:$0x1A880] =	vst v63  }
0x47: {  	_ =	swait.ge [sflag:s15], $0x1400  }
0x48: {  	[sflag:s15] =	ssyncset.done $0x0  }
0x49: {  	[sflag:s15] =	ssyncadd.s32 $0xFFFFEC00  }
0x4a: {  	[tilespmem:s19], [sflag:$0x1] =	stream.indirect.gather [hbm4b:s4+s18], $0x80, s25, s18, $0xb8;
	[tilespmem:$0x1A880] =	vst v63  }
0x4b: {  	p0 =	sgt.s32 s23, $0x1;
	s28 =	smov.u32 s23  }
0x4c: {  	s28 =	simm.s32 @!p0 $0x1  }
0x4d: {  	s28 =	smin.u32 s28, $0x28  }
0x4e: {  	_ =	swait.ge [sflag:s17], $0x4000;
	p0 =	sne.s32 s28, $0x1  }
.Ltmp6:
0x4f: {  	[sflag:s17] =	ssyncset.done $0x0;
	(pc) =	sbr.rel @!p0 .LBB2_5-.Ltmp6, $4  }
0x50: {  	[sflag:s17] =	ssyncadd.s32 $0xFFFFC000  }
0x51: {  	[spmem:s1] =	stream.indirect.scatter.add.f32 [tilespmem:s19], [sflag:$0x2], $0x80, s26, s18, $0xb8;
	[tilespmem:$0x1A880] =	vst v63  }
0x52: {  	_ =	swait.ge [sflag:s15], $0x4000  }
0x53: {  	s28 =	sadd.s32 $0xFFFFFFFF, s28;
	[sflag:s15] =	ssyncset.done $0x0  }
.LBB2_4:
0x54: {  	[sflag:s15] =	ssyncadd.s32 $0xFFFFC000;
	s25 =	sadd.s32 $0x80, s25;
	s26 =	sadd.s32 $0x80, s26  }
0x55: {  	[tilespmem:s19], [sflag:$0x1] =	stream.indirect.gather [hbm4b:s4+s18], $0x80, s25, s18, $0xb8;
	[tilespmem:$0x1A880] =	vst v63  }
0x56: {  	p0 =	sne.s32 s28, $0x1;
	s28 =	sadd.s32 $0xFFFFFFFF, s28;
	_ =	swait.ge [sflag:s17], $0x4000  }
.Ltmp7:
0x57: {  	[sflag:s17] =	ssyncset.done $0x0;
	(pc) =	sbr.rel @p0 .LBB2_4-.Ltmp7, $4  }
0x58: {  	[sflag:s17] =	ssyncadd.s32 $0xFFFFC000  }
0x59: {  	[spmem:s1] =	stream.indirect.scatter.add.f32 [tilespmem:s19], [sflag:$0x2], $0x80, s26, s18, $0xb8;
	[tilespmem:$0x1A880] =	vst v63  }
0x5a: {  	_ =	swait.ge [sflag:s15], $0x4000  }
0x5b: {  	[sflag:s15] =	ssyncset.done $0x0  }
.Ltmp8:
0x5c: {  	_ = 	snop;
	(pc) =	sbr.rel .LBB2_5-.Ltmp8, $1  }
0x5d: {  	_ =	sdelay $0x3  }
.LBB2_8:
0x5e: {  	_ =	sfence.sel $0x180000  }
0x5f: {  	[bflag:$0x0] =	sbarrier.arrive $0xFFFF  }
0x60: {  	p0 =	sne.s32 s2, $0x0;
	_ =	strace $0x9000005C  }
0x61: {  	s0 =	sadd.s32 @!p0 $0x100000, s0;
	[bflag:$0x2] =	sbarrier.arrive $0xFFFF  }
0x62: {  	[sflag:s0] =	ssyncadd.tile.s32 @!p0 $0x1;
	_ =	shalt  }
.Lfunc_end2:
_tile_overlayer_lowered:
.L_overlay_start_2:
0x63: {  	(tag) =	ssettag $0x2  }
0x64: {  	s0 =	rddreg [dreg:$0x0];
	s2 =	stileid.u32  }
0x65: {  	s1 =	rddreg [dreg:$0x1];
	p0 =	sne.s32 s2, $0x0  }
0x66: {  	s3 =	rddreg [dreg:$0x2];
	[bflag:$0x3] =	sbarrier.arrive $0xFFFF;
	s2 =	simm.s32 @!p0 $0x1C02  }
0x67: {  	[timem:s3], [sflag:s2] =	dma.local @!p0 [hbm:s0], s1  }
0x68: {  	s0 =	simm.s32 @!p0 $0x2  }
0x69: {  	_ =	swait.ge @!p0 [sflag:s0], s1  }
0x6a: {  	s1 =	ssub.s32 @!p0 $0x0, s1;
	[sflag:s0] =	ssyncset.done @!p0 $0x0  }
0x6b: {  	[sflag:s0] =	ssyncadd.s32 @!p0 s1  }
0x6c: {  	[bflag:$0x3] =	sbarrier.arrive $0xFFFF  }
0x6d: {  	_ =	shalt  }

</sc_bundles>
